<compile_context>
chip_gen: v7x
topology: tpu7x:2x2x1
jax: 0.10.2.dev20260603
libtpu: 0.0.44.dev20260713+nightly
codegen_flags: <defaults>
</compile_context>

<pallas_src>
import functools

import jax
import jax.numpy as jnp
from jax import lax
from jax.experimental import pallas as pl
from jax.experimental.pallas import tpu as pltpu
from jax.experimental.pallas import tpu_sc as plsc

N = 10000
E = 320000
D = 128
L = 16
NC = 2
NS = 16
N_PAD = 10240
ROWS_PER_TILE = N_PAD // NS
E_PAD = 327680
E_TILE = E_PAD // (NC * NS)
B_E = 128
N_EBATCH = E_TILE // B_E
NBUF = 2
CHUNK_R = 16
NCHUNK = N_EBATCH // CHUNK_R
E_CNT_TILE = E_PAD // NS
CNT_ROWS = E_CNT_TILE // B_E
CNT_CHUNK_ROWS = 16
CROWS = N_PAD // B_E
CROWS_PER_TILE = CROWS // NS
ZROWS = 64
ROW_BLK = 1000
NPAD_ROWS = (E_PAD - E) // B_E

_mesh = functools.partial(
    plsc.VectorSubcoreMesh,
    core_axis_name="c", subcore_axis_name="s", num_cores=NC, num_subcores=NS)


def _zero_rows(ref, nrows):
  zero16 = jnp.zeros((L,), jnp.float32)
  def row(i, _):
    def col(q, _):
      ref[i, pl.ds(q * L, L)] = zero16
      return 0
    return lax.fori_loop(0, D // L, col, 0)
  lax.fori_loop(0, nrows, row, 0)


def _edge_scatter_loop(y_hbm, src2_hbm, dst2_hbm, acc_sh, srcs, dst2_v,
                       rows_bufs, sems, ssems, wid):
  row0 = wid * N_EBATCH
  pltpu.sync_copy(dst2_hbm.at[pl.ds(row0, N_EBATCH)], dst2_v)
  pltpu.sync_copy(src2_hbm.at[pl.ds(row0, CHUNK_R)], srcs[0])
  for b in range(NBUF):
    pltpu.async_copy(y_hbm.at[srcs[0].at[b]], rows_bufs[b], sems[b])
  plsc.subcore_barrier()
  for ch in range(NCHUNK):
    cur, nxt = srcs[ch % 2], srcs[(ch + 1) % 2]
    base = ch * CHUNK_R
    if ch + 1 < NCHUNK:
      pltpu.async_copy(src2_hbm.at[pl.ds(row0 + base + CHUNK_R, CHUNK_R)],
                       nxt, ssems[(ch + 1) % 2])
    def mid(g0, _):
      for b in range(NBUF):
        gl = g0 * NBUF + b
        pltpu.make_async_copy(
            y_hbm.at[cur.at[gl]], rows_bufs[b], sems[b]).wait()
        pltpu.sync_copy(rows_bufs[b], acc_sh.at[dst2_v.at[base + gl]],
                        add=True)
        pltpu.async_copy(y_hbm.at[cur.at[gl + NBUF]], rows_bufs[b], sems[b])
      return 0
    lax.fori_loop(0, (CHUNK_R - NBUF) // NBUF, mid, 0)
    if ch + 1 < NCHUNK:
      pltpu.make_async_copy(src2_hbm.at[pl.ds(row0 + base + CHUNK_R, CHUNK_R)],
                            nxt, ssems[(ch + 1) % 2]).wait()
    for b in range(NBUF):
      gl = CHUNK_R - NBUF + b
      pltpu.make_async_copy(
          y_hbm.at[cur.at[gl]], rows_bufs[b], sems[b]).wait()
      pltpu.sync_copy(rows_bufs[b], acc_sh.at[dst2_v.at[base + gl]],
                      add=True)
      if ch + 1 < NCHUNK:
        pltpu.async_copy(y_hbm.at[nxt.at[b]], rows_bufs[b], sems[b])


def _scale_and_emit(acc_sh, inv_v, stages, p_hbm, c, r0, sems_i, sems_o):
  nch = ROWS_PER_TILE // ZROWS
  for b in range(2):
    pltpu.async_copy(acc_sh.at[pl.ds(r0 + b * ZROWS, ZROWS)], stages[b],
                     sems_i[b])
  def step(j0, _):
    for b in range(2):
      j = j0 * 2 + b
      pltpu.make_async_copy(acc_sh.at[pl.ds(r0 + j * ZROWS, ZROWS)],
                            stages[b], sems_i[b]).wait()
      def row(rr, _):
        idx16 = jnp.full((L,), j * ZROWS + rr, jnp.int32)
        g = plsc.load_gather(inv_v, [idx16])
        def col(q, _):
          stages[b][rr, pl.ds(q * L, L)] = stages[b][rr, pl.ds(q * L, L)] * g
          return 0
        return lax.fori_loop(0, D // L, col, 0)
      lax.fori_loop(0, ZROWS, row, 0)
      pltpu.async_copy(stages[b], p_hbm.at[c, pl.ds(r0 + j * ZROWS, ZROWS)],
                       sems_o[b])
      @pl.when(j + 2 < nch)
      def _():
        pltpu.make_async_copy(
            stages[b], p_hbm.at[c, pl.ds(r0 + j * ZROWS, ZROWS)],
            sems_o[b]).wait()
        pltpu.async_copy(acc_sh.at[pl.ds(r0 + (j + 2) * ZROWS, ZROWS)],
                         stages[b], sems_i[b])
    return 0
  lax.fori_loop(0, nch // 2, step, 0)
  for b in range(2):
    j = nch - 2 + b
    pltpu.make_async_copy(
        stages[b], p_hbm.at[c, pl.ds(r0 + j * ZROWS, ZROWS)],
        sems_o[b]).wait()


def _zero_acc(acc_sh, stage_v, r0, sem):
  nch = ROWS_PER_TILE // ZROWS
  def fire(j, _):
    pltpu.async_copy(stage_v, acc_sh.at[pl.ds(r0 + j * ZROWS, ZROWS)], sem)
    return 0
  lax.fori_loop(0, nch, fire, 0)
  def drain(j, _):
    pltpu.make_async_copy(stage_v, acc_sh.at[pl.ds(r0 + j * ZROWS, ZROWS)],
                          sem).wait()
    return 0
  lax.fori_loop(0, nch, drain, 0)


def _sc_cnt_body(dst2_hbm, inv_hbm, cnt_sh, cnt5_v, inv_v):
  c = lax.axis_index("c")
  s = lax.axis_index("s")
  r0 = s * ROWS_PER_TILE
  zero16 = jnp.zeros((L,), jnp.float32)
  ones16 = jnp.full((L,), 1.0, jnp.float32)

  def scoped(cntloc_v, dstbuf_v, iota_v):
    def zcnt(i, _):
      def zcntc(q, _):
        cntloc_v[i, pl.ds(q * L, L)] = zero16
        return 0
      return lax.fori_loop(0, B_E // L, zcntc, 0)
    lax.fori_loop(0, CROWS, zcnt, 0)
    pltpu.sync_copy(cntloc_v.at[pl.ds(0, CROWS_PER_TILE)],
                    cnt_sh.at[pl.ds(s * CROWS_PER_TILE, CROWS_PER_TILE)])

    t0r = s * CNT_ROWS
    def cnt_chunk(jc, _):
      pltpu.sync_copy(
          dst2_hbm.at[pl.ds(t0r + jc * CNT_CHUNK_ROWS, CNT_CHUNK_ROWS)],
          dstbuf_v)
      def cnt_row(rr, _):
        def cnt_col(q, _):
          d16 = dstbuf_v[rr, pl.ds(q * L, L)]
          row16 = lax.shift_right_logical(d16, 7)
          col16 = lax.bitwise_and(d16, B_E - 1)
          plsc.addupdate_scatter(cntloc_v, [row16, col16], ones16)
          return 0
        return lax.fori_loop(0, B_E // L, cnt_col, 0)
      return lax.fori_loop(0, CNT_CHUNK_ROWS, cnt_row, 0)
    lax.fori_loop(0, CNT_ROWS // CNT_CHUNK_ROWS, cnt_chunk, 0)

    def mkiota(k, _):
      iota_v[pl.ds(k * L, L)] = lax.iota(jnp.int32, L) + k * L
      return 0
    lax.fori_loop(0, CROWS // L, mkiota, 0)

    plsc.subcore_barrier()
    pltpu.sync_copy(cntloc_v, cnt_sh.at[iota_v], add=True)

  pl.run_scoped(
      scoped,
      pltpu.VMEM((CROWS, B_E), jnp.float32),
      pltpu.VMEM((CNT_CHUNK_ROWS, B_E), jnp.int32),
      pltpu.VMEM((CROWS,), jnp.int32),
  )

  plsc.subcore_barrier()

  pltpu.sync_copy(cnt_sh.at[pl.ds(s * CROWS_PER_TILE, CROWS_PER_TILE)],
                  cnt5_v)
  def invrow(j, _):
    def invcol(q, _):
      v = cnt5_v[j, pl.ds(q * L, L)]
      inv_v[pl.ds((j * (B_E // L) + q) * L, L)] = ones16 / jnp.maximum(v, ones16)
      return 0
    return lax.fori_loop(0, B_E // L, invcol, 0)
  lax.fori_loop(0, CROWS_PER_TILE, invrow, 0)

  @pl.when(c == 0)
  def _():
    pltpu.sync_copy(inv_v, inv_hbm.at[pl.ds(r0, ROWS_PER_TILE)])


@functools.lru_cache(maxsize=None)
def _sc_cnt():
  return pl.kernel(
    _sc_cnt_body,
    out_type=jax.ShapeDtypeStruct((N_PAD,), jnp.float32),
    mesh=_mesh(),
    compiler_params=pltpu.CompilerParams(needs_layout_passes=False),
    scratch_types=[
        pltpu.VMEM_SHARED((CROWS, B_E), jnp.float32),
        pltpu.VMEM((CROWS_PER_TILE, B_E), jnp.float32),
        pltpu.VMEM((ROWS_PER_TILE,), jnp.float32),
    ],
  )


def _sc_agg2_body(y_hbm, src2_hbm, dst2_hbm, inv_hbm, p_hbm,
                  acc_sh, srcA_v, srcB_v, dst2_v, inv_v,
                  sem0, sem1, sem2, sem3, sem4, sem5):
  c = lax.axis_index("c")
  s = lax.axis_index("s")
  r0 = s * ROWS_PER_TILE

  def phase_a(stage_v):
    _zero_rows(stage_v, ZROWS)
    _zero_acc(acc_sh, stage_v, r0, sem0)
  pl.run_scoped(phase_a, pltpu.VMEM((ZROWS, D), jnp.float32))
  pltpu.sync_copy(inv_hbm.at[pl.ds(r0, ROWS_PER_TILE)], inv_v)

  def phase_b(rows0, rows1):
    _edge_scatter_loop(y_hbm, src2_hbm, dst2_hbm, acc_sh, (srcA_v, srcB_v),
                       dst2_v, (rows0, rows1), (sem0, sem1), (sem4, sem5),
                       c * NS + s)
  pl.run_scoped(phase_b,
                pltpu.VMEM((B_E, D), jnp.float32),
                pltpu.VMEM((B_E, D), jnp.float32))

  plsc.subcore_barrier()

  def phase_c(st0, st1):
    _scale_and_emit(acc_sh, inv_v, (st0, st1), p_hbm, c, r0,
                    (sem0, sem1), (sem2, sem3))
  pl.run_scoped(phase_c, pltpu.VMEM((ZROWS, D), jnp.float32),
                pltpu.VMEM((ZROWS, D), jnp.float32))


_SEMS = [pltpu.SemaphoreType.DMA] * 6


@functools.lru_cache(maxsize=None)
def _sc_agg2():
  return pl.kernel(
    _sc_agg2_body,
    out_type=jax.ShapeDtypeStruct((NC, N_PAD, D), jnp.float32),
    mesh=_mesh(),
    compiler_params=pltpu.CompilerParams(needs_layout_passes=False),
    scratch_types=[
        pltpu.VMEM_SHARED((N_PAD, D), jnp.float32),
        pltpu.VMEM((CHUNK_R, B_E), jnp.int32),
        pltpu.VMEM((CHUNK_R, B_E), jnp.int32),
        pltpu.VMEM((N_EBATCH, B_E), jnp.int32),
        pltpu.VMEM((ROWS_PER_TILE,), jnp.float32),
        *_SEMS,
    ],
  )



def _tc_a_body(x_ref, wl_ref, wr_ref, y_ref, r_ref):
  xb = x_ref[...]
  y_ref[...] = jnp.dot(xb, wl_ref[...], preferred_element_type=jnp.float32)
  r_ref[...] = jnp.dot(xb, wr_ref[...], preferred_element_type=jnp.float32)


def _tc_b_body(p_ref, r_ref, b_ref, wl_ref, wr_ref, y2_ref, r2_ref):
  sb = p_ref[0] + p_ref[1] + r_ref[...] + b_ref[...][None, :]
  h = jnp.where(sb > 0, sb, jnp.exp(sb) - 1.0)
  y2_ref[...] = jnp.dot(h, wl_ref[...], preferred_element_type=jnp.float32)
  r2_ref[...] = jnp.dot(h, wr_ref[...], preferred_element_type=jnp.float32)


def _tc_c_body(p_ref, r_ref, b_ref, o_ref):
  sb = p_ref[0] + p_ref[1] + r_ref[...] + b_ref[...][None, :]
  o_ref[...] = jnp.where(sb > 0, sb, jnp.exp(sb) - 1.0)


_row_spec = pl.BlockSpec((ROW_BLK, D), lambda i: (i, 0))
_p_spec = pl.BlockSpec((NC, ROW_BLK, D), lambda i: (0, i, 0))
_w_spec = pl.BlockSpec((D, D), lambda i: (0, 0))
_b_spec = pl.BlockSpec((D,), lambda i: (0,))

_tc_a = pl.pallas_call(
    _tc_a_body,
    grid=(N // ROW_BLK,),
    in_specs=[_row_spec, _w_spec, _w_spec],
    out_specs=[_row_spec, _row_spec],
    out_shape=[jax.ShapeDtypeStruct((N, D), jnp.float32)] * 2,
)

_tc_b = pl.pallas_call(
    _tc_b_body,
    grid=(N // ROW_BLK,),
    in_specs=[_p_spec, _row_spec, _b_spec, _w_spec, _w_spec],
    out_specs=[_row_spec, _row_spec],
    out_shape=[jax.ShapeDtypeStruct((N, D), jnp.float32)] * 2,
)

def _tc_prep_body(ei_ref, src2_ref, dst2_ref):
  src = ei_ref[0].reshape(E // B_E, B_E)
  dst = ei_ref[1].reshape(E // B_E, B_E)
  pad = jax.lax.broadcasted_iota(jnp.int32, (NPAD_ROWS, B_E), 0) * B_E + \
      jax.lax.broadcasted_iota(jnp.int32, (NPAD_ROWS, B_E), 1)
  src2_ref[...] = jnp.concatenate([src, pad % N], axis=0)
  dst2_ref[...] = jnp.concatenate([dst, N + pad % (N_PAD - N)], axis=0)


_tc_prep = pl.pallas_call(
    _tc_prep_body,
    in_specs=[pl.BlockSpec((2, E), lambda: (0, 0))],
    out_specs=[pl.BlockSpec((E_PAD // B_E, B_E), lambda: (0, 0))] * 2,
    out_shape=[jax.ShapeDtypeStruct((E_PAD // B_E, B_E), jnp.int32)] * 2,
)

_tc_c = pl.pallas_call(
    _tc_c_body,
    grid=(N // ROW_BLK,),
    in_specs=[_p_spec, _row_spec, _b_spec],
    out_specs=_row_spec,
    out_shape=jax.ShapeDtypeStruct((N, D), jnp.float32),
)


def kernel(x, edge_index, Wl1, bl1, Wr1, Wl2, bl2, Wr2):
  src2, dst2 = _tc_prep(edge_index.astype(jnp.int32))

  inv = _sc_cnt()(dst2)
  y1, r1 = _tc_a(x, Wl1, Wr1)
  p1 = _sc_agg2()(y1, src2, dst2, inv)
  y2, r2 = _tc_b(p1, r1, bl1, Wl2, Wr2)
  p2 = _sc_agg2()(y2, src2, dst2, inv)
  return _tc_c(p2, r2, bl2)

# --- scband reference (transcript-rebuilt; emitter-appended) ---
"""Pipeline reference for scband-gnnencoder-76209899701045 (READ-ONLY COPY).

The authoritative reference and input builder live on the scoring server;
editing this copy changes nothing except your own understanding.
"""

import jax, jax.numpy as jnp
import numpy as np

N_NODES = 10000
N_EDGES = 320000
D = 128

def setup_inputs(seed: int = 0) -> dict:
    key = jax.random.key(seed)
    ks = jax.random.split(key, 8)
    x = jax.random.normal(ks[0], (N_NODES, D), dtype=jnp.float32)
    edge_index = jax.random.randint(ks[1], (2, N_EDGES), 0, N_NODES, dtype=jnp.int64)
    s = 1.0 / np.sqrt(D)
    Wl1 = jax.random.uniform(ks[2], (D, D), dtype=jnp.float32, minval=-s, maxval=s)
    bl1 = jnp.zeros((D,), dtype=jnp.float32)
    Wr1 = jax.random.uniform(ks[3], (D, D), dtype=jnp.float32, minval=-s, maxval=s)
    Wl2 = jax.random.uniform(ks[4], (D, D), dtype=jnp.float32, minval=-s, maxval=s)
    bl2 = jnp.zeros((D,), dtype=jnp.float32)
    Wr2 = jax.random.uniform(ks[5], (D, D), dtype=jnp.float32, minval=-s, maxval=s)
    return {"x": x, "edge_index": edge_index, "Wl1": Wl1, "bl1": bl1, "Wr1": Wr1, "Wl2": Wl2, "bl2": bl2, "Wr2": Wr2}

def _sage_conv(x, src, dst, Wl, bl, Wr):
    # mean aggregation of neighbor messages into dst nodes
    msgs = jnp.take(x, src, axis=0)
    agg = jax.ops.segment_sum(msgs, dst, num_segments=N_NODES)
    cnt = jax.ops.segment_sum(jnp.ones((src.shape[0],), dtype=x.dtype), dst, num_segments=N_NODES)
    agg = agg / jnp.clip(cnt, 1.0)[:, None]
    # PyG SAGEConv: lin_l(aggregated) + lin_r(root)
    return agg @ Wl + bl + x @ Wr

def reference(x, edge_index, Wl1, bl1, Wr1, Wl2, bl2, Wr2):
    src = edge_index[0]
    dst = edge_index[1]
    # layer 0 (loop body): conv -> elu (dropout=0, batch_norm=False)
    h = _sage_conv(x, src, dst, Wl1, bl1, Wr1)
    h = jax.nn.elu(h)
    # last layer: conv -> elu
    h = _sage_conv(h, src, dst, Wl2, bl2, Wr2)
    h = jax.nn.elu(h)
    return h

if __name__ == "__main__":
    import jax
    _d = setup_inputs()
    print(jax.jit(kernel)(*tuple(_d.values())))

</pallas_src>

<mosaic_0001>
#map = affine_map<(d0, d1) -> (0, 0)>
#map1 = affine_map<(d0, d1) -> (0)>
#map2 = affine_map<(d0, d1) -> (0, 0, 0)>
module attributes {stable_mosaic.version = 14 : i64} {
  func.func @_sc_agg2_body(%arg0: i32, %arg1: i32, %arg2: memref<10000x128xf32, #tpu.memory_space<hbm>>, %arg3: memref<2560x128xi32, #tpu.memory_space<hbm>>, %arg4: memref<2560x128xi32, #tpu.memory_space<hbm>>, %arg5: memref<10240xf32, #tpu.memory_space<hbm>>, %arg6: memref<2x10240x128xf32, #tpu.memory_space<hbm>>, %arg7: memref<10240x128xf32, #tpu.memory_space<vmem_shared>>, %arg8: memref<16x128xi32, #tpu.memory_space<vmem>>, %arg9: memref<16x128xi32, #tpu.memory_space<vmem>>, %arg10: memref<80x128xi32, #tpu.memory_space<vmem>>, %arg11: memref<640xf32, #tpu.memory_space<vmem>>, %arg12: memref<!tpu.dma_semaphore, #tpu.memory_space<semaphore_mem>>, %arg13: memref<!tpu.dma_semaphore, #tpu.memory_space<semaphore_mem>>, %arg14: memref<!tpu.dma_semaphore, #tpu.memory_space<semaphore_mem>>, %arg15: memref<!tpu.dma_semaphore, #tpu.memory_space<semaphore_mem>>, %arg16: memref<!tpu.dma_semaphore, #tpu.memory_space<semaphore_mem>>, %arg17: memref<!tpu.dma_semaphore, #tpu.memory_space<semaphore_mem>>) attributes {dimension_semantics = [#tpu.dimension_semantics<core_parallel>, #tpu.dimension_semantics<subcore_parallel>], iteration_bounds = array<i64: 2, 16>, scalar_prefetch = 0 : i64, scratch_operands = 11 : i64, tpu.core_type = #tpu.core_type<sc_vector_subcore>, window_params = [{transform_indices = #map}, {transform_indices = #map}, {transform_indices = #map}, {transform_indices = #map1}, {transform_indices = #map2}]} {
    %mul3A = arith.constant 640 : i32
    %mul3A_0 = arith.muli %arg1, %mul3A : i32
    "tpu.region"() ({
      %run_scoped3A = memref.alloca() : memref<64x128xf32, #tpu.memory_space<vmem>>
      %broadcast_in_dim3A = arith.constant 0.000000e+00 : f32
      %broadcast_in_dim3A_1 = vector.broadcast %broadcast_in_dim3A : f32 to vector<16xf32>
      %scan3A = arith.constant 0 : i32
      %scan3A_2 = arith.constant 0 : i32
      %scan3A_3 = arith.constant 64 : i32
      %scan3A_4 = arith.addi %scan3A_2, %scan3A_3 : i32
      %scan3A_5 = arith.constant 1 : i32
      %scan3A_6 = scf.for %scan3A_22 = %scan3A_2 to %scan3A_4 step %scan3A_5 iter_args(%scan3A_23 = %scan3A) -> (i32)  : i32 {
        %scan3A_24 = arith.constant 0 : i32
        %scan3A_25 = arith.constant 0 : i32
        %scan3A_26 = arith.constant 8 : i32
        %scan3A_27 = arith.addi %scan3A_25, %scan3A_26 : i32
        %scan3A_28 = arith.constant 1 : i32
        %scan3A_29 = scf.for %scan3A_31 = %scan3A_25 to %scan3A_27 step %scan3A_28 iter_args(%scan3A_32 = %scan3A_24) -> (i32)  : i32 {
          %mul3A_33 = arith.constant 16 : i32
          %mul3A_34 = arith.muli %scan3A_31, %mul3A_33 : i32
          %swap3A = arith.index_cast %scan3A_22 : i32 to index
          %swap3A_35 = arith.index_cast %mul3A_34 : i32 to index
          %swap3A_36 = tpu.vector_load %run_scoped3A[%swap3A, %swap3A_35] {strides = array<i32>} : memref<64x128xf32, #tpu.memory_space<vmem>>, vector<16xf32>,
          tpu.vector_store %run_scoped3A[%swap3A, %swap3A_35], %broadcast_in_dim3A_1 {strides = array<i32>} : memref<64x128xf32, #tpu.memory_space<vmem>>, vector<16xf32>,
          %scan3A_37 = arith.constant 0 : i32
          scf.yield %scan3A_37 : i32
        }
        %scan3A_30 = arith.constant 8 : i32
        scf.yield %scan3A_29 : i32
      }
      %scan3A_7 = arith.constant 64 : i32
      %scan3A_8 = arith.constant 0 : i32
      %scan3A_9 = arith.constant 0 : i32
      %scan3A_10 = arith.constant 10 : i32
      %scan3A_11 = arith.addi %scan3A_9, %scan3A_10 : i32
      %scan3A_12 = arith.constant 1 : i32
      %scan3A_13 = scf.for %scan3A_22 = %scan3A_9 to %scan3A_11 step %scan3A_12 iter_args(%scan3A_23 = %scan3A_8) -> (i32)  : i32 {
        %mul3A_24 = arith.constant 64 : i32
        %mul3A_25 = arith.muli %scan3A_22, %mul3A_24 : i32
        %add3A = arith.addi %mul3A_0, %mul3A_25 : i32
        %dma_start3A = arith.constant 0 : i32
        %dma_start3A_26 = tpu.memref_slice %arg7[%add3A, %dma_start3A] : memref<10240x128xf32, #tpu.memory_space<vmem_shared>> -> memref<64x128xf32, #tpu.memory_space<vmem_shared>>
        %dma_start3A_27 = arith.constant 0 : i32
        %dma_start3A_28 = tpu.memref_slice %arg7[%add3A, %dma_start3A_27] : memref<10240x128xf32, #tpu.memory_space<vmem_shared>> -> memref<64x128xf32, #tpu.memory_space<vmem_shared>>
        tpu.enqueue_dma source(%run_scoped3A : memref<64x128xf32, #tpu.memory_space<vmem>>) target(%dma_start3A_28 : memref<64x128xf32, #tpu.memory_space<vmem_shared>>) target_semaphore(%arg12 : memref<!tpu.dma_semaphore, #tpu.memory_space<semaphore_mem>>)
        %scan3A_29 = arith.constant 0 : i32
        scf.yield %scan3A_29 : i32
      }
      %scan3A_14 = arith.constant 10 : i32
      %scan3A_15 = arith.constant 0 : i32
      %scan3A_16 = arith.constant 0 : i32
      %scan3A_17 = arith.constant 10 : i32
      %scan3A_18 = arith.addi %scan3A_16, %scan3A_17 : i32
      %scan3A_19 = arith.constant 1 : i32
      %scan3A_20 = scf.for %scan3A_22 = %scan3A_16 to %scan3A_18 step %scan3A_19 iter_args(%scan3A_23 = %scan3A_15) -> (i32)  : i32 {
        %mul3A_24 = arith.constant 64 : i32
        %mul3A_25 = arith.muli %scan3A_22, %mul3A_24 : i32
        %add3A = arith.addi %mul3A_0, %mul3A_25 : i32
        %dma_wait3A = arith.constant 0 : i32
        %dma_wait3A_26 = tpu.memref_slice %arg7[%add3A, %dma_wait3A] : memref<10240x128xf32, #tpu.memory_space<vmem_shared>> -> memref<64x128xf32, #tpu.memory_space<vmem_shared>>
        %dma_wait3A_27 = arith.constant 0 : i32
        %dma_wait3A_28 = tpu.memref_slice %arg7[%add3A, %dma_wait3A_27] : memref<10240x128xf32, #tpu.memory_space<vmem_shared>> -> memref<64x128xf32, #tpu.memory_space<vmem_shared>>
        tpu.wait_dma2 semaphore(%arg12 : memref<!tpu.dma_semaphore, #tpu.memory_space<semaphore_mem>>) src(%run_scoped3A : memref<64x128xf32, #tpu.memory_space<vmem>>) dst(%dma_wait3A_28 : memref<64x128xf32, #tpu.memory_space<vmem_shared>>)
        %scan3A_29 = arith.constant 0 : i32
        scf.yield %scan3A_29 : i32
      }
      %scan3A_21 = arith.constant 10 : i32
      tpu.yield
    }) : () -> ()
    "tpu.region"() ({
      %run_scoped3A = tpu.sem_alloc : memref<!tpu.dma_semaphore, #tpu.memory_space<semaphore_mem>>
      %dma_start3A = tpu.memref_slice %arg5[%mul3A_0] : memref<10240xf32, #tpu.memory_space<hbm>> -> memref<640xf32, #tpu.memory_space<hbm>>
      %dma_start3A_1 = tpu.memref_slice %arg5[%mul3A_0] : memref<10240xf32, #tpu.memory_space<hbm>> -> memref<640xf32, #tpu.memory_space<hbm>>
      tpu.enqueue_dma source(%dma_start3A_1 : memref<640xf32, #tpu.memory_space<hbm>>) target(%arg11 : memref<640xf32, #tpu.memory_space<vmem>>) target_semaphore(%run_scoped3A : memref<!tpu.dma_semaphore, #tpu.memory_space<semaphore_mem>>)
      %dma_wait3A = tpu.memref_slice %arg5[%mul3A_0] : memref<10240xf32, #tpu.memory_space<hbm>> -> memref<640xf32, #tpu.memory_space<hbm>>
      %dma_wait3A_2 = tpu.memref_slice %arg5[%mul3A_0] : memref<10240xf32, #tpu.memory_space<hbm>> -> memref<640xf32, #tpu.memory_space<hbm>>
      tpu.wait_dma2 semaphore(%run_scoped3A : memref<!tpu.dma_semaphore, #tpu.memory_space<semaphore_mem>>) src(%dma_wait3A_2 : memref<640xf32, #tpu.memory_space<hbm>>) dst(%arg11 : memref<640xf32, #tpu.memory_space<vmem>>)
      tpu.yield
    }) : () -> ()
    "tpu.region"() ({
      %run_scoped3A = memref.alloca() : memref<128x128xf32, #tpu.memory_space<vmem>>
      %run_scoped3A_1 = memref.alloca() : memref<128x128xf32, #tpu.memory_space<vmem>>
      %mul3A_2 = arith.constant 16 : i32
      %mul3A_3 = arith.muli %arg0, %mul3A_2 : i32
      %add3A = arith.addi %mul3A_3, %arg1 : i32
      %mul3A_4 = arith.constant 80 : i32
      %mul3A_5 = arith.muli %add3A, %mul3A_4 : i32
      "tpu.region"() ({
        %run_scoped3A_253 = tpu.sem_alloc : memref<!tpu.dma_semaphore, #tpu.memory_space<semaphore_mem>>
        %dma_start3A_254 = arith.constant 0 : i32
        %dma_start3A_255 = tpu.memref_slice %arg4[%mul3A_5, %dma_start3A_254] : memref<2560x128xi32, #tpu.memory_space<hbm>> -> memref<80x128xi32, #tpu.memory_space<hbm>>
        %dma_start3A_256 = arith.constant 0 : i32
        %dma_start3A_257 = tpu.memref_slice %arg4[%mul3A_5, %dma_start3A_256] : memref<2560x128xi32, #tpu.memory_space<hbm>> -> memref<80x128xi32, #tpu.memory_space<hbm>>
        tpu.enqueue_dma source(%dma_start3A_257 : memref<80x128xi32, #tpu.memory_space<hbm>>) target(%arg10 : memref<80x128xi32, #tpu.memory_space<vmem>>) target_semaphore(%run_scoped3A_253 : memref<!tpu.dma_semaphore, #tpu.memory_space<semaphore_mem>>)
        %dma_wait3A_258 = arith.constant 0 : i32
        %dma_wait3A_259 = tpu.memref_slice %arg4[%mul3A_5, %dma_wait3A_258] : memref<2560x128xi32, #tpu.memory_space<hbm>> -> memref<80x128xi32, #tpu.memory_space<hbm>>
        %dma_wait3A_260 = arith.constant 0 : i32
        %dma_wait3A_261 = tpu.memref_slice %arg4[%mul3A_5, %dma_wait3A_260] : memref<2560x128xi32, #tpu.memory_space<hbm>> -> memref<80x128xi32, #tpu.memory_space<hbm>>
        tpu.wait_dma2 semaphore(%run_scoped3A_253 : memref<!tpu.dma_semaphore, #tpu.memory_space<semaphore_mem>>) src(%dma_wait3A_261 : memref<80x128xi32, #tpu.memory_space<hbm>>) dst(%arg10 : memref<80x128xi32, #tpu.memory_space<vmem>>)
        tpu.yield
      }) : () -> ()
      "tpu.region"() ({
        %run_scoped3A_253 = tpu.sem_alloc : memref<!tpu.dma_semaphore, #tpu.memory_space<semaphore_mem>>
        %dma_start3A_254 = arith.constant 0 : i32
        %dma_start3A_255 = tpu.memref_slice %arg3[%mul3A_5, %dma_start3A_254] : memref<2560x128xi32, #tpu.memory_space<hbm>> -> memref<16x128xi32, #tpu.memory_space<hbm>>
        %dma_start3A_256 = arith.constant 0 : i32
        %dma_start3A_257 = tpu.memref_slice %arg3[%mul3A_5, %dma_start3A_256] : memref<2560x128xi32, #tpu.memory_space<hbm>> -> memref<16x128xi32, #tpu.memory_space<hbm>>
        tpu.enqueue_dma source(%dma_start3A_257 : memref<16x128xi32, #tpu.memory_space<hbm>>) target(%arg8 : memref<16x128xi32, #tpu.memory_space<vmem>>) target_semaphore(%run_scoped3A_253 : memref<!tpu.dma_semaphore, #tpu.memory_space<semaphore_mem>>)
        %dma_wait3A_258 = arith.constant 0 : i32
        %dma_wait3A_259 = tpu.memref_slice %arg3[%mul3A_5, %dma_wait3A_258] : memref<2560x128xi32, #tpu.memory_space<hbm>> -> memref<16x128xi32, #tpu.memory_space<hbm>>
        %dma_wait3A_260 = arith.constant 0 : i32
        %dma_wait3A_261 = tpu.memref_slice %arg3[%mul3A_5, %dma_wait3A_260] : memref<2560x128xi32, #tpu.memory_space<hbm>> -> memref<16x128xi32, #tpu.memory_space<hbm>>
        tpu.wait_dma2 semaphore(%run_scoped3A_253 : memref<!tpu.dma_semaphore, #tpu.memory_space<semaphore_mem>>) src(%dma_wait3A_261 : memref<16x128xi32, #tpu.memory_space<hbm>>) dst(%arg8 : memref<16x128xi32, #tpu.memory_space<vmem>>)
        tpu.yield
      }) : () -> ()
      %dma_start3A = arith.constant 0 : i32
      %dma_start3A_6 = arith.constant 0 : i32
      %dma_start3A_7 = tpu.memref_slice %arg8[%dma_start3A, %dma_start3A_6] : memref<16x128xi32, #tpu.memory_space<vmem>> -> memref<1x128xi32, #tpu.memory_space<vmem>>
      %dma_start3A_8 = tpu.memref_squeeze %dma_start3A_7 : memref<1x128xi32, #tpu.memory_space<vmem>> -> memref<128xi32, #tpu.memory_space<vmem>>
      %dma_start3A_9 = arith.constant 0 : i32
      %dma_start3A_10 = arith.constant 0 : i32
      %dma_start3A_11 = tpu.memref_slice %arg2[%dma_start3A_9, %dma_start3A_10] : memref<10000x128xf32, #tpu.memory_space<hbm>> -> memref<10000x128xf32, #tpu.memory_space<hbm>>
      tpu.enqueue_indirect_dma source(%dma_start3A_11 : memref<10000x128xf32, #tpu.memory_space<hbm>>) target(%run_scoped3A : memref<128x128xf32, #tpu.memory_space<vmem>>) offsets(%dma_start3A_8 : memref<128xi32, #tpu.memory_space<vmem>>) semaphore(%arg12 : memref<!tpu.dma_semaphore, #tpu.memory_space<semaphore_mem>>)
      %dma_start3A_12 = arith.constant 1 : i32
      %dma_start3A_13 = arith.constant 0 : i32
      %dma_start3A_14 = tpu.memref_slice %arg8[%dma_start3A_12, %dma_start3A_13] : memref<16x128xi32, #tpu.memory_space<vmem>> -> memref<1x128xi32, #tpu.memory_space<vmem>>
      %dma_start3A_15 = tpu.memref_squeeze %dma_start3A_14 : memref<1x128xi32, #tpu.memory_space<vmem>> -> memref<128xi32, #tpu.memory_space<vmem>>
      %dma_start3A_16 = arith.constant 0 : i32
      %dma_start3A_17 = arith.constant 0 : i32
      %dma_start3A_18 = tpu.memref_slice %arg2[%dma_start3A_16, %dma_start3A_17] : memref<10000x128xf32, #tpu.memory_space<hbm>> -> memref<10000x128xf32, #tpu.memory_space<hbm>>
      tpu.enqueue_indirect_dma source(%dma_start3A_18 : memref<10000x128xf32, #tpu.memory_space<hbm>>) target(%run_scoped3A_1 : memref<128x128xf32, #tpu.memory_space<vmem>>) offsets(%dma_start3A_15 : memref<128xi32, #tpu.memory_space<vmem>>) semaphore(%arg13 : memref<!tpu.dma_semaphore, #tpu.memory_space<semaphore_mem>>)
      %barrier3A_19 = arith.constant 0 : index
      tpu.barrier barrier_id(%barrier3A_19)
      %add3A_20 = arith.constant 0 : i32
      %add3A_21 = arith.addi %mul3A_5, %add3A_20 : i32
      %add3A_22 = arith.constant 16 : i32
      %add3A_23 = arith.addi %add3A_21, %add3A_22 : i32
      %dma_start3A_24 = arith.constant 0 : i32
      %dma_start3A_25 = tpu.memref_slice %arg3[%add3A_23, %dma_start3A_24] : memref<2560x128xi32, #tpu.memory_space<hbm>> -> memref<16x128xi32, #tpu.memory_space<hbm>>
      %dma_start3A_26 = arith.constant 0 : i32
      %dma_start3A_27 = tpu.memref_slice %arg3[%add3A_23, %dma_start3A_26] : memref<2560x128xi32, #tpu.memory_space<hbm>> -> memref<16x128xi32, #tpu.memory_space<hbm>>
      tpu.enqueue_dma source(%dma_start3A_27 : memref<16x128xi32, #tpu.memory_space<hbm>>) target(%arg9 : memref<16x128xi32, #tpu.memory_space<vmem>>) target_semaphore(%arg17 : memref<!tpu.dma_semaphore, #tpu.memory_space<semaphore_mem>>)
      %scan3A = arith.constant 0 : i32
      %scan3A_28 = arith.constant 0 : i32
      %scan3A_29 = arith.constant 7 : i32
      %scan3A_30 = arith.addi %scan3A_28, %scan3A_29 : i32
      %scan3A_31 = arith.constant 1 : i32
      %scan3A_32 = scf.for %scan3A_253 = %scan3A_28 to %scan3A_30 step %scan3A_31 iter_args(%scan3A_254 = %scan3A) -> (i32)  : i32 {
        %mul3A_255 = arith.constant 2 : i32
        %mul3A_256 = arith.muli %scan3A_253, %mul3A_255 : i32
        %add3A_257 = arith.constant 0 : i32
        %add3A_258 = arith.addi %mul3A_256, %add3A_257 : i32
        %dma_wait3A_259 = arith.constant 0 : i32
        %dma_wait3A_260 = tpu.memref_slice %arg8[%add3A_258, %dma_wait3A_259] : memref<16x128xi32, #tpu.memory_space<vmem>> -> memref<1x128xi32, #tpu.memory_space<vmem>>
        %dma_wait3A_261 = tpu.memref_squeeze %dma_wait3A_260 : memref<1x128xi32, #tpu.memory_space<vmem>> -> memref<128xi32, #tpu.memory_space<vmem>>
        %dma_wait3A_262 = arith.constant 0 : i32
        %dma_wait3A_263 = arith.constant 0 : i32
        %dma_wait3A_264 = tpu.memref_slice %arg2[%dma_wait3A_262, %dma_wait3A_263] : memref<10000x128xf32, #tpu.memory_space<hbm>> -> memref<10000x128xf32, #tpu.memory_space<hbm>>
        tpu.wait_indirect_dma semaphore(%arg12 : memref<!tpu.dma_semaphore, #tpu.memory_space<semaphore_mem>>) src(%dma_wait3A_264 : memref<10000x128xf32, #tpu.memory_space<hbm>>) dst(%run_scoped3A : memref<128x128xf32, #tpu.memory_space<vmem>>)
        %add3A_265 = arith.constant 0 : i32
        %add3A_266 = arith.addi %add3A_265, %add3A_258 : i32
        "tpu.region"() ({
          %run_scoped3A_296 = tpu.sem_alloc : memref<!tpu.dma_semaphore, #tpu.memory_space<semaphore_mem>>
          %dma_start3A_297 = arith.constant 0 : i32
          %dma_start3A_298 = tpu.memref_slice %arg10[%add3A_266, %dma_start3A_297] : memref<80x128xi32, #tpu.memory_space<vmem>> -> memref<1x128xi32, #tpu.memory_space<vmem>>
          %dma_start3A_299 = tpu.memref_squeeze %dma_start3A_298 : memref<1x128xi32, #tpu.memory_space<vmem>> -> memref<128xi32, #tpu.memory_space<vmem>>
          %dma_start3A_300 = arith.constant 0 : i32
          %dma_start3A_301 = arith.constant 0 : i32
          %dma_start3A_302 = tpu.memref_slice %arg7[%dma_start3A_300, %dma_start3A_301] : memref<10240x128xf32, #tpu.memory_space<vmem_shared>> -> memref<10240x128xf32, #tpu.memory_space<vmem_shared>>
          tpu.enqueue_indirect_dma source(%run_scoped3A : memref<128x128xf32, #tpu.memory_space<vmem>>) target(%dma_start3A_302 : memref<10240x128xf32, #tpu.memory_space<vmem_shared>>) offsets(%dma_start3A_299 : memref<128xi32, #tpu.memory_space<vmem>>) semaphore(%run_scoped3A_296 : memref<!tpu.dma_semaphore, #tpu.memory_space<semaphore_mem>>) {add = true}
          %dma_wait3A_303 = arith.constant 0 : i32
          %dma_wait3A_304 = tpu.memref_slice %arg10[%add3A_266, %dma_wait3A_303] : memref<80x128xi32, #tpu.memory_space<vmem>> -> memref<1x128xi32, #tpu.memory_space<vmem>>
          %dma_wait3A_305 = tpu.memref_squeeze %dma_wait3A_304 : memref<1x128xi32, #tpu.memory_space<vmem>> -> memref<128xi32, #tpu.memory_space<vmem>>
          %dma_wait3A_306 = arith.constant 0 : i32
          %dma_wait3A_307 = arith.constant 0 : i32
          %dma_wait3A_308 = tpu.memref_slice %arg7[%dma_wait3A_306, %dma_wait3A_307] : memref<10240x128xf32, #tpu.memory_space<vmem_shared>> -> memref<10240x128xf32, #tpu.memory_space<vmem_shared>>
          tpu.wait_indirect_dma semaphore(%run_scoped3A_296 : memref<!tpu.dma_semaphore, #tpu.memory_space<semaphore_mem>>) src(%run_scoped3A : memref<128x128xf32, #tpu.memory_space<vmem>>) dst(%dma_wait3A_308 : memref<10240x128xf32, #tpu.memory_space<vmem_shared>>)
          tpu.yield
        }) : () -> ()
        %add3A_267 = arith.constant 2 : i32
        %add3A_268 = arith.addi %add3A_258, %add3A_267 : i32
        %dma_start3A_269 = arith.constant 0 : i32
        %dma_start3A_270 = tpu.memref_slice %arg8[%add3A_268, %dma_start3A_269] : memref<16x128xi32, #tpu.memory_space<vmem>> -> memref<1x128xi32, #tpu.memory_space<vmem>>
        %dma_start3A_271 = tpu.memref_squeeze %dma_start3A_270 : memref<1x128xi32, #tpu.memory_space<vmem>> -> memref<128xi32, #tpu.memory_space<vmem>>
        %dma_start3A_272 = arith.constant 0 : i32
        %dma_start3A_273 = arith.constant 0 : i32
        %dma_start3A_274 = tpu.memref_slice %arg2[%dma_start3A_272, %dma_start3A_273] : memref<10000x128xf32, #tpu.memory_space<hbm>> -> memref<10000x128xf32, #tpu.memory_space<hbm>>
        tpu.enqueue_indirect_dma source(%dma_start3A_274 : memref<10000x128xf32, #tpu.memory_space<hbm>>) target(%run_scoped3A : memref<128x128xf32, #tpu.memory_space<vmem>>) offsets(%dma_start3A_271 : memref<128xi32, #tpu.memory_space<vmem>>) semaphore(%arg12 : memref<!tpu.dma_semaphore, #tpu.memory_space<semaphore_mem>>)
        %mul3A_275 = arith.constant 2 : i32
        %mul3A_276 = arith.muli %scan3A_253, %mul3A_275 : i32
        %add3A_277 = arith.constant 1 : i32
        %add3A_278 = arith.addi %mul3A_276, %add3A_277 : i32
        %dma_wait3A_279 = arith.constant 0 : i32
        %dma_wait3A_280 = tpu.memref_slice %arg8[%add3A_278, %dma_wait3A_279] : memref<16x128xi32, #tpu.memory_space<vmem>> -> memref<1x128xi32, #tpu.memory_space<vmem>>
        %dma_wait3A_281 = tpu.memref_squeeze %dma_wait3A_280 : memref<1x128xi32, #tpu.memory_space<vmem>> -> memref<128xi32, #tpu.memory_space<vmem>>
        %dma_wait3A_282 = arith.constant 0 : i32
        %dma_wait3A_283 = arith.constant 0 : i32
        %dma_wait3A_284 = tpu.memref_slice %arg2[%dma_wait3A_282, %dma_wait3A_283] : memref<10000x128xf32, #tpu.memory_space<hbm>> -> memref<10000x128xf32, #tpu.memory_space<hbm>>
        tpu.wait_indirect_dma semaphore(%arg13 : memref<!tpu.dma_semaphore, #tpu.memory_space<semaphore_mem>>) src(%dma_wait3A_284 : memref<10000x128xf32, #tpu.memory_space<hbm>>) dst(%run_scoped3A_1 : memref<128x128xf32, #tpu.memory_space<vmem>>)
        %add3A_285 = arith.constant 0 : i32
        %add3A_286 = arith.addi %add3A_285, %add3A_278 : i32
        "tpu.region"() ({
          %run_scoped3A_296 = tpu.sem_alloc : memref<!tpu.dma_semaphore, #tpu.memory_space<semaphore_mem>>
          %dma_start3A_297 = arith.constant 0 : i32
          %dma_start3A_298 = tpu.memref_slice %arg10[%add3A_286, %dma_start3A_297] : memref<80x128xi32, #tpu.memory_space<vmem>> -> memref<1x128xi32, #tpu.memory_space<vmem>>
          %dma_start3A_299 = tpu.memref_squeeze %dma_start3A_298 : memref<1x128xi32, #tpu.memory_space<vmem>> -> memref<128xi32, #tpu.memory_space<vmem>>
          %dma_start3A_300 = arith.constant 0 : i32
          %dma_start3A_301 = arith.constant 0 : i32
          %dma_start3A_302 = tpu.memref_slice %arg7[%dma_start3A_300, %dma_start3A_301] : memref<10240x128xf32, #tpu.memory_space<vmem_shared>> -> memref<10240x128xf32, #tpu.memory_space<vmem_shared>>
          tpu.enqueue_indirect_dma source(%run_scoped3A_1 : memref<128x128xf32, #tpu.memory_space<vmem>>) target(%dma_start3A_302 : memref<10240x128xf32, #tpu.memory_space<vmem_shared>>) offsets(%dma_start3A_299 : memref<128xi32, #tpu.memory_space<vmem>>) semaphore(%run_scoped3A_296 : memref<!tpu.dma_semaphore, #tpu.memory_space<semaphore_mem>>) {add = true}
          %dma_wait3A_303 = arith.constant 0 : i32
          %dma_wait3A_304 = tpu.memref_slice %arg10[%add3A_286, %dma_wait3A_303] : memref<80x128xi32, #tpu.memory_space<vmem>> -> memref<1x128xi32, #tpu.memory_space<vmem>>
          %dma_wait3A_305 = tpu.memref_squeeze %dma_wait3A_304 : memref<1x128xi32, #tpu.memory_space<vmem>> -> memref<128xi32, #tpu.memory_space<vmem>>
          %dma_wait3A_306 = arith.constant 0 : i32
          %dma_wait3A_307 = arith.constant 0 : i32
          %dma_wait3A_308 = tpu.memref_slice %arg7[%dma_wait3A_306, %dma_wait3A_307] : memref<10240x128xf32, #tpu.memory_space<vmem_shared>> -> memref<10240x128xf32, #tpu.memory_space<vmem_shared>>
          tpu.wait_indirect_dma semaphore(%run_scoped3A_296 : memref<!tpu.dma_semaphore, #tpu.memory_space<semaphore_mem>>) src(%run_scoped3A_1 : memref<128x128xf32, #tpu.memory_space<vmem>>) dst(%dma_wait3A_308 : memref<10240x128xf32, #tpu.memory_space<vmem_shared>>)
          tpu.yield
        }) : () -> ()
        %add3A_287 = arith.constant 2 : i32
        %add3A_288 = arith.addi %add3A_278, %add3A_287 : i32
        %dma_start3A_289 = arith.constant 0 : i32
        %dma_start3A_290 = tpu.memref_slice %arg8[%add3A_288, %dma_start3A_289] : memref<16x128xi32, #tpu.memory_space<vmem>> -> memref<1x128xi32, #tpu.memory_space<vmem>>
        %dma_start3A_291 = tpu.memref_squeeze %dma_start3A_290 : memref<1x128xi32, #tpu.memory_space<vmem>> -> memref<128xi32, #tpu.memory_space<vmem>>
        %dma_start3A_292 = arith.constant 0 : i32
        %dma_start3A_293 = arith.constant 0 : i32
        %dma_start3A_294 = tpu.memref_slice %arg2[%dma_start3A_292, %dma_start3A_293] : memref<10000x128xf32, #tpu.memory_space<hbm>> -> memref<10000x128xf32, #tpu.memory_space<hbm>>
        tpu.enqueue_indirect_dma source(%dma_start3A_294 : memref<10000x128xf32, #tpu.memory_space<hbm>>) target(%run_scoped3A_1 : memref<128x128xf32, #tpu.memory_space<vmem>>) offsets(%dma_start3A_291 : memref<128xi32, #tpu.memory_space<vmem>>) semaphore(%arg13 : memref<!tpu.dma_semaphore, #tpu.memory_space<semaphore_mem>>)
        %scan3A_295 = arith.constant 0 : i32
        scf.yield %scan3A_295 : i32
      }
      %scan3A_33 = arith.constant 7 : i32
      %add3A_34 = arith.constant 0 : i32
      %add3A_35 = arith.addi %mul3A_5, %add3A_34 : i32
      %add3A_36 = arith.constant 16 : i32
      %add3A_37 = arith.addi %add3A_35, %add3A_36 : i32
      %dma_wait3A = arith.constant 0 : i32
      %dma_wait3A_38 = tpu.memref_slice %arg3[%add3A_37, %dma_wait3A] : memref<2560x128xi32, #tpu.memory_space<hbm>> -> memref<16x128xi32, #tpu.memory_space<hbm>>
      %dma_wait3A_39 = arith.constant 0 : i32
      %dma_wait3A_40 = tpu.memref_slice %arg3[%add3A_37, %dma_wait3A_39] : memref<2560x128xi32, #tpu.memory_space<hbm>> -> memref<16x128xi32, #tpu.memory_space<hbm>>
      tpu.wait_dma2 semaphore(%arg17 : memref<!tpu.dma_semaphore, #tpu.memory_space<semaphore_mem>>) src(%dma_wait3A_40 : memref<16x128xi32, #tpu.memory_space<hbm>>) dst(%arg9 : memref<16x128xi32, #tpu.memory_space<vmem>>)
      %dma_wait3A_41 = arith.constant 14 : i32
      %dma_wait3A_42 = arith.constant 0 : i32
      %dma_wait3A_43 = tpu.memref_slice %arg8[%dma_wait3A_41, %dma_wait3A_42] : memref<16x128xi32, #tpu.memory_space<vmem>> -> memref<1x128xi32, #tpu.memory_space<vmem>>
      %dma_wait3A_44 = tpu.memref_squeeze %dma_wait3A_43 : memref<1x128xi32, #tpu.memory_space<vmem>> -> memref<128xi32, #tpu.memory_space<vmem>>
      %dma_wait3A_45 = arith.constant 0 : i32
      %dma_wait3A_46 = arith.constant 0 : i32
      %dma_wait3A_47 = tpu.memref_slice %arg2[%dma_wait3A_45, %dma_wait3A_46] : memref<10000x128xf32, #tpu.memory_space<hbm>> -> memref<10000x128xf32, #tpu.memory_space<hbm>>
      tpu.wait_indirect_dma semaphore(%arg12 : memref<!tpu.dma_semaphore, #tpu.memory_space<semaphore_mem>>) src(%dma_wait3A_47 : memref<10000x128xf32, #tpu.memory_space<hbm>>) dst(%run_scoped3A : memref<128x128xf32, #tpu.memory_space<vmem>>)
      %run_scoped3A_48 = arith.constant 14 : i32
      "tpu.region"() ({
        %run_scoped3A_253 = tpu.sem_alloc : memref<!tpu.dma_semaphore, #tpu.memory_space<semaphore_mem>>
        %dma_start3A_254 = arith.constant 0 : i32
        %dma_start3A_255 = tpu.memref_slice %arg10[%run_scoped3A_48, %dma_start3A_254] : memref<80x128xi32, #tpu.memory_space<vmem>> -> memref<1x128xi32, #tpu.memory_space<vmem>>
        %dma_start3A_256 = tpu.memref_squeeze %dma_start3A_255 : memref<1x128xi32, #tpu.memory_space<vmem>> -> memref<128xi32, #tpu.memory_space<vmem>>
        %dma_start3A_257 = arith.constant 0 : i32
        %dma_start3A_258 = arith.constant 0 : i32
        %dma_start3A_259 = tpu.memref_slice %arg7[%dma_start3A_257, %dma_start3A_258] : memref<10240x128xf32, #tpu.memory_space<vmem_shared>> -> memref<10240x128xf32, #tpu.memory_space<vmem_shared>>
        tpu.enqueue_indirect_dma source(%run_scoped3A : memref<128x128xf32, #tpu.memory_space<vmem>>) target(%dma_start3A_259 : memref<10240x128xf32, #tpu.memory_space<vmem_shared>>) offsets(%dma_start3A_256 : memref<128xi32, #tpu.memory_space<vmem>>) semaphore(%run_scoped3A_253 : memref<!tpu.dma_semaphore, #tpu.memory_space<semaphore_mem>>) {add = true}
        %dma_wait3A_260 = arith.constant 0 : i32
        %dma_wait3A_261 = tpu.memref_slice %arg10[%run_scoped3A_48, %dma_wait3A_260] : memref<80x128xi32, #tpu.memory_space<vmem>> -> memref<1x128xi32, #tpu.memory_space<vmem>>
        %dma_wait3A_262 = tpu.memref_squeeze %dma_wait3A_261 : memref<1x128xi32, #tpu.memory_space<vmem>> -> memref<128xi32, #tpu.memory_space<vmem>>
        %dma_wait3A_263 = arith.constant 0 : i32
        %dma_wait3A_264 = arith.constant 0 : i32
        %dma_wait3A_265 = tpu.memref_slice %arg7[%dma_wait3A_263, %dma_wait3A_264] : memref<10240x128xf32, #tpu.memory_space<vmem_shared>> -> memref<10240x128xf32, #tpu.memory_space<vmem_shared>>
        tpu.wait_indirect_dma semaphore(%run_scoped3A_253 : memref<!tpu.dma_semaphore, #tpu.memory_space<semaphore_mem>>) src(%run_scoped3A : memref<128x128xf32, #tpu.memory_space<vmem>>) dst(%dma_wait3A_265 : memref<10240x128xf32, #tpu.memory_space<vmem_shared>>)
        tpu.yield
      }) : () -> ()
      %dma_start3A_49 = arith.constant 0 : i32
      %dma_start3A_50 = arith.constant 0 : i32
      %dma_start3A_51 = tpu.memref_slice %arg9[%dma_start3A_49, %dma_start3A_50] : memref<16x128xi32, #tpu.memory_space<vmem>> -> memref<1x128xi32, #tpu.memory_space<vmem>>
      %dma_start3A_52 = tpu.memref_squeeze %dma_start3A_51 : memref<1x128xi32, #tpu.memory_space<vmem>> -> memref<128xi32, #tpu.memory_space<vmem>>
      %dma_start3A_53 = arith.constant 0 : i32
      %dma_start3A_54 = arith.constant 0 : i32
      %dma_start3A_55 = tpu.memref_slice %arg2[%dma_start3A_53, %dma_start3A_54] : memref<10000x128xf32, #tpu.memory_space<hbm>> -> memref<10000x128xf32, #tpu.memory_space<hbm>>
      tpu.enqueue_indirect_dma source(%dma_start3A_55 : memref<10000x128xf32, #tpu.memory_space<hbm>>) target(%run_scoped3A : memref<128x128xf32, #tpu.memory_space<vmem>>) offsets(%dma_start3A_52 : memref<128xi32, #tpu.memory_space<vmem>>) semaphore(%arg12 : memref<!tpu.dma_semaphore, #tpu.memory_space<semaphore_mem>>)
      %dma_wait3A_56 = arith.constant 15 : i32
      %dma_wait3A_57 = arith.constant 0 : i32
      %dma_wait3A_58 = tpu.memref_slice %arg8[%dma_wait3A_56, %dma_wait3A_57] : memref<16x128xi32, #tpu.memory_space<vmem>> -> memref<1x128xi32, #tpu.memory_space<vmem>>
      %dma_wait3A_59 = tpu.memref_squeeze %dma_wait3A_58 : memref<1x128xi32, #tpu.memory_space<vmem>> -> memref<128xi32, #tpu.memory_space<vmem>>
      %dma_wait3A_60 = arith.constant 0 : i32
      %dma_wait3A_61 = arith.constant 0 : i32
      %dma_wait3A_62 = tpu.memref_slice %arg2[%dma_wait3A_60, %dma_wait3A_61] : memref<10000x128xf32, #tpu.memory_space<hbm>> -> memref<10000x128xf32, #tpu.memory_space<hbm>>
      tpu.wait_indirect_dma semaphore(%arg13 : memref<!tpu.dma_semaphore, #tpu.memory_space<semaphore_mem>>) src(%dma_wait3A_62 : memref<10000x128xf32, #tpu.memory_space<hbm>>) dst(%run_scoped3A_1 : memref<128x128xf32, #tpu.memory_space<vmem>>)
      %run_scoped3A_63 = arith.constant 15 : i32
      "tpu.region"() ({
        %run_scoped3A_253 = tpu.sem_alloc : memref<!tpu.dma_semaphore, #tpu.memory_space<semaphore_mem>>
        %dma_start3A_254 = arith.constant 0 : i32
        %dma_start3A_255 = tpu.memref_slice %arg10[%run_scoped3A_63, %dma_start3A_254] : memref<80x128xi32, #tpu.memory_space<vmem>> -> memref<1x128xi32, #tpu.memory_space<vmem>>
        %dma_start3A_256 = tpu.memref_squeeze %dma_start3A_255 : memref<1x128xi32, #tpu.memory_space<vmem>> -> memref<128xi32, #tpu.memory_space<vmem>>
        %dma_start3A_257 = arith.constant 0 : i32
        %dma_start3A_258 = arith.constant 0 : i32
        %dma_start3A_259 = tpu.memref_slice %arg7[%dma_start3A_257, %dma_start3A_258] : memref<10240x128xf32, #tpu.memory_space<vmem_shared>> -> memref<10240x128xf32, #tpu.memory_space<vmem_shared>>
        tpu.enqueue_indirect_dma source(%run_scoped3A_1 : memref<128x128xf32, #tpu.memory_space<vmem>>) target(%dma_start3A_259 : memref<10240x128xf32, #tpu.memory_space<vmem_shared>>) offsets(%dma_start3A_256 : memref<128xi32, #tpu.memory_space<vmem>>) semaphore(%run_scoped3A_253 : memref<!tpu.dma_semaphore, #tpu.memory_space<semaphore_mem>>) {add = true}
        %dma_wait3A_260 = arith.constant 0 : i32
        %dma_wait3A_261 = tpu.memref_slice %arg10[%run_scoped3A_63, %dma_wait3A_260] : memref<80x128xi32, #tpu.memory_space<vmem>> -> memref<1x128xi32, #tpu.memory_space<vmem>>
        %dma_wait3A_262 = tpu.memref_squeeze %dma_wait3A_261 : memref<1x128xi32, #tpu.memory_space<vmem>> -> memref<128xi32, #tpu.memory_space<vmem>>
        %dma_wait3A_263 = arith.constant 0 : i32
        %dma_wait3A_264 = arith.constant 0 : i32
        %dma_wait3A_265 = tpu.memref_slice %arg7[%dma_wait3A_263, %dma_wait3A_264] : memref<10240x128xf32, #tpu.memory_space<vmem_shared>> -> memref<10240x128xf32, #tpu.memory_space<vmem_shared>>
        tpu.wait_indirect_dma semaphore(%run_scoped3A_253 : memref<!tpu.dma_semaphore, #tpu.memory_space<semaphore_mem>>) src(%run_scoped3A_1 : memref<128x128xf32, #tpu.memory_space<vmem>>) dst(%dma_wait3A_265 : memref<10240x128xf32, #tpu.memory_space<vmem_shared>>)
        tpu.yield
      }) : () -> ()
      %dma_start3A_64 = arith.constant 1 : i32
      %dma_start3A_65 = arith.constant 0 : i32
      %dma_start3A_66 = tpu.memref_slice %arg9[%dma_start3A_64, %dma_start3A_65] : memref<16x128xi32, #tpu.memory_space<vmem>> -> memref<1x128xi32, #tpu.memory_space<vmem>>
      %dma_start3A_67 = tpu.memref_squeeze %dma_start3A_66 : memref<1x128xi32, #tpu.memory_space<vmem>> -> memref<128xi32, #tpu.memory_space<vmem>>
      %dma_start3A_68 = arith.constant 0 : i32
      %dma_start3A_69 = arith.constant 0 : i32
      %dma_start3A_70 = tpu.memref_slice %arg2[%dma_start3A_68, %dma_start3A_69] : memref<10000x128xf32, #tpu.memory_space<hbm>> -> memref<10000x128xf32, #tpu.memory_space<hbm>>
      tpu.enqueue_indirect_dma source(%dma_start3A_70 : memref<10000x128xf32, #tpu.memory_space<hbm>>) target(%run_scoped3A_1 : memref<128x128xf32, #tpu.memory_space<vmem>>) offsets(%dma_start3A_67 : memref<128xi32, #tpu.memory_space<vmem>>) semaphore(%arg13 : memref<!tpu.dma_semaphore, #tpu.memory_space<semaphore_mem>>)
      %add3A_71 = arith.constant 16 : i32
      %add3A_72 = arith.addi %mul3A_5, %add3A_71 : i32
      %add3A_73 = arith.constant 16 : i32
      %add3A_74 = arith.addi %add3A_72, %add3A_73 : i32
      %dma_start3A_75 = arith.constant 0 : i32
      %dma_start3A_76 = tpu.memref_slice %arg3[%add3A_74, %dma_start3A_75] : memref<2560x128xi32, #tpu.memory_space<hbm>> -> memref<16x128xi32, #tpu.memory_space<hbm>>
      %dma_start3A_77 = arith.constant 0 : i32
      %dma_start3A_78 = tpu.memref_slice %arg3[%add3A_74, %dma_start3A_77] : memref<2560x128xi32, #tpu.memory_space<hbm>> -> memref<16x128xi32, #tpu.memory_space<hbm>>
      tpu.enqueue_dma source(%dma_start3A_78 : memref<16x128xi32, #tpu.memory_space<hbm>>) target(%arg8 : memref<16x128xi32, #tpu.memory_space<vmem>>) target_semaphore(%arg16 : memref<!tpu.dma_semaphore, #tpu.memory_space<semaphore_mem>>)
      %scan3A_79 = arith.constant 0 : i32
      %scan3A_80 = arith.constant 0 : i32
      %scan3A_81 = arith.constant 7 : i32
      %scan3A_82 = arith.addi %scan3A_80, %scan3A_81 : i32
      %scan3A_83 = arith.constant 1 : i32
      %scan3A_84 = scf.for %scan3A_253 = %scan3A_80 to %scan3A_82 step %scan3A_83 iter_args(%scan3A_254 = %scan3A_79) -> (i32)  : i32 {
        %mul3A_255 = arith.constant 2 : i32
        %mul3A_256 = arith.muli %scan3A_253, %mul3A_255 : i32
        %add3A_257 = arith.constant 0 : i32
        %add3A_258 = arith.addi %mul3A_256, %add3A_257 : i32
        %dma_wait3A_259 = arith.constant 0 : i32
        %dma_wait3A_260 = tpu.memref_slice %arg9[%add3A_258, %dma_wait3A_259] : memref<16x128xi32, #tpu.memory_space<vmem>> -> memref<1x128xi32, #tpu.memory_space<vmem>>
        %dma_wait3A_261 = tpu.memref_squeeze %dma_wait3A_260 : memref<1x128xi32, #tpu.memory_space<vmem>> -> memref<128xi32, #tpu.memory_space<vmem>>
        %dma_wait3A_262 = arith.constant 0 : i32
        %dma_wait3A_263 = arith.constant 0 : i32
        %dma_wait3A_264 = tpu.memref_slice %arg2[%dma_wait3A_262, %dma_wait3A_263] : memref<10000x128xf32, #tpu.memory_space<hbm>> -> memref<10000x128xf32, #tpu.memory_space<hbm>>
        tpu.wait_indirect_dma semaphore(%arg12 : memref<!tpu.dma_semaphore, #tpu.memory_space<semaphore_mem>>) src(%dma_wait3A_264 : memref<10000x128xf32, #tpu.memory_space<hbm>>) dst(%run_scoped3A : memref<128x128xf32, #tpu.memory_space<vmem>>)
        %add3A_265 = arith.constant 16 : i32
        %add3A_266 = arith.addi %add3A_265, %add3A_258 : i32
        "tpu.region"() ({
          %run_scoped3A_296 = tpu.sem_alloc : memref<!tpu.dma_semaphore, #tpu.memory_space<semaphore_mem>>
          %dma_start3A_297 = arith.constant 0 : i32
          %dma_start3A_298 = tpu.memref_slice %arg10[%add3A_266, %dma_start3A_297] : memref<80x128xi32, #tpu.memory_space<vmem>> -> memref<1x128xi32, #tpu.memory_space<vmem>>
          %dma_start3A_299 = tpu.memref_squeeze %dma_start3A_298 : memref<1x128xi32, #tpu.memory_space<vmem>> -> memref<128xi32, #tpu.memory_space<vmem>>
          %dma_start3A_300 = arith.constant 0 : i32
          %dma_start3A_301 = arith.constant 0 : i32
          %dma_start3A_302 = tpu.memref_slice %arg7[%dma_start3A_300, %dma_start3A_301] : memref<10240x128xf32, #tpu.memory_space<vmem_shared>> -> memref<10240x128xf32, #tpu.memory_space<vmem_shared>>
          tpu.enqueue_indirect_dma source(%run_scoped3A : memref<128x128xf32, #tpu.memory_space<vmem>>) target(%dma_start3A_302 : memref<10240x128xf32, #tpu.memory_space<vmem_shared>>) offsets(%dma_start3A_299 : memref<128xi32, #tpu.memory_space<vmem>>) semaphore(%run_scoped3A_296 : memref<!tpu.dma_semaphore, #tpu.memory_space<semaphore_mem>>) {add = true}
          %dma_wait3A_303 = arith.constant 0 : i32
          %dma_wait3A_304 = tpu.memref_slice %arg10[%add3A_266, %dma_wait3A_303] : memref<80x128xi32, #tpu.memory_space<vmem>> -> memref<1x128xi32, #tpu.memory_space<vmem>>
          %dma_wait3A_305 = tpu.memref_squeeze %dma_wait3A_304 : memref<1x128xi32, #tpu.memory_space<vmem>> -> memref<128xi32, #tpu.memory_space<vmem>>
          %dma_wait3A_306 = arith.constant 0 : i32
          %dma_wait3A_307 = arith.constant 0 : i32
          %dma_wait3A_308 = tpu.memref_slice %arg7[%dma_wait3A_306, %dma_wait3A_307] : memref<10240x128xf32, #tpu.memory_space<vmem_shared>> -> memref<10240x128xf32, #tpu.memory_space<vmem_shared>>
          tpu.wait_indirect_dma semaphore(%run_scoped3A_296 : memref<!tpu.dma_semaphore, #tpu.memory_space<semaphore_mem>>) src(%run_scoped3A : memref<128x128xf32, #tpu.memory_space<vmem>>) dst(%dma_wait3A_308 : memref<10240x128xf32, #tpu.memory_space<vmem_shared>>)
          tpu.yield
        }) : () -> ()
        %add3A_267 = arith.constant 2 : i32
        %add3A_268 = arith.addi %add3A_258, %add3A_267 : i32
        %dma_start3A_269 = arith.constant 0 : i32
        %dma_start3A_270 = tpu.memref_slice %arg9[%add3A_268, %dma_start3A_269] : memref<16x128xi32, #tpu.memory_space<vmem>> -> memref<1x128xi32, #tpu.memory_space<vmem>>
        %dma_start3A_271 = tpu.memref_squeeze %dma_start3A_270 : memref<1x128xi32, #tpu.memory_space<vmem>> -> memref<128xi32, #tpu.memory_space<vmem>>
        %dma_start3A_272 = arith.constant 0 : i32
        %dma_start3A_273 = arith.constant 0 : i32
        %dma_start3A_274 = tpu.memref_slice %arg2[%dma_start3A_272, %dma_start3A_273] : memref<10000x128xf32, #tpu.memory_space<hbm>> -> memref<10000x128xf32, #tpu.memory_space<hbm>>
        tpu.enqueue_indirect_dma source(%dma_start3A_274 : memref<10000x128xf32, #tpu.memory_space<hbm>>) target(%run_scoped3A : memref<128x128xf32, #tpu.memory_space<vmem>>) offsets(%dma_start3A_271 : memref<128xi32, #tpu.memory_space<vmem>>) semaphore(%arg12 : memref<!tpu.dma_semaphore, #tpu.memory_space<semaphore_mem>>)
        %mul3A_275 = arith.constant 2 : i32
        %mul3A_276 = arith.muli %scan3A_253, %mul3A_275 : i32
        %add3A_277 = arith.constant 1 : i32
        %add3A_278 = arith.addi %mul3A_276, %add3A_277 : i32
        %dma_wait3A_279 = arith.constant 0 : i32
        %dma_wait3A_280 = tpu.memref_slice %arg9[%add3A_278, %dma_wait3A_279] : memref<16x128xi32, #tpu.memory_space<vmem>> -> memref<1x128xi32, #tpu.memory_space<vmem>>
        %dma_wait3A_281 = tpu.memref_squeeze %dma_wait3A_280 : memref<1x128xi32, #tpu.memory_space<vmem>> -> memref<128xi32, #tpu.memory_space<vmem>>
        %dma_wait3A_282 = arith.constant 0 : i32
        %dma_wait3A_283 = arith.constant 0 : i32
        %dma_wait3A_284 = tpu.memref_slice %arg2[%dma_wait3A_282, %dma_wait3A_283] : memref<10000x128xf32, #tpu.memory_space<hbm>> -> memref<10000x128xf32, #tpu.memory_space<hbm>>
        tpu.wait_indirect_dma semaphore(%arg13 : memref<!tpu.dma_semaphore, #tpu.memory_space<semaphore_mem>>) src(%dma_wait3A_284 : memref<10000x128xf32, #tpu.memory_space<hbm>>) dst(%run_scoped3A_1 : memref<128x128xf32, #tpu.memory_space<vmem>>)
        %add3A_285 = arith.constant 16 : i32
        %add3A_286 = arith.addi %add3A_285, %add3A_278 : i32
        "tpu.region"() ({
          %run_scoped3A_296 = tpu.sem_alloc : memref<!tpu.dma_semaphore, #tpu.memory_space<semaphore_mem>>
          %dma_start3A_297 = arith.constant 0 : i32
          %dma_start3A_298 = tpu.memref_slice %arg10[%add3A_286, %dma_start3A_297] : memref<80x128xi32, #tpu.memory_space<vmem>> -> memref<1x128xi32, #tpu.memory_space<vmem>>
          %dma_start3A_299 = tpu.memref_squeeze %dma_start3A_298 : memref<1x128xi32, #tpu.memory_space<vmem>> -> memref<128xi32, #tpu.memory_space<vmem>>
          %dma_start3A_300 = arith.constant 0 : i32
          %dma_start3A_301 = arith.constant 0 : i32
          %dma_start3A_302 = tpu.memref_slice %arg7[%dma_start3A_300, %dma_start3A_301] : memref<10240x128xf32, #tpu.memory_space<vmem_shared>> -> memref<10240x128xf32, #tpu.memory_space<vmem_shared>>
          tpu.enqueue_indirect_dma source(%run_scoped3A_1 : memref<128x128xf32, #tpu.memory_space<vmem>>) target(%dma_start3A_302 : memref<10240x128xf32, #tpu.memory_space<vmem_shared>>) offsets(%dma_start3A_299 : memref<128xi32, #tpu.memory_space<vmem>>) semaphore(%run_scoped3A_296 : memref<!tpu.dma_semaphore, #tpu.memory_space<semaphore_mem>>) {add = true}
          %dma_wait3A_303 = arith.constant 0 : i32
          %dma_wait3A_304 = tpu.memref_slice %arg10[%add3A_286, %dma_wait3A_303] : memref<80x128xi32, #tpu.memory_space<vmem>> -> memref<1x128xi32, #tpu.memory_space<vmem>>
          %dma_wait3A_305 = tpu.memref_squeeze %dma_wait3A_304 : memref<1x128xi32, #tpu.memory_space<vmem>> -> memref<128xi32, #tpu.memory_space<vmem>>
          %dma_wait3A_306 = arith.constant 0 : i32
          %dma_wait3A_307 = arith.constant 0 : i32
          %dma_wait3A_308 = tpu.memref_slice %arg7[%dma_wait3A_306, %dma_wait3A_307] : memref<10240x128xf32, #tpu.memory_space<vmem_shared>> -> memref<10240x128xf32, #tpu.memory_space<vmem_shared>>
          tpu.wait_indirect_dma semaphore(%run_scoped3A_296 : memref<!tpu.dma_semaphore, #tpu.memory_space<semaphore_mem>>) src(%run_scoped3A_1 : memref<128x128xf32, #tpu.memory_space<vmem>>) dst(%dma_wait3A_308 : memref<10240x128xf32, #tpu.memory_space<vmem_shared>>)
          tpu.yield
        }) : () -> ()
        %add3A_287 = arith.constant 2 : i32
        %add3A_288 = arith.addi %add3A_278, %add3A_287 : i32
        %dma_start3A_289 = arith.constant 0 : i32
        %dma_start3A_290 = tpu.memref_slice %arg9[%add3A_288, %dma_start3A_289] : memref<16x128xi32, #tpu.memory_space<vmem>> -> memref<1x128xi32, #tpu.memory_space<vmem>>
        %dma_start3A_291 = tpu.memref_squeeze %dma_start3A_290 : memref<1x128xi32, #tpu.memory_space<vmem>> -> memref<128xi32, #tpu.memory_space<vmem>>
        %dma_start3A_292 = arith.constant 0 : i32
        %dma_start3A_293 = arith.constant 0 : i32
        %dma_start3A_294 = tpu.memref_slice %arg2[%dma_start3A_292, %dma_start3A_293] : memref<10000x128xf32, #tpu.memory_space<hbm>> -> memref<10000x128xf32, #tpu.memory_space<hbm>>
        tpu.enqueue_indirect_dma source(%dma_start3A_294 : memref<10000x128xf32, #tpu.memory_space<hbm>>) target(%run_scoped3A_1 : memref<128x128xf32, #tpu.memory_space<vmem>>) offsets(%dma_start3A_291 : memref<128xi32, #tpu.memory_space<vmem>>) semaphore(%arg13 : memref<!tpu.dma_semaphore, #tpu.memory_space<semaphore_mem>>)
        %scan3A_295 = arith.constant 0 : i32
        scf.yield %scan3A_295 : i32
      }
      %scan3A_85 = arith.constant 7 : i32
      %add3A_86 = arith.constant 16 : i32
      %add3A_87 = arith.addi %mul3A_5, %add3A_86 : i32
      %add3A_88 = arith.constant 16 : i32
      %add3A_89 = arith.addi %add3A_87, %add3A_88 : i32
      %dma_wait3A_90 = arith.constant 0 : i32
      %dma_wait3A_91 = tpu.memref_slice %arg3[%add3A_89, %dma_wait3A_90] : memref<2560x128xi32, #tpu.memory_space<hbm>> -> memref<16x128xi32, #tpu.memory_space<hbm>>
      %dma_wait3A_92 = arith.constant 0 : i32
      %dma_wait3A_93 = tpu.memref_slice %arg3[%add3A_89, %dma_wait3A_92] : memref<2560x128xi32, #tpu.memory_space<hbm>> -> memref<16x128xi32, #tpu.memory_space<hbm>>
      tpu.wait_dma2 semaphore(%arg16 : memref<!tpu.dma_semaphore, #tpu.memory_space<semaphore_mem>>) src(%dma_wait3A_93 : memref<16x128xi32, #tpu.memory_space<hbm>>) dst(%arg8 : memref<16x128xi32, #tpu.memory_space<vmem>>)
      %dma_wait3A_94 = arith.constant 14 : i32
      %dma_wait3A_95 = arith.constant 0 : i32
      %dma_wait3A_96 = tpu.memref_slice %arg9[%dma_wait3A_94, %dma_wait3A_95] : memref<16x128xi32, #tpu.memory_space<vmem>> -> memref<1x128xi32, #tpu.memory_space<vmem>>
      %dma_wait3A_97 = tpu.memref_squeeze %dma_wait3A_96 : memref<1x128xi32, #tpu.memory_space<vmem>> -> memref<128xi32, #tpu.memory_space<vmem>>
      %dma_wait3A_98 = arith.constant 0 : i32
      %dma_wait3A_99 = arith.constant 0 : i32
      %dma_wait3A_100 = tpu.memref_slice %arg2[%dma_wait3A_98, %dma_wait3A_99] : memref<10000x128xf32, #tpu.memory_space<hbm>> -> memref<10000x128xf32, #tpu.memory_space<hbm>>
      tpu.wait_indirect_dma semaphore(%arg12 : memref<!tpu.dma_semaphore, #tpu.memory_space<semaphore_mem>>) src(%dma_wait3A_100 : memref<10000x128xf32, #tpu.memory_space<hbm>>) dst(%run_scoped3A : memref<128x128xf32, #tpu.memory_space<vmem>>)
      %run_scoped3A_101 = arith.constant 30 : i32
      "tpu.region"() ({
        %run_scoped3A_253 = tpu.sem_alloc : memref<!tpu.dma_semaphore, #tpu.memory_space<semaphore_mem>>
        %dma_start3A_254 = arith.constant 0 : i32
        %dma_start3A_255 = tpu.memref_slice %arg10[%run_scoped3A_101, %dma_start3A_254] : memref<80x128xi32, #tpu.memory_space<vmem>> -> memref<1x128xi32, #tpu.memory_space<vmem>>
        %dma_start3A_256 = tpu.memref_squeeze %dma_start3A_255 : memref<1x128xi32, #tpu.memory_space<vmem>> -> memref<128xi32, #tpu.memory_space<vmem>>
        %dma_start3A_257 = arith.constant 0 : i32
        %dma_start3A_258 = arith.constant 0 : i32
        %dma_start3A_259 = tpu.memref_slice %arg7[%dma_start3A_257, %dma_start3A_258] : memref<10240x128xf32, #tpu.memory_space<vmem_shared>> -> memref<10240x128xf32, #tpu.memory_space<vmem_shared>>
        tpu.enqueue_indirect_dma source(%run_scoped3A : memref<128x128xf32, #tpu.memory_space<vmem>>) target(%dma_start3A_259 : memref<10240x128xf32, #tpu.memory_space<vmem_shared>>) offsets(%dma_start3A_256 : memref<128xi32, #tpu.memory_space<vmem>>) semaphore(%run_scoped3A_253 : memref<!tpu.dma_semaphore, #tpu.memory_space<semaphore_mem>>) {add = true}
        %dma_wait3A_260 = arith.constant 0 : i32
        %dma_wait3A_261 = tpu.memref_slice %arg10[%run_scoped3A_101, %dma_wait3A_260] : memref<80x128xi32, #tpu.memory_space<vmem>> -> memref<1x128xi32, #tpu.memory_space<vmem>>
        %dma_wait3A_262 = tpu.memref_squeeze %dma_wait3A_261 : memref<1x128xi32, #tpu.memory_space<vmem>> -> memref<128xi32, #tpu.memory_space<vmem>>
        %dma_wait3A_263 = arith.constant 0 : i32
        %dma_wait3A_264 = arith.constant 0 : i32
        %dma_wait3A_265 = tpu.memref_slice %arg7[%dma_wait3A_263, %dma_wait3A_264] : memref<10240x128xf32, #tpu.memory_space<vmem_shared>> -> memref<10240x128xf32, #tpu.memory_space<vmem_shared>>
        tpu.wait_indirect_dma semaphore(%run_scoped3A_253 : memref<!tpu.dma_semaphore, #tpu.memory_space<semaphore_mem>>) src(%run_scoped3A : memref<128x128xf32, #tpu.memory_space<vmem>>) dst(%dma_wait3A_265 : memref<10240x128xf32, #tpu.memory_space<vmem_shared>>)
        tpu.yield
      }) : () -> ()
      %dma_start3A_102 = arith.constant 0 : i32
      %dma_start3A_103 = arith.constant 0 : i32
      %dma_start3A_104 = tpu.memref_slice %arg8[%dma_start3A_102, %dma_start3A_103] : memref<16x128xi32, #tpu.memory_space<vmem>> -> memref<1x128xi32, #tpu.memory_space<vmem>>
      %dma_start3A_105 = tpu.memref_squeeze %dma_start3A_104 : memref<1x128xi32, #tpu.memory_space<vmem>> -> memref<128xi32, #tpu.memory_space<vmem>>
      %dma_start3A_106 = arith.constant 0 : i32
      %dma_start3A_107 = arith.constant 0 : i32
      %dma_start3A_108 = tpu.memref_slice %arg2[%dma_start3A_106, %dma_start3A_107] : memref<10000x128xf32, #tpu.memory_space<hbm>> -> memref<10000x128xf32, #tpu.memory_space<hbm>>
      tpu.enqueue_indirect_dma source(%dma_start3A_108 : memref<10000x128xf32, #tpu.memory_space<hbm>>) target(%run_scoped3A : memref<128x128xf32, #tpu.memory_space<vmem>>) offsets(%dma_start3A_105 : memref<128xi32, #tpu.memory_space<vmem>>) semaphore(%arg12 : memref<!tpu.dma_semaphore, #tpu.memory_space<semaphore_mem>>)
      %dma_wait3A_109 = arith.constant 15 : i32
      %dma_wait3A_110 = arith.constant 0 : i32
      %dma_wait3A_111 = tpu.memref_slice %arg9[%dma_wait3A_109, %dma_wait3A_110] : memref<16x128xi32, #tpu.memory_space<vmem>> -> memref<1x128xi32, #tpu.memory_space<vmem>>
      %dma_wait3A_112 = tpu.memref_squeeze %dma_wait3A_111 : memref<1x128xi32, #tpu.memory_space<vmem>> -> memref<128xi32, #tpu.memory_space<vmem>>
      %dma_wait3A_113 = arith.constant 0 : i32
      %dma_wait3A_114 = arith.constant 0 : i32
      %dma_wait3A_115 = tpu.memref_slice %arg2[%dma_wait3A_113, %dma_wait3A_114] : memref<10000x128xf32, #tpu.memory_space<hbm>> -> memref<10000x128xf32, #tpu.memory_space<hbm>>
      tpu.wait_indirect_dma semaphore(%arg13 : memref<!tpu.dma_semaphore, #tpu.memory_space<semaphore_mem>>) src(%dma_wait3A_115 : memref<10000x128xf32, #tpu.memory_space<hbm>>) dst(%run_scoped3A_1 : memref<128x128xf32, #tpu.memory_space<vmem>>)
      %run_scoped3A_116 = arith.constant 31 : i32
      "tpu.region"() ({
        %run_scoped3A_253 = tpu.sem_alloc : memref<!tpu.dma_semaphore, #tpu.memory_space<semaphore_mem>>
        %dma_start3A_254 = arith.constant 0 : i32
        %dma_start3A_255 = tpu.memref_slice %arg10[%run_scoped3A_116, %dma_start3A_254] : memref<80x128xi32, #tpu.memory_space<vmem>> -> memref<1x128xi32, #tpu.memory_space<vmem>>
        %dma_start3A_256 = tpu.memref_squeeze %dma_start3A_255 : memref<1x128xi32, #tpu.memory_space<vmem>> -> memref<128xi32, #tpu.memory_space<vmem>>
        %dma_start3A_257 = arith.constant 0 : i32
        %dma_start3A_258 = arith.constant 0 : i32
        %dma_start3A_259 = tpu.memref_slice %arg7[%dma_start3A_257, %dma_start3A_258] : memref<10240x128xf32, #tpu.memory_space<vmem_shared>> -> memref<10240x128xf32, #tpu.memory_space<vmem_shared>>
        tpu.enqueue_indirect_dma source(%run_scoped3A_1 : memref<128x128xf32, #tpu.memory_space<vmem>>) target(%dma_start3A_259 : memref<10240x128xf32, #tpu.memory_space<vmem_shared>>) offsets(%dma_start3A_256 : memref<128xi32, #tpu.memory_space<vmem>>) semaphore(%run_scoped3A_253 : memref<!tpu.dma_semaphore, #tpu.memory_space<semaphore_mem>>) {add = true}
        %dma_wait3A_260 = arith.constant 0 : i32
        %dma_wait3A_261 = tpu.memref_slice %arg10[%run_scoped3A_116, %dma_wait3A_260] : memref<80x128xi32, #tpu.memory_space<vmem>> -> memref<1x128xi32, #tpu.memory_space<vmem>>
        %dma_wait3A_262 = tpu.memref_squeeze %dma_wait3A_261 : memref<1x128xi32, #tpu.memory_space<vmem>> -> memref<128xi32, #tpu.memory_space<vmem>>
        %dma_wait3A_263 = arith.constant 0 : i32
        %dma_wait3A_264 = arith.constant 0 : i32
        %dma_wait3A_265 = tpu.memref_slice %arg7[%dma_wait3A_263, %dma_wait3A_264] : memref<10240x128xf32, #tpu.memory_space<vmem_shared>> -> memref<10240x128xf32, #tpu.memory_space<vmem_shared>>
        tpu.wait_indirect_dma semaphore(%run_scoped3A_253 : memref<!tpu.dma_semaphore, #tpu.memory_space<semaphore_mem>>) src(%run_scoped3A_1 : memref<128x128xf32, #tpu.memory_space<vmem>>) dst(%dma_wait3A_265 : memref<10240x128xf32, #tpu.memory_space<vmem_shared>>)
        tpu.yield
      }) : () -> ()
      %dma_start3A_117 = arith.constant 1 : i32
      %dma_start3A_118 = arith.constant 0 : i32
      %dma_start3A_119 = tpu.memref_slice %arg8[%dma_start3A_117, %dma_start3A_118] : memref<16x128xi32, #tpu.memory_space<vmem>> -> memref<1x128xi32, #tpu.memory_space<vmem>>
      %dma_start3A_120 = tpu.memref_squeeze %dma_start3A_119 : memref<1x128xi32, #tpu.memory_space<vmem>> -> memref<128xi32, #tpu.memory_space<vmem>>
      %dma_start3A_121 = arith.constant 0 : i32
      %dma_start3A_122 = arith.constant 0 : i32
      %dma_start3A_123 = tpu.memref_slice %arg2[%dma_start3A_121, %dma_start3A_122] : memref<10000x128xf32, #tpu.memory_space<hbm>> -> memref<10000x128xf32, #tpu.memory_space<hbm>>
      tpu.enqueue_indirect_dma source(%dma_start3A_123 : memref<10000x128xf32, #tpu.memory_space<hbm>>) target(%run_scoped3A_1 : memref<128x128xf32, #tpu.memory_space<vmem>>) offsets(%dma_start3A_120 : memref<128xi32, #tpu.memory_space<vmem>>) semaphore(%arg13 : memref<!tpu.dma_semaphore, #tpu.memory_space<semaphore_mem>>)
      %add3A_124 = arith.constant 32 : i32
      %add3A_125 = arith.addi %mul3A_5, %add3A_124 : i32
      %add3A_126 = arith.constant 16 : i32
      %add3A_127 = arith.addi %add3A_125, %add3A_126 : i32
      %dma_start3A_128 = arith.constant 0 : i32
      %dma_start3A_129 = tpu.memref_slice %arg3[%add3A_127, %dma_start3A_128] : memref<2560x128xi32, #tpu.memory_space<hbm>> -> memref<16x128xi32, #tpu.memory_space<hbm>>
      %dma_start3A_130 = arith.constant 0 : i32
      %dma_start3A_131 = tpu.memref_slice %arg3[%add3A_127, %dma_start3A_130] : memref<2560x128xi32, #tpu.memory_space<hbm>> -> memref<16x128xi32, #tpu.memory_space<hbm>>
      tpu.enqueue_dma source(%dma_start3A_131 : memref<16x128xi32, #tpu.memory_space<hbm>>) target(%arg9 : memref<16x128xi32, #tpu.memory_space<vmem>>) target_semaphore(%arg17 : memref<!tpu.dma_semaphore, #tpu.memory_space<semaphore_mem>>)
      %scan3A_132 = arith.constant 0 : i32
      %scan3A_133 = arith.constant 0 : i32
      %scan3A_134 = arith.constant 7 : i32
      %scan3A_135 = arith.addi %scan3A_133, %scan3A_134 : i32
      %scan3A_136 = arith.constant 1 : i32
      %scan3A_137 = scf.for %scan3A_253 = %scan3A_133 to %scan3A_135 step %scan3A_136 iter_args(%scan3A_254 = %scan3A_132) -> (i32)  : i32 {
        %mul3A_255 = arith.constant 2 : i32
        %mul3A_256 = arith.muli %scan3A_253, %mul3A_255 : i32
        %add3A_257 = arith.constant 0 : i32
        %add3A_258 = arith.addi %mul3A_256, %add3A_257 : i32
        %dma_wait3A_259 = arith.constant 0 : i32
        %dma_wait3A_260 = tpu.memref_slice %arg8[%add3A_258, %dma_wait3A_259] : memref<16x128xi32, #tpu.memory_space<vmem>> -> memref<1x128xi32, #tpu.memory_space<vmem>>
        %dma_wait3A_261 = tpu.memref_squeeze %dma_wait3A_260 : memref<1x128xi32, #tpu.memory_space<vmem>> -> memref<128xi32, #tpu.memory_space<vmem>>
        %dma_wait3A_262 = arith.constant 0 : i32
        %dma_wait3A_263 = arith.constant 0 : i32
        %dma_wait3A_264 = tpu.memref_slice %arg2[%dma_wait3A_262, %dma_wait3A_263] : memref<10000x128xf32, #tpu.memory_space<hbm>> -> memref<10000x128xf32, #tpu.memory_space<hbm>>
        tpu.wait_indirect_dma semaphore(%arg12 : memref<!tpu.dma_semaphore, #tpu.memory_space<semaphore_mem>>) src(%dma_wait3A_264 : memref<10000x128xf32, #tpu.memory_space<hbm>>) dst(%run_scoped3A : memref<128x128xf32, #tpu.memory_space<vmem>>)
        %add3A_265 = arith.constant 32 : i32
        %add3A_266 = arith.addi %add3A_265, %add3A_258 : i32
        "tpu.region"() ({
          %run_scoped3A_296 = tpu.sem_alloc : memref<!tpu.dma_semaphore, #tpu.memory_space<semaphore_mem>>
          %dma_start3A_297 = arith.constant 0 : i32
          %dma_start3A_298 = tpu.memref_slice %arg10[%add3A_266, %dma_start3A_297] : memref<80x128xi32, #tpu.memory_space<vmem>> -> memref<1x128xi32, #tpu.memory_space<vmem>>
          %dma_start3A_299 = tpu.memref_squeeze %dma_start3A_298 : memref<1x128xi32, #tpu.memory_space<vmem>> -> memref<128xi32, #tpu.memory_space<vmem>>
          %dma_start3A_300 = arith.constant 0 : i32
          %dma_start3A_301 = arith.constant 0 : i32
          %dma_start3A_302 = tpu.memref_slice %arg7[%dma_start3A_300, %dma_start3A_301] : memref<10240x128xf32, #tpu.memory_space<vmem_shared>> -> memref<10240x128xf32, #tpu.memory_space<vmem_shared>>
          tpu.enqueue_indirect_dma source(%run_scoped3A : memref<128x128xf32, #tpu.memory_space<vmem>>) target(%dma_start3A_302 : memref<10240x128xf32, #tpu.memory_space<vmem_shared>>) offsets(%dma_start3A_299 : memref<128xi32, #tpu.memory_space<vmem>>) semaphore(%run_scoped3A_296 : memref<!tpu.dma_semaphore, #tpu.memory_space<semaphore_mem>>) {add = true}
          %dma_wait3A_303 = arith.constant 0 : i32
          %dma_wait3A_304 = tpu.memref_slice %arg10[%add3A_266, %dma_wait3A_303] : memref<80x128xi32, #tpu.memory_space<vmem>> -> memref<1x128xi32, #tpu.memory_space<vmem>>
          %dma_wait3A_305 = tpu.memref_squeeze %dma_wait3A_304 : memref<1x128xi32, #tpu.memory_space<vmem>> -> memref<128xi32, #tpu.memory_space<vmem>>
          %dma_wait3A_306 = arith.constant 0 : i32
          %dma_wait3A_307 = arith.constant 0 : i32
          %dma_wait3A_308 = tpu.memref_slice %arg7[%dma_wait3A_306, %dma_wait3A_307] : memref<10240x128xf32, #tpu.memory_space<vmem_shared>> -> memref<10240x128xf32, #tpu.memory_space<vmem_shared>>
          tpu.wait_indirect_dma semaphore(%run_scoped3A_296 : memref<!tpu.dma_semaphore, #tpu.memory_space<semaphore_mem>>) src(%run_scoped3A : memref<128x128xf32, #tpu.memory_space<vmem>>) dst(%dma_wait3A_308 : memref<10240x128xf32, #tpu.memory_space<vmem_shared>>)
          tpu.yield
        }) : () -> ()
        %add3A_267 = arith.constant 2 : i32
        %add3A_268 = arith.addi %add3A_258, %add3A_267 : i32
        %dma_start3A_269 = arith.constant 0 : i32
        %dma_start3A_270 = tpu.memref_slice %arg8[%add3A_268, %dma_start3A_269] : memref<16x128xi32, #tpu.memory_space<vmem>> -> memref<1x128xi32, #tpu.memory_space<vmem>>
        %dma_start3A_271 = tpu.memref_squeeze %dma_start3A_270 : memref<1x128xi32, #tpu.memory_space<vmem>> -> memref<128xi32, #tpu.memory_space<vmem>>
        %dma_start3A_272 = arith.constant 0 : i32
        %dma_start3A_273 = arith.constant 0 : i32
        %dma_start3A_274 = tpu.memref_slice %arg2[%dma_start3A_272, %dma_start3A_273] : memref<10000x128xf32, #tpu.memory_space<hbm>> -> memref<10000x128xf32, #tpu.memory_space<hbm>>
        tpu.enqueue_indirect_dma source(%dma_start3A_274 : memref<10000x128xf32, #tpu.memory_space<hbm>>) target(%run_scoped3A : memref<128x128xf32, #tpu.memory_space<vmem>>) offsets(%dma_start3A_271 : memref<128xi32, #tpu.memory_space<vmem>>) semaphore(%arg12 : memref<!tpu.dma_semaphore, #tpu.memory_space<semaphore_mem>>)
        %mul3A_275 = arith.constant 2 : i32
        %mul3A_276 = arith.muli %scan3A_253, %mul3A_275 : i32
        %add3A_277 = arith.constant 1 : i32
        %add3A_278 = arith.addi %mul3A_276, %add3A_277 : i32
        %dma_wait3A_279 = arith.constant 0 : i32
        %dma_wait3A_280 = tpu.memref_slice %arg8[%add3A_278, %dma_wait3A_279] : memref<16x128xi32, #tpu.memory_space<vmem>> -> memref<1x128xi32, #tpu.memory_space<vmem>>
        %dma_wait3A_281 = tpu.memref_squeeze %dma_wait3A_280 : memref<1x128xi32, #tpu.memory_space<vmem>> -> memref<128xi32, #tpu.memory_space<vmem>>
        %dma_wait3A_282 = arith.constant 0 : i32
        %dma_wait3A_283 = arith.constant 0 : i32
        %dma_wait3A_284 = tpu.memref_slice %arg2[%dma_wait3A_282, %dma_wait3A_283] : memref<10000x128xf32, #tpu.memory_space<hbm>> -> memref<10000x128xf32, #tpu.memory_space<hbm>>
        tpu.wait_indirect_dma semaphore(%arg13 : memref<!tpu.dma_semaphore, #tpu.memory_space<semaphore_mem>>) src(%dma_wait3A_284 : memref<10000x128xf32, #tpu.memory_space<hbm>>) dst(%run_scoped3A_1 : memref<128x128xf32, #tpu.memory_space<vmem>>)
        %add3A_285 = arith.constant 32 : i32
        %add3A_286 = arith.addi %add3A_285, %add3A_278 : i32
        "tpu.region"() ({
          %run_scoped3A_296 = tpu.sem_alloc : memref<!tpu.dma_semaphore, #tpu.memory_space<semaphore_mem>>
          %dma_start3A_297 = arith.constant 0 : i32
          %dma_start3A_298 = tpu.memref_slice %arg10[%add3A_286, %dma_start3A_297] : memref<80x128xi32, #tpu.memory_space<vmem>> -> memref<1x128xi32, #tpu.memory_space<vmem>>
          %dma_start3A_299 = tpu.memref_squeeze %dma_start3A_298 : memref<1x128xi32, #tpu.memory_space<vmem>> -> memref<128xi32, #tpu.memory_space<vmem>>
          %dma_start3A_300 = arith.constant 0 : i32
          %dma_start3A_301 = arith.constant 0 : i32
          %dma_start3A_302 = tpu.memref_slice %arg7[%dma_start3A_300, %dma_start3A_301] : memref<10240x128xf32, #tpu.memory_space<vmem_shared>> -> memref<10240x128xf32, #tpu.memory_space<vmem_shared>>
          tpu.enqueue_indirect_dma source(%run_scoped3A_1 : memref<128x128xf32, #tpu.memory_space<vmem>>) target(%dma_start3A_302 : memref<10240x128xf32, #tpu.memory_space<vmem_shared>>) offsets(%dma_start3A_299 : memref<128xi32, #tpu.memory_space<vmem>>) semaphore(%run_scoped3A_296 : memref<!tpu.dma_semaphore, #tpu.memory_space<semaphore_mem>>) {add = true}
          %dma_wait3A_303 = arith.constant 0 : i32
          %dma_wait3A_304 = tpu.memref_slice %arg10[%add3A_286, %dma_wait3A_303] : memref<80x128xi32, #tpu.memory_space<vmem>> -> memref<1x128xi32, #tpu.memory_space<vmem>>
          %dma_wait3A_305 = tpu.memref_squeeze %dma_wait3A_304 : memref<1x128xi32, #tpu.memory_space<vmem>> -> memref<128xi32, #tpu.memory_space<vmem>>
          %dma_wait3A_306 = arith.constant 0 : i32
          %dma_wait3A_307 = arith.constant 0 : i32
          %dma_wait3A_308 = tpu.memref_slice %arg7[%dma_wait3A_306, %dma_wait3A_307] : memref<10240x128xf32, #tpu.memory_space<vmem_shared>> -> memref<10240x128xf32, #tpu.memory_space<vmem_shared>>
          tpu.wait_indirect_dma semaphore(%run_scoped3A_296 : memref<!tpu.dma_semaphore, #tpu.memory_space<semaphore_mem>>) src(%run_scoped3A_1 : memref<128x128xf32, #tpu.memory_space<vmem>>) dst(%dma_wait3A_308 : memref<10240x128xf32, #tpu.memory_space<vmem_shared>>)
          tpu.yield
        }) : () -> ()
        %add3A_287 = arith.constant 2 : i32
        %add3A_288 = arith.addi %add3A_278, %add3A_287 : i32
        %dma_start3A_289 = arith.constant 0 : i32
        %dma_start3A_290 = tpu.memref_slice %arg8[%add3A_288, %dma_start3A_289] : memref<16x128xi32, #tpu.memory_space<vmem>> -> memref<1x128xi32, #tpu.memory_space<vmem>>
        %dma_start3A_291 = tpu.memref_squeeze %dma_start3A_290 : memref<1x128xi32, #tpu.memory_space<vmem>> -> memref<128xi32, #tpu.memory_space<vmem>>
        %dma_start3A_292 = arith.constant 0 : i32
        %dma_start3A_293 = arith.constant 0 : i32
        %dma_start3A_294 = tpu.memref_slice %arg2[%dma_start3A_292, %dma_start3A_293] : memref<10000x128xf32, #tpu.memory_space<hbm>> -> memref<10000x128xf32, #tpu.memory_space<hbm>>
        tpu.enqueue_indirect_dma source(%dma_start3A_294 : memref<10000x128xf32, #tpu.memory_space<hbm>>) target(%run_scoped3A_1 : memref<128x128xf32, #tpu.memory_space<vmem>>) offsets(%dma_start3A_291 : memref<128xi32, #tpu.memory_space<vmem>>) semaphore(%arg13 : memref<!tpu.dma_semaphore, #tpu.memory_space<semaphore_mem>>)
        %scan3A_295 = arith.constant 0 : i32
        scf.yield %scan3A_295 : i32
      }
      %scan3A_138 = arith.constant 7 : i32
      %add3A_139 = arith.constant 32 : i32
      %add3A_140 = arith.addi %mul3A_5, %add3A_139 : i32
      %add3A_141 = arith.constant 16 : i32
      %add3A_142 = arith.addi %add3A_140, %add3A_141 : i32
      %dma_wait3A_143 = arith.constant 0 : i32
      %dma_wait3A_144 = tpu.memref_slice %arg3[%add3A_142, %dma_wait3A_143] : memref<2560x128xi32, #tpu.memory_space<hbm>> -> memref<16x128xi32, #tpu.memory_space<hbm>>
      %dma_wait3A_145 = arith.constant 0 : i32
      %dma_wait3A_146 = tpu.memref_slice %arg3[%add3A_142, %dma_wait3A_145] : memref<2560x128xi32, #tpu.memory_space<hbm>> -> memref<16x128xi32, #tpu.memory_space<hbm>>
      tpu.wait_dma2 semaphore(%arg17 : memref<!tpu.dma_semaphore, #tpu.memory_space<semaphore_mem>>) src(%dma_wait3A_146 : memref<16x128xi32, #tpu.memory_space<hbm>>) dst(%arg9 : memref<16x128xi32, #tpu.memory_space<vmem>>)
      %dma_wait3A_147 = arith.constant 14 : i32
      %dma_wait3A_148 = arith.constant 0 : i32
      %dma_wait3A_149 = tpu.memref_slice %arg8[%dma_wait3A_147, %dma_wait3A_148] : memref<16x128xi32, #tpu.memory_space<vmem>> -> memref<1x128xi32, #tpu.memory_space<vmem>>
      %dma_wait3A_150 = tpu.memref_squeeze %dma_wait3A_149 : memref<1x128xi32, #tpu.memory_space<vmem>> -> memref<128xi32, #tpu.memory_space<vmem>>
      %dma_wait3A_151 = arith.constant 0 : i32
      %dma_wait3A_152 = arith.constant 0 : i32
      %dma_wait3A_153 = tpu.memref_slice %arg2[%dma_wait3A_151, %dma_wait3A_152] : memref<10000x128xf32, #tpu.memory_space<hbm>> -> memref<10000x128xf32, #tpu.memory_space<hbm>>
      tpu.wait_indirect_dma semaphore(%arg12 : memref<!tpu.dma_semaphore, #tpu.memory_space<semaphore_mem>>) src(%dma_wait3A_153 : memref<10000x128xf32, #tpu.memory_space<hbm>>) dst(%run_scoped3A : memref<128x128xf32, #tpu.memory_space<vmem>>)
      %run_scoped3A_154 = arith.constant 46 : i32
      "tpu.region"() ({
        %run_scoped3A_253 = tpu.sem_alloc : memref<!tpu.dma_semaphore, #tpu.memory_space<semaphore_mem>>
        %dma_start3A_254 = arith.constant 0 : i32
        %dma_start3A_255 = tpu.memref_slice %arg10[%run_scoped3A_154, %dma_start3A_254] : memref<80x128xi32, #tpu.memory_space<vmem>> -> memref<1x128xi32, #tpu.memory_space<vmem>>
        %dma_start3A_256 = tpu.memref_squeeze %dma_start3A_255 : memref<1x128xi32, #tpu.memory_space<vmem>> -> memref<128xi32, #tpu.memory_space<vmem>>
        %dma_start3A_257 = arith.constant 0 : i32
        %dma_start3A_258 = arith.constant 0 : i32
        %dma_start3A_259 = tpu.memref_slice %arg7[%dma_start3A_257, %dma_start3A_258] : memref<10240x128xf32, #tpu.memory_space<vmem_shared>> -> memref<10240x128xf32, #tpu.memory_space<vmem_shared>>
        tpu.enqueue_indirect_dma source(%run_scoped3A : memref<128x128xf32, #tpu.memory_space<vmem>>) target(%dma_start3A_259 : memref<10240x128xf32, #tpu.memory_space<vmem_shared>>) offsets(%dma_start3A_256 : memref<128xi32, #tpu.memory_space<vmem>>) semaphore(%run_scoped3A_253 : memref<!tpu.dma_semaphore, #tpu.memory_space<semaphore_mem>>) {add = true}
        %dma_wait3A_260 = arith.constant 0 : i32
        %dma_wait3A_261 = tpu.memref_slice %arg10[%run_scoped3A_154, %dma_wait3A_260] : memref<80x128xi32, #tpu.memory_space<vmem>> -> memref<1x128xi32, #tpu.memory_space<vmem>>
        %dma_wait3A_262 = tpu.memref_squeeze %dma_wait3A_261 : memref<1x128xi32, #tpu.memory_space<vmem>> -> memref<128xi32, #tpu.memory_space<vmem>>
        %dma_wait3A_263 = arith.constant 0 : i32
        %dma_wait3A_264 = arith.constant 0 : i32
        %dma_wait3A_265 = tpu.memref_slice %arg7[%dma_wait3A_263, %dma_wait3A_264] : memref<10240x128xf32, #tpu.memory_space<vmem_shared>> -> memref<10240x128xf32, #tpu.memory_space<vmem_shared>>
        tpu.wait_indirect_dma semaphore(%run_scoped3A_253 : memref<!tpu.dma_semaphore, #tpu.memory_space<semaphore_mem>>) src(%run_scoped3A : memref<128x128xf32, #tpu.memory_space<vmem>>) dst(%dma_wait3A_265 : memref<10240x128xf32, #tpu.memory_space<vmem_shared>>)
        tpu.yield
      }) : () -> ()
      %dma_start3A_155 = arith.constant 0 : i32
      %dma_start3A_156 = arith.constant 0 : i32
      %dma_start3A_157 = tpu.memref_slice %arg9[%dma_start3A_155, %dma_start3A_156] : memref<16x128xi32, #tpu.memory_space<vmem>> -> memref<1x128xi32, #tpu.memory_space<vmem>>
      %dma_start3A_158 = tpu.memref_squeeze %dma_start3A_157 : memref<1x128xi32, #tpu.memory_space<vmem>> -> memref<128xi32, #tpu.memory_space<vmem>>
      %dma_start3A_159 = arith.constant 0 : i32
      %dma_start3A_160 = arith.constant 0 : i32
      %dma_start3A_161 = tpu.memref_slice %arg2[%dma_start3A_159, %dma_start3A_160] : memref<10000x128xf32, #tpu.memory_space<hbm>> -> memref<10000x128xf32, #tpu.memory_space<hbm>>
      tpu.enqueue_indirect_dma source(%dma_start3A_161 : memref<10000x128xf32, #tpu.memory_space<hbm>>) target(%run_scoped3A : memref<128x128xf32, #tpu.memory_space<vmem>>) offsets(%dma_start3A_158 : memref<128xi32, #tpu.memory_space<vmem>>) semaphore(%arg12 : memref<!tpu.dma_semaphore, #tpu.memory_space<semaphore_mem>>)
      %dma_wait3A_162 = arith.constant 15 : i32
      %dma_wait3A_163 = arith.constant 0 : i32
      %dma_wait3A_164 = tpu.memref_slice %arg8[%dma_wait3A_162, %dma_wait3A_163] : memref<16x128xi32, #tpu.memory_space<vmem>> -> memref<1x128xi32, #tpu.memory_space<vmem>>
      %dma_wait3A_165 = tpu.memref_squeeze %dma_wait3A_164 : memref<1x128xi32, #tpu.memory_space<vmem>> -> memref<128xi32, #tpu.memory_space<vmem>>
      %dma_wait3A_166 = arith.constant 0 : i32
      %dma_wait3A_167 = arith.constant 0 : i32
      %dma_wait3A_168 = tpu.memref_slice %arg2[%dma_wait3A_166, %dma_wait3A_167] : memref<10000x128xf32, #tpu.memory_space<hbm>> -> memref<10000x128xf32, #tpu.memory_space<hbm>>
      tpu.wait_indirect_dma semaphore(%arg13 : memref<!tpu.dma_semaphore, #tpu.memory_space<semaphore_mem>>) src(%dma_wait3A_168 : memref<10000x128xf32, #tpu.memory_space<hbm>>) dst(%run_scoped3A_1 : memref<128x128xf32, #tpu.memory_space<vmem>>)
      %run_scoped3A_169 = arith.constant 47 : i32
      "tpu.region"() ({
        %run_scoped3A_253 = tpu.sem_alloc : memref<!tpu.dma_semaphore, #tpu.memory_space<semaphore_mem>>
        %dma_start3A_254 = arith.constant 0 : i32
        %dma_start3A_255 = tpu.memref_slice %arg10[%run_scoped3A_169, %dma_start3A_254] : memref<80x128xi32, #tpu.memory_space<vmem>> -> memref<1x128xi32, #tpu.memory_space<vmem>>
        %dma_start3A_256 = tpu.memref_squeeze %dma_start3A_255 : memref<1x128xi32, #tpu.memory_space<vmem>> -> memref<128xi32, #tpu.memory_space<vmem>>
        %dma_start3A_257 = arith.constant 0 : i32
        %dma_start3A_258 = arith.constant 0 : i32
        %dma_start3A_259 = tpu.memref_slice %arg7[%dma_start3A_257, %dma_start3A_258] : memref<10240x128xf32, #tpu.memory_space<vmem_shared>> -> memref<10240x128xf32, #tpu.memory_space<vmem_shared>>
        tpu.enqueue_indirect_dma source(%run_scoped3A_1 : memref<128x128xf32, #tpu.memory_space<vmem>>) target(%dma_start3A_259 : memref<10240x128xf32, #tpu.memory_space<vmem_shared>>) offsets(%dma_start3A_256 : memref<128xi32, #tpu.memory_space<vmem>>) semaphore(%run_scoped3A_253 : memref<!tpu.dma_semaphore, #tpu.memory_space<semaphore_mem>>) {add = true}
        %dma_wait3A_260 = arith.constant 0 : i32
        %dma_wait3A_261 = tpu.memref_slice %arg10[%run_scoped3A_169, %dma_wait3A_260] : memref<80x128xi32, #tpu.memory_space<vmem>> -> memref<1x128xi32, #tpu.memory_space<vmem>>
        %dma_wait3A_262 = tpu.memref_squeeze %dma_wait3A_261 : memref<1x128xi32, #tpu.memory_space<vmem>> -> memref<128xi32, #tpu.memory_space<vmem>>
        %dma_wait3A_263 = arith.constant 0 : i32
        %dma_wait3A_264 = arith.constant 0 : i32
        %dma_wait3A_265 = tpu.memref_slice %arg7[%dma_wait3A_263, %dma_wait3A_264] : memref<10240x128xf32, #tpu.memory_space<vmem_shared>> -> memref<10240x128xf32, #tpu.memory_space<vmem_shared>>
        tpu.wait_indirect_dma semaphore(%run_scoped3A_253 : memref<!tpu.dma_semaphore, #tpu.memory_space<semaphore_mem>>) src(%run_scoped3A_1 : memref<128x128xf32, #tpu.memory_space<vmem>>) dst(%dma_wait3A_265 : memref<10240x128xf32, #tpu.memory_space<vmem_shared>>)
        tpu.yield
      }) : () -> ()
      %dma_start3A_170 = arith.constant 1 : i32
      %dma_start3A_171 = arith.constant 0 : i32
      %dma_start3A_172 = tpu.memref_slice %arg9[%dma_start3A_170, %dma_start3A_171] : memref<16x128xi32, #tpu.memory_space<vmem>> -> memref<1x128xi32, #tpu.memory_space<vmem>>
      %dma_start3A_173 = tpu.memref_squeeze %dma_start3A_172 : memref<1x128xi32, #tpu.memory_space<vmem>> -> memref<128xi32, #tpu.memory_space<vmem>>
      %dma_start3A_174 = arith.constant 0 : i32
      %dma_start3A_175 = arith.constant 0 : i32
      %dma_start3A_176 = tpu.memref_slice %arg2[%dma_start3A_174, %dma_start3A_175] : memref<10000x128xf32, #tpu.memory_space<hbm>> -> memref<10000x128xf32, #tpu.memory_space<hbm>>
      tpu.enqueue_indirect_dma source(%dma_start3A_176 : memref<10000x128xf32, #tpu.memory_space<hbm>>) target(%run_scoped3A_1 : memref<128x128xf32, #tpu.memory_space<vmem>>) offsets(%dma_start3A_173 : memref<128xi32, #tpu.memory_space<vmem>>) semaphore(%arg13 : memref<!tpu.dma_semaphore, #tpu.memory_space<semaphore_mem>>)
      %add3A_177 = arith.constant 48 : i32
      %add3A_178 = arith.addi %mul3A_5, %add3A_177 : i32
      %add3A_179 = arith.constant 16 : i32
      %add3A_180 = arith.addi %add3A_178, %add3A_179 : i32
      %dma_start3A_181 = arith.constant 0 : i32
      %dma_start3A_182 = tpu.memref_slice %arg3[%add3A_180, %dma_start3A_181] : memref<2560x128xi32, #tpu.memory_space<hbm>> -> memref<16x128xi32, #tpu.memory_space<hbm>>
      %dma_start3A_183 = arith.constant 0 : i32
      %dma_start3A_184 = tpu.memref_slice %arg3[%add3A_180, %dma_start3A_183] : memref<2560x128xi32, #tpu.memory_space<hbm>> -> memref<16x128xi32, #tpu.memory_space<hbm>>
      tpu.enqueue_dma source(%dma_start3A_184 : memref<16x128xi32, #tpu.memory_space<hbm>>) target(%arg8 : memref<16x128xi32, #tpu.memory_space<vmem>>) target_semaphore(%arg16 : memref<!tpu.dma_semaphore, #tpu.memory_space<semaphore_mem>>)
      %scan3A_185 = arith.constant 0 : i32
      %scan3A_186 = arith.constant 0 : i32
      %scan3A_187 = arith.constant 7 : i32
      %scan3A_188 = arith.addi %scan3A_186, %scan3A_187 : i32
      %scan3A_189 = arith.constant 1 : i32
      %scan3A_190 = scf.for %scan3A_253 = %scan3A_186 to %scan3A_188 step %scan3A_189 iter_args(%scan3A_254 = %scan3A_185) -> (i32)  : i32 {
        %mul3A_255 = arith.constant 2 : i32
        %mul3A_256 = arith.muli %scan3A_253, %mul3A_255 : i32
        %add3A_257 = arith.constant 0 : i32
        %add3A_258 = arith.addi %mul3A_256, %add3A_257 : i32
        %dma_wait3A_259 = arith.constant 0 : i32
        %dma_wait3A_260 = tpu.memref_slice %arg9[%add3A_258, %dma_wait3A_259] : memref<16x128xi32, #tpu.memory_space<vmem>> -> memref<1x128xi32, #tpu.memory_space<vmem>>
        %dma_wait3A_261 = tpu.memref_squeeze %dma_wait3A_260 : memref<1x128xi32, #tpu.memory_space<vmem>> -> memref<128xi32, #tpu.memory_space<vmem>>
        %dma_wait3A_262 = arith.constant 0 : i32
        %dma_wait3A_263 = arith.constant 0 : i32
        %dma_wait3A_264 = tpu.memref_slice %arg2[%dma_wait3A_262, %dma_wait3A_263] : memref<10000x128xf32, #tpu.memory_space<hbm>> -> memref<10000x128xf32, #tpu.memory_space<hbm>>
        tpu.wait_indirect_dma semaphore(%arg12 : memref<!tpu.dma_semaphore, #tpu.memory_space<semaphore_mem>>) src(%dma_wait3A_264 : memref<10000x128xf32, #tpu.memory_space<hbm>>) dst(%run_scoped3A : memref<128x128xf32, #tpu.memory_space<vmem>>)
        %add3A_265 = arith.constant 48 : i32
        %add3A_266 = arith.addi %add3A_265, %add3A_258 : i32
        "tpu.region"() ({
          %run_scoped3A_296 = tpu.sem_alloc : memref<!tpu.dma_semaphore, #tpu.memory_space<semaphore_mem>>
          %dma_start3A_297 = arith.constant 0 : i32
          %dma_start3A_298 = tpu.memref_slice %arg10[%add3A_266, %dma_start3A_297] : memref<80x128xi32, #tpu.memory_space<vmem>> -> memref<1x128xi32, #tpu.memory_space<vmem>>
          %dma_start3A_299 = tpu.memref_squeeze %dma_start3A_298 : memref<1x128xi32, #tpu.memory_space<vmem>> -> memref<128xi32, #tpu.memory_space<vmem>>
          %dma_start3A_300 = arith.constant 0 : i32
          %dma_start3A_301 = arith.constant 0 : i32
          %dma_start3A_302 = tpu.memref_slice %arg7[%dma_start3A_300, %dma_start3A_301] : memref<10240x128xf32, #tpu.memory_space<vmem_shared>> -> memref<10240x128xf32, #tpu.memory_space<vmem_shared>>
          tpu.enqueue_indirect_dma source(%run_scoped3A : memref<128x128xf32, #tpu.memory_space<vmem>>) target(%dma_start3A_302 : memref<10240x128xf32, #tpu.memory_space<vmem_shared>>) offsets(%dma_start3A_299 : memref<128xi32, #tpu.memory_space<vmem>>) semaphore(%run_scoped3A_296 : memref<!tpu.dma_semaphore, #tpu.memory_space<semaphore_mem>>) {add = true}
          %dma_wait3A_303 = arith.constant 0 : i32
          %dma_wait3A_304 = tpu.memref_slice %arg10[%add3A_266, %dma_wait3A_303] : memref<80x128xi32, #tpu.memory_space<vmem>> -> memref<1x128xi32, #tpu.memory_space<vmem>>
          %dma_wait3A_305 = tpu.memref_squeeze %dma_wait3A_304 : memref<1x128xi32, #tpu.memory_space<vmem>> -> memref<128xi32, #tpu.memory_space<vmem>>
          %dma_wait3A_306 = arith.constant 0 : i32
          %dma_wait3A_307 = arith.constant 0 : i32
          %dma_wait3A_308 = tpu.memref_slice %arg7[%dma_wait3A_306, %dma_wait3A_307] : memref<10240x128xf32, #tpu.memory_space<vmem_shared>> -> memref<10240x128xf32, #tpu.memory_space<vmem_shared>>
          tpu.wait_indirect_dma semaphore(%run_scoped3A_296 : memref<!tpu.dma_semaphore, #tpu.memory_space<semaphore_mem>>) src(%run_scoped3A : memref<128x128xf32, #tpu.memory_space<vmem>>) dst(%dma_wait3A_308 : memref<10240x128xf32, #tpu.memory_space<vmem_shared>>)
          tpu.yield
        }) : () -> ()
        %add3A_267 = arith.constant 2 : i32
        %add3A_268 = arith.addi %add3A_258, %add3A_267 : i32
        %dma_start3A_269 = arith.constant 0 : i32
        %dma_start3A_270 = tpu.memref_slice %arg9[%add3A_268, %dma_start3A_269] : memref<16x128xi32, #tpu.memory_space<vmem>> -> memref<1x128xi32, #tpu.memory_space<vmem>>
        %dma_start3A_271 = tpu.memref_squeeze %dma_start3A_270 : memref<1x128xi32, #tpu.memory_space<vmem>> -> memref<128xi32, #tpu.memory_space<vmem>>
        %dma_start3A_272 = arith.constant 0 : i32
        %dma_start3A_273 = arith.constant 0 : i32
        %dma_start3A_274 = tpu.memref_slice %arg2[%dma_start3A_272, %dma_start3A_273] : memref<10000x128xf32, #tpu.memory_space<hbm>> -> memref<10000x128xf32, #tpu.memory_space<hbm>>
        tpu.enqueue_indirect_dma source(%dma_start3A_274 : memref<10000x128xf32, #tpu.memory_space<hbm>>) target(%run_scoped3A : memref<128x128xf32, #tpu.memory_space<vmem>>) offsets(%dma_start3A_271 : memref<128xi32, #tpu.memory_space<vmem>>) semaphore(%arg12 : memref<!tpu.dma_semaphore, #tpu.memory_space<semaphore_mem>>)
        %mul3A_275 = arith.constant 2 : i32
        %mul3A_276 = arith.muli %scan3A_253, %mul3A_275 : i32
        %add3A_277 = arith.constant 1 : i32
        %add3A_278 = arith.addi %mul3A_276, %add3A_277 : i32
        %dma_wait3A_279 = arith.constant 0 : i32
        %dma_wait3A_280 = tpu.memref_slice %arg9[%add3A_278, %dma_wait3A_279] : memref<16x128xi32, #tpu.memory_space<vmem>> -> memref<1x128xi32, #tpu.memory_space<vmem>>
        %dma_wait3A_281 = tpu.memref_squeeze %dma_wait3A_280 : memref<1x128xi32, #tpu.memory_space<vmem>> -> memref<128xi32, #tpu.memory_space<vmem>>
        %dma_wait3A_282 = arith.constant 0 : i32
        %dma_wait3A_283 = arith.constant 0 : i32
        %dma_wait3A_284 = tpu.memref_slice %arg2[%dma_wait3A_282, %dma_wait3A_283] : memref<10000x128xf32, #tpu.memory_space<hbm>> -> memref<10000x128xf32, #tpu.memory_space<hbm>>
        tpu.wait_indirect_dma semaphore(%arg13 : memref<!tpu.dma_semaphore, #tpu.memory_space<semaphore_mem>>) src(%dma_wait3A_284 : memref<10000x128xf32, #tpu.memory_space<hbm>>) dst(%run_scoped3A_1 : memref<128x128xf32, #tpu.memory_space<vmem>>)
        %add3A_285 = arith.constant 48 : i32
        %add3A_286 = arith.addi %add3A_285, %add3A_278 : i32
        "tpu.region"() ({
          %run_scoped3A_296 = tpu.sem_alloc : memref<!tpu.dma_semaphore, #tpu.memory_space<semaphore_mem>>
          %dma_start3A_297 = arith.constant 0 : i32
          %dma_start3A_298 = tpu.memref_slice %arg10[%add3A_286, %dma_start3A_297] : memref<80x128xi32, #tpu.memory_space<vmem>> -> memref<1x128xi32, #tpu.memory_space<vmem>>
          %dma_start3A_299 = tpu.memref_squeeze %dma_start3A_298 : memref<1x128xi32, #tpu.memory_space<vmem>> -> memref<128xi32, #tpu.memory_space<vmem>>
          %dma_start3A_300 = arith.constant 0 : i32
          %dma_start3A_301 = arith.constant 0 : i32
          %dma_start3A_302 = tpu.memref_slice %arg7[%dma_start3A_300, %dma_start3A_301] : memref<10240x128xf32, #tpu.memory_space<vmem_shared>> -> memref<10240x128xf32, #tpu.memory_space<vmem_shared>>
          tpu.enqueue_indirect_dma source(%run_scoped3A_1 : memref<128x128xf32, #tpu.memory_space<vmem>>) target(%dma_start3A_302 : memref<10240x128xf32, #tpu.memory_space<vmem_shared>>) offsets(%dma_start3A_299 : memref<128xi32, #tpu.memory_space<vmem>>) semaphore(%run_scoped3A_296 : memref<!tpu.dma_semaphore, #tpu.memory_space<semaphore_mem>>) {add = true}
          %dma_wait3A_303 = arith.constant 0 : i32
          %dma_wait3A_304 = tpu.memref_slice %arg10[%add3A_286, %dma_wait3A_303] : memref<80x128xi32, #tpu.memory_space<vmem>> -> memref<1x128xi32, #tpu.memory_space<vmem>>
          %dma_wait3A_305 = tpu.memref_squeeze %dma_wait3A_304 : memref<1x128xi32, #tpu.memory_space<vmem>> -> memref<128xi32, #tpu.memory_space<vmem>>
          %dma_wait3A_306 = arith.constant 0 : i32
          %dma_wait3A_307 = arith.constant 0 : i32
          %dma_wait3A_308 = tpu.memref_slice %arg7[%dma_wait3A_306, %dma_wait3A_307] : memref<10240x128xf32, #tpu.memory_space<vmem_shared>> -> memref<10240x128xf32, #tpu.memory_space<vmem_shared>>
          tpu.wait_indirect_dma semaphore(%run_scoped3A_296 : memref<!tpu.dma_semaphore, #tpu.memory_space<semaphore_mem>>) src(%run_scoped3A_1 : memref<128x128xf32, #tpu.memory_space<vmem>>) dst(%dma_wait3A_308 : memref<10240x128xf32, #tpu.memory_space<vmem_shared>>)
          tpu.yield
        }) : () -> ()
        %add3A_287 = arith.constant 2 : i32
        %add3A_288 = arith.addi %add3A_278, %add3A_287 : i32
        %dma_start3A_289 = arith.constant 0 : i32
        %dma_start3A_290 = tpu.memref_slice %arg9[%add3A_288, %dma_start3A_289] : memref<16x128xi32, #tpu.memory_space<vmem>> -> memref<1x128xi32, #tpu.memory_space<vmem>>
        %dma_start3A_291 = tpu.memref_squeeze %dma_start3A_290 : memref<1x128xi32, #tpu.memory_space<vmem>> -> memref<128xi32, #tpu.memory_space<vmem>>
        %dma_start3A_292 = arith.constant 0 : i32
        %dma_start3A_293 = arith.constant 0 : i32
        %dma_start3A_294 = tpu.memref_slice %arg2[%dma_start3A_292, %dma_start3A_293] : memref<10000x128xf32, #tpu.memory_space<hbm>> -> memref<10000x128xf32, #tpu.memory_space<hbm>>
        tpu.enqueue_indirect_dma source(%dma_start3A_294 : memref<10000x128xf32, #tpu.memory_space<hbm>>) target(%run_scoped3A_1 : memref<128x128xf32, #tpu.memory_space<vmem>>) offsets(%dma_start3A_291 : memref<128xi32, #tpu.memory_space<vmem>>) semaphore(%arg13 : memref<!tpu.dma_semaphore, #tpu.memory_space<semaphore_mem>>)
        %scan3A_295 = arith.constant 0 : i32
        scf.yield %scan3A_295 : i32
      }
      %scan3A_191 = arith.constant 7 : i32
      %add3A_192 = arith.constant 48 : i32
      %add3A_193 = arith.addi %mul3A_5, %add3A_192 : i32
      %add3A_194 = arith.constant 16 : i32
      %add3A_195 = arith.addi %add3A_193, %add3A_194 : i32
      %dma_wait3A_196 = arith.constant 0 : i32
      %dma_wait3A_197 = tpu.memref_slice %arg3[%add3A_195, %dma_wait3A_196] : memref<2560x128xi32, #tpu.memory_space<hbm>> -> memref<16x128xi32, #tpu.memory_space<hbm>>
      %dma_wait3A_198 = arith.constant 0 : i32
      %dma_wait3A_199 = tpu.memref_slice %arg3[%add3A_195, %dma_wait3A_198] : memref<2560x128xi32, #tpu.memory_space<hbm>> -> memref<16x128xi32, #tpu.memory_space<hbm>>
      tpu.wait_dma2 semaphore(%arg16 : memref<!tpu.dma_semaphore, #tpu.memory_space<semaphore_mem>>) src(%dma_wait3A_199 : memref<16x128xi32, #tpu.memory_space<hbm>>) dst(%arg8 : memref<16x128xi32, #tpu.memory_space<vmem>>)
      %dma_wait3A_200 = arith.constant 14 : i32
      %dma_wait3A_201 = arith.constant 0 : i32
      %dma_wait3A_202 = tpu.memref_slice %arg9[%dma_wait3A_200, %dma_wait3A_201] : memref<16x128xi32, #tpu.memory_space<vmem>> -> memref<1x128xi32, #tpu.memory_space<vmem>>
      %dma_wait3A_203 = tpu.memref_squeeze %dma_wait3A_202 : memref<1x128xi32, #tpu.memory_space<vmem>> -> memref<128xi32, #tpu.memory_space<vmem>>
      %dma_wait3A_204 = arith.constant 0 : i32
      %dma_wait3A_205 = arith.constant 0 : i32
      %dma_wait3A_206 = tpu.memref_slice %arg2[%dma_wait3A_204, %dma_wait3A_205] : memref<10000x128xf32, #tpu.memory_space<hbm>> -> memref<10000x128xf32, #tpu.memory_space<hbm>>
      tpu.wait_indirect_dma semaphore(%arg12 : memref<!tpu.dma_semaphore, #tpu.memory_space<semaphore_mem>>) src(%dma_wait3A_206 : memref<10000x128xf32, #tpu.memory_space<hbm>>) dst(%run_scoped3A : memref<128x128xf32, #tpu.memory_space<vmem>>)
      %run_scoped3A_207 = arith.constant 62 : i32
      "tpu.region"() ({
        %run_scoped3A_253 = tpu.sem_alloc : memref<!tpu.dma_semaphore, #tpu.memory_space<semaphore_mem>>
        %dma_start3A_254 = arith.constant 0 : i32
        %dma_start3A_255 = tpu.memref_slice %arg10[%run_scoped3A_207, %dma_start3A_254] : memref<80x128xi32, #tpu.memory_space<vmem>> -> memref<1x128xi32, #tpu.memory_space<vmem>>
        %dma_start3A_256 = tpu.memref_squeeze %dma_start3A_255 : memref<1x128xi32, #tpu.memory_space<vmem>> -> memref<128xi32, #tpu.memory_space<vmem>>
        %dma_start3A_257 = arith.constant 0 : i32
        %dma_start3A_258 = arith.constant 0 : i32
        %dma_start3A_259 = tpu.memref_slice %arg7[%dma_start3A_257, %dma_start3A_258] : memref<10240x128xf32, #tpu.memory_space<vmem_shared>> -> memref<10240x128xf32, #tpu.memory_space<vmem_shared>>
        tpu.enqueue_indirect_dma source(%run_scoped3A : memref<128x128xf32, #tpu.memory_space<vmem>>) target(%dma_start3A_259 : memref<10240x128xf32, #tpu.memory_space<vmem_shared>>) offsets(%dma_start3A_256 : memref<128xi32, #tpu.memory_space<vmem>>) semaphore(%run_scoped3A_253 : memref<!tpu.dma_semaphore, #tpu.memory_space<semaphore_mem>>) {add = true}
        %dma_wait3A_260 = arith.constant 0 : i32
        %dma_wait3A_261 = tpu.memref_slice %arg10[%run_scoped3A_207, %dma_wait3A_260] : memref<80x128xi32, #tpu.memory_space<vmem>> -> memref<1x128xi32, #tpu.memory_space<vmem>>
        %dma_wait3A_262 = tpu.memref_squeeze %dma_wait3A_261 : memref<1x128xi32, #tpu.memory_space<vmem>> -> memref<128xi32, #tpu.memory_space<vmem>>
        %dma_wait3A_263 = arith.constant 0 : i32
        %dma_wait3A_264 = arith.constant 0 : i32
        %dma_wait3A_265 = tpu.memref_slice %arg7[%dma_wait3A_263, %dma_wait3A_264] : memref<10240x128xf32, #tpu.memory_space<vmem_shared>> -> memref<10240x128xf32, #tpu.memory_space<vmem_shared>>
        tpu.wait_indirect_dma semaphore(%run_scoped3A_253 : memref<!tpu.dma_semaphore, #tpu.memory_space<semaphore_mem>>) src(%run_scoped3A : memref<128x128xf32, #tpu.memory_space<vmem>>) dst(%dma_wait3A_265 : memref<10240x128xf32, #tpu.memory_space<vmem_shared>>)
        tpu.yield
      }) : () -> ()
      %dma_start3A_208 = arith.constant 0 : i32
      %dma_start3A_209 = arith.constant 0 : i32
      %dma_start3A_210 = tpu.memref_slice %arg8[%dma_start3A_208, %dma_start3A_209] : memref<16x128xi32, #tpu.memory_space<vmem>> -> memref<1x128xi32, #tpu.memory_space<vmem>>
      %dma_start3A_211 = tpu.memref_squeeze %dma_start3A_210 : memref<1x128xi32, #tpu.memory_space<vmem>> -> memref<128xi32, #tpu.memory_space<vmem>>
      %dma_start3A_212 = arith.constant 0 : i32
      %dma_start3A_213 = arith.constant 0 : i32
      %dma_start3A_214 = tpu.memref_slice %arg2[%dma_start3A_212, %dma_start3A_213] : memref<10000x128xf32, #tpu.memory_space<hbm>> -> memref<10000x128xf32, #tpu.memory_space<hbm>>
      tpu.enqueue_indirect_dma source(%dma_start3A_214 : memref<10000x128xf32, #tpu.memory_space<hbm>>) target(%run_scoped3A : memref<128x128xf32, #tpu.memory_space<vmem>>) offsets(%dma_start3A_211 : memref<128xi32, #tpu.memory_space<vmem>>) semaphore(%arg12 : memref<!tpu.dma_semaphore, #tpu.memory_space<semaphore_mem>>)
      %dma_wait3A_215 = arith.constant 15 : i32
      %dma_wait3A_216 = arith.constant 0 : i32
      %dma_wait3A_217 = tpu.memref_slice %arg9[%dma_wait3A_215, %dma_wait3A_216] : memref<16x128xi32, #tpu.memory_space<vmem>> -> memref<1x128xi32, #tpu.memory_space<vmem>>
      %dma_wait3A_218 = tpu.memref_squeeze %dma_wait3A_217 : memref<1x128xi32, #tpu.memory_space<vmem>> -> memref<128xi32, #tpu.memory_space<vmem>>
      %dma_wait3A_219 = arith.constant 0 : i32
      %dma_wait3A_220 = arith.constant 0 : i32
      %dma_wait3A_221 = tpu.memref_slice %arg2[%dma_wait3A_219, %dma_wait3A_220] : memref<10000x128xf32, #tpu.memory_space<hbm>> -> memref<10000x128xf32, #tpu.memory_space<hbm>>
      tpu.wait_indirect_dma semaphore(%arg13 : memref<!tpu.dma_semaphore, #tpu.memory_space<semaphore_mem>>) src(%dma_wait3A_221 : memref<10000x128xf32, #tpu.memory_space<hbm>>) dst(%run_scoped3A_1 : memref<128x128xf32, #tpu.memory_space<vmem>>)
      %run_scoped3A_222 = arith.constant 63 : i32
      "tpu.region"() ({
        %run_scoped3A_253 = tpu.sem_alloc : memref<!tpu.dma_semaphore, #tpu.memory_space<semaphore_mem>>
        %dma_start3A_254 = arith.constant 0 : i32
        %dma_start3A_255 = tpu.memref_slice %arg10[%run_scoped3A_222, %dma_start3A_254] : memref<80x128xi32, #tpu.memory_space<vmem>> -> memref<1x128xi32, #tpu.memory_space<vmem>>
        %dma_start3A_256 = tpu.memref_squeeze %dma_start3A_255 : memref<1x128xi32, #tpu.memory_space<vmem>> -> memref<128xi32, #tpu.memory_space<vmem>>
        %dma_start3A_257 = arith.constant 0 : i32
        %dma_start3A_258 = arith.constant 0 : i32
        %dma_start3A_259 = tpu.memref_slice %arg7[%dma_start3A_257, %dma_start3A_258] : memref<10240x128xf32, #tpu.memory_space<vmem_shared>> -> memref<10240x128xf32, #tpu.memory_space<vmem_shared>>
        tpu.enqueue_indirect_dma source(%run_scoped3A_1 : memref<128x128xf32, #tpu.memory_space<vmem>>) target(%dma_start3A_259 : memref<10240x128xf32, #tpu.memory_space<vmem_shared>>) offsets(%dma_start3A_256 : memref<128xi32, #tpu.memory_space<vmem>>) semaphore(%run_scoped3A_253 : memref<!tpu.dma_semaphore, #tpu.memory_space<semaphore_mem>>) {add = true}
        %dma_wait3A_260 = arith.constant 0 : i32
        %dma_wait3A_261 = tpu.memref_slice %arg10[%run_scoped3A_222, %dma_wait3A_260] : memref<80x128xi32, #tpu.memory_space<vmem>> -> memref<1x128xi32, #tpu.memory_space<vmem>>
        %dma_wait3A_262 = tpu.memref_squeeze %dma_wait3A_261 : memref<1x128xi32, #tpu.memory_space<vmem>> -> memref<128xi32, #tpu.memory_space<vmem>>
        %dma_wait3A_263 = arith.constant 0 : i32
        %dma_wait3A_264 = arith.constant 0 : i32
        %dma_wait3A_265 = tpu.memref_slice %arg7[%dma_wait3A_263, %dma_wait3A_264] : memref<10240x128xf32, #tpu.memory_space<vmem_shared>> -> memref<10240x128xf32, #tpu.memory_space<vmem_shared>>
        tpu.wait_indirect_dma semaphore(%run_scoped3A_253 : memref<!tpu.dma_semaphore, #tpu.memory_space<semaphore_mem>>) src(%run_scoped3A_1 : memref<128x128xf32, #tpu.memory_space<vmem>>) dst(%dma_wait3A_265 : memref<10240x128xf32, #tpu.memory_space<vmem_shared>>)
        tpu.yield
      }) : () -> ()
      %dma_start3A_223 = arith.constant 1 : i32
      %dma_start3A_224 = arith.constant 0 : i32
      %dma_start3A_225 = tpu.memref_slice %arg8[%dma_start3A_223, %dma_start3A_224] : memref<16x128xi32, #tpu.memory_space<vmem>> -> memref<1x128xi32, #tpu.memory_space<vmem>>
      %dma_start3A_226 = tpu.memref_squeeze %dma_start3A_225 : memref<1x128xi32, #tpu.memory_space<vmem>> -> memref<128xi32, #tpu.memory_space<vmem>>
      %dma_start3A_227 = arith.constant 0 : i32
      %dma_start3A_228 = arith.constant 0 : i32
      %dma_start3A_229 = tpu.memref_slice %arg2[%dma_start3A_227, %dma_start3A_228] : memref<10000x128xf32, #tpu.memory_space<hbm>> -> memref<10000x128xf32, #tpu.memory_space<hbm>>
      tpu.enqueue_indirect_dma source(%dma_start3A_229 : memref<10000x128xf32, #tpu.memory_space<hbm>>) target(%run_scoped3A_1 : memref<128x128xf32, #tpu.memory_space<vmem>>) offsets(%dma_start3A_226 : memref<128xi32, #tpu.memory_space<vmem>>) semaphore(%arg13 : memref<!tpu.dma_semaphore, #tpu.memory_space<semaphore_mem>>)
      %scan3A_230 = arith.constant 0 : i32
      %scan3A_231 = arith.constant 0 : i32
      %scan3A_232 = arith.constant 7 : i32
      %scan3A_233 = arith.addi %scan3A_231, %scan3A_232 : i32
      %scan3A_234 = arith.constant 1 : i32
      %scan3A_235 = scf.for %scan3A_253 = %scan3A_231 to %scan3A_233 step %scan3A_234 iter_args(%scan3A_254 = %scan3A_230) -> (i32)  : i32 {
        %mul3A_255 = arith.constant 2 : i32
        %mul3A_256 = arith.muli %scan3A_253, %mul3A_255 : i32
        %add3A_257 = arith.constant 0 : i32
        %add3A_258 = arith.addi %mul3A_256, %add3A_257 : i32
        %dma_wait3A_259 = arith.constant 0 : i32
        %dma_wait3A_260 = tpu.memref_slice %arg8[%add3A_258, %dma_wait3A_259] : memref<16x128xi32, #tpu.memory_space<vmem>> -> memref<1x128xi32, #tpu.memory_space<vmem>>
        %dma_wait3A_261 = tpu.memref_squeeze %dma_wait3A_260 : memref<1x128xi32, #tpu.memory_space<vmem>> -> memref<128xi32, #tpu.memory_space<vmem>>
        %dma_wait3A_262 = arith.constant 0 : i32
        %dma_wait3A_263 = arith.constant 0 : i32
        %dma_wait3A_264 = tpu.memref_slice %arg2[%dma_wait3A_262, %dma_wait3A_263] : memref<10000x128xf32, #tpu.memory_space<hbm>> -> memref<10000x128xf32, #tpu.memory_space<hbm>>
        tpu.wait_indirect_dma semaphore(%arg12 : memref<!tpu.dma_semaphore, #tpu.memory_space<semaphore_mem>>) src(%dma_wait3A_264 : memref<10000x128xf32, #tpu.memory_space<hbm>>) dst(%run_scoped3A : memref<128x128xf32, #tpu.memory_space<vmem>>)
        %add3A_265 = arith.constant 64 : i32
        %add3A_266 = arith.addi %add3A_265, %add3A_258 : i32
        "tpu.region"() ({
          %run_scoped3A_296 = tpu.sem_alloc : memref<!tpu.dma_semaphore, #tpu.memory_space<semaphore_mem>>
          %dma_start3A_297 = arith.constant 0 : i32
          %dma_start3A_298 = tpu.memref_slice %arg10[%add3A_266, %dma_start3A_297] : memref<80x128xi32, #tpu.memory_space<vmem>> -> memref<1x128xi32, #tpu.memory_space<vmem>>
          %dma_start3A_299 = tpu.memref_squeeze %dma_start3A_298 : memref<1x128xi32, #tpu.memory_space<vmem>> -> memref<128xi32, #tpu.memory_space<vmem>>
          %dma_start3A_300 = arith.constant 0 : i32
          %dma_start3A_301 = arith.constant 0 : i32
          %dma_start3A_302 = tpu.memref_slice %arg7[%dma_start3A_300, %dma_start3A_301] : memref<10240x128xf32, #tpu.memory_space<vmem_shared>> -> memref<10240x128xf32, #tpu.memory_space<vmem_shared>>
          tpu.enqueue_indirect_dma source(%run_scoped3A : memref<128x128xf32, #tpu.memory_space<vmem>>) target(%dma_start3A_302 : memref<10240x128xf32, #tpu.memory_space<vmem_shared>>) offsets(%dma_start3A_299 : memref<128xi32, #tpu.memory_space<vmem>>) semaphore(%run_scoped3A_296 : memref<!tpu.dma_semaphore, #tpu.memory_space<semaphore_mem>>) {add = true}
          %dma_wait3A_303 = arith.constant 0 : i32
          %dma_wait3A_304 = tpu.memref_slice %arg10[%add3A_266, %dma_wait3A_303] : memref<80x128xi32, #tpu.memory_space<vmem>> -> memref<1x128xi32, #tpu.memory_space<vmem>>
          %dma_wait3A_305 = tpu.memref_squeeze %dma_wait3A_304 : memref<1x128xi32, #tpu.memory_space<vmem>> -> memref<128xi32, #tpu.memory_space<vmem>>
          %dma_wait3A_306 = arith.constant 0 : i32
          %dma_wait3A_307 = arith.constant 0 : i32
          %dma_wait3A_308 = tpu.memref_slice %arg7[%dma_wait3A_306, %dma_wait3A_307] : memref<10240x128xf32, #tpu.memory_space<vmem_shared>> -> memref<10240x128xf32, #tpu.memory_space<vmem_shared>>
          tpu.wait_indirect_dma semaphore(%run_scoped3A_296 : memref<!tpu.dma_semaphore, #tpu.memory_space<semaphore_mem>>) src(%run_scoped3A : memref<128x128xf32, #tpu.memory_space<vmem>>) dst(%dma_wait3A_308 : memref<10240x128xf32, #tpu.memory_space<vmem_shared>>)
          tpu.yield
        }) : () -> ()
        %add3A_267 = arith.constant 2 : i32
        %add3A_268 = arith.addi %add3A_258, %add3A_267 : i32
        %dma_start3A_269 = arith.constant 0 : i32
        %dma_start3A_270 = tpu.memref_slice %arg8[%add3A_268, %dma_start3A_269] : memref<16x128xi32, #tpu.memory_space<vmem>> -> memref<1x128xi32, #tpu.memory_space<vmem>>
        %dma_start3A_271 = tpu.memref_squeeze %dma_start3A_270 : memref<1x128xi32, #tpu.memory_space<vmem>> -> memref<128xi32, #tpu.memory_space<vmem>>
        %dma_start3A_272 = arith.constant 0 : i32
        %dma_start3A_273 = arith.constant 0 : i32
        %dma_start3A_274 = tpu.memref_slice %arg2[%dma_start3A_272, %dma_start3A_273] : memref<10000x128xf32, #tpu.memory_space<hbm>> -> memref<10000x128xf32, #tpu.memory_space<hbm>>
        tpu.enqueue_indirect_dma source(%dma_start3A_274 : memref<10000x128xf32, #tpu.memory_space<hbm>>) target(%run_scoped3A : memref<128x128xf32, #tpu.memory_space<vmem>>) offsets(%dma_start3A_271 : memref<128xi32, #tpu.memory_space<vmem>>) semaphore(%arg12 : memref<!tpu.dma_semaphore, #tpu.memory_space<semaphore_mem>>)
        %mul3A_275 = arith.constant 2 : i32
        %mul3A_276 = arith.muli %scan3A_253, %mul3A_275 : i32
        %add3A_277 = arith.constant 1 : i32
        %add3A_278 = arith.addi %mul3A_276, %add3A_277 : i32
        %dma_wait3A_279 = arith.constant 0 : i32
        %dma_wait3A_280 = tpu.memref_slice %arg8[%add3A_278, %dma_wait3A_279] : memref<16x128xi32, #tpu.memory_space<vmem>> -> memref<1x128xi32, #tpu.memory_space<vmem>>
        %dma_wait3A_281 = tpu.memref_squeeze %dma_wait3A_280 : memref<1x128xi32, #tpu.memory_space<vmem>> -> memref<128xi32, #tpu.memory_space<vmem>>
        %dma_wait3A_282 = arith.constant 0 : i32
        %dma_wait3A_283 = arith.constant 0 : i32
        %dma_wait3A_284 = tpu.memref_slice %arg2[%dma_wait3A_282, %dma_wait3A_283] : memref<10000x128xf32, #tpu.memory_space<hbm>> -> memref<10000x128xf32, #tpu.memory_space<hbm>>
        tpu.wait_indirect_dma semaphore(%arg13 : memref<!tpu.dma_semaphore, #tpu.memory_space<semaphore_mem>>) src(%dma_wait3A_284 : memref<10000x128xf32, #tpu.memory_space<hbm>>) dst(%run_scoped3A_1 : memref<128x128xf32, #tpu.memory_space<vmem>>)
        %add3A_285 = arith.constant 64 : i32
        %add3A_286 = arith.addi %add3A_285, %add3A_278 : i32
        "tpu.region"() ({
          %run_scoped3A_296 = tpu.sem_alloc : memref<!tpu.dma_semaphore, #tpu.memory_space<semaphore_mem>>
          %dma_start3A_297 = arith.constant 0 : i32
          %dma_start3A_298 = tpu.memref_slice %arg10[%add3A_286, %dma_start3A_297] : memref<80x128xi32, #tpu.memory_space<vmem>> -> memref<1x128xi32, #tpu.memory_space<vmem>>
          %dma_start3A_299 = tpu.memref_squeeze %dma_start3A_298 : memref<1x128xi32, #tpu.memory_space<vmem>> -> memref<128xi32, #tpu.memory_space<vmem>>
          %dma_start3A_300 = arith.constant 0 : i32
          %dma_start3A_301 = arith.constant 0 : i32
          %dma_start3A_302 = tpu.memref_slice %arg7[%dma_start3A_300, %dma_start3A_301] : memref<10240x128xf32, #tpu.memory_space<vmem_shared>> -> memref<10240x128xf32, #tpu.memory_space<vmem_shared>>
          tpu.enqueue_indirect_dma source(%run_scoped3A_1 : memref<128x128xf32, #tpu.memory_space<vmem>>) target(%dma_start3A_302 : memref<10240x128xf32, #tpu.memory_space<vmem_shared>>) offsets(%dma_start3A_299 : memref<128xi32, #tpu.memory_space<vmem>>) semaphore(%run_scoped3A_296 : memref<!tpu.dma_semaphore, #tpu.memory_space<semaphore_mem>>) {add = true}
          %dma_wait3A_303 = arith.constant 0 : i32
          %dma_wait3A_304 = tpu.memref_slice %arg10[%add3A_286, %dma_wait3A_303] : memref<80x128xi32, #tpu.memory_space<vmem>> -> memref<1x128xi32, #tpu.memory_space<vmem>>
          %dma_wait3A_305 = tpu.memref_squeeze %dma_wait3A_304 : memref<1x128xi32, #tpu.memory_space<vmem>> -> memref<128xi32, #tpu.memory_space<vmem>>
          %dma_wait3A_306 = arith.constant 0 : i32
          %dma_wait3A_307 = arith.constant 0 : i32
          %dma_wait3A_308 = tpu.memref_slice %arg7[%dma_wait3A_306, %dma_wait3A_307] : memref<10240x128xf32, #tpu.memory_space<vmem_shared>> -> memref<10240x128xf32, #tpu.memory_space<vmem_shared>>
          tpu.wait_indirect_dma semaphore(%run_scoped3A_296 : memref<!tpu.dma_semaphore, #tpu.memory_space<semaphore_mem>>) src(%run_scoped3A_1 : memref<128x128xf32, #tpu.memory_space<vmem>>) dst(%dma_wait3A_308 : memref<10240x128xf32, #tpu.memory_space<vmem_shared>>)
          tpu.yield
        }) : () -> ()
        %add3A_287 = arith.constant 2 : i32
        %add3A_288 = arith.addi %add3A_278, %add3A_287 : i32
        %dma_start3A_289 = arith.constant 0 : i32
        %dma_start3A_290 = tpu.memref_slice %arg8[%add3A_288, %dma_start3A_289] : memref<16x128xi32, #tpu.memory_space<vmem>> -> memref<1x128xi32, #tpu.memory_space<vmem>>
        %dma_start3A_291 = tpu.memref_squeeze %dma_start3A_290 : memref<1x128xi32, #tpu.memory_space<vmem>> -> memref<128xi32, #tpu.memory_space<vmem>>
        %dma_start3A_292 = arith.constant 0 : i32
        %dma_start3A_293 = arith.constant 0 : i32
        %dma_start3A_294 = tpu.memref_slice %arg2[%dma_start3A_292, %dma_start3A_293] : memref<10000x128xf32, #tpu.memory_space<hbm>> -> memref<10000x128xf32, #tpu.memory_space<hbm>>
        tpu.enqueue_indirect_dma source(%dma_start3A_294 : memref<10000x128xf32, #tpu.memory_space<hbm>>) target(%run_scoped3A_1 : memref<128x128xf32, #tpu.memory_space<vmem>>) offsets(%dma_start3A_291 : memref<128xi32, #tpu.memory_space<vmem>>) semaphore(%arg13 : memref<!tpu.dma_semaphore, #tpu.memory_space<semaphore_mem>>)
        %scan3A_295 = arith.constant 0 : i32
        scf.yield %scan3A_295 : i32
      }
      %scan3A_236 = arith.constant 7 : i32
      %dma_wait3A_237 = arith.constant 14 : i32
      %dma_wait3A_238 = arith.constant 0 : i32
      %dma_wait3A_239 = tpu.memref_slice %arg8[%dma_wait3A_237, %dma_wait3A_238] : memref<16x128xi32, #tpu.memory_space<vmem>> -> memref<1x128xi32, #tpu.memory_space<vmem>>
      %dma_wait3A_240 = tpu.memref_squeeze %dma_wait3A_239 : memref<1x128xi32, #tpu.memory_space<vmem>> -> memref<128xi32, #tpu.memory_space<vmem>>
      %dma_wait3A_241 = arith.constant 0 : i32
      %dma_wait3A_242 = arith.constant 0 : i32
      %dma_wait3A_243 = tpu.memref_slice %arg2[%dma_wait3A_241, %dma_wait3A_242] : memref<10000x128xf32, #tpu.memory_space<hbm>> -> memref<10000x128xf32, #tpu.memory_space<hbm>>
      tpu.wait_indirect_dma semaphore(%arg12 : memref<!tpu.dma_semaphore, #tpu.memory_space<semaphore_mem>>) src(%dma_wait3A_243 : memref<10000x128xf32, #tpu.memory_space<hbm>>) dst(%run_scoped3A : memref<128x128xf32, #tpu.memory_space<vmem>>)
      %run_scoped3A_244 = arith.constant 78 : i32
      "tpu.region"() ({
        %run_scoped3A_253 = tpu.sem_alloc : memref<!tpu.dma_semaphore, #tpu.memory_space<semaphore_mem>>
        %dma_start3A_254 = arith.constant 0 : i32
        %dma_start3A_255 = tpu.memref_slice %arg10[%run_scoped3A_244, %dma_start3A_254] : memref<80x128xi32, #tpu.memory_space<vmem>> -> memref<1x128xi32, #tpu.memory_space<vmem>>
        %dma_start3A_256 = tpu.memref_squeeze %dma_start3A_255 : memref<1x128xi32, #tpu.memory_space<vmem>> -> memref<128xi32, #tpu.memory_space<vmem>>
        %dma_start3A_257 = arith.constant 0 : i32
        %dma_start3A_258 = arith.constant 0 : i32
        %dma_start3A_259 = tpu.memref_slice %arg7[%dma_start3A_257, %dma_start3A_258] : memref<10240x128xf32, #tpu.memory_space<vmem_shared>> -> memref<10240x128xf32, #tpu.memory_space<vmem_shared>>
        tpu.enqueue_indirect_dma source(%run_scoped3A : memref<128x128xf32, #tpu.memory_space<vmem>>) target(%dma_start3A_259 : memref<10240x128xf32, #tpu.memory_space<vmem_shared>>) offsets(%dma_start3A_256 : memref<128xi32, #tpu.memory_space<vmem>>) semaphore(%run_scoped3A_253 : memref<!tpu.dma_semaphore, #tpu.memory_space<semaphore_mem>>) {add = true}
        %dma_wait3A_260 = arith.constant 0 : i32
        %dma_wait3A_261 = tpu.memref_slice %arg10[%run_scoped3A_244, %dma_wait3A_260] : memref<80x128xi32, #tpu.memory_space<vmem>> -> memref<1x128xi32, #tpu.memory_space<vmem>>
        %dma_wait3A_262 = tpu.memref_squeeze %dma_wait3A_261 : memref<1x128xi32, #tpu.memory_space<vmem>> -> memref<128xi32, #tpu.memory_space<vmem>>
        %dma_wait3A_263 = arith.constant 0 : i32
        %dma_wait3A_264 = arith.constant 0 : i32
        %dma_wait3A_265 = tpu.memref_slice %arg7[%dma_wait3A_263, %dma_wait3A_264] : memref<10240x128xf32, #tpu.memory_space<vmem_shared>> -> memref<10240x128xf32, #tpu.memory_space<vmem_shared>>
        tpu.wait_indirect_dma semaphore(%run_scoped3A_253 : memref<!tpu.dma_semaphore, #tpu.memory_space<semaphore_mem>>) src(%run_scoped3A : memref<128x128xf32, #tpu.memory_space<vmem>>) dst(%dma_wait3A_265 : memref<10240x128xf32, #tpu.memory_space<vmem_shared>>)
        tpu.yield
      }) : () -> ()
      %dma_wait3A_245 = arith.constant 15 : i32
      %dma_wait3A_246 = arith.constant 0 : i32
      %dma_wait3A_247 = tpu.memref_slice %arg8[%dma_wait3A_245, %dma_wait3A_246] : memref<16x128xi32, #tpu.memory_space<vmem>> -> memref<1x128xi32, #tpu.memory_space<vmem>>
      %dma_wait3A_248 = tpu.memref_squeeze %dma_wait3A_247 : memref<1x128xi32, #tpu.memory_space<vmem>> -> memref<128xi32, #tpu.memory_space<vmem>>
      %dma_wait3A_249 = arith.constant 0 : i32
      %dma_wait3A_250 = arith.constant 0 : i32
      %dma_wait3A_251 = tpu.memref_slice %arg2[%dma_wait3A_249, %dma_wait3A_250] : memref<10000x128xf32, #tpu.memory_space<hbm>> -> memref<10000x128xf32, #tpu.memory_space<hbm>>
      tpu.wait_indirect_dma semaphore(%arg13 : memref<!tpu.dma_semaphore, #tpu.memory_space<semaphore_mem>>) src(%dma_wait3A_251 : memref<10000x128xf32, #tpu.memory_space<hbm>>) dst(%run_scoped3A_1 : memref<128x128xf32, #tpu.memory_space<vmem>>)
      %run_scoped3A_252 = arith.constant 79 : i32
      "tpu.region"() ({
        %run_scoped3A_253 = tpu.sem_alloc : memref<!tpu.dma_semaphore, #tpu.memory_space<semaphore_mem>>
        %dma_start3A_254 = arith.constant 0 : i32
        %dma_start3A_255 = tpu.memref_slice %arg10[%run_scoped3A_252, %dma_start3A_254] : memref<80x128xi32, #tpu.memory_space<vmem>> -> memref<1x128xi32, #tpu.memory_space<vmem>>
        %dma_start3A_256 = tpu.memref_squeeze %dma_start3A_255 : memref<1x128xi32, #tpu.memory_space<vmem>> -> memref<128xi32, #tpu.memory_space<vmem>>
        %dma_start3A_257 = arith.constant 0 : i32
        %dma_start3A_258 = arith.constant 0 : i32
        %dma_start3A_259 = tpu.memref_slice %arg7[%dma_start3A_257, %dma_start3A_258] : memref<10240x128xf32, #tpu.memory_space<vmem_shared>> -> memref<10240x128xf32, #tpu.memory_space<vmem_shared>>
        tpu.enqueue_indirect_dma source(%run_scoped3A_1 : memref<128x128xf32, #tpu.memory_space<vmem>>) target(%dma_start3A_259 : memref<10240x128xf32, #tpu.memory_space<vmem_shared>>) offsets(%dma_start3A_256 : memref<128xi32, #tpu.memory_space<vmem>>) semaphore(%run_scoped3A_253 : memref<!tpu.dma_semaphore, #tpu.memory_space<semaphore_mem>>) {add = true}
        %dma_wait3A_260 = arith.constant 0 : i32
        %dma_wait3A_261 = tpu.memref_slice %arg10[%run_scoped3A_252, %dma_wait3A_260] : memref<80x128xi32, #tpu.memory_space<vmem>> -> memref<1x128xi32, #tpu.memory_space<vmem>>
        %dma_wait3A_262 = tpu.memref_squeeze %dma_wait3A_261 : memref<1x128xi32, #tpu.memory_space<vmem>> -> memref<128xi32, #tpu.memory_space<vmem>>
        %dma_wait3A_263 = arith.constant 0 : i32
        %dma_wait3A_264 = arith.constant 0 : i32
        %dma_wait3A_265 = tpu.memref_slice %arg7[%dma_wait3A_263, %dma_wait3A_264] : memref<10240x128xf32, #tpu.memory_space<vmem_shared>> -> memref<10240x128xf32, #tpu.memory_space<vmem_shared>>
        tpu.wait_indirect_dma semaphore(%run_scoped3A_253 : memref<!tpu.dma_semaphore, #tpu.memory_space<semaphore_mem>>) src(%run_scoped3A_1 : memref<128x128xf32, #tpu.memory_space<vmem>>) dst(%dma_wait3A_265 : memref<10240x128xf32, #tpu.memory_space<vmem_shared>>)
        tpu.yield
      }) : () -> ()
      tpu.yield
    }) : () -> ()
    %barrier3A = arith.constant 0 : index
    tpu.barrier barrier_id(%barrier3A)
    "tpu.region"() ({
      %run_scoped3A = memref.alloca() : memref<64x128xf32, #tpu.memory_space<vmem>>
      %run_scoped3A_1 = memref.alloca() : memref<64x128xf32, #tpu.memory_space<vmem>>
      %add3A = arith.constant 0 : i32
      %add3A_2 = arith.addi %mul3A_0, %add3A : i32
      %dma_start3A = arith.constant 0 : i32
      %dma_start3A_3 = tpu.memref_slice %arg7[%add3A_2, %dma_start3A] : memref<10240x128xf32, #tpu.memory_space<vmem_shared>> -> memref<64x128xf32, #tpu.memory_space<vmem_shared>>
      %dma_start3A_4 = arith.constant 0 : i32
      %dma_start3A_5 = tpu.memref_slice %arg7[%add3A_2, %dma_start3A_4] : memref<10240x128xf32, #tpu.memory_space<vmem_shared>> -> memref<64x128xf32, #tpu.memory_space<vmem_shared>>
      tpu.enqueue_dma source(%dma_start3A_5 : memref<64x128xf32, #tpu.memory_space<vmem_shared>>) target(%run_scoped3A : memref<64x128xf32, #tpu.memory_space<vmem>>) target_semaphore(%arg12 : memref<!tpu.dma_semaphore, #tpu.memory_space<semaphore_mem>>)
      %add3A_6 = arith.constant 64 : i32
      %add3A_7 = arith.addi %mul3A_0, %add3A_6 : i32
      %dma_start3A_8 = arith.constant 0 : i32
      %dma_start3A_9 = tpu.memref_slice %arg7[%add3A_7, %dma_start3A_8] : memref<10240x128xf32, #tpu.memory_space<vmem_shared>> -> memref<64x128xf32, #tpu.memory_space<vmem_shared>>
      %dma_start3A_10 = arith.constant 0 : i32
      %dma_start3A_11 = tpu.memref_slice %arg7[%add3A_7, %dma_start3A_10] : memref<10240x128xf32, #tpu.memory_space<vmem_shared>> -> memref<64x128xf32, #tpu.memory_space<vmem_shared>>
      tpu.enqueue_dma source(%dma_start3A_11 : memref<64x128xf32, #tpu.memory_space<vmem_shared>>) target(%run_scoped3A_1 : memref<64x128xf32, #tpu.memory_space<vmem>>) target_semaphore(%arg13 : memref<!tpu.dma_semaphore, #tpu.memory_space<semaphore_mem>>)
      %scan3A = arith.constant 0 : i32
      %scan3A_12 = arith.constant 0 : i32
      %scan3A_13 = arith.constant 5 : i32
      %scan3A_14 = arith.addi %scan3A_12, %scan3A_13 : i32
      %scan3A_15 = arith.constant 1 : i32
      %scan3A_16 = scf.for %scan3A_33 = %scan3A_12 to %scan3A_14 step %scan3A_15 iter_args(%scan3A_34 = %scan3A) -> (i32)  : i32 {
        %mul3A_35 = arith.constant 2 : i32
        %mul3A_36 = arith.muli %scan3A_33, %mul3A_35 : i32
        %add3A_37 = arith.constant 0 : i32
        %add3A_38 = arith.addi %mul3A_36, %add3A_37 : i32
        %mul3A_39 = arith.constant 64 : i32
        %mul3A_40 = arith.muli %add3A_38, %mul3A_39 : i32
        %add3A_41 = arith.addi %mul3A_0, %mul3A_40 : i32
        %dma_wait3A_42 = arith.constant 0 : i32
        %dma_wait3A_43 = tpu.memref_slice %arg7[%add3A_41, %dma_wait3A_42] : memref<10240x128xf32, #tpu.memory_space<vmem_shared>> -> memref<64x128xf32, #tpu.memory_space<vmem_shared>>
        %dma_wait3A_44 = arith.constant 0 : i32
        %dma_wait3A_45 = tpu.memref_slice %arg7[%add3A_41, %dma_wait3A_44] : memref<10240x128xf32, #tpu.memory_space<vmem_shared>> -> memref<64x128xf32, #tpu.memory_space<vmem_shared>>
        tpu.wait_dma2 semaphore(%arg12 : memref<!tpu.dma_semaphore, #tpu.memory_space<semaphore_mem>>) src(%dma_wait3A_45 : memref<64x128xf32, #tpu.memory_space<vmem_shared>>) dst(%run_scoped3A : memref<64x128xf32, #tpu.memory_space<vmem>>)
        %scan3A_46 = arith.constant 0 : i32
        %scan3A_47 = arith.constant 0 : i32
        %scan3A_48 = arith.constant 64 : i32
        %scan3A_49 = arith.addi %scan3A_47, %scan3A_48 : i32
        %scan3A_50 = arith.constant 1 : i32
        %scan3A_51 = scf.for %scan3A_101 = %scan3A_47 to %scan3A_49 step %scan3A_50 iter_args(%scan3A_102 = %scan3A_46) -> (i32)  : i32 {
          %mul3A_103 = arith.constant 64 : i32
          %mul3A_104 = arith.muli %add3A_38, %mul3A_103 : i32
          %add3A_105 = arith.addi %mul3A_104, %scan3A_101 : i32
          %broadcast_in_dim3A = vector.broadcast %add3A_105 : i32 to vector<16xi32>
          %gather3A = tpu.vector_load_idx %arg11[%broadcast_in_dim3A] : memref<640xf32, #tpu.memory_space<vmem>>[vector<16xi32>], vector<16xf32>,
          %scan3A_106 = arith.constant 0 : i32
          %scan3A_107 = arith.constant 0 : i32
          %scan3A_108 = arith.constant 8 : i32
          %scan3A_109 = arith.addi %scan3A_107, %scan3A_108 : i32
          %scan3A_110 = arith.constant 1 : i32
          %scan3A_111 = scf.for %scan3A_113 = %scan3A_107 to %scan3A_109 step %scan3A_110 iter_args(%scan3A_114 = %scan3A_106) -> (i32)  : i32 {
            %mul3A_115 = arith.constant 16 : i32
            %mul3A_116 = arith.muli %scan3A_113, %mul3A_115 : i32
            %get3A = arith.index_cast %scan3A_101 : i32 to index
            %get3A_117 = arith.index_cast %mul3A_116 : i32 to index
            %get3A_118 = tpu.vector_load %run_scoped3A[%get3A, %get3A_117] {strides = array<i32>} : memref<64x128xf32, #tpu.memory_space<vmem>>, vector<16xf32>,
            %mul3A_119 = arith.mulf %get3A_118, %gather3A : vector<16xf32>
            %mul3A_120 = arith.constant 16 : i32
            %mul3A_121 = arith.muli %scan3A_113, %mul3A_120 : i32
            %swap3A = arith.index_cast %scan3A_101 : i32 to index
            %swap3A_122 = arith.index_cast %mul3A_121 : i32 to index
            %swap3A_123 = tpu.vector_load %run_scoped3A[%swap3A, %swap3A_122] {strides = array<i32>} : memref<64x128xf32, #tpu.memory_space<vmem>>, vector<16xf32>,
            tpu.vector_store %run_scoped3A[%swap3A, %swap3A_122], %mul3A_119 {strides = array<i32>} : memref<64x128xf32, #tpu.memory_space<vmem>>, vector<16xf32>,
            %scan3A_124 = arith.constant 0 : i32
            scf.yield %scan3A_124 : i32
          }
          %scan3A_112 = arith.constant 8 : i32
          scf.yield %scan3A_111 : i32
        }
        %scan3A_52 = arith.constant 64 : i32
        %mul3A_53 = arith.constant 64 : i32
        %mul3A_54 = arith.muli %add3A_38, %mul3A_53 : i32
        %add3A_55 = arith.addi %mul3A_0, %mul3A_54 : i32
        %dma_start3A_56 = arith.constant 0 : i32
        %dma_start3A_57 = tpu.memref_slice %arg6[%arg0, %add3A_55, %dma_start3A_56] : memref<2x10240x128xf32, #tpu.memory_space<hbm>> -> memref<1x64x128xf32, #tpu.memory_space<hbm>>
        %dma_start3A_58 = tpu.memref_squeeze %dma_start3A_57 : memref<1x64x128xf32, #tpu.memory_space<hbm>> -> memref<64x128xf32, #tpu.memory_space<hbm>>
        %dma_start3A_59 = arith.constant 0 : i32
        %dma_start3A_60 = tpu.memref_slice %arg6[%arg0, %add3A_55, %dma_start3A_59] : memref<2x10240x128xf32, #tpu.memory_space<hbm>> -> memref<1x64x128xf32, #tpu.memory_space<hbm>>
        %dma_start3A_61 = tpu.memref_squeeze %dma_start3A_60 : memref<1x64x128xf32, #tpu.memory_space<hbm>> -> memref<64x128xf32, #tpu.memory_space<hbm>>
        tpu.enqueue_dma source(%run_scoped3A : memref<64x128xf32, #tpu.memory_space<vmem>>) target(%dma_start3A_61 : memref<64x128xf32, #tpu.memory_space<hbm>>) target_semaphore(%arg14 : memref<!tpu.dma_semaphore, #tpu.memory_space<semaphore_mem>>)
        %add3A_62 = arith.constant 2 : i32
        %add3A_63 = arith.addi %add3A_38, %add3A_62 : i32
        %lt3A = arith.constant 10 : i32
        %lt3A_64 = arith.cmpi slt, %add3A_63, %lt3A : i32
        %convert_element_type3A = arith.extui %lt3A_64 : i1 to i32
        %cond3A = arith.constant 0 : i32
        %cond3A_65 = arith.cmpi ne, %convert_element_type3A, %cond3A : i32
        scf.if %cond3A_65 {
          %mul3A_101 = arith.constant 64 : i32
          %mul3A_102 = arith.muli %add3A_38, %mul3A_101 : i32
          %add3A_103 = arith.addi %mul3A_0, %mul3A_102 : i32
          %dma_wait3A_104 = arith.constant 0 : i32
          %dma_wait3A_105 = tpu.memref_slice %arg6[%arg0, %add3A_103, %dma_wait3A_104] : memref<2x10240x128xf32, #tpu.memory_space<hbm>> -> memref<1x64x128xf32, #tpu.memory_space<hbm>>
          %dma_wait3A_106 = tpu.memref_squeeze %dma_wait3A_105 : memref<1x64x128xf32, #tpu.memory_space<hbm>> -> memref<64x128xf32, #tpu.memory_space<hbm>>
          %dma_wait3A_107 = arith.constant 0 : i32
          %dma_wait3A_108 = tpu.memref_slice %arg6[%arg0, %add3A_103, %dma_wait3A_107] : memref<2x10240x128xf32, #tpu.memory_space<hbm>> -> memref<1x64x128xf32, #tpu.memory_space<hbm>>
          %dma_wait3A_109 = tpu.memref_squeeze %dma_wait3A_108 : memref<1x64x128xf32, #tpu.memory_space<hbm>> -> memref<64x128xf32, #tpu.memory_space<hbm>>
          tpu.wait_dma2 semaphore(%arg14 : memref<!tpu.dma_semaphore, #tpu.memory_space<semaphore_mem>>) src(%run_scoped3A : memref<64x128xf32, #tpu.memory_space<vmem>>) dst(%dma_wait3A_109 : memref<64x128xf32, #tpu.memory_space<hbm>>)
          %add3A_110 = arith.constant 2 : i32
          %add3A_111 = arith.addi %add3A_38, %add3A_110 : i32
          %mul3A_112 = arith.constant 64 : i32
          %mul3A_113 = arith.muli %add3A_111, %mul3A_112 : i32
          %add3A_114 = arith.addi %mul3A_0, %mul3A_113 : i32
          %dma_start3A_115 = arith.constant 0 : i32
          %dma_start3A_116 = tpu.memref_slice %arg7[%add3A_114, %dma_start3A_115] : memref<10240x128xf32, #tpu.memory_space<vmem_shared>> -> memref<64x128xf32, #tpu.memory_space<vmem_shared>>
          %dma_start3A_117 = arith.constant 0 : i32
          %dma_start3A_118 = tpu.memref_slice %arg7[%add3A_114, %dma_start3A_117] : memref<10240x128xf32, #tpu.memory_space<vmem_shared>> -> memref<64x128xf32, #tpu.memory_space<vmem_shared>>
          tpu.enqueue_dma source(%dma_start3A_118 : memref<64x128xf32, #tpu.memory_space<vmem_shared>>) target(%run_scoped3A : memref<64x128xf32, #tpu.memory_space<vmem>>) target_semaphore(%arg12 : memref<!tpu.dma_semaphore, #tpu.memory_space<semaphore_mem>>)
        } else {
        }
        %mul3A_66 = arith.constant 2 : i32
        %mul3A_67 = arith.muli %scan3A_33, %mul3A_66 : i32
        %add3A_68 = arith.constant 1 : i32
        %add3A_69 = arith.addi %mul3A_67, %add3A_68 : i32
        %mul3A_70 = arith.constant 64 : i32
        %mul3A_71 = arith.muli %add3A_69, %mul3A_70 : i32
        %add3A_72 = arith.addi %mul3A_0, %mul3A_71 : i32
        %dma_wait3A_73 = arith.constant 0 : i32
        %dma_wait3A_74 = tpu.memref_slice %arg7[%add3A_72, %dma_wait3A_73] : memref<10240x128xf32, #tpu.memory_space<vmem_shared>> -> memref<64x128xf32, #tpu.memory_space<vmem_shared>>
        %dma_wait3A_75 = arith.constant 0 : i32
        %dma_wait3A_76 = tpu.memref_slice %arg7[%add3A_72, %dma_wait3A_75] : memref<10240x128xf32, #tpu.memory_space<vmem_shared>> -> memref<64x128xf32, #tpu.memory_space<vmem_shared>>
        tpu.wait_dma2 semaphore(%arg13 : memref<!tpu.dma_semaphore, #tpu.memory_space<semaphore_mem>>) src(%dma_wait3A_76 : memref<64x128xf32, #tpu.memory_space<vmem_shared>>) dst(%run_scoped3A_1 : memref<64x128xf32, #tpu.memory_space<vmem>>)
        %scan3A_77 = arith.constant 0 : i32
        %scan3A_78 = arith.constant 0 : i32
        %scan3A_79 = arith.constant 64 : i32
        %scan3A_80 = arith.addi %scan3A_78, %scan3A_79 : i32
        %scan3A_81 = arith.constant 1 : i32
        %scan3A_82 = scf.for %scan3A_101 = %scan3A_78 to %scan3A_80 step %scan3A_81 iter_args(%scan3A_102 = %scan3A_77) -> (i32)  : i32 {
          %mul3A_103 = arith.constant 64 : i32
          %mul3A_104 = arith.muli %add3A_69, %mul3A_103 : i32
          %add3A_105 = arith.addi %mul3A_104, %scan3A_101 : i32
          %broadcast_in_dim3A = vector.broadcast %add3A_105 : i32 to vector<16xi32>
          %gather3A = tpu.vector_load_idx %arg11[%broadcast_in_dim3A] : memref<640xf32, #tpu.memory_space<vmem>>[vector<16xi32>], vector<16xf32>,
          %scan3A_106 = arith.constant 0 : i32
          %scan3A_107 = arith.constant 0 : i32
          %scan3A_108 = arith.constant 8 : i32
          %scan3A_109 = arith.addi %scan3A_107, %scan3A_108 : i32
          %scan3A_110 = arith.constant 1 : i32
          %scan3A_111 = scf.for %scan3A_113 = %scan3A_107 to %scan3A_109 step %scan3A_110 iter_args(%scan3A_114 = %scan3A_106) -> (i32)  : i32 {
            %mul3A_115 = arith.constant 16 : i32
            %mul3A_116 = arith.muli %scan3A_113, %mul3A_115 : i32
            %get3A = arith.index_cast %scan3A_101 : i32 to index
            %get3A_117 = arith.index_cast %mul3A_116 : i32 to index
            %get3A_118 = tpu.vector_load %run_scoped3A_1[%get3A, %get3A_117] {strides = array<i32>} : memref<64x128xf32, #tpu.memory_space<vmem>>, vector<16xf32>,
            %mul3A_119 = arith.mulf %get3A_118, %gather3A : vector<16xf32>
            %mul3A_120 = arith.constant 16 : i32
            %mul3A_121 = arith.muli %scan3A_113, %mul3A_120 : i32
            %swap3A = arith.index_cast %scan3A_101 : i32 to index
            %swap3A_122 = arith.index_cast %mul3A_121 : i32 to index
            %swap3A_123 = tpu.vector_load %run_scoped3A_1[%swap3A, %swap3A_122] {strides = array<i32>} : memref<64x128xf32, #tpu.memory_space<vmem>>, vector<16xf32>,
            tpu.vector_store %run_scoped3A_1[%swap3A, %swap3A_122], %mul3A_119 {strides = array<i32>} : memref<64x128xf32, #tpu.memory_space<vmem>>, vector<16xf32>,
            %scan3A_124 = arith.constant 0 : i32
            scf.yield %scan3A_124 : i32
          }
          %scan3A_112 = arith.constant 8 : i32
          scf.yield %scan3A_111 : i32
        }
        %scan3A_83 = arith.constant 64 : i32
        %mul3A_84 = arith.constant 64 : i32
        %mul3A_85 = arith.muli %add3A_69, %mul3A_84 : i32
        %add3A_86 = arith.addi %mul3A_0, %mul3A_85 : i32
        %dma_start3A_87 = arith.constant 0 : i32
        %dma_start3A_88 = tpu.memref_slice %arg6[%arg0, %add3A_86, %dma_start3A_87] : memref<2x10240x128xf32, #tpu.memory_space<hbm>> -> memref<1x64x128xf32, #tpu.memory_space<hbm>>
        %dma_start3A_89 = tpu.memref_squeeze %dma_start3A_88 : memref<1x64x128xf32, #tpu.memory_space<hbm>> -> memref<64x128xf32, #tpu.memory_space<hbm>>
        %dma_start3A_90 = arith.constant 0 : i32
        %dma_start3A_91 = tpu.memref_slice %arg6[%arg0, %add3A_86, %dma_start3A_90] : memref<2x10240x128xf32, #tpu.memory_space<hbm>> -> memref<1x64x128xf32, #tpu.memory_space<hbm>>
        %dma_start3A_92 = tpu.memref_squeeze %dma_start3A_91 : memref<1x64x128xf32, #tpu.memory_space<hbm>> -> memref<64x128xf32, #tpu.memory_space<hbm>>
        tpu.enqueue_dma source(%run_scoped3A_1 : memref<64x128xf32, #tpu.memory_space<vmem>>) target(%dma_start3A_92 : memref<64x128xf32, #tpu.memory_space<hbm>>) target_semaphore(%arg15 : memref<!tpu.dma_semaphore, #tpu.memory_space<semaphore_mem>>)
        %add3A_93 = arith.constant 2 : i32
        %add3A_94 = arith.addi %add3A_69, %add3A_93 : i32
        %lt3A_95 = arith.constant 10 : i32
        %lt3A_96 = arith.cmpi slt, %add3A_94, %lt3A_95 : i32
        %convert_element_type3A_97 = arith.extui %lt3A_96 : i1 to i32
        %cond3A_98 = arith.constant 0 : i32
        %cond3A_99 = arith.cmpi ne, %convert_element_type3A_97, %cond3A_98 : i32
        scf.if %cond3A_99 {
          %mul3A_101 = arith.constant 64 : i32
          %mul3A_102 = arith.muli %add3A_69, %mul3A_101 : i32
          %add3A_103 = arith.addi %mul3A_0, %mul3A_102 : i32
          %dma_wait3A_104 = arith.constant 0 : i32
          %dma_wait3A_105 = tpu.memref_slice %arg6[%arg0, %add3A_103, %dma_wait3A_104] : memref<2x10240x128xf32, #tpu.memory_space<hbm>> -> memref<1x64x128xf32, #tpu.memory_space<hbm>>
          %dma_wait3A_106 = tpu.memref_squeeze %dma_wait3A_105 : memref<1x64x128xf32, #tpu.memory_space<hbm>> -> memref<64x128xf32, #tpu.memory_space<hbm>>
          %dma_wait3A_107 = arith.constant 0 : i32
          %dma_wait3A_108 = tpu.memref_slice %arg6[%arg0, %add3A_103, %dma_wait3A_107] : memref<2x10240x128xf32, #tpu.memory_space<hbm>> -> memref<1x64x128xf32, #tpu.memory_space<hbm>>
          %dma_wait3A_109 = tpu.memref_squeeze %dma_wait3A_108 : memref<1x64x128xf32, #tpu.memory_space<hbm>> -> memref<64x128xf32, #tpu.memory_space<hbm>>
          tpu.wait_dma2 semaphore(%arg15 : memref<!tpu.dma_semaphore, #tpu.memory_space<semaphore_mem>>) src(%run_scoped3A_1 : memref<64x128xf32, #tpu.memory_space<vmem>>) dst(%dma_wait3A_109 : memref<64x128xf32, #tpu.memory_space<hbm>>)
          %add3A_110 = arith.constant 2 : i32
          %add3A_111 = arith.addi %add3A_69, %add3A_110 : i32
          %mul3A_112 = arith.constant 64 : i32
          %mul3A_113 = arith.muli %add3A_111, %mul3A_112 : i32
          %add3A_114 = arith.addi %mul3A_0, %mul3A_113 : i32
          %dma_start3A_115 = arith.constant 0 : i32
          %dma_start3A_116 = tpu.memref_slice %arg7[%add3A_114, %dma_start3A_115] : memref<10240x128xf32, #tpu.memory_space<vmem_shared>> -> memref<64x128xf32, #tpu.memory_space<vmem_shared>>
          %dma_start3A_117 = arith.constant 0 : i32
          %dma_start3A_118 = tpu.memref_slice %arg7[%add3A_114, %dma_start3A_117] : memref<10240x128xf32, #tpu.memory_space<vmem_shared>> -> memref<64x128xf32, #tpu.memory_space<vmem_shared>>
          tpu.enqueue_dma source(%dma_start3A_118 : memref<64x128xf32, #tpu.memory_space<vmem_shared>>) target(%run_scoped3A_1 : memref<64x128xf32, #tpu.memory_space<vmem>>) target_semaphore(%arg13 : memref<!tpu.dma_semaphore, #tpu.memory_space<semaphore_mem>>)
        } else {
        }
        %scan3A_100 = arith.constant 0 : i32
        scf.yield %scan3A_100 : i32
      }
      %scan3A_17 = arith.constant 5 : i32
      %add3A_18 = arith.constant 512 : i32
      %add3A_19 = arith.addi %mul3A_0, %add3A_18 : i32
      %dma_wait3A = arith.constant 0 : i32
      %dma_wait3A_20 = tpu.memref_slice %arg6[%arg0, %add3A_19, %dma_wait3A] : memref<2x10240x128xf32, #tpu.memory_space<hbm>> -> memref<1x64x128xf32, #tpu.memory_space<hbm>>
      %dma_wait3A_21 = tpu.memref_squeeze %dma_wait3A_20 : memref<1x64x128xf32, #tpu.memory_space<hbm>> -> memref<64x128xf32, #tpu.memory_space<hbm>>
      %dma_wait3A_22 = arith.constant 0 : i32
      %dma_wait3A_23 = tpu.memref_slice %arg6[%arg0, %add3A_19, %dma_wait3A_22] : memref<2x10240x128xf32, #tpu.memory_space<hbm>> -> memref<1x64x128xf32, #tpu.memory_space<hbm>>
      %dma_wait3A_24 = tpu.memref_squeeze %dma_wait3A_23 : memref<1x64x128xf32, #tpu.memory_space<hbm>> -> memref<64x128xf32, #tpu.memory_space<hbm>>
      tpu.wait_dma2 semaphore(%arg14 : memref<!tpu.dma_semaphore, #tpu.memory_space<semaphore_mem>>) src(%run_scoped3A : memref<64x128xf32, #tpu.memory_space<vmem>>) dst(%dma_wait3A_24 : memref<64x128xf32, #tpu.memory_space<hbm>>)
      %add3A_25 = arith.constant 576 : i32
      %add3A_26 = arith.addi %mul3A_0, %add3A_25 : i32
      %dma_wait3A_27 = arith.constant 0 : i32
      %dma_wait3A_28 = tpu.memref_slice %arg6[%arg0, %add3A_26, %dma_wait3A_27] : memref<2x10240x128xf32, #tpu.memory_space<hbm>> -> memref<1x64x128xf32, #tpu.memory_space<hbm>>
      %dma_wait3A_29 = tpu.memref_squeeze %dma_wait3A_28 : memref<1x64x128xf32, #tpu.memory_space<hbm>> -> memref<64x128xf32, #tpu.memory_space<hbm>>
      %dma_wait3A_30 = arith.constant 0 : i32
      %dma_wait3A_31 = tpu.memref_slice %arg6[%arg0, %add3A_26, %dma_wait3A_30] : memref<2x10240x128xf32, #tpu.memory_space<hbm>> -> memref<1x64x128xf32, #tpu.memory_space<hbm>>
      %dma_wait3A_32 = tpu.memref_squeeze %dma_wait3A_31 : memref<1x64x128xf32, #tpu.memory_space<hbm>> -> memref<64x128xf32, #tpu.memory_space<hbm>>
      tpu.wait_dma2 semaphore(%arg15 : memref<!tpu.dma_semaphore, #tpu.memory_space<semaphore_mem>>) src(%run_scoped3A_1 : memref<64x128xf32, #tpu.memory_space<vmem>>) dst(%dma_wait3A_32 : memref<64x128xf32, #tpu.memory_space<hbm>>)
      tpu.yield
    }) : () -> ()
    return
  }
}

#map = affine_map<(d0, d1) -> (0, 0)>
#map1 = affine_map<(d0, d1) -> (0)>
#map2 = affine_map<(d0, d1) -> (0, 0, 0)>
module attributes {stable_mosaic.version = 14 : i64} {
  func.func @_sc_agg2_body(%arg0: i32, %arg1: i32, %arg2: memref<10000x128xf32, #tpu.memory_space<hbm>>, %arg3: memref<2560x128xi32, #tpu.memory_space<hbm>>, %arg4: memref<2560x128xi32, #tpu.memory_space<hbm>>, %arg5: memref<10240xf32, #tpu.memory_space<hbm>>, %arg6: memref<2x10240x128xf32, #tpu.memory_space<hbm>>, %arg7: memref<10240x128xf32, #tpu.memory_space<vmem_shared>>, %arg8: memref<16x128xi32, #tpu.memory_space<vmem>>, %arg9: memref<16x128xi32, #tpu.memory_space<vmem>>, %arg10: memref<80x128xi32, #tpu.memory_space<vmem>>, %arg11: memref<640xf32, #tpu.memory_space<vmem>>, %arg12: memref<!tpu.dma_semaphore, #tpu.memory_space<semaphore_mem>>, %arg13: memref<!tpu.dma_semaphore, #tpu.memory_space<semaphore_mem>>, %arg14: memref<!tpu.dma_semaphore, #tpu.memory_space<semaphore_mem>>, %arg15: memref<!tpu.dma_semaphore, #tpu.memory_space<semaphore_mem>>, %arg16: memref<!tpu.dma_semaphore, #tpu.memory_space<semaphore_mem>>, %arg17: memref<!tpu.dma_semaphore, #tpu.memory_space<semaphore_mem>>) attributes {dimension_semantics = [#tpu.dimension_semantics<core_parallel>, #tpu.dimension_semantics<subcore_parallel>], iteration_bounds = array<i64: 2, 16>, scalar_prefetch = 0 : i64, scratch_operands = 11 : i64, tpu.core_type = #tpu.core_type<sc_vector_subcore>, window_params = [{transform_indices = #map}, {transform_indices = #map}, {transform_indices = #map}, {transform_indices = #map1}, {transform_indices = #map2}]} {
    %mul3A = arith.constant 640 : i32
    %mul3A_0 = arith.muli %arg1, %mul3A : i32
    "tpu.region"() ({
      %run_scoped3A = memref.alloca() : memref<64x128xf32, #tpu.memory_space<vmem>>
      %broadcast_in_dim3A = arith.constant 0.000000e+00 : f32
      %broadcast_in_dim3A_1 = vector.broadcast %broadcast_in_dim3A : f32 to vector<16xf32>
      %scan3A = arith.constant 0 : i32
      %scan3A_2 = arith.constant 0 : i32
      %scan3A_3 = arith.constant 64 : i32
      %scan3A_4 = arith.addi %scan3A_2, %scan3A_3 : i32
      %scan3A_5 = arith.constant 1 : i32
      %scan3A_6 = scf.for %scan3A_22 = %scan3A_2 to %scan3A_4 step %scan3A_5 iter_args(%scan3A_23 = %scan3A) -> (i32)  : i32 {
        %scan3A_24 = arith.constant 0 : i32
        %scan3A_25 = arith.constant 0 : i32
        %scan3A_26 = arith.constant 8 : i32
        %scan3A_27 = arith.addi %scan3A_25, %scan3A_26 : i32
        %scan3A_28 = arith.constant 1 : i32
        %scan3A_29 = scf.for %scan3A_31 = %scan3A_25 to %scan3A_27 step %scan3A_28 iter_args(%scan3A_32 = %scan3A_24) -> (i32)  : i32 {
          %mul3A_33 = arith.constant 16 : i32
          %mul3A_34 = arith.muli %scan3A_31, %mul3A_33 : i32
          %swap3A = arith.index_cast %scan3A_22 : i32 to index
          %swap3A_35 = arith.index_cast %mul3A_34 : i32 to index
          %swap3A_36 = tpu.vector_load %run_scoped3A[%swap3A, %swap3A_35] {strides = array<i32>} : memref<64x128xf32, #tpu.memory_space<vmem>>, vector<16xf32>,
          tpu.vector_store %run_scoped3A[%swap3A, %swap3A_35], %broadcast_in_dim3A_1 {strides = array<i32>} : memref<64x128xf32, #tpu.memory_space<vmem>>, vector<16xf32>,
          %scan3A_37 = arith.constant 0 : i32
          scf.yield %scan3A_37 : i32
        }
        %scan3A_30 = arith.constant 8 : i32
        scf.yield %scan3A_29 : i32
      }
      %scan3A_7 = arith.constant 64 : i32
      %scan3A_8 = arith.constant 0 : i32
      %scan3A_9 = arith.constant 0 : i32
      %scan3A_10 = arith.constant 10 : i32
      %scan3A_11 = arith.addi %scan3A_9, %scan3A_10 : i32
      %scan3A_12 = arith.constant 1 : i32
      %scan3A_13 = scf.for %scan3A_22 = %scan3A_9 to %scan3A_11 step %scan3A_12 iter_args(%scan3A_23 = %scan3A_8) -> (i32)  : i32 {
        %mul3A_24 = arith.constant 64 : i32
        %mul3A_25 = arith.muli %scan3A_22, %mul3A_24 : i32
        %add3A = arith.addi %mul3A_0, %mul3A_25 : i32
        %dma_start3A = arith.constant 0 : i32
        %dma_start3A_26 = tpu.memref_slice %arg7[%add3A, %dma_start3A] : memref<10240x128xf32, #tpu.memory_space<vmem_shared>> -> memref<64x128xf32, #tpu.memory_space<vmem_shared>>
        %dma_start3A_27 = arith.constant 0 : i32
        %dma_start3A_28 = tpu.memref_slice %arg7[%add3A, %dma_start3A_27] : memref<10240x128xf32, #tpu.memory_space<vmem_shared>> -> memref<64x128xf32, #tpu.memory_space<vmem_shared>>
        tpu.enqueue_dma source(%run_scoped3A : memref<64x128xf32, #tpu.memory_space<vmem>>) target(%dma_start3A_28 : memref<64x128xf32, #tpu.memory_space<vmem_shared>>) target_semaphore(%arg12 : memref<!tpu.dma_semaphore, #tpu.memory_space<semaphore_mem>>)
        %scan3A_29 = arith.constant 0 : i32
        scf.yield %scan3A_29 : i32
      }
      %scan3A_14 = arith.constant 10 : i32
      %scan3A_15 = arith.constant 0 : i32
      %scan3A_16 = arith.constant 0 : i32
      %scan3A_17 = arith.constant 10 : i32
      %scan3A_18 = arith.addi %scan3A_16, %scan3A_17 : i32
      %scan3A_19 = arith.constant 1 : i32
      %scan3A_20 = scf.for %scan3A_22 = %scan3A_16 to %scan3A_18 step %scan3A_19 iter_args(%scan3A_23 = %scan3A_15) -> (i32)  : i32 {
        %mul3A_24 = arith.constant 64 : i32
        %mul3A_25 = arith.muli %scan3A_22, %mul3A_24 : i32
        %add3A = arith.addi %mul3A_0, %mul3A_25 : i32
        %dma_wait3A = arith.constant 0 : i32
        %dma_wait3A_26 = tpu.memref_slice %arg7[%add3A, %dma_wait3A] : memref<10240x128xf32, #tpu.memory_space<vmem_shared>> -> memref<64x128xf32, #tpu.memory_space<vmem_shared>>
        %dma_wait3A_27 = arith.constant 0 : i32
        %dma_wait3A_28 = tpu.memref_slice %arg7[%add3A, %dma_wait3A_27] : memref<10240x128xf32, #tpu.memory_space<vmem_shared>> -> memref<64x128xf32, #tpu.memory_space<vmem_shared>>
        tpu.wait_dma2 semaphore(%arg12 : memref<!tpu.dma_semaphore, #tpu.memory_space<semaphore_mem>>) src(%run_scoped3A : memref<64x128xf32, #tpu.memory_space<vmem>>) dst(%dma_wait3A_28 : memref<64x128xf32, #tpu.memory_space<vmem_shared>>)
        %scan3A_29 = arith.constant 0 : i32
        scf.yield %scan3A_29 : i32
      }
      %scan3A_21 = arith.constant 10 : i32
      tpu.yield
    }) : () -> ()
    "tpu.region"() ({
      %run_scoped3A = tpu.sem_alloc : memref<!tpu.dma_semaphore, #tpu.memory_space<semaphore_mem>>
      %dma_start3A = tpu.memref_slice %arg5[%mul3A_0] : memref<10240xf32, #tpu.memory_space<hbm>> -> memref<640xf32, #tpu.memory_space<hbm>>
      %dma_start3A_1 = tpu.memref_slice %arg5[%mul3A_0] : memref<10240xf32, #tpu.memory_space<hbm>> -> memref<640xf32, #tpu.memory_space<hbm>>
      tpu.enqueue_dma source(%dma_start3A_1 : memref<640xf32, #tpu.memory_space<hbm>>) target(%arg11 : memref<640xf32, #tpu.memory_space<vmem>>) target_semaphore(%run_scoped3A : memref<!tpu.dma_semaphore, #tpu.memory_space<semaphore_mem>>)
      %dma_wait3A = tpu.memref_slice %arg5[%mul3A_0] : memref<10240xf32, #tpu.memory_space<hbm>> -> memref<640xf32, #tpu.memory_space<hbm>>
      %dma_wait3A_2 = tpu.memref_slice %arg5[%mul3A_0] : memref<10240xf32, #tpu.memory_space<hbm>> -> memref<640xf32, #tpu.memory_space<hbm>>
      tpu.wait_dma2 semaphore(%run_scoped3A : memref<!tpu.dma_semaphore, #tpu.memory_space<semaphore_mem>>) src(%dma_wait3A_2 : memref<640xf32, #tpu.memory_space<hbm>>) dst(%arg11 : memref<640xf32, #tpu.memory_space<vmem>>)
      tpu.yield
    }) : () -> ()
    "tpu.region"() ({
      %run_scoped3A = memref.alloca() : memref<128x128xf32, #tpu.memory_space<vmem>>
      %run_scoped3A_1 = memref.alloca() : memref<128x128xf32, #tpu.memory_space<vmem>>
      %mul3A_2 = arith.constant 16 : i32
      %mul3A_3 = arith.muli %arg0, %mul3A_2 : i32
      %add3A = arith.addi %mul3A_3, %arg1 : i32
      %mul3A_4 = arith.constant 80 : i32
      %mul3A_5 = arith.muli %add3A, %mul3A_4 : i32
      "tpu.region"() ({
        %run_scoped3A_253 = tpu.sem_alloc : memref<!tpu.dma_semaphore, #tpu.memory_space<semaphore_mem>>
        %dma_start3A_254 = arith.constant 0 : i32
        %dma_start3A_255 = tpu.memref_slice %arg4[%mul3A_5, %dma_start3A_254] : memref<2560x128xi32, #tpu.memory_space<hbm>> -> memref<80x128xi32, #tpu.memory_space<hbm>>
        %dma_start3A_256 = arith.constant 0 : i32
        %dma_start3A_257 = tpu.memref_slice %arg4[%mul3A_5, %dma_start3A_256] : memref<2560x128xi32, #tpu.memory_space<hbm>> -> memref<80x128xi32, #tpu.memory_space<hbm>>
        tpu.enqueue_dma source(%dma_start3A_257 : memref<80x128xi32, #tpu.memory_space<hbm>>) target(%arg10 : memref<80x128xi32, #tpu.memory_space<vmem>>) target_semaphore(%run_scoped3A_253 : memref<!tpu.dma_semaphore, #tpu.memory_space<semaphore_mem>>)
        %dma_wait3A_258 = arith.constant 0 : i32
        %dma_wait3A_259 = tpu.memref_slice %arg4[%mul3A_5, %dma_wait3A_258] : memref<2560x128xi32, #tpu.memory_space<hbm>> -> memref<80x128xi32, #tpu.memory_space<hbm>>
        %dma_wait3A_260 = arith.constant 0 : i32
        %dma_wait3A_261 = tpu.memref_slice %arg4[%mul3A_5, %dma_wait3A_260] : memref<2560x128xi32, #tpu.memory_space<hbm>> -> memref<80x128xi32, #tpu.memory_space<hbm>>
        tpu.wait_dma2 semaphore(%run_scoped3A_253 : memref<!tpu.dma_semaphore, #tpu.memory_space<semaphore_mem>>) src(%dma_wait3A_261 : memref<80x128xi32, #tpu.memory_space<hbm>>) dst(%arg10 : memref<80x128xi32, #tpu.memory_space<vmem>>)
        tpu.yield
      }) : () -> ()
      "tpu.region"() ({
        %run_scoped3A_253 = tpu.sem_alloc : memref<!tpu.dma_semaphore, #tpu.memory_space<semaphore_mem>>
        %dma_start3A_254 = arith.constant 0 : i32
        %dma_start3A_255 = tpu.memref_slice %arg3[%mul3A_5, %dma_start3A_254] : memref<2560x128xi32, #tpu.memory_space<hbm>> -> memref<16x128xi32, #tpu.memory_space<hbm>>
        %dma_start3A_256 = arith.constant 0 : i32
        %dma_start3A_257 = tpu.memref_slice %arg3[%mul3A_5, %dma_start3A_256] : memref<2560x128xi32, #tpu.memory_space<hbm>> -> memref<16x128xi32, #tpu.memory_space<hbm>>
        tpu.enqueue_dma source(%dma_start3A_257 : memref<16x128xi32, #tpu.memory_space<hbm>>) target(%arg8 : memref<16x128xi32, #tpu.memory_space<vmem>>) target_semaphore(%run_scoped3A_253 : memref<!tpu.dma_semaphore, #tpu.memory_space<semaphore_mem>>)
        %dma_wait3A_258 = arith.constant 0 : i32
        %dma_wait3A_259 = tpu.memref_slice %arg3[%mul3A_5, %dma_wait3A_258] : memref<2560x128xi32, #tpu.memory_space<hbm>> -> memref<16x128xi32, #tpu.memory_space<hbm>>
        %dma_wait3A_260 = arith.constant 0 : i32
        %dma_wait3A_261 = tpu.memref_slice %arg3[%mul3A_5, %dma_wait3A_260] : memref<2560x128xi32, #tpu.memory_space<hbm>> -> memref<16x128xi32, #tpu.memory_space<hbm>>
        tpu.wait_dma2 semaphore(%run_scoped3A_253 : memref<!tpu.dma_semaphore, #tpu.memory_space<semaphore_mem>>) src(%dma_wait3A_261 : memref<16x128xi32, #tpu.memory_space<hbm>>) dst(%arg8 : memref<16x128xi32, #tpu.memory_space<vmem>>)
        tpu.yield
      }) : () -> ()
      %dma_start3A = arith.constant 0 : i32
      %dma_start3A_6 = arith.constant 0 : i32
      %dma_start3A_7 = tpu.memref_slice %arg8[%dma_start3A, %dma_start3A_6] : memref<16x128xi32, #tpu.memory_space<vmem>> -> memref<1x128xi32, #tpu.memory_space<vmem>>
      %dma_start3A_8 = tpu.memref_squeeze %dma_start3A_7 : memref<1x128xi32, #tpu.memory_space<vmem>> -> memref<128xi32, #tpu.memory_space<vmem>>
      %dma_start3A_9 = arith.constant 0 : i32
      %dma_start3A_10 = arith.constant 0 : i32
      %dma_start3A_11 = tpu.memref_slice %arg2[%dma_start3A_9, %dma_start3A_10] : memref<10000x128xf32, #tpu.memory_space<hbm>> -> memref<10000x128xf32, #tpu.memory_space<hbm>>
      tpu.enqueue_indirect_dma source(%dma_start3A_11 : memref<10000x128xf32, #tpu.memory_space<hbm>>) target(%run_scoped3A : memref<128x128xf32, #tpu.memory_space<vmem>>) offsets(%dma_start3A_8 : memref<128xi32, #tpu.memory_space<vmem>>) semaphore(%arg12 : memref<!tpu.dma_semaphore, #tpu.memory_space<semaphore_mem>>)
      %dma_start3A_12 = arith.constant 1 : i32
      %dma_start3A_13 = arith.constant 0 : i32
      %dma_start3A_14 = tpu.memref_slice %arg8[%dma_start3A_12, %dma_start3A_13] : memref<16x128xi32, #tpu.memory_space<vmem>> -> memref<1x128xi32, #tpu.memory_space<vmem>>
      %dma_start3A_15 = tpu.memref_squeeze %dma_start3A_14 : memref<1x128xi32, #tpu.memory_space<vmem>> -> memref<128xi32, #tpu.memory_space<vmem>>
      %dma_start3A_16 = arith.constant 0 : i32
      %dma_start3A_17 = arith.constant 0 : i32
      %dma_start3A_18 = tpu.memref_slice %arg2[%dma_start3A_16, %dma_start3A_17] : memref<10000x128xf32, #tpu.memory_space<hbm>> -> memref<10000x128xf32, #tpu.memory_space<hbm>>
      tpu.enqueue_indirect_dma source(%dma_start3A_18 : memref<10000x128xf32, #tpu.memory_space<hbm>>) target(%run_scoped3A_1 : memref<128x128xf32, #tpu.memory_space<vmem>>) offsets(%dma_start3A_15 : memref<128xi32, #tpu.memory_space<vmem>>) semaphore(%arg13 : memref<!tpu.dma_semaphore, #tpu.memory_space<semaphore_mem>>)
      %barrier3A_19 = arith.constant 0 : index
      tpu.barrier barrier_id(%barrier3A_19)
      %add3A_20 = arith.constant 0 : i32
      %add3A_21 = arith.addi %mul3A_5, %add3A_20 : i32
      %add3A_22 = arith.constant 16 : i32
      %add3A_23 = arith.addi %add3A_21, %add3A_22 : i32
      %dma_start3A_24 = arith.constant 0 : i32
      %dma_start3A_25 = tpu.memref_slice %arg3[%add3A_23, %dma_start3A_24] : memref<2560x128xi32, #tpu.memory_space<hbm>> -> memref<16x128xi32, #tpu.memory_space<hbm>>
      %dma_start3A_26 = arith.constant 0 : i32
      %dma_start3A_27 = tpu.memref_slice %arg3[%add3A_23, %dma_start3A_26] : memref<2560x128xi32, #tpu.memory_space<hbm>> -> memref<16x128xi32, #tpu.memory_space<hbm>>
      tpu.enqueue_dma source(%dma_start3A_27 : memref<16x128xi32, #tpu.memory_space<hbm>>) target(%arg9 : memref<16x128xi32, #tpu.memory_space<vmem>>) target_semaphore(%arg17 : memref<!tpu.dma_semaphore, #tpu.memory_space<semaphore_mem>>)
      %scan3A = arith.constant 0 : i32
      %scan3A_28 = arith.constant 0 : i32
      %scan3A_29 = arith.constant 7 : i32
      %scan3A_30 = arith.addi %scan3A_28, %scan3A_29 : i32
      %scan3A_31 = arith.constant 1 : i32
      %scan3A_32 = scf.for %scan3A_253 = %scan3A_28 to %scan3A_30 step %scan3A_31 iter_args(%scan3A_254 = %scan3A) -> (i32)  : i32 {
        %mul3A_255 = arith.constant 2 : i32
        %mul3A_256 = arith.muli %scan3A_253, %mul3A_255 : i32
        %add3A_257 = arith.constant 0 : i32
        %add3A_258 = arith.addi %mul3A_256, %add3A_257 : i32
        %dma_wait3A_259 = arith.constant 0 : i32
        %dma_wait3A_260 = tpu.memref_slice %arg8[%add3A_258, %dma_wait3A_259] : memref<16x128xi32, #tpu.memory_space<vmem>> -> memref<1x128xi32, #tpu.memory_space<vmem>>
        %dma_wait3A_261 = tpu.memref_squeeze %dma_wait3A_260 : memref<1x128xi32, #tpu.memory_space<vmem>> -> memref<128xi32, #tpu.memory_space<vmem>>
        %dma_wait3A_262 = arith.constant 0 : i32
        %dma_wait3A_263 = arith.constant 0 : i32
        %dma_wait3A_264 = tpu.memref_slice %arg2[%dma_wait3A_262, %dma_wait3A_263] : memref<10000x128xf32, #tpu.memory_space<hbm>> -> memref<10000x128xf32, #tpu.memory_space<hbm>>
        tpu.wait_indirect_dma semaphore(%arg12 : memref<!tpu.dma_semaphore, #tpu.memory_space<semaphore_mem>>) src(%dma_wait3A_264 : memref<10000x128xf32, #tpu.memory_space<hbm>>) dst(%run_scoped3A : memref<128x128xf32, #tpu.memory_space<vmem>>)
        %add3A_265 = arith.constant 0 : i32
        %add3A_266 = arith.addi %add3A_265, %add3A_258 : i32
        "tpu.region"() ({
          %run_scoped3A_296 = tpu.sem_alloc : memref<!tpu.dma_semaphore, #tpu.memory_space<semaphore_mem>>
          %dma_start3A_297 = arith.constant 0 : i32
          %dma_start3A_298 = tpu.memref_slice %arg10[%add3A_266, %dma_start3A_297] : memref<80x128xi32, #tpu.memory_space<vmem>> -> memref<1x128xi32, #tpu.memory_space<vmem>>
          %dma_start3A_299 = tpu.memref_squeeze %dma_start3A_298 : memref<1x128xi32, #tpu.memory_space<vmem>> -> memref<128xi32, #tpu.memory_space<vmem>>
          %dma_start3A_300 = arith.constant 0 : i32
          %dma_start3A_301 = arith.constant 0 : i32
          %dma_start3A_302 = tpu.memref_slice %arg7[%dma_start3A_300, %dma_start3A_301] : memref<10240x128xf32, #tpu.memory_space<vmem_shared>> -> memref<10240x128xf32, #tpu.memory_space<vmem_shared>>
          tpu.enqueue_indirect_dma source(%run_scoped3A : memref<128x128xf32, #tpu.memory_space<vmem>>) target(%dma_start3A_302 : memref<10240x128xf32, #tpu.memory_space<vmem_shared>>) offsets(%dma_start3A_299 : memref<128xi32, #tpu.memory_space<vmem>>) semaphore(%run_scoped3A_296 : memref<!tpu.dma_semaphore, #tpu.memory_space<semaphore_mem>>) {add = true}
          %dma_wait3A_303 = arith.constant 0 : i32
          %dma_wait3A_304 = tpu.memref_slice %arg10[%add3A_266, %dma_wait3A_303] : memref<80x128xi32, #tpu.memory_space<vmem>> -> memref<1x128xi32, #tpu.memory_space<vmem>>
          %dma_wait3A_305 = tpu.memref_squeeze %dma_wait3A_304 : memref<1x128xi32, #tpu.memory_space<vmem>> -> memref<128xi32, #tpu.memory_space<vmem>>
          %dma_wait3A_306 = arith.constant 0 : i32
          %dma_wait3A_307 = arith.constant 0 : i32
          %dma_wait3A_308 = tpu.memref_slice %arg7[%dma_wait3A_306, %dma_wait3A_307] : memref<10240x128xf32, #tpu.memory_space<vmem_shared>> -> memref<10240x128xf32, #tpu.memory_space<vmem_shared>>
          tpu.wait_indirect_dma semaphore(%run_scoped3A_296 : memref<!tpu.dma_semaphore, #tpu.memory_space<semaphore_mem>>) src(%run_scoped3A : memref<128x128xf32, #tpu.memory_space<vmem>>) dst(%dma_wait3A_308 : memref<10240x128xf32, #tpu.memory_space<vmem_shared>>)
          tpu.yield
        }) : () -> ()
        %add3A_267 = arith.constant 2 : i32
        %add3A_268 = arith.addi %add3A_258, %add3A_267 : i32
        %dma_start3A_269 = arith.constant 0 : i32
        %dma_start3A_270 = tpu.memref_slice %arg8[%add3A_268, %dma_start3A_269] : memref<16x128xi32, #tpu.memory_space<vmem>> -> memref<1x128xi32, #tpu.memory_space<vmem>>
        %dma_start3A_271 = tpu.memref_squeeze %dma_start3A_270 : memref<1x128xi32, #tpu.memory_space<vmem>> -> memref<128xi32, #tpu.memory_space<vmem>>
        %dma_start3A_272 = arith.constant 0 : i32
        %dma_start3A_273 = arith.constant 0 : i32
        %dma_start3A_274 = tpu.memref_slice %arg2[%dma_start3A_272, %dma_start3A_273] : memref<10000x128xf32, #tpu.memory_space<hbm>> -> memref<10000x128xf32, #tpu.memory_space<hbm>>
        tpu.enqueue_indirect_dma source(%dma_start3A_274 : memref<10000x128xf32, #tpu.memory_space<hbm>>) target(%run_scoped3A : memref<128x128xf32, #tpu.memory_space<vmem>>) offsets(%dma_start3A_271 : memref<128xi32, #tpu.memory_space<vmem>>) semaphore(%arg12 : memref<!tpu.dma_semaphore, #tpu.memory_space<semaphore_mem>>)
        %mul3A_275 = arith.constant 2 : i32
        %mul3A_276 = arith.muli %scan3A_253, %mul3A_275 : i32
        %add3A_277 = arith.constant 1 : i32
        %add3A_278 = arith.addi %mul3A_276, %add3A_277 : i32
        %dma_wait3A_279 = arith.constant 0 : i32
        %dma_wait3A_280 = tpu.memref_slice %arg8[%add3A_278, %dma_wait3A_279] : memref<16x128xi32, #tpu.memory_space<vmem>> -> memref<1x128xi32, #tpu.memory_space<vmem>>
        %dma_wait3A_281 = tpu.memref_squeeze %dma_wait3A_280 : memref<1x128xi32, #tpu.memory_space<vmem>> -> memref<128xi32, #tpu.memory_space<vmem>>
        %dma_wait3A_282 = arith.constant 0 : i32
        %dma_wait3A_283 = arith.constant 0 : i32
        %dma_wait3A_284 = tpu.memref_slice %arg2[%dma_wait3A_282, %dma_wait3A_283] : memref<10000x128xf32, #tpu.memory_space<hbm>> -> memref<10000x128xf32, #tpu.memory_space<hbm>>
        tpu.wait_indirect_dma semaphore(%arg13 : memref<!tpu.dma_semaphore, #tpu.memory_space<semaphore_mem>>) src(%dma_wait3A_284 : memref<10000x128xf32, #tpu.memory_space<hbm>>) dst(%run_scoped3A_1 : memref<128x128xf32, #tpu.memory_space<vmem>>)
        %add3A_285 = arith.constant 0 : i32
        %add3A_286 = arith.addi %add3A_285, %add3A_278 : i32
        "tpu.region"() ({
          %run_scoped3A_296 = tpu.sem_alloc : memref<!tpu.dma_semaphore, #tpu.memory_space<semaphore_mem>>
          %dma_start3A_297 = arith.constant 0 : i32
          %dma_start3A_298 = tpu.memref_slice %arg10[%add3A_286, %dma_start3A_297] : memref<80x128xi32, #tpu.memory_space<vmem>> -> memref<1x128xi32, #tpu.memory_space<vmem>>
          %dma_start3A_299 = tpu.memref_squeeze %dma_start3A_298 : memref<1x128xi32, #tpu.memory_space<vmem>> -> memref<128xi32, #tpu.memory_space<vmem>>
          %dma_start3A_300 = arith.constant 0 : i32
          %dma_start3A_301 = arith.constant 0 : i32
          %dma_start3A_302 = tpu.memref_slice %arg7[%dma_start3A_300, %dma_start3A_301] : memref<10240x128xf32, #tpu.memory_space<vmem_shared>> -> memref<10240x128xf32, #tpu.memory_space<vmem_shared>>
          tpu.enqueue_indirect_dma source(%run_scoped3A_1 : memref<128x128xf32, #tpu.memory_space<vmem>>) target(%dma_start3A_302 : memref<10240x128xf32, #tpu.memory_space<vmem_shared>>) offsets(%dma_start3A_299 : memref<128xi32, #tpu.memory_space<vmem>>) semaphore(%run_scoped3A_296 : memref<!tpu.dma_semaphore, #tpu.memory_space<semaphore_mem>>) {add = true}
          %dma_wait3A_303 = arith.constant 0 : i32
          %dma_wait3A_304 = tpu.memref_slice %arg10[%add3A_286, %dma_wait3A_303] : memref<80x128xi32, #tpu.memory_space<vmem>> -> memref<1x128xi32, #tpu.memory_space<vmem>>
          %dma_wait3A_305 = tpu.memref_squeeze %dma_wait3A_304 : memref<1x128xi32, #tpu.memory_space<vmem>> -> memref<128xi32, #tpu.memory_space<vmem>>
          %dma_wait3A_306 = arith.constant 0 : i32
          %dma_wait3A_307 = arith.constant 0 : i32
          %dma_wait3A_308 = tpu.memref_slice %arg7[%dma_wait3A_306, %dma_wait3A_307] : memref<10240x128xf32, #tpu.memory_space<vmem_shared>> -> memref<10240x128xf32, #tpu.memory_space<vmem_shared>>
          tpu.wait_indirect_dma semaphore(%run_scoped3A_296 : memref<!tpu.dma_semaphore, #tpu.memory_space<semaphore_mem>>) src(%run_scoped3A_1 : memref<128x128xf32, #tpu.memory_space<vmem>>) dst(%dma_wait3A_308 : memref<10240x128xf32, #tpu.memory_space<vmem_shared>>)
          tpu.yield
        }) : () -> ()
        %add3A_287 = arith.constant 2 : i32
        %add3A_288 = arith.addi %add3A_278, %add3A_287 : i32
        %dma_start3A_289 = arith.constant 0 : i32
        %dma_start3A_290 = tpu.memref_slice %arg8[%add3A_288, %dma_start3A_289] : memref<16x128xi32, #tpu.memory_space<vmem>> -> memref<1x128xi32, #tpu.memory_space<vmem>>
        %dma_start3A_291 = tpu.memref_squeeze %dma_start3A_290 : memref<1x128xi32, #tpu.memory_space<vmem>> -> memref<128xi32, #tpu.memory_space<vmem>>
        %dma_start3A_292 = arith.constant 0 : i32
        %dma_start3A_293 = arith.constant 0 : i32
        %dma_start3A_294 = tpu.memref_slice %arg2[%dma_start3A_292, %dma_start3A_293] : memref<10000x128xf32, #tpu.memory_space<hbm>> -> memref<10000x128xf32, #tpu.memory_space<hbm>>
        tpu.enqueue_indirect_dma source(%dma_start3A_294 : memref<10000x128xf32, #tpu.memory_space<hbm>>) target(%run_scoped3A_1 : memref<128x128xf32, #tpu.memory_space<vmem>>) offsets(%dma_start3A_291 : memref<128xi32, #tpu.memory_space<vmem>>) semaphore(%arg13 : memref<!tpu.dma_semaphore, #tpu.memory_space<semaphore_mem>>)
        %scan3A_295 = arith.constant 0 : i32
        scf.yield %scan3A_295 : i32
      }
      %scan3A_33 = arith.constant 7 : i32
      %add3A_34 = arith.constant 0 : i32
      %add3A_35 = arith.addi %mul3A_5, %add3A_34 : i32
      %add3A_36 = arith.constant 16 : i32
      %add3A_37 = arith.addi %add3A_35, %add3A_36 : i32
      %dma_wait3A = arith.constant 0 : i32
      %dma_wait3A_38 = tpu.memref_slice %arg3[%add3A_37, %dma_wait3A] : memref<2560x128xi32, #tpu.memory_space<hbm>> -> memref<16x128xi32, #tpu.memory_space<hbm>>
      %dma_wait3A_39 = arith.constant 0 : i32
      %dma_wait3A_40 = tpu.memref_slice %arg3[%add3A_37, %dma_wait3A_39] : memref<2560x128xi32, #tpu.memory_space<hbm>> -> memref<16x128xi32, #tpu.memory_space<hbm>>
      tpu.wait_dma2 semaphore(%arg17 : memref<!tpu.dma_semaphore, #tpu.memory_space<semaphore_mem>>) src(%dma_wait3A_40 : memref<16x128xi32, #tpu.memory_space<hbm>>) dst(%arg9 : memref<16x128xi32, #tpu.memory_space<vmem>>)
      %dma_wait3A_41 = arith.constant 14 : i32
      %dma_wait3A_42 = arith.constant 0 : i32
      %dma_wait3A_43 = tpu.memref_slice %arg8[%dma_wait3A_41, %dma_wait3A_42] : memref<16x128xi32, #tpu.memory_space<vmem>> -> memref<1x128xi32, #tpu.memory_space<vmem>>
      %dma_wait3A_44 = tpu.memref_squeeze %dma_wait3A_43 : memref<1x128xi32, #tpu.memory_space<vmem>> -> memref<128xi32, #tpu.memory_space<vmem>>
      %dma_wait3A_45 = arith.constant 0 : i32
      %dma_wait3A_46 = arith.constant 0 : i32
      %dma_wait3A_47 = tpu.memref_slice %arg2[%dma_wait3A_45, %dma_wait3A_46] : memref<10000x128xf32, #tpu.memory_space<hbm>> -> memref<10000x128xf32, #tpu.memory_space<hbm>>
      tpu.wait_indirect_dma semaphore(%arg12 : memref<!tpu.dma_semaphore, #tpu.memory_space<semaphore_mem>>) src(%dma_wait3A_47 : memref<10000x128xf32, #tpu.memory_space<hbm>>) dst(%run_scoped3A : memref<128x128xf32, #tpu.memory_space<vmem>>)
      %run_scoped3A_48 = arith.constant 14 : i32
      "tpu.region"() ({
        %run_scoped3A_253 = tpu.sem_alloc : memref<!tpu.dma_semaphore, #tpu.memory_space<semaphore_mem>>
        %dma_start3A_254 = arith.constant 0 : i32
        %dma_start3A_255 = tpu.memref_slice %arg10[%run_scoped3A_48, %dma_start3A_254] : memref<80x128xi32, #tpu.memory_space<vmem>> -> memref<1x128xi32, #tpu.memory_space<vmem>>
        %dma_start3A_256 = tpu.memref_squeeze %dma_start3A_255 : memref<1x128xi32, #tpu.memory_space<vmem>> -> memref<128xi32, #tpu.memory_space<vmem>>
        %dma_start3A_257 = arith.constant 0 : i32
        %dma_start3A_258 = arith.constant 0 : i32
        %dma_start3A_259 = tpu.memref_slice %arg7[%dma_start3A_257, %dma_start3A_258] : memref<10240x128xf32, #tpu.memory_space<vmem_shared>> -> memref<10240x128xf32, #tpu.memory_space<vmem_shared>>
        tpu.enqueue_indirect_dma source(%run_scoped3A : memref<128x128xf32, #tpu.memory_space<vmem>>) target(%dma_start3A_259 : memref<10240x128xf32, #tpu.memory_space<vmem_shared>>) offsets(%dma_start3A_256 : memref<128xi32, #tpu.memory_space<vmem>>) semaphore(%run_scoped3A_253 : memref<!tpu.dma_semaphore, #tpu.memory_space<semaphore_mem>>) {add = true}
        %dma_wait3A_260 = arith.constant 0 : i32
        %dma_wait3A_261 = tpu.memref_slice %arg10[%run_scoped3A_48, %dma_wait3A_260] : memref<80x128xi32, #tpu.memory_space<vmem>> -> memref<1x128xi32, #tpu.memory_space<vmem>>
        %dma_wait3A_262 = tpu.memref_squeeze %dma_wait3A_261 : memref<1x128xi32, #tpu.memory_space<vmem>> -> memref<128xi32, #tpu.memory_space<vmem>>
        %dma_wait3A_263 = arith.constant 0 : i32
        %dma_wait3A_264 = arith.constant 0 : i32
        %dma_wait3A_265 = tpu.memref_slice %arg7[%dma_wait3A_263, %dma_wait3A_264] : memref<10240x128xf32, #tpu.memory_space<vmem_shared>> -> memref<10240x128xf32, #tpu.memory_space<vmem_shared>>
        tpu.wait_indirect_dma semaphore(%run_scoped3A_253 : memref<!tpu.dma_semaphore, #tpu.memory_space<semaphore_mem>>) src(%run_scoped3A : memref<128x128xf32, #tpu.memory_space<vmem>>) dst(%dma_wait3A_265 : memref<10240x128xf32, #tpu.memory_space<vmem_shared>>)
        tpu.yield
      }) : () -> ()
      %dma_start3A_49 = arith.constant 0 : i32
      %dma_start3A_50 = arith.constant 0 : i32
      %dma_start3A_51 = tpu.memref_slice %arg9[%dma_start3A_49, %dma_start3A_50] : memref<16x128xi32, #tpu.memory_space<vmem>> -> memref<1x128xi32, #tpu.memory_space<vmem>>
      %dma_start3A_52 = tpu.memref_squeeze %dma_start3A_51 : memref<1x128xi32, #tpu.memory_space<vmem>> -> memref<128xi32, #tpu.memory_space<vmem>>
      %dma_start3A_53 = arith.constant 0 : i32
      %dma_start3A_54 = arith.constant 0 : i32
      %dma_start3A_55 = tpu.memref_slice %arg2[%dma_start3A_53, %dma_start3A_54] : memref<10000x128xf32, #tpu.memory_space<hbm>> -> memref<10000x128xf32, #tpu.memory_space<hbm>>
      tpu.enqueue_indirect_dma source(%dma_start3A_55 : memref<10000x128xf32, #tpu.memory_space<hbm>>) target(%run_scoped3A : memref<128x128xf32, #tpu.memory_space<vmem>>) offsets(%dma_start3A_52 : memref<128xi32, #tpu.memory_space<vmem>>) semaphore(%arg12 : memref<!tpu.dma_semaphore, #tpu.memory_space<semaphore_mem>>)
      %dma_wait3A_56 = arith.constant 15 : i32
      %dma_wait3A_57 = arith.constant 0 : i32
      %dma_wait3A_58 = tpu.memref_slice %arg8[%dma_wait3A_56, %dma_wait3A_57] : memref<16x128xi32, #tpu.memory_space<vmem>> -> memref<1x128xi32, #tpu.memory_space<vmem>>
      %dma_wait3A_59 = tpu.memref_squeeze %dma_wait3A_58 : memref<1x128xi32, #tpu.memory_space<vmem>> -> memref<128xi32, #tpu.memory_space<vmem>>
      %dma_wait3A_60 = arith.constant 0 : i32
      %dma_wait3A_61 = arith.constant 0 : i32
      %dma_wait3A_62 = tpu.memref_slice %arg2[%dma_wait3A_60, %dma_wait3A_61] : memref<10000x128xf32, #tpu.memory_space<hbm>> -> memref<10000x128xf32, #tpu.memory_space<hbm>>
      tpu.wait_indirect_dma semaphore(%arg13 : memref<!tpu.dma_semaphore, #tpu.memory_space<semaphore_mem>>) src(%dma_wait3A_62 : memref<10000x128xf32, #tpu.memory_space<hbm>>) dst(%run_scoped3A_1 : memref<128x128xf32, #tpu.memory_space<vmem>>)
      %run_scoped3A_63 = arith.constant 15 : i32
      "tpu.region"() ({
        %run_scoped3A_253 = tpu.sem_alloc : memref<!tpu.dma_semaphore, #tpu.memory_space<semaphore_mem>>
        %dma_start3A_254 = arith.constant 0 : i32
        %dma_start3A_255 = tpu.memref_slice %arg10[%run_scoped3A_63, %dma_start3A_254] : memref<80x128xi32, #tpu.memory_space<vmem>> -> memref<1x128xi32, #tpu.memory_space<vmem>>
        %dma_start3A_256 = tpu.memref_squeeze %dma_start3A_255 : memref<1x128xi32, #tpu.memory_space<vmem>> -> memref<128xi32, #tpu.memory_space<vmem>>
        %dma_start3A_257 = arith.constant 0 : i32
        %dma_start3A_258 = arith.constant 0 : i32
        %dma_start3A_259 = tpu.memref_slice %arg7[%dma_start3A_257, %dma_start3A_258] : memref<10240x128xf32, #tpu.memory_space<vmem_shared>> -> memref<10240x128xf32, #tpu.memory_space<vmem_shared>>
        tpu.enqueue_indirect_dma source(%run_scoped3A_1 : memref<128x128xf32, #tpu.memory_space<vmem>>) target(%dma_start3A_259 : memref<10240x128xf32, #tpu.memory_space<vmem_shared>>) offsets(%dma_start3A_256 : memref<128xi32, #tpu.memory_space<vmem>>) semaphore(%run_scoped3A_253 : memref<!tpu.dma_semaphore, #tpu.memory_space<semaphore_mem>>) {add = true}
        %dma_wait3A_260 = arith.constant 0 : i32
        %dma_wait3A_261 = tpu.memref_slice %arg10[%run_scoped3A_63, %dma_wait3A_260] : memref<80x128xi32, #tpu.memory_space<vmem>> -> memref<1x128xi32, #tpu.memory_space<vmem>>
        %dma_wait3A_262 = tpu.memref_squeeze %dma_wait3A_261 : memref<1x128xi32, #tpu.memory_space<vmem>> -> memref<128xi32, #tpu.memory_space<vmem>>
        %dma_wait3A_263 = arith.constant 0 : i32
        %dma_wait3A_264 = arith.constant 0 : i32
        %dma_wait3A_265 = tpu.memref_slice %arg7[%dma_wait3A_263, %dma_wait3A_264] : memref<10240x128xf32, #tpu.memory_space<vmem_shared>> -> memref<10240x128xf32, #tpu.memory_space<vmem_shared>>
        tpu.wait_indirect_dma semaphore(%run_scoped3A_253 : memref<!tpu.dma_semaphore, #tpu.memory_space<semaphore_mem>>) src(%run_scoped3A_1 : memref<128x128xf32, #tpu.memory_space<vmem>>) dst(%dma_wait3A_265 : memref<10240x128xf32, #tpu.memory_space<vmem_shared>>)
        tpu.yield
      }) : () -> ()
      %dma_start3A_64 = arith.constant 1 : i32
      %dma_start3A_65 = arith.constant 0 : i32
      %dma_start3A_66 = tpu.memref_slice %arg9[%dma_start3A_64, %dma_start3A_65] : memref<16x128xi32, #tpu.memory_space<vmem>> -> memref<1x128xi32, #tpu.memory_space<vmem>>
      %dma_start3A_67 = tpu.memref_squeeze %dma_start3A_66 : memref<1x128xi32, #tpu.memory_space<vmem>> -> memref<128xi32, #tpu.memory_space<vmem>>
      %dma_start3A_68 = arith.constant 0 : i32
      %dma_start3A_69 = arith.constant 0 : i32
      %dma_start3A_70 = tpu.memref_slice %arg2[%dma_start3A_68, %dma_start3A_69] : memref<10000x128xf32, #tpu.memory_space<hbm>> -> memref<10000x128xf32, #tpu.memory_space<hbm>>
      tpu.enqueue_indirect_dma source(%dma_start3A_70 : memref<10000x128xf32, #tpu.memory_space<hbm>>) target(%run_scoped3A_1 : memref<128x128xf32, #tpu.memory_space<vmem>>) offsets(%dma_start3A_67 : memref<128xi32, #tpu.memory_space<vmem>>) semaphore(%arg13 : memref<!tpu.dma_semaphore, #tpu.memory_space<semaphore_mem>>)
      %add3A_71 = arith.constant 16 : i32
      %add3A_72 = arith.addi %mul3A_5, %add3A_71 : i32
      %add3A_73 = arith.constant 16 : i32
      %add3A_74 = arith.addi %add3A_72, %add3A_73 : i32
      %dma_start3A_75 = arith.constant 0 : i32
      %dma_start3A_76 = tpu.memref_slice %arg3[%add3A_74, %dma_start3A_75] : memref<2560x128xi32, #tpu.memory_space<hbm>> -> memref<16x128xi32, #tpu.memory_space<hbm>>
      %dma_start3A_77 = arith.constant 0 : i32
      %dma_start3A_78 = tpu.memref_slice %arg3[%add3A_74, %dma_start3A_77] : memref<2560x128xi32, #tpu.memory_space<hbm>> -> memref<16x128xi32, #tpu.memory_space<hbm>>
      tpu.enqueue_dma source(%dma_start3A_78 : memref<16x128xi32, #tpu.memory_space<hbm>>) target(%arg8 : memref<16x128xi32, #tpu.memory_space<vmem>>) target_semaphore(%arg16 : memref<!tpu.dma_semaphore, #tpu.memory_space<semaphore_mem>>)
      %scan3A_79 = arith.constant 0 : i32
      %scan3A_80 = arith.constant 0 : i32
      %scan3A_81 = arith.constant 7 : i32
      %scan3A_82 = arith.addi %scan3A_80, %scan3A_81 : i32
      %scan3A_83 = arith.constant 1 : i32
      %scan3A_84 = scf.for %scan3A_253 = %scan3A_80 to %scan3A_82 step %scan3A_83 iter_args(%scan3A_254 = %scan3A_79) -> (i32)  : i32 {
        %mul3A_255 = arith.constant 2 : i32
        %mul3A_256 = arith.muli %scan3A_253, %mul3A_255 : i32
        %add3A_257 = arith.constant 0 : i32
        %add3A_258 = arith.addi %mul3A_256, %add3A_257 : i32
        %dma_wait3A_259 = arith.constant 0 : i32
        %dma_wait3A_260 = tpu.memref_slice %arg9[%add3A_258, %dma_wait3A_259] : memref<16x128xi32, #tpu.memory_space<vmem>> -> memref<1x128xi32, #tpu.memory_space<vmem>>
        %dma_wait3A_261 = tpu.memref_squeeze %dma_wait3A_260 : memref<1x128xi32, #tpu.memory_space<vmem>> -> memref<128xi32, #tpu.memory_space<vmem>>
        %dma_wait3A_262 = arith.constant 0 : i32
        %dma_wait3A_263 = arith.constant 0 : i32
        %dma_wait3A_264 = tpu.memref_slice %arg2[%dma_wait3A_262, %dma_wait3A_263] : memref<10000x128xf32, #tpu.memory_space<hbm>> -> memref<10000x128xf32, #tpu.memory_space<hbm>>
        tpu.wait_indirect_dma semaphore(%arg12 : memref<!tpu.dma_semaphore, #tpu.memory_space<semaphore_mem>>) src(%dma_wait3A_264 : memref<10000x128xf32, #tpu.memory_space<hbm>>) dst(%run_scoped3A : memref<128x128xf32, #tpu.memory_space<vmem>>)
        %add3A_265 = arith.constant 16 : i32
        %add3A_266 = arith.addi %add3A_265, %add3A_258 : i32
        "tpu.region"() ({
          %run_scoped3A_296 = tpu.sem_alloc : memref<!tpu.dma_semaphore, #tpu.memory_space<semaphore_mem>>
          %dma_start3A_297 = arith.constant 0 : i32
          %dma_start3A_298 = tpu.memref_slice %arg10[%add3A_266, %dma_start3A_297] : memref<80x128xi32, #tpu.memory_space<vmem>> -> memref<1x128xi32, #tpu.memory_space<vmem>>
          %dma_start3A_299 = tpu.memref_squeeze %dma_start3A_298 : memref<1x128xi32, #tpu.memory_space<vmem>> -> memref<128xi32, #tpu.memory_space<vmem>>
          %dma_start3A_300 = arith.constant 0 : i32
          %dma_start3A_301 = arith.constant 0 : i32
          %dma_start3A_302 = tpu.memref_slice %arg7[%dma_start3A_300, %dma_start3A_301] : memref<10240x128xf32, #tpu.memory_space<vmem_shared>> -> memref<10240x128xf32, #tpu.memory_space<vmem_shared>>
          tpu.enqueue_indirect_dma source(%run_scoped3A : memref<128x128xf32, #tpu.memory_space<vmem>>) target(%dma_start3A_302 : memref<10240x128xf32, #tpu.memory_space<vmem_shared>>) offsets(%dma_start3A_299 : memref<128xi32, #tpu.memory_space<vmem>>) semaphore(%run_scoped3A_296 : memref<!tpu.dma_semaphore, #tpu.memory_space<semaphore_mem>>) {add = true}
          %dma_wait3A_303 = arith.constant 0 : i32
          %dma_wait3A_304 = tpu.memref_slice %arg10[%add3A_266, %dma_wait3A_303] : memref<80x128xi32, #tpu.memory_space<vmem>> -> memref<1x128xi32, #tpu.memory_space<vmem>>
          %dma_wait3A_305 = tpu.memref_squeeze %dma_wait3A_304 : memref<1x128xi32, #tpu.memory_space<vmem>> -> memref<128xi32, #tpu.memory_space<vmem>>
          %dma_wait3A_306 = arith.constant 0 : i32
          %dma_wait3A_307 = arith.constant 0 : i32
          %dma_wait3A_308 = tpu.memref_slice %arg7[%dma_wait3A_306, %dma_wait3A_307] : memref<10240x128xf32, #tpu.memory_space<vmem_shared>> -> memref<10240x128xf32, #tpu.memory_space<vmem_shared>>
          tpu.wait_indirect_dma semaphore(%run_scoped3A_296 : memref<!tpu.dma_semaphore, #tpu.memory_space<semaphore_mem>>) src(%run_scoped3A : memref<128x128xf32, #tpu.memory_space<vmem>>) dst(%dma_wait3A_308 : memref<10240x128xf32, #tpu.memory_space<vmem_shared>>)
          tpu.yield
        }) : () -> ()
        %add3A_267 = arith.constant 2 : i32
        %add3A_268 = arith.addi %add3A_258, %add3A_267 : i32
        %dma_start3A_269 = arith.constant 0 : i32
        %dma_start3A_270 = tpu.memref_slice %arg9[%add3A_268, %dma_start3A_269] : memref<16x128xi32, #tpu.memory_space<vmem>> -> memref<1x128xi32, #tpu.memory_space<vmem>>
        %dma_start3A_271 = tpu.memref_squeeze %dma_start3A_270 : memref<1x128xi32, #tpu.memory_space<vmem>> -> memref<128xi32, #tpu.memory_space<vmem>>
        %dma_start3A_272 = arith.constant 0 : i32
        %dma_start3A_273 = arith.constant 0 : i32
        %dma_start3A_274 = tpu.memref_slice %arg2[%dma_start3A_272, %dma_start3A_273] : memref<10000x128xf32, #tpu.memory_space<hbm>> -> memref<10000x128xf32, #tpu.memory_space<hbm>>
        tpu.enqueue_indirect_dma source(%dma_start3A_274 : memref<10000x128xf32, #tpu.memory_space<hbm>>) target(%run_scoped3A : memref<128x128xf32, #tpu.memory_space<vmem>>) offsets(%dma_start3A_271 : memref<128xi32, #tpu.memory_space<vmem>>) semaphore(%arg12 : memref<!tpu.dma_semaphore, #tpu.memory_space<semaphore_mem>>)
        %mul3A_275 = arith.constant 2 : i32
        %mul3A_276 = arith.muli %scan3A_253, %mul3A_275 : i32
        %add3A_277 = arith.constant 1 : i32
        %add3A_278 = arith.addi %mul3A_276, %add3A_277 : i32
        %dma_wait3A_279 = arith.constant 0 : i32
        %dma_wait3A_280 = tpu.memref_slice %arg9[%add3A_278, %dma_wait3A_279] : memref<16x128xi32, #tpu.memory_space<vmem>> -> memref<1x128xi32, #tpu.memory_space<vmem>>
        %dma_wait3A_281 = tpu.memref_squeeze %dma_wait3A_280 : memref<1x128xi32, #tpu.memory_space<vmem>> -> memref<128xi32, #tpu.memory_space<vmem>>
        %dma_wait3A_282 = arith.constant 0 : i32
        %dma_wait3A_283 = arith.constant 0 : i32
        %dma_wait3A_284 = tpu.memref_slice %arg2[%dma_wait3A_282, %dma_wait3A_283] : memref<10000x128xf32, #tpu.memory_space<hbm>> -> memref<10000x128xf32, #tpu.memory_space<hbm>>
        tpu.wait_indirect_dma semaphore(%arg13 : memref<!tpu.dma_semaphore, #tpu.memory_space<semaphore_mem>>) src(%dma_wait3A_284 : memref<10000x128xf32, #tpu.memory_space<hbm>>) dst(%run_scoped3A_1 : memref<128x128xf32, #tpu.memory_space<vmem>>)
        %add3A_285 = arith.constant 16 : i32
        %add3A_286 = arith.addi %add3A_285, %add3A_278 : i32
        "tpu.region"() ({
          %run_scoped3A_296 = tpu.sem_alloc : memref<!tpu.dma_semaphore, #tpu.memory_space<semaphore_mem>>
          %dma_start3A_297 = arith.constant 0 : i32
          %dma_start3A_298 = tpu.memref_slice %arg10[%add3A_286, %dma_start3A_297] : memref<80x128xi32, #tpu.memory_space<vmem>> -> memref<1x128xi32, #tpu.memory_space<vmem>>
          %dma_start3A_299 = tpu.memref_squeeze %dma_start3A_298 : memref<1x128xi32, #tpu.memory_space<vmem>> -> memref<128xi32, #tpu.memory_space<vmem>>
          %dma_start3A_300 = arith.constant 0 : i32
          %dma_start3A_301 = arith.constant 0 : i32
          %dma_start3A_302 = tpu.memref_slice %arg7[%dma_start3A_300, %dma_start3A_301] : memref<10240x128xf32, #tpu.memory_space<vmem_shared>> -> memref<10240x128xf32, #tpu.memory_space<vmem_shared>>
          tpu.enqueue_indirect_dma source(%run_scoped3A_1 : memref<128x128xf32, #tpu.memory_space<vmem>>) target(%dma_start3A_302 : memref<10240x128xf32, #tpu.memory_space<vmem_shared>>) offsets(%dma_start3A_299 : memref<128xi32, #tpu.memory_space<vmem>>) semaphore(%run_scoped3A_296 : memref<!tpu.dma_semaphore, #tpu.memory_space<semaphore_mem>>) {add = true}
          %dma_wait3A_303 = arith.constant 0 : i32
          %dma_wait3A_304 = tpu.memref_slice %arg10[%add3A_286, %dma_wait3A_303] : memref<80x128xi32, #tpu.memory_space<vmem>> -> memref<1x128xi32, #tpu.memory_space<vmem>>
          %dma_wait3A_305 = tpu.memref_squeeze %dma_wait3A_304 : memref<1x128xi32, #tpu.memory_space<vmem>> -> memref<128xi32, #tpu.memory_space<vmem>>
          %dma_wait3A_306 = arith.constant 0 : i32
          %dma_wait3A_307 = arith.constant 0 : i32
          %dma_wait3A_308 = tpu.memref_slice %arg7[%dma_wait3A_306, %dma_wait3A_307] : memref<10240x128xf32, #tpu.memory_space<vmem_shared>> -> memref<10240x128xf32, #tpu.memory_space<vmem_shared>>
          tpu.wait_indirect_dma semaphore(%run_scoped3A_296 : memref<!tpu.dma_semaphore, #tpu.memory_space<semaphore_mem>>) src(%run_scoped3A_1 : memref<128x128xf32, #tpu.memory_space<vmem>>) dst(%dma_wait3A_308 : memref<10240x128xf32, #tpu.memory_space<vmem_shared>>)
          tpu.yield
        }) : () -> ()
        %add3A_287 = arith.constant 2 : i32
        %add3A_288 = arith.addi %add3A_278, %add3A_287 : i32
        %dma_start3A_289 = arith.constant 0 : i32
        %dma_start3A_290 = tpu.memref_slice %arg9[%add3A_288, %dma_start3A_289] : memref<16x128xi32, #tpu.memory_space<vmem>> -> memref<1x128xi32, #tpu.memory_space<vmem>>
        %dma_start3A_291 = tpu.memref_squeeze %dma_start3A_290 : memref<1x128xi32, #tpu.memory_space<vmem>> -> memref<128xi32, #tpu.memory_space<vmem>>
        %dma_start3A_292 = arith.constant 0 : i32
        %dma_start3A_293 = arith.constant 0 : i32
        %dma_start3A_294 = tpu.memref_slice %arg2[%dma_start3A_292, %dma_start3A_293] : memref<10000x128xf32, #tpu.memory_space<hbm>> -> memref<10000x128xf32, #tpu.memory_space<hbm>>
        tpu.enqueue_indirect_dma source(%dma_start3A_294 : memref<10000x128xf32, #tpu.memory_space<hbm>>) target(%run_scoped3A_1 : memref<128x128xf32, #tpu.memory_space<vmem>>) offsets(%dma_start3A_291 : memref<128xi32, #tpu.memory_space<vmem>>) semaphore(%arg13 : memref<!tpu.dma_semaphore, #tpu.memory_space<semaphore_mem>>)
        %scan3A_295 = arith.constant 0 : i32
        scf.yield %scan3A_295 : i32
      }
      %scan3A_85 = arith.constant 7 : i32
      %add3A_86 = arith.constant 16 : i32
      %add3A_87 = arith.addi %mul3A_5, %add3A_86 : i32
      %add3A_88 = arith.constant 16 : i32
      %add3A_89 = arith.addi %add3A_87, %add3A_88 : i32
      %dma_wait3A_90 = arith.constant 0 : i32
      %dma_wait3A_91 = tpu.memref_slice %arg3[%add3A_89, %dma_wait3A_90] : memref<2560x128xi32, #tpu.memory_space<hbm>> -> memref<16x128xi32, #tpu.memory_space<hbm>>
      %dma_wait3A_92 = arith.constant 0 : i32
      %dma_wait3A_93 = tpu.memref_slice %arg3[%add3A_89, %dma_wait3A_92] : memref<2560x128xi32, #tpu.memory_space<hbm>> -> memref<16x128xi32, #tpu.memory_space<hbm>>
      tpu.wait_dma2 semaphore(%arg16 : memref<!tpu.dma_semaphore, #tpu.memory_space<semaphore_mem>>) src(%dma_wait3A_93 : memref<16x128xi32, #tpu.memory_space<hbm>>) dst(%arg8 : memref<16x128xi32, #tpu.memory_space<vmem>>)
      %dma_wait3A_94 = arith.constant 14 : i32
      %dma_wait3A_95 = arith.constant 0 : i32
      %dma_wait3A_96 = tpu.memref_slice %arg9[%dma_wait3A_94, %dma_wait3A_95] : memref<16x128xi32, #tpu.memory_space<vmem>> -> memref<1x128xi32, #tpu.memory_space<vmem>>
      %dma_wait3A_97 = tpu.memref_squeeze %dma_wait3A_96 : memref<1x128xi32, #tpu.memory_space<vmem>> -> memref<128xi32, #tpu.memory_space<vmem>>
      %dma_wait3A_98 = arith.constant 0 : i32
      %dma_wait3A_99 = arith.constant 0 : i32
      %dma_wait3A_100 = tpu.memref_slice %arg2[%dma_wait3A_98, %dma_wait3A_99] : memref<10000x128xf32, #tpu.memory_space<hbm>> -> memref<10000x128xf32, #tpu.memory_space<hbm>>
      tpu.wait_indirect_dma semaphore(%arg12 : memref<!tpu.dma_semaphore, #tpu.memory_space<semaphore_mem>>) src(%dma_wait3A_100 : memref<10000x128xf32, #tpu.memory_space<hbm>>) dst(%run_scoped3A : memref<128x128xf32, #tpu.memory_space<vmem>>)
      %run_scoped3A_101 = arith.constant 30 : i32
      "tpu.region"() ({
        %run_scoped3A_253 = tpu.sem_alloc : memref<!tpu.dma_semaphore, #tpu.memory_space<semaphore_mem>>
        %dma_start3A_254 = arith.constant 0 : i32
        %dma_start3A_255 = tpu.memref_slice %arg10[%run_scoped3A_101, %dma_start3A_254] : memref<80x128xi32, #tpu.memory_space<vmem>> -> memref<1x128xi32, #tpu.memory_space<vmem>>
        %dma_start3A_256 = tpu.memref_squeeze %dma_start3A_255 : memref<1x128xi32, #tpu.memory_space<vmem>> -> memref<128xi32, #tpu.memory_space<vmem>>
        %dma_start3A_257 = arith.constant 0 : i32
        %dma_start3A_258 = arith.constant 0 : i32
        %dma_start3A_259 = tpu.memref_slice %arg7[%dma_start3A_257, %dma_start3A_258] : memref<10240x128xf32, #tpu.memory_space<vmem_shared>> -> memref<10240x128xf32, #tpu.memory_space<vmem_shared>>
        tpu.enqueue_indirect_dma source(%run_scoped3A : memref<128x128xf32, #tpu.memory_space<vmem>>) target(%dma_start3A_259 : memref<10240x128xf32, #tpu.memory_space<vmem_shared>>) offsets(%dma_start3A_256 : memref<128xi32, #tpu.memory_space<vmem>>) semaphore(%run_scoped3A_253 : memref<!tpu.dma_semaphore, #tpu.memory_space<semaphore_mem>>) {add = true}
        %dma_wait3A_260 = arith.constant 0 : i32
        %dma_wait3A_261 = tpu.memref_slice %arg10[%run_scoped3A_101, %dma_wait3A_260] : memref<80x128xi32, #tpu.memory_space<vmem>> -> memref<1x128xi32, #tpu.memory_space<vmem>>
        %dma_wait3A_262 = tpu.memref_squeeze %dma_wait3A_261 : memref<1x128xi32, #tpu.memory_space<vmem>> -> memref<128xi32, #tpu.memory_space<vmem>>
        %dma_wait3A_263 = arith.constant 0 : i32
        %dma_wait3A_264 = arith.constant 0 : i32
        %dma_wait3A_265 = tpu.memref_slice %arg7[%dma_wait3A_263, %dma_wait3A_264] : memref<10240x128xf32, #tpu.memory_space<vmem_shared>> -> memref<10240x128xf32, #tpu.memory_space<vmem_shared>>
        tpu.wait_indirect_dma semaphore(%run_scoped3A_253 : memref<!tpu.dma_semaphore, #tpu.memory_space<semaphore_mem>>) src(%run_scoped3A : memref<128x128xf32, #tpu.memory_space<vmem>>) dst(%dma_wait3A_265 : memref<10240x128xf32, #tpu.memory_space<vmem_shared>>)
        tpu.yield
      }) : () -> ()
      %dma_start3A_102 = arith.constant 0 : i32
      %dma_start3A_103 = arith.constant 0 : i32
      %dma_start3A_104 = tpu.memref_slice %arg8[%dma_start3A_102, %dma_start3A_103] : memref<16x128xi32, #tpu.memory_space<vmem>> -> memref<1x128xi32, #tpu.memory_space<vmem>>
      %dma_start3A_105 = tpu.memref_squeeze %dma_start3A_104 : memref<1x128xi32, #tpu.memory_space<vmem>> -> memref<128xi32, #tpu.memory_space<vmem>>
      %dma_start3A_106 = arith.constant 0 : i32
      %dma_start3A_107 = arith.constant 0 : i32
      %dma_start3A_108 = tpu.memref_slice %arg2[%dma_start3A_106, %dma_start3A_107] : memref<10000x128xf32, #tpu.memory_space<hbm>> -> memref<10000x128xf32, #tpu.memory_space<hbm>>
      tpu.enqueue_indirect_dma source(%dma_start3A_108 : memref<10000x128xf32, #tpu.memory_space<hbm>>) target(%run_scoped3A : memref<128x128xf32, #tpu.memory_space<vmem>>) offsets(%dma_start3A_105 : memref<128xi32, #tpu.memory_space<vmem>>) semaphore(%arg12 : memref<!tpu.dma_semaphore, #tpu.memory_space<semaphore_mem>>)
      %dma_wait3A_109 = arith.constant 15 : i32
      %dma_wait3A_110 = arith.constant 0 : i32
      %dma_wait3A_111 = tpu.memref_slice %arg9[%dma_wait3A_109, %dma_wait3A_110] : memref<16x128xi32, #tpu.memory_space<vmem>> -> memref<1x128xi32, #tpu.memory_space<vmem>>
      %dma_wait3A_112 = tpu.memref_squeeze %dma_wait3A_111 : memref<1x128xi32, #tpu.memory_space<vmem>> -> memref<128xi32, #tpu.memory_space<vmem>>
      %dma_wait3A_113 = arith.constant 0 : i32
      %dma_wait3A_114 = arith.constant 0 : i32
      %dma_wait3A_115 = tpu.memref_slice %arg2[%dma_wait3A_113, %dma_wait3A_114] : memref<10000x128xf32, #tpu.memory_space<hbm>> -> memref<10000x128xf32, #tpu.memory_space<hbm>>
      tpu.wait_indirect_dma semaphore(%arg13 : memref<!tpu.dma_semaphore, #tpu.memory_space<semaphore_mem>>) src(%dma_wait3A_115 : memref<10000x128xf32, #tpu.memory_space<hbm>>) dst(%run_scoped3A_1 : memref<128x128xf32, #tpu.memory_space<vmem>>)
      %run_scoped3A_116 = arith.constant 31 : i32
      "tpu.region"() ({
        %run_scoped3A_253 = tpu.sem_alloc : memref<!tpu.dma_semaphore, #tpu.memory_space<semaphore_mem>>
        %dma_start3A_254 = arith.constant 0 : i32
        %dma_start3A_255 = tpu.memref_slice %arg10[%run_scoped3A_116, %dma_start3A_254] : memref<80x128xi32, #tpu.memory_space<vmem>> -> memref<1x128xi32, #tpu.memory_space<vmem>>
        %dma_start3A_256 = tpu.memref_squeeze %dma_start3A_255 : memref<1x128xi32, #tpu.memory_space<vmem>> -> memref<128xi32, #tpu.memory_space<vmem>>
        %dma_start3A_257 = arith.constant 0 : i32
        %dma_start3A_258 = arith.constant 0 : i32
        %dma_start3A_259 = tpu.memref_slice %arg7[%dma_start3A_257, %dma_start3A_258] : memref<10240x128xf32, #tpu.memory_space<vmem_shared>> -> memref<10240x128xf32, #tpu.memory_space<vmem_shared>>
        tpu.enqueue_indirect_dma source(%run_scoped3A_1 : memref<128x128xf32, #tpu.memory_space<vmem>>) target(%dma_start3A_259 : memref<10240x128xf32, #tpu.memory_space<vmem_shared>>) offsets(%dma_start3A_256 : memref<128xi32, #tpu.memory_space<vmem>>) semaphore(%run_scoped3A_253 : memref<!tpu.dma_semaphore, #tpu.memory_space<semaphore_mem>>) {add = true}
        %dma_wait3A_260 = arith.constant 0 : i32
        %dma_wait3A_261 = tpu.memref_slice %arg10[%run_scoped3A_116, %dma_wait3A_260] : memref<80x128xi32, #tpu.memory_space<vmem>> -> memref<1x128xi32, #tpu.memory_space<vmem>>
        %dma_wait3A_262 = tpu.memref_squeeze %dma_wait3A_261 : memref<1x128xi32, #tpu.memory_space<vmem>> -> memref<128xi32, #tpu.memory_space<vmem>>
        %dma_wait3A_263 = arith.constant 0 : i32
        %dma_wait3A_264 = arith.constant 0 : i32
        %dma_wait3A_265 = tpu.memref_slice %arg7[%dma_wait3A_263, %dma_wait3A_264] : memref<10240x128xf32, #tpu.memory_space<vmem_shared>> -> memref<10240x128xf32, #tpu.memory_space<vmem_shared>>
        tpu.wait_indirect_dma semaphore(%run_scoped3A_253 : memref<!tpu.dma_semaphore, #tpu.memory_space<semaphore_mem>>) src(%run_scoped3A_1 : memref<128x128xf32, #tpu.memory_space<vmem>>) dst(%dma_wait3A_265 : memref<10240x128xf32, #tpu.memory_space<vmem_shared>>)
        tpu.yield
      }) : () -> ()
      %dma_start3A_117 = arith.constant 1 : i32
      %dma_start3A_118 = arith.constant 0 : i32
      %dma_start3A_119 = tpu.memref_slice %arg8[%dma_start3A_117, %dma_start3A_118] : memref<16x128xi32, #tpu.memory_space<vmem>> -> memref<1x128xi32, #tpu.memory_space<vmem>>
      %dma_start3A_120 = tpu.memref_squeeze %dma_start3A_119 : memref<1x128xi32, #tpu.memory_space<vmem>> -> memref<128xi32, #tpu.memory_space<vmem>>
      %dma_start3A_121 = arith.constant 0 : i32
      %dma_start3A_122 = arith.constant 0 : i32
      %dma_start3A_123 = tpu.memref_slice %arg2[%dma_start3A_121, %dma_start3A_122] : memref<10000x128xf32, #tpu.memory_space<hbm>> -> memref<10000x128xf32, #tpu.memory_space<hbm>>
      tpu.enqueue_indirect_dma source(%dma_start3A_123 : memref<10000x128xf32, #tpu.memory_space<hbm>>) target(%run_scoped3A_1 : memref<128x128xf32, #tpu.memory_space<vmem>>) offsets(%dma_start3A_120 : memref<128xi32, #tpu.memory_space<vmem>>) semaphore(%arg13 : memref<!tpu.dma_semaphore, #tpu.memory_space<semaphore_mem>>)
      %add3A_124 = arith.constant 32 : i32
      %add3A_125 = arith.addi %mul3A_5, %add3A_124 : i32
      %add3A_126 = arith.constant 16 : i32
      %add3A_127 = arith.addi %add3A_125, %add3A_126 : i32
      %dma_start3A_128 = arith.constant 0 : i32
      %dma_start3A_129 = tpu.memref_slice %arg3[%add3A_127, %dma_start3A_128] : memref<2560x128xi32, #tpu.memory_space<hbm>> -> memref<16x128xi32, #tpu.memory_space<hbm>>
      %dma_start3A_130 = arith.constant 0 : i32
      %dma_start3A_131 = tpu.memref_slice %arg3[%add3A_127, %dma_start3A_130] : memref<2560x128xi32, #tpu.memory_space<hbm>> -> memref<16x128xi32, #tpu.memory_space<hbm>>
      tpu.enqueue_dma source(%dma_start3A_131 : memref<16x128xi32, #tpu.memory_space<hbm>>) target(%arg9 : memref<16x128xi32, #tpu.memory_space<vmem>>) target_semaphore(%arg17 : memref<!tpu.dma_semaphore, #tpu.memory_space<semaphore_mem>>)
      %scan3A_132 = arith.constant 0 : i32
      %scan3A_133 = arith.constant 0 : i32
      %scan3A_134 = arith.constant 7 : i32
      %scan3A_135 = arith.addi %scan3A_133, %scan3A_134 : i32
      %scan3A_136 = arith.constant 1 : i32
      %scan3A_137 = scf.for %scan3A_253 = %scan3A_133 to %scan3A_135 step %scan3A_136 iter_args(%scan3A_254 = %scan3A_132) -> (i32)  : i32 {
        %mul3A_255 = arith.constant 2 : i32
        %mul3A_256 = arith.muli %scan3A_253, %mul3A_255 : i32
        %add3A_257 = arith.constant 0 : i32
        %add3A_258 = arith.addi %mul3A_256, %add3A_257 : i32
        %dma_wait3A_259 = arith.constant 0 : i32
        %dma_wait3A_260 = tpu.memref_slice %arg8[%add3A_258, %dma_wait3A_259] : memref<16x128xi32, #tpu.memory_space<vmem>> -> memref<1x128xi32, #tpu.memory_space<vmem>>
        %dma_wait3A_261 = tpu.memref_squeeze %dma_wait3A_260 : memref<1x128xi32, #tpu.memory_space<vmem>> -> memref<128xi32, #tpu.memory_space<vmem>>
        %dma_wait3A_262 = arith.constant 0 : i32
        %dma_wait3A_263 = arith.constant 0 : i32
        %dma_wait3A_264 = tpu.memref_slice %arg2[%dma_wait3A_262, %dma_wait3A_263] : memref<10000x128xf32, #tpu.memory_space<hbm>> -> memref<10000x128xf32, #tpu.memory_space<hbm>>
        tpu.wait_indirect_dma semaphore(%arg12 : memref<!tpu.dma_semaphore, #tpu.memory_space<semaphore_mem>>) src(%dma_wait3A_264 : memref<10000x128xf32, #tpu.memory_space<hbm>>) dst(%run_scoped3A : memref<128x128xf32, #tpu.memory_space<vmem>>)
        %add3A_265 = arith.constant 32 : i32
        %add3A_266 = arith.addi %add3A_265, %add3A_258 : i32
        "tpu.region"() ({
          %run_scoped3A_296 = tpu.sem_alloc : memref<!tpu.dma_semaphore, #tpu.memory_space<semaphore_mem>>
          %dma_start3A_297 = arith.constant 0 : i32
          %dma_start3A_298 = tpu.memref_slice %arg10[%add3A_266, %dma_start3A_297] : memref<80x128xi32, #tpu.memory_space<vmem>> -> memref<1x128xi32, #tpu.memory_space<vmem>>
          %dma_start3A_299 = tpu.memref_squeeze %dma_start3A_298 : memref<1x128xi32, #tpu.memory_space<vmem>> -> memref<128xi32, #tpu.memory_space<vmem>>
          %dma_start3A_300 = arith.constant 0 : i32
          %dma_start3A_301 = arith.constant 0 : i32
          %dma_start3A_302 = tpu.memref_slice %arg7[%dma_start3A_300, %dma_start3A_301] : memref<10240x128xf32, #tpu.memory_space<vmem_shared>> -> memref<10240x128xf32, #tpu.memory_space<vmem_shared>>
          tpu.enqueue_indirect_dma source(%run_scoped3A : memref<128x128xf32, #tpu.memory_space<vmem>>) target(%dma_start3A_302 : memref<10240x128xf32, #tpu.memory_space<vmem_shared>>) offsets(%dma_start3A_299 : memref<128xi32, #tpu.memory_space<vmem>>) semaphore(%run_scoped3A_296 : memref<!tpu.dma_semaphore, #tpu.memory_space<semaphore_mem>>) {add = true}
          %dma_wait3A_303 = arith.constant 0 : i32
          %dma_wait3A_304 = tpu.memref_slice %arg10[%add3A_266, %dma_wait3A_303] : memref<80x128xi32, #tpu.memory_space<vmem>> -> memref<1x128xi32, #tpu.memory_space<vmem>>
          %dma_wait3A_305 = tpu.memref_squeeze %dma_wait3A_304 : memref<1x128xi32, #tpu.memory_space<vmem>> -> memref<128xi32, #tpu.memory_space<vmem>>
          %dma_wait3A_306 = arith.constant 0 : i32
          %dma_wait3A_307 = arith.constant 0 : i32
          %dma_wait3A_308 = tpu.memref_slice %arg7[%dma_wait3A_306, %dma_wait3A_307] : memref<10240x128xf32, #tpu.memory_space<vmem_shared>> -> memref<10240x128xf32, #tpu.memory_space<vmem_shared>>
          tpu.wait_indirect_dma semaphore(%run_scoped3A_296 : memref<!tpu.dma_semaphore, #tpu.memory_space<semaphore_mem>>) src(%run_scoped3A : memref<128x128xf32, #tpu.memory_space<vmem>>) dst(%dma_wait3A_308 : memref<10240x128xf32, #tpu.memory_space<vmem_shared>>)
          tpu.yield
        }) : () -> ()
        %add3A_267 = arith.constant 2 : i32
        %add3A_268 = arith.addi %add3A_258, %add3A_267 : i32
        %dma_start3A_269 = arith.constant 0 : i32
        %dma_start3A_270 = tpu.memref_slice %arg8[%add3A_268, %dma_start3A_269] : memref<16x128xi32, #tpu.memory_space<vmem>> -> memref<1x128xi32, #tpu.memory_space<vmem>>
        %dma_start3A_271 = tpu.memref_squeeze %dma_start3A_270 : memref<1x128xi32, #tpu.memory_space<vmem>> -> memref<128xi32, #tpu.memory_space<vmem>>
        %dma_start3A_272 = arith.constant 0 : i32
        %dma_start3A_273 = arith.constant 0 : i32
        %dma_start3A_274 = tpu.memref_slice %arg2[%dma_start3A_272, %dma_start3A_273] : memref<10000x128xf32, #tpu.memory_space<hbm>> -> memref<10000x128xf32, #tpu.memory_space<hbm>>
        tpu.enqueue_indirect_dma source(%dma_start3A_274 : memref<10000x128xf32, #tpu.memory_space<hbm>>) target(%run_scoped3A : memref<128x128xf32, #tpu.memory_space<vmem>>) offsets(%dma_start3A_271 : memref<128xi32, #tpu.memory_space<vmem>>) semaphore(%arg12 : memref<!tpu.dma_semaphore, #tpu.memory_space<semaphore_mem>>)
        %mul3A_275 = arith.constant 2 : i32
        %mul3A_276 = arith.muli %scan3A_253, %mul3A_275 : i32
        %add3A_277 = arith.constant 1 : i32
        %add3A_278 = arith.addi %mul3A_276, %add3A_277 : i32
        %dma_wait3A_279 = arith.constant 0 : i32
        %dma_wait3A_280 = tpu.memref_slice %arg8[%add3A_278, %dma_wait3A_279] : memref<16x128xi32, #tpu.memory_space<vmem>> -> memref<1x128xi32, #tpu.memory_space<vmem>>
        %dma_wait3A_281 = tpu.memref_squeeze %dma_wait3A_280 : memref<1x128xi32, #tpu.memory_space<vmem>> -> memref<128xi32, #tpu.memory_space<vmem>>
        %dma_wait3A_282 = arith.constant 0 : i32
        %dma_wait3A_283 = arith.constant 0 : i32
        %dma_wait3A_284 = tpu.memref_slice %arg2[%dma_wait3A_282, %dma_wait3A_283] : memref<10000x128xf32, #tpu.memory_space<hbm>> -> memref<10000x128xf32, #tpu.memory_space<hbm>>
        tpu.wait_indirect_dma semaphore(%arg13 : memref<!tpu.dma_semaphore, #tpu.memory_space<semaphore_mem>>) src(%dma_wait3A_284 : memref<10000x128xf32, #tpu.memory_space<hbm>>) dst(%run_scoped3A_1 : memref<128x128xf32, #tpu.memory_space<vmem>>)
        %add3A_285 = arith.constant 32 : i32
        %add3A_286 = arith.addi %add3A_285, %add3A_278 : i32
        "tpu.region"() ({
          %run_scoped3A_296 = tpu.sem_alloc : memref<!tpu.dma_semaphore, #tpu.memory_space<semaphore_mem>>
          %dma_start3A_297 = arith.constant 0 : i32
          %dma_start3A_298 = tpu.memref_slice %arg10[%add3A_286, %dma_start3A_297] : memref<80x128xi32, #tpu.memory_space<vmem>> -> memref<1x128xi32, #tpu.memory_space<vmem>>
          %dma_start3A_299 = tpu.memref_squeeze %dma_start3A_298 : memref<1x128xi32, #tpu.memory_space<vmem>> -> memref<128xi32, #tpu.memory_space<vmem>>
          %dma_start3A_300 = arith.constant 0 : i32
          %dma_start3A_301 = arith.constant 0 : i32
          %dma_start3A_302 = tpu.memref_slice %arg7[%dma_start3A_300, %dma_start3A_301] : memref<10240x128xf32, #tpu.memory_space<vmem_shared>> -> memref<10240x128xf32, #tpu.memory_space<vmem_shared>>
          tpu.enqueue_indirect_dma source(%run_scoped3A_1 : memref<128x128xf32, #tpu.memory_space<vmem>>) target(%dma_start3A_302 : memref<10240x128xf32, #tpu.memory_space<vmem_shared>>) offsets(%dma_start3A_299 : memref<128xi32, #tpu.memory_space<vmem>>) semaphore(%run_scoped3A_296 : memref<!tpu.dma_semaphore, #tpu.memory_space<semaphore_mem>>) {add = true}
          %dma_wait3A_303 = arith.constant 0 : i32
          %dma_wait3A_304 = tpu.memref_slice %arg10[%add3A_286, %dma_wait3A_303] : memref<80x128xi32, #tpu.memory_space<vmem>> -> memref<1x128xi32, #tpu.memory_space<vmem>>
          %dma_wait3A_305 = tpu.memref_squeeze %dma_wait3A_304 : memref<1x128xi32, #tpu.memory_space<vmem>> -> memref<128xi32, #tpu.memory_space<vmem>>
          %dma_wait3A_306 = arith.constant 0 : i32
          %dma_wait3A_307 = arith.constant 0 : i32
          %dma_wait3A_308 = tpu.memref_slice %arg7[%dma_wait3A_306, %dma_wait3A_307] : memref<10240x128xf32, #tpu.memory_space<vmem_shared>> -> memref<10240x128xf32, #tpu.memory_space<vmem_shared>>
          tpu.wait_indirect_dma semaphore(%run_scoped3A_296 : memref<!tpu.dma_semaphore, #tpu.memory_space<semaphore_mem>>) src(%run_scoped3A_1 : memref<128x128xf32, #tpu.memory_space<vmem>>) dst(%dma_wait3A_308 : memref<10240x128xf32, #tpu.memory_space<vmem_shared>>)
          tpu.yield
        }) : () -> ()
        %add3A_287 = arith.constant 2 : i32
        %add3A_288 = arith.addi %add3A_278, %add3A_287 : i32
        %dma_start3A_289 = arith.constant 0 : i32
        %dma_start3A_290 = tpu.memref_slice %arg8[%add3A_288, %dma_start3A_289] : memref<16x128xi32, #tpu.memory_space<vmem>> -> memref<1x128xi32, #tpu.memory_space<vmem>>
        %dma_start3A_291 = tpu.memref_squeeze %dma_start3A_290 : memref<1x128xi32, #tpu.memory_space<vmem>> -> memref<128xi32, #tpu.memory_space<vmem>>
        %dma_start3A_292 = arith.constant 0 : i32
        %dma_start3A_293 = arith.constant 0 : i32
        %dma_start3A_294 = tpu.memref_slice %arg2[%dma_start3A_292, %dma_start3A_293] : memref<10000x128xf32, #tpu.memory_space<hbm>> -> memref<10000x128xf32, #tpu.memory_space<hbm>>
        tpu.enqueue_indirect_dma source(%dma_start3A_294 : memref<10000x128xf32, #tpu.memory_space<hbm>>) target(%run_scoped3A_1 : memref<128x128xf32, #tpu.memory_space<vmem>>) offsets(%dma_start3A_291 : memref<128xi32, #tpu.memory_space<vmem>>) semaphore(%arg13 : memref<!tpu.dma_semaphore, #tpu.memory_space<semaphore_mem>>)
        %scan3A_295 = arith.constant 0 : i32
        scf.yield %scan3A_295 : i32
      }
      %scan3A_138 = arith.constant 7 : i32
      %add3A_139 = arith.constant 32 : i32
      %add3A_140 = arith.addi %mul3A_5, %add3A_139 : i32
      %add3A_141 = arith.constant 16 : i32
      %add3A_142 = arith.addi %add3A_140, %add3A_141 : i32
      %dma_wait3A_143 = arith.constant 0 : i32
      %dma_wait3A_144 = tpu.memref_slice %arg3[%add3A_142, %dma_wait3A_143] : memref<2560x128xi32, #tpu.memory_space<hbm>> -> memref<16x128xi32, #tpu.memory_space<hbm>>
      %dma_wait3A_145 = arith.constant 0 : i32
      %dma_wait3A_146 = tpu.memref_slice %arg3[%add3A_142, %dma_wait3A_145] : memref<2560x128xi32, #tpu.memory_space<hbm>> -> memref<16x128xi32, #tpu.memory_space<hbm>>
      tpu.wait_dma2 semaphore(%arg17 : memref<!tpu.dma_semaphore, #tpu.memory_space<semaphore_mem>>) src(%dma_wait3A_146 : memref<16x128xi32, #tpu.memory_space<hbm>>) dst(%arg9 : memref<16x128xi32, #tpu.memory_space<vmem>>)
      %dma_wait3A_147 = arith.constant 14 : i32
      %dma_wait3A_148 = arith.constant 0 : i32
      %dma_wait3A_149 = tpu.memref_slice %arg8[%dma_wait3A_147, %dma_wait3A_148] : memref<16x128xi32, #tpu.memory_space<vmem>> -> memref<1x128xi32, #tpu.memory_space<vmem>>
      %dma_wait3A_150 = tpu.memref_squeeze %dma_wait3A_149 : memref<1x128xi32, #tpu.memory_space<vmem>> -> memref<128xi32, #tpu.memory_space<vmem>>
      %dma_wait3A_151 = arith.constant 0 : i32
      %dma_wait3A_152 = arith.constant 0 : i32
      %dma_wait3A_153 = tpu.memref_slice %arg2[%dma_wait3A_151, %dma_wait3A_152] : memref<10000x128xf32, #tpu.memory_space<hbm>> -> memref<10000x128xf32, #tpu.memory_space<hbm>>
      tpu.wait_indirect_dma semaphore(%arg12 : memref<!tpu.dma_semaphore, #tpu.memory_space<semaphore_mem>>) src(%dma_wait3A_153 : memref<10000x128xf32, #tpu.memory_space<hbm>>) dst(%run_scoped3A : memref<128x128xf32, #tpu.memory_space<vmem>>)
      %run_scoped3A_154 = arith.constant 46 : i32
      "tpu.region"() ({
        %run_scoped3A_253 = tpu.sem_alloc : memref<!tpu.dma_semaphore, #tpu.memory_space<semaphore_mem>>
        %dma_start3A_254 = arith.constant 0 : i32
        %dma_start3A_255 = tpu.memref_slice %arg10[%run_scoped3A_154, %dma_start3A_254] : memref<80x128xi32, #tpu.memory_space<vmem>> -> memref<1x128xi32, #tpu.memory_space<vmem>>
        %dma_start3A_256 = tpu.memref_squeeze %dma_start3A_255 : memref<1x128xi32, #tpu.memory_space<vmem>> -> memref<128xi32, #tpu.memory_space<vmem>>
        %dma_start3A_257 = arith.constant 0 : i32
        %dma_start3A_258 = arith.constant 0 : i32
        %dma_start3A_259 = tpu.memref_slice %arg7[%dma_start3A_257, %dma_start3A_258] : memref<10240x128xf32, #tpu.memory_space<vmem_shared>> -> memref<10240x128xf32, #tpu.memory_space<vmem_shared>>
        tpu.enqueue_indirect_dma source(%run_scoped3A : memref<128x128xf32, #tpu.memory_space<vmem>>) target(%dma_start3A_259 : memref<10240x128xf32, #tpu.memory_space<vmem_shared>>) offsets(%dma_start3A_256 : memref<128xi32, #tpu.memory_space<vmem>>) semaphore(%run_scoped3A_253 : memref<!tpu.dma_semaphore, #tpu.memory_space<semaphore_mem>>) {add = true}
        %dma_wait3A_260 = arith.constant 0 : i32
        %dma_wait3A_261 = tpu.memref_slice %arg10[%run_scoped3A_154, %dma_wait3A_260] : memref<80x128xi32, #tpu.memory_space<vmem>> -> memref<1x128xi32, #tpu.memory_space<vmem>>
        %dma_wait3A_262 = tpu.memref_squeeze %dma_wait3A_261 : memref<1x128xi32, #tpu.memory_space<vmem>> -> memref<128xi32, #tpu.memory_space<vmem>>
        %dma_wait3A_263 = arith.constant 0 : i32
        %dma_wait3A_264 = arith.constant 0 : i32
        %dma_wait3A_265 = tpu.memref_slice %arg7[%dma_wait3A_263, %dma_wait3A_264] : memref<10240x128xf32, #tpu.memory_space<vmem_shared>> -> memref<10240x128xf32, #tpu.memory_space<vmem_shared>>
        tpu.wait_indirect_dma semaphore(%run_scoped3A_253 : memref<!tpu.dma_semaphore, #tpu.memory_space<semaphore_mem>>) src(%run_scoped3A : memref<128x128xf32, #tpu.memory_space<vmem>>) dst(%dma_wait3A_265 : memref<10240x128xf32, #tpu.memory_space<vmem_shared>>)
        tpu.yield
      }) : () -> ()
      %dma_start3A_155 = arith.constant 0 : i32
      %dma_start3A_156 = arith.constant 0 : i32
      %dma_start3A_157 = tpu.memref_slice %arg9[%dma_start3A_155, %dma_start3A_156] : memref<16x128xi32, #tpu.memory_space<vmem>> -> memref<1x128xi32, #tpu.memory_space<vmem>>
      %dma_start3A_158 = tpu.memref_squeeze %dma_start3A_157 : memref<1x128xi32, #tpu.memory_space<vmem>> -> memref<128xi32, #tpu.memory_space<vmem>>
      %dma_start3A_159 = arith.constant 0 : i32
      %dma_start3A_160 = arith.constant 0 : i32
      %dma_start3A_161 = tpu.memref_slice %arg2[%dma_start3A_159, %dma_start3A_160] : memref<10000x128xf32, #tpu.memory_space<hbm>> -> memref<10000x128xf32, #tpu.memory_space<hbm>>
      tpu.enqueue_indirect_dma source(%dma_start3A_161 : memref<10000x128xf32, #tpu.memory_space<hbm>>) target(%run_scoped3A : memref<128x128xf32, #tpu.memory_space<vmem>>) offsets(%dma_start3A_158 : memref<128xi32, #tpu.memory_space<vmem>>) semaphore(%arg12 : memref<!tpu.dma_semaphore, #tpu.memory_space<semaphore_mem>>)
      %dma_wait3A_162 = arith.constant 15 : i32
      %dma_wait3A_163 = arith.constant 0 : i32
      %dma_wait3A_164 = tpu.memref_slice %arg8[%dma_wait3A_162, %dma_wait3A_163] : memref<16x128xi32, #tpu.memory_space<vmem>> -> memref<1x128xi32, #tpu.memory_space<vmem>>
      %dma_wait3A_165 = tpu.memref_squeeze %dma_wait3A_164 : memref<1x128xi32, #tpu.memory_space<vmem>> -> memref<128xi32, #tpu.memory_space<vmem>>
      %dma_wait3A_166 = arith.constant 0 : i32
      %dma_wait3A_167 = arith.constant 0 : i32
      %dma_wait3A_168 = tpu.memref_slice %arg2[%dma_wait3A_166, %dma_wait3A_167] : memref<10000x128xf32, #tpu.memory_space<hbm>> -> memref<10000x128xf32, #tpu.memory_space<hbm>>
      tpu.wait_indirect_dma semaphore(%arg13 : memref<!tpu.dma_semaphore, #tpu.memory_space<semaphore_mem>>) src(%dma_wait3A_168 : memref<10000x128xf32, #tpu.memory_space<hbm>>) dst(%run_scoped3A_1 : memref<128x128xf32, #tpu.memory_space<vmem>>)
      %run_scoped3A_169 = arith.constant 47 : i32
      "tpu.region"() ({
        %run_scoped3A_253 = tpu.sem_alloc : memref<!tpu.dma_semaphore, #tpu.memory_space<semaphore_mem>>
        %dma_start3A_254 = arith.constant 0 : i32
        %dma_start3A_255 = tpu.memref_slice %arg10[%run_scoped3A_169, %dma_start3A_254] : memref<80x128xi32, #tpu.memory_space<vmem>> -> memref<1x128xi32, #tpu.memory_space<vmem>>
        %dma_start3A_256 = tpu.memref_squeeze %dma_start3A_255 : memref<1x128xi32, #tpu.memory_space<vmem>> -> memref<128xi32, #tpu.memory_space<vmem>>
        %dma_start3A_257 = arith.constant 0 : i32
        %dma_start3A_258 = arith.constant 0 : i32
        %dma_start3A_259 = tpu.memref_slice %arg7[%dma_start3A_257, %dma_start3A_258] : memref<10240x128xf32, #tpu.memory_space<vmem_shared>> -> memref<10240x128xf32, #tpu.memory_space<vmem_shared>>
        tpu.enqueue_indirect_dma source(%run_scoped3A_1 : memref<128x128xf32, #tpu.memory_space<vmem>>) target(%dma_start3A_259 : memref<10240x128xf32, #tpu.memory_space<vmem_shared>>) offsets(%dma_start3A_256 : memref<128xi32, #tpu.memory_space<vmem>>) semaphore(%run_scoped3A_253 : memref<!tpu.dma_semaphore, #tpu.memory_space<semaphore_mem>>) {add = true}
        %dma_wait3A_260 = arith.constant 0 : i32
        %dma_wait3A_261 = tpu.memref_slice %arg10[%run_scoped3A_169, %dma_wait3A_260] : memref<80x128xi32, #tpu.memory_space<vmem>> -> memref<1x128xi32, #tpu.memory_space<vmem>>
        %dma_wait3A_262 = tpu.memref_squeeze %dma_wait3A_261 : memref<1x128xi32, #tpu.memory_space<vmem>> -> memref<128xi32, #tpu.memory_space<vmem>>
        %dma_wait3A_263 = arith.constant 0 : i32
        %dma_wait3A_264 = arith.constant 0 : i32
        %dma_wait3A_265 = tpu.memref_slice %arg7[%dma_wait3A_263, %dma_wait3A_264] : memref<10240x128xf32, #tpu.memory_space<vmem_shared>> -> memref<10240x128xf32, #tpu.memory_space<vmem_shared>>
        tpu.wait_indirect_dma semaphore(%run_scoped3A_253 : memref<!tpu.dma_semaphore, #tpu.memory_space<semaphore_mem>>) src(%run_scoped3A_1 : memref<128x128xf32, #tpu.memory_space<vmem>>) dst(%dma_wait3A_265 : memref<10240x128xf32, #tpu.memory_space<vmem_shared>>)
        tpu.yield
      }) : () -> ()
      %dma_start3A_170 = arith.constant 1 : i32
      %dma_start3A_171 = arith.constant 0 : i32
      %dma_start3A_172 = tpu.memref_slice %arg9[%dma_start3A_170, %dma_start3A_171] : memref<16x128xi32, #tpu.memory_space<vmem>> -> memref<1x128xi32, #tpu.memory_space<vmem>>
      %dma_start3A_173 = tpu.memref_squeeze %dma_start3A_172 : memref<1x128xi32, #tpu.memory_space<vmem>> -> memref<128xi32, #tpu.memory_space<vmem>>
      %dma_start3A_174 = arith.constant 0 : i32
      %dma_start3A_175 = arith.constant 0 : i32
      %dma_start3A_176 = tpu.memref_slice %arg2[%dma_start3A_174, %dma_start3A_175] : memref<10000x128xf32, #tpu.memory_space<hbm>> -> memref<10000x128xf32, #tpu.memory_space<hbm>>
      tpu.enqueue_indirect_dma source(%dma_start3A_176 : memref<10000x128xf32, #tpu.memory_space<hbm>>) target(%run_scoped3A_1 : memref<128x128xf32, #tpu.memory_space<vmem>>) offsets(%dma_start3A_173 : memref<128xi32, #tpu.memory_space<vmem>>) semaphore(%arg13 : memref<!tpu.dma_semaphore, #tpu.memory_space<semaphore_mem>>)
      %add3A_177 = arith.constant 48 : i32
      %add3A_178 = arith.addi %mul3A_5, %add3A_177 : i32
      %add3A_179 = arith.constant 16 : i32
      %add3A_180 = arith.addi %add3A_178, %add3A_179 : i32
      %dma_start3A_181 = arith.constant 0 : i32
      %dma_start3A_182 = tpu.memref_slice %arg3[%add3A_180, %dma_start3A_181] : memref<2560x128xi32, #tpu.memory_space<hbm>> -> memref<16x128xi32, #tpu.memory_space<hbm>>
      %dma_start3A_183 = arith.constant 0 : i32
      %dma_start3A_184 = tpu.memref_slice %arg3[%add3A_180, %dma_start3A_183] : memref<2560x128xi32, #tpu.memory_space<hbm>> -> memref<16x128xi32, #tpu.memory_space<hbm>>
      tpu.enqueue_dma source(%dma_start3A_184 : memref<16x128xi32, #tpu.memory_space<hbm>>) target(%arg8 : memref<16x128xi32, #tpu.memory_space<vmem>>) target_semaphore(%arg16 : memref<!tpu.dma_semaphore, #tpu.memory_space<semaphore_mem>>)
      %scan3A_185 = arith.constant 0 : i32
      %scan3A_186 = arith.constant 0 : i32
      %scan3A_187 = arith.constant 7 : i32
      %scan3A_188 = arith.addi %scan3A_186, %scan3A_187 : i32
      %scan3A_189 = arith.constant 1 : i32
      %scan3A_190 = scf.for %scan3A_253 = %scan3A_186 to %scan3A_188 step %scan3A_189 iter_args(%scan3A_254 = %scan3A_185) -> (i32)  : i32 {
        %mul3A_255 = arith.constant 2 : i32
        %mul3A_256 = arith.muli %scan3A_253, %mul3A_255 : i32
        %add3A_257 = arith.constant 0 : i32
        %add3A_258 = arith.addi %mul3A_256, %add3A_257 : i32
        %dma_wait3A_259 = arith.constant 0 : i32
        %dma_wait3A_260 = tpu.memref_slice %arg9[%add3A_258, %dma_wait3A_259] : memref<16x128xi32, #tpu.memory_space<vmem>> -> memref<1x128xi32, #tpu.memory_space<vmem>>
        %dma_wait3A_261 = tpu.memref_squeeze %dma_wait3A_260 : memref<1x128xi32, #tpu.memory_space<vmem>> -> memref<128xi32, #tpu.memory_space<vmem>>
        %dma_wait3A_262 = arith.constant 0 : i32
        %dma_wait3A_263 = arith.constant 0 : i32
        %dma_wait3A_264 = tpu.memref_slice %arg2[%dma_wait3A_262, %dma_wait3A_263] : memref<10000x128xf32, #tpu.memory_space<hbm>> -> memref<10000x128xf32, #tpu.memory_space<hbm>>
        tpu.wait_indirect_dma semaphore(%arg12 : memref<!tpu.dma_semaphore, #tpu.memory_space<semaphore_mem>>) src(%dma_wait3A_264 : memref<10000x128xf32, #tpu.memory_space<hbm>>) dst(%run_scoped3A : memref<128x128xf32, #tpu.memory_space<vmem>>)
        %add3A_265 = arith.constant 48 : i32
        %add3A_266 = arith.addi %add3A_265, %add3A_258 : i32
        "tpu.region"() ({
          %run_scoped3A_296 = tpu.sem_alloc : memref<!tpu.dma_semaphore, #tpu.memory_space<semaphore_mem>>
          %dma_start3A_297 = arith.constant 0 : i32
          %dma_start3A_298 = tpu.memref_slice %arg10[%add3A_266, %dma_start3A_297] : memref<80x128xi32, #tpu.memory_space<vmem>> -> memref<1x128xi32, #tpu.memory_space<vmem>>
          %dma_start3A_299 = tpu.memref_squeeze %dma_start3A_298 : memref<1x128xi32, #tpu.memory_space<vmem>> -> memref<128xi32, #tpu.memory_space<vmem>>
          %dma_start3A_300 = arith.constant 0 : i32
          %dma_start3A_301 = arith.constant 0 : i32
          %dma_start3A_302 = tpu.memref_slice %arg7[%dma_start3A_300, %dma_start3A_301] : memref<10240x128xf32, #tpu.memory_space<vmem_shared>> -> memref<10240x128xf32, #tpu.memory_space<vmem_shared>>
          tpu.enqueue_indirect_dma source(%run_scoped3A : memref<128x128xf32, #tpu.memory_space<vmem>>) target(%dma_start3A_302 : memref<10240x128xf32, #tpu.memory_space<vmem_shared>>) offsets(%dma_start3A_299 : memref<128xi32, #tpu.memory_space<vmem>>) semaphore(%run_scoped3A_296 : memref<!tpu.dma_semaphore, #tpu.memory_space<semaphore_mem>>) {add = true}
          %dma_wait3A_303 = arith.constant 0 : i32
          %dma_wait3A_304 = tpu.memref_slice %arg10[%add3A_266, %dma_wait3A_303] : memref<80x128xi32, #tpu.memory_space<vmem>> -> memref<1x128xi32, #tpu.memory_space<vmem>>
          %dma_wait3A_305 = tpu.memref_squeeze %dma_wait3A_304 : memref<1x128xi32, #tpu.memory_space<vmem>> -> memref<128xi32, #tpu.memory_space<vmem>>
          %dma_wait3A_306 = arith.constant 0 : i32
          %dma_wait3A_307 = arith.constant 0 : i32
          %dma_wait3A_308 = tpu.memref_slice %arg7[%dma_wait3A_306, %dma_wait3A_307] : memref<10240x128xf32, #tpu.memory_space<vmem_shared>> -> memref<10240x128xf32, #tpu.memory_space<vmem_shared>>
          tpu.wait_indirect_dma semaphore(%run_scoped3A_296 : memref<!tpu.dma_semaphore, #tpu.memory_space<semaphore_mem>>) src(%run_scoped3A : memref<128x128xf32, #tpu.memory_space<vmem>>) dst(%dma_wait3A_308 : memref<10240x128xf32, #tpu.memory_space<vmem_shared>>)
          tpu.yield
        }) : () -> ()
        %add3A_267 = arith.constant 2 : i32
        %add3A_268 = arith.addi %add3A_258, %add3A_267 : i32
        %dma_start3A_269 = arith.constant 0 : i32
        %dma_start3A_270 = tpu.memref_slice %arg9[%add3A_268, %dma_start3A_269] : memref<16x128xi32, #tpu.memory_space<vmem>> -> memref<1x128xi32, #tpu.memory_space<vmem>>
        %dma_start3A_271 = tpu.memref_squeeze %dma_start3A_270 : memref<1x128xi32, #tpu.memory_space<vmem>> -> memref<128xi32, #tpu.memory_space<vmem>>
        %dma_start3A_272 = arith.constant 0 : i32
        %dma_start3A_273 = arith.constant 0 : i32
        %dma_start3A_274 = tpu.memref_slice %arg2[%dma_start3A_272, %dma_start3A_273] : memref<10000x128xf32, #tpu.memory_space<hbm>> -> memref<10000x128xf32, #tpu.memory_space<hbm>>
        tpu.enqueue_indirect_dma source(%dma_start3A_274 : memref<10000x128xf32, #tpu.memory_space<hbm>>) target(%run_scoped3A : memref<128x128xf32, #tpu.memory_space<vmem>>) offsets(%dma_start3A_271 : memref<128xi32, #tpu.memory_space<vmem>>) semaphore(%arg12 : memref<!tpu.dma_semaphore, #tpu.memory_space<semaphore_mem>>)
        %mul3A_275 = arith.constant 2 : i32
        %mul3A_276 = arith.muli %scan3A_253, %mul3A_275 : i32
        %add3A_277 = arith.constant 1 : i32
        %add3A_278 = arith.addi %mul3A_276, %add3A_277 : i32
        %dma_wait3A_279 = arith.constant 0 : i32
        %dma_wait3A_280 = tpu.memref_slice %arg9[%add3A_278, %dma_wait3A_279] : memref<16x128xi32, #tpu.memory_space<vmem>> -> memref<1x128xi32, #tpu.memory_space<vmem>>
        %dma_wait3A_281 = tpu.memref_squeeze %dma_wait3A_280 : memref<1x128xi32, #tpu.memory_space<vmem>> -> memref<128xi32, #tpu.memory_space<vmem>>
        %dma_wait3A_282 = arith.constant 0 : i32
        %dma_wait3A_283 = arith.constant 0 : i32
        %dma_wait3A_284 = tpu.memref_slice %arg2[%dma_wait3A_282, %dma_wait3A_283] : memref<10000x128xf32, #tpu.memory_space<hbm>> -> memref<10000x128xf32, #tpu.memory_space<hbm>>
        tpu.wait_indirect_dma semaphore(%arg13 : memref<!tpu.dma_semaphore, #tpu.memory_space<semaphore_mem>>) src(%dma_wait3A_284 : memref<10000x128xf32, #tpu.memory_space<hbm>>) dst(%run_scoped3A_1 : memref<128x128xf32, #tpu.memory_space<vmem>>)
        %add3A_285 = arith.constant 48 : i32
        %add3A_286 = arith.addi %add3A_285, %add3A_278 : i32
        "tpu.region"() ({
          %run_scoped3A_296 = tpu.sem_alloc : memref<!tpu.dma_semaphore, #tpu.memory_space<semaphore_mem>>
          %dma_start3A_297 = arith.constant 0 : i32
          %dma_start3A_298 = tpu.memref_slice %arg10[%add3A_286, %dma_start3A_297] : memref<80x128xi32, #tpu.memory_space<vmem>> -> memref<1x128xi32, #tpu.memory_space<vmem>>
          %dma_start3A_299 = tpu.memref_squeeze %dma_start3A_298 : memref<1x128xi32, #tpu.memory_space<vmem>> -> memref<128xi32, #tpu.memory_space<vmem>>
          %dma_start3A_300 = arith.constant 0 : i32
          %dma_start3A_301 = arith.constant 0 : i32
          %dma_start3A_302 = tpu.memref_slice %arg7[%dma_start3A_300, %dma_start3A_301] : memref<10240x128xf32, #tpu.memory_space<vmem_shared>> -> memref<10240x128xf32, #tpu.memory_space<vmem_shared>>
          tpu.enqueue_indirect_dma source(%run_scoped3A_1 : memref<128x128xf32, #tpu.memory_space<vmem>>) target(%dma_start3A_302 : memref<10240x128xf32, #tpu.memory_space<vmem_shared>>) offsets(%dma_start3A_299 : memref<128xi32, #tpu.memory_space<vmem>>) semaphore(%run_scoped3A_296 : memref<!tpu.dma_semaphore, #tpu.memory_space<semaphore_mem>>) {add = true}
          %dma_wait3A_303 = arith.constant 0 : i32
          %dma_wait3A_304 = tpu.memref_slice %arg10[%add3A_286, %dma_wait3A_303] : memref<80x128xi32, #tpu.memory_space<vmem>> -> memref<1x128xi32, #tpu.memory_space<vmem>>
          %dma_wait3A_305 = tpu.memref_squeeze %dma_wait3A_304 : memref<1x128xi32, #tpu.memory_space<vmem>> -> memref<128xi32, #tpu.memory_space<vmem>>
          %dma_wait3A_306 = arith.constant 0 : i32
          %dma_wait3A_307 = arith.constant 0 : i32
          %dma_wait3A_308 = tpu.memref_slice %arg7[%dma_wait3A_306, %dma_wait3A_307] : memref<10240x128xf32, #tpu.memory_space<vmem_shared>> -> memref<10240x128xf32, #tpu.memory_space<vmem_shared>>
          tpu.wait_indirect_dma semaphore(%run_scoped3A_296 : memref<!tpu.dma_semaphore, #tpu.memory_space<semaphore_mem>>) src(%run_scoped3A_1 : memref<128x128xf32, #tpu.memory_space<vmem>>) dst(%dma_wait3A_308 : memref<10240x128xf32, #tpu.memory_space<vmem_shared>>)
          tpu.yield
        }) : () -> ()
        %add3A_287 = arith.constant 2 : i32
        %add3A_288 = arith.addi %add3A_278, %add3A_287 : i32
        %dma_start3A_289 = arith.constant 0 : i32
        %dma_start3A_290 = tpu.memref_slice %arg9[%add3A_288, %dma_start3A_289] : memref<16x128xi32, #tpu.memory_space<vmem>> -> memref<1x128xi32, #tpu.memory_space<vmem>>
        %dma_start3A_291 = tpu.memref_squeeze %dma_start3A_290 : memref<1x128xi32, #tpu.memory_space<vmem>> -> memref<128xi32, #tpu.memory_space<vmem>>
        %dma_start3A_292 = arith.constant 0 : i32
        %dma_start3A_293 = arith.constant 0 : i32
        %dma_start3A_294 = tpu.memref_slice %arg2[%dma_start3A_292, %dma_start3A_293] : memref<10000x128xf32, #tpu.memory_space<hbm>> -> memref<10000x128xf32, #tpu.memory_space<hbm>>
        tpu.enqueue_indirect_dma source(%dma_start3A_294 : memref<10000x128xf32, #tpu.memory_space<hbm>>) target(%run_scoped3A_1 : memref<128x128xf32, #tpu.memory_space<vmem>>) offsets(%dma_start3A_291 : memref<128xi32, #tpu.memory_space<vmem>>) semaphore(%arg13 : memref<!tpu.dma_semaphore, #tpu.memory_space<semaphore_mem>>)
        %scan3A_295 = arith.constant 0 : i32
        scf.yield %scan3A_295 : i32
      }
      %scan3A_191 = arith.constant 7 : i32
      %add3A_192 = arith.constant 48 : i32
      %add3A_193 = arith.addi %mul3A_5, %add3A_192 : i32
      %add3A_194 = arith.constant 16 : i32
      %add3A_195 = arith.addi %add3A_193, %add3A_194 : i32
      %dma_wait3A_196 = arith.constant 0 : i32
      %dma_wait3A_197 = tpu.memref_slice %arg3[%add3A_195, %dma_wait3A_196] : memref<2560x128xi32, #tpu.memory_space<hbm>> -> memref<16x128xi32, #tpu.memory_space<hbm>>
      %dma_wait3A_198 = arith.constant 0 : i32
      %dma_wait3A_199 = tpu.memref_slice %arg3[%add3A_195, %dma_wait3A_198] : memref<2560x128xi32, #tpu.memory_space<hbm>> -> memref<16x128xi32, #tpu.memory_space<hbm>>
      tpu.wait_dma2 semaphore(%arg16 : memref<!tpu.dma_semaphore, #tpu.memory_space<semaphore_mem>>) src(%dma_wait3A_199 : memref<16x128xi32, #tpu.memory_space<hbm>>) dst(%arg8 : memref<16x128xi32, #tpu.memory_space<vmem>>)
      %dma_wait3A_200 = arith.constant 14 : i32
      %dma_wait3A_201 = arith.constant 0 : i32
      %dma_wait3A_202 = tpu.memref_slice %arg9[%dma_wait3A_200, %dma_wait3A_201] : memref<16x128xi32, #tpu.memory_space<vmem>> -> memref<1x128xi32, #tpu.memory_space<vmem>>
      %dma_wait3A_203 = tpu.memref_squeeze %dma_wait3A_202 : memref<1x128xi32, #tpu.memory_space<vmem>> -> memref<128xi32, #tpu.memory_space<vmem>>
      %dma_wait3A_204 = arith.constant 0 : i32
      %dma_wait3A_205 = arith.constant 0 : i32
      %dma_wait3A_206 = tpu.memref_slice %arg2[%dma_wait3A_204, %dma_wait3A_205] : memref<10000x128xf32, #tpu.memory_space<hbm>> -> memref<10000x128xf32, #tpu.memory_space<hbm>>
      tpu.wait_indirect_dma semaphore(%arg12 : memref<!tpu.dma_semaphore, #tpu.memory_space<semaphore_mem>>) src(%dma_wait3A_206 : memref<10000x128xf32, #tpu.memory_space<hbm>>) dst(%run_scoped3A : memref<128x128xf32, #tpu.memory_space<vmem>>)
      %run_scoped3A_207 = arith.constant 62 : i32
      "tpu.region"() ({
        %run_scoped3A_253 = tpu.sem_alloc : memref<!tpu.dma_semaphore, #tpu.memory_space<semaphore_mem>>
        %dma_start3A_254 = arith.constant 0 : i32
        %dma_start3A_255 = tpu.memref_slice %arg10[%run_scoped3A_207, %dma_start3A_254] : memref<80x128xi32, #tpu.memory_space<vmem>> -> memref<1x128xi32, #tpu.memory_space<vmem>>
        %dma_start3A_256 = tpu.memref_squeeze %dma_start3A_255 : memref<1x128xi32, #tpu.memory_space<vmem>> -> memref<128xi32, #tpu.memory_space<vmem>>
        %dma_start3A_257 = arith.constant 0 : i32
        %dma_start3A_258 = arith.constant 0 : i32
        %dma_start3A_259 = tpu.memref_slice %arg7[%dma_start3A_257, %dma_start3A_258] : memref<10240x128xf32, #tpu.memory_space<vmem_shared>> -> memref<10240x128xf32, #tpu.memory_space<vmem_shared>>
        tpu.enqueue_indirect_dma source(%run_scoped3A : memref<128x128xf32, #tpu.memory_space<vmem>>) target(%dma_start3A_259 : memref<10240x128xf32, #tpu.memory_space<vmem_shared>>) offsets(%dma_start3A_256 : memref<128xi32, #tpu.memory_space<vmem>>) semaphore(%run_scoped3A_253 : memref<!tpu.dma_semaphore, #tpu.memory_space<semaphore_mem>>) {add = true}
        %dma_wait3A_260 = arith.constant 0 : i32
        %dma_wait3A_261 = tpu.memref_slice %arg10[%run_scoped3A_207, %dma_wait3A_260] : memref<80x128xi32, #tpu.memory_space<vmem>> -> memref<1x128xi32, #tpu.memory_space<vmem>>
        %dma_wait3A_262 = tpu.memref_squeeze %dma_wait3A_261 : memref<1x128xi32, #tpu.memory_space<vmem>> -> memref<128xi32, #tpu.memory_space<vmem>>
        %dma_wait3A_263 = arith.constant 0 : i32
        %dma_wait3A_264 = arith.constant 0 : i32
        %dma_wait3A_265 = tpu.memref_slice %arg7[%dma_wait3A_263, %dma_wait3A_264] : memref<10240x128xf32, #tpu.memory_space<vmem_shared>> -> memref<10240x128xf32, #tpu.memory_space<vmem_shared>>
        tpu.wait_indirect_dma semaphore(%run_scoped3A_253 : memref<!tpu.dma_semaphore, #tpu.memory_space<semaphore_mem>>) src(%run_scoped3A : memref<128x128xf32, #tpu.memory_space<vmem>>) dst(%dma_wait3A_265 : memref<10240x128xf32, #tpu.memory_space<vmem_shared>>)
        tpu.yield
      }) : () -> ()
      %dma_start3A_208 = arith.constant 0 : i32
      %dma_start3A_209 = arith.constant 0 : i32
      %dma_start3A_210 = tpu.memref_slice %arg8[%dma_start3A_208, %dma_start3A_209] : memref<16x128xi32, #tpu.memory_space<vmem>> -> memref<1x128xi32, #tpu.memory_space<vmem>>
      %dma_start3A_211 = tpu.memref_squeeze %dma_start3A_210 : memref<1x128xi32, #tpu.memory_space<vmem>> -> memref<128xi32, #tpu.memory_space<vmem>>
      %dma_start3A_212 = arith.constant 0 : i32
      %dma_start3A_213 = arith.constant 0 : i32
      %dma_start3A_214 = tpu.memref_slice %arg2[%dma_start3A_212, %dma_start3A_213] : memref<10000x128xf32, #tpu.memory_space<hbm>> -> memref<10000x128xf32, #tpu.memory_space<hbm>>
      tpu.enqueue_indirect_dma source(%dma_start3A_214 : memref<10000x128xf32, #tpu.memory_space<hbm>>) target(%run_scoped3A : memref<128x128xf32, #tpu.memory_space<vmem>>) offsets(%dma_start3A_211 : memref<128xi32, #tpu.memory_space<vmem>>) semaphore(%arg12 : memref<!tpu.dma_semaphore, #tpu.memory_space<semaphore_mem>>)
      %dma_wait3A_215 = arith.constant 15 : i32
      %dma_wait3A_216 = arith.constant 0 : i32
      %dma_wait3A_217 = tpu.memref_slice %arg9[%dma_wait3A_215, %dma_wait3A_216] : memref<16x128xi32, #tpu.memory_space<vmem>> -> memref<1x128xi32, #tpu.memory_space<vmem>>
      %dma_wait3A_218 = tpu.memref_squeeze %dma_wait3A_217 : memref<1x128xi32, #tpu.memory_space<vmem>> -> memref<128xi32, #tpu.memory_space<vmem>>
      %dma_wait3A_219 = arith.constant 0 : i32
      %dma_wait3A_220 = arith.constant 0 : i32
      %dma_wait3A_221 = tpu.memref_slice %arg2[%dma_wait3A_219, %dma_wait3A_220] : memref<10000x128xf32, #tpu.memory_space<hbm>> -> memref<10000x128xf32, #tpu.memory_space<hbm>>
      tpu.wait_indirect_dma semaphore(%arg13 : memref<!tpu.dma_semaphore, #tpu.memory_space<semaphore_mem>>) src(%dma_wait3A_221 : memref<10000x128xf32, #tpu.memory_space<hbm>>) dst(%run_scoped3A_1 : memref<128x128xf32, #tpu.memory_space<vmem>>)
      %run_scoped3A_222 = arith.constant 63 : i32
      "tpu.region"() ({
        %run_scoped3A_253 = tpu.sem_alloc : memref<!tpu.dma_semaphore, #tpu.memory_space<semaphore_mem>>
        %dma_start3A_254 = arith.constant 0 : i32
        %dma_start3A_255 = tpu.memref_slice %arg10[%run_scoped3A_222, %dma_start3A_254] : memref<80x128xi32, #tpu.memory_space<vmem>> -> memref<1x128xi32, #tpu.memory_space<vmem>>
        %dma_start3A_256 = tpu.memref_squeeze %dma_start3A_255 : memref<1x128xi32, #tpu.memory_space<vmem>> -> memref<128xi32, #tpu.memory_space<vmem>>
        %dma_start3A_257 = arith.constant 0 : i32
        %dma_start3A_258 = arith.constant 0 : i32
        %dma_start3A_259 = tpu.memref_slice %arg7[%dma_start3A_257, %dma_start3A_258] : memref<10240x128xf32, #tpu.memory_space<vmem_shared>> -> memref<10240x128xf32, #tpu.memory_space<vmem_shared>>
        tpu.enqueue_indirect_dma source(%run_scoped3A_1 : memref<128x128xf32, #tpu.memory_space<vmem>>) target(%dma_start3A_259 : memref<10240x128xf32, #tpu.memory_space<vmem_shared>>) offsets(%dma_start3A_256 : memref<128xi32, #tpu.memory_space<vmem>>) semaphore(%run_scoped3A_253 : memref<!tpu.dma_semaphore, #tpu.memory_space<semaphore_mem>>) {add = true}
        %dma_wait3A_260 = arith.constant 0 : i32
        %dma_wait3A_261 = tpu.memref_slice %arg10[%run_scoped3A_222, %dma_wait3A_260] : memref<80x128xi32, #tpu.memory_space<vmem>> -> memref<1x128xi32, #tpu.memory_space<vmem>>
        %dma_wait3A_262 = tpu.memref_squeeze %dma_wait3A_261 : memref<1x128xi32, #tpu.memory_space<vmem>> -> memref<128xi32, #tpu.memory_space<vmem>>
        %dma_wait3A_263 = arith.constant 0 : i32
        %dma_wait3A_264 = arith.constant 0 : i32
        %dma_wait3A_265 = tpu.memref_slice %arg7[%dma_wait3A_263, %dma_wait3A_264] : memref<10240x128xf32, #tpu.memory_space<vmem_shared>> -> memref<10240x128xf32, #tpu.memory_space<vmem_shared>>
        tpu.wait_indirect_dma semaphore(%run_scoped3A_253 : memref<!tpu.dma_semaphore, #tpu.memory_space<semaphore_mem>>) src(%run_scoped3A_1 : memref<128x128xf32, #tpu.memory_space<vmem>>) dst(%dma_wait3A_265 : memref<10240x128xf32, #tpu.memory_space<vmem_shared>>)
        tpu.yield
      }) : () -> ()
      %dma_start3A_223 = arith.constant 1 : i32
      %dma_start3A_224 = arith.constant 0 : i32
      %dma_start3A_225 = tpu.memref_slice %arg8[%dma_start3A_223, %dma_start3A_224] : memref<16x128xi32, #tpu.memory_space<vmem>> -> memref<1x128xi32, #tpu.memory_space<vmem>>
      %dma_start3A_226 = tpu.memref_squeeze %dma_start3A_225 : memref<1x128xi32, #tpu.memory_space<vmem>> -> memref<128xi32, #tpu.memory_space<vmem>>
      %dma_start3A_227 = arith.constant 0 : i32
      %dma_start3A_228 = arith.constant 0 : i32
      %dma_start3A_229 = tpu.memref_slice %arg2[%dma_start3A_227, %dma_start3A_228] : memref<10000x128xf32, #tpu.memory_space<hbm>> -> memref<10000x128xf32, #tpu.memory_space<hbm>>
      tpu.enqueue_indirect_dma source(%dma_start3A_229 : memref<10000x128xf32, #tpu.memory_space<hbm>>) target(%run_scoped3A_1 : memref<128x128xf32, #tpu.memory_space<vmem>>) offsets(%dma_start3A_226 : memref<128xi32, #tpu.memory_space<vmem>>) semaphore(%arg13 : memref<!tpu.dma_semaphore, #tpu.memory_space<semaphore_mem>>)
      %scan3A_230 = arith.constant 0 : i32
      %scan3A_231 = arith.constant 0 : i32
      %scan3A_232 = arith.constant 7 : i32
      %scan3A_233 = arith.addi %scan3A_231, %scan3A_232 : i32
      %scan3A_234 = arith.constant 1 : i32
      %scan3A_235 = scf.for %scan3A_253 = %scan3A_231 to %scan3A_233 step %scan3A_234 iter_args(%scan3A_254 = %scan3A_230) -> (i32)  : i32 {
        %mul3A_255 = arith.constant 2 : i32
        %mul3A_256 = arith.muli %scan3A_253, %mul3A_255 : i32
        %add3A_257 = arith.constant 0 : i32
        %add3A_258 = arith.addi %mul3A_256, %add3A_257 : i32
        %dma_wait3A_259 = arith.constant 0 : i32
        %dma_wait3A_260 = tpu.memref_slice %arg8[%add3A_258, %dma_wait3A_259] : memref<16x128xi32, #tpu.memory_space<vmem>> -> memref<1x128xi32, #tpu.memory_space<vmem>>
        %dma_wait3A_261 = tpu.memref_squeeze %dma_wait3A_260 : memref<1x128xi32, #tpu.memory_space<vmem>> -> memref<128xi32, #tpu.memory_space<vmem>>
        %dma_wait3A_262 = arith.constant 0 : i32
        %dma_wait3A_263 = arith.constant 0 : i32
        %dma_wait3A_264 = tpu.memref_slice %arg2[%dma_wait3A_262, %dma_wait3A_263] : memref<10000x128xf32, #tpu.memory_space<hbm>> -> memref<10000x128xf32, #tpu.memory_space<hbm>>
        tpu.wait_indirect_dma semaphore(%arg12 : memref<!tpu.dma_semaphore, #tpu.memory_space<semaphore_mem>>) src(%dma_wait3A_264 : memref<10000x128xf32, #tpu.memory_space<hbm>>) dst(%run_scoped3A : memref<128x128xf32, #tpu.memory_space<vmem>>)
        %add3A_265 = arith.constant 64 : i32
        %add3A_266 = arith.addi %add3A_265, %add3A_258 : i32
        "tpu.region"() ({
          %run_scoped3A_296 = tpu.sem_alloc : memref<!tpu.dma_semaphore, #tpu.memory_space<semaphore_mem>>
          %dma_start3A_297 = arith.constant 0 : i32
          %dma_start3A_298 = tpu.memref_slice %arg10[%add3A_266, %dma_start3A_297] : memref<80x128xi32, #tpu.memory_space<vmem>> -> memref<1x128xi32, #tpu.memory_space<vmem>>
          %dma_start3A_299 = tpu.memref_squeeze %dma_start3A_298 : memref<1x128xi32, #tpu.memory_space<vmem>> -> memref<128xi32, #tpu.memory_space<vmem>>
          %dma_start3A_300 = arith.constant 0 : i32
          %dma_start3A_301 = arith.constant 0 : i32
          %dma_start3A_302 = tpu.memref_slice %arg7[%dma_start3A_300, %dma_start3A_301] : memref<10240x128xf32, #tpu.memory_space<vmem_shared>> -> memref<10240x128xf32, #tpu.memory_space<vmem_shared>>
          tpu.enqueue_indirect_dma source(%run_scoped3A : memref<128x128xf32, #tpu.memory_space<vmem>>) target(%dma_start3A_302 : memref<10240x128xf32, #tpu.memory_space<vmem_shared>>) offsets(%dma_start3A_299 : memref<128xi32, #tpu.memory_space<vmem>>) semaphore(%run_scoped3A_296 : memref<!tpu.dma_semaphore, #tpu.memory_space<semaphore_mem>>) {add = true}
          %dma_wait3A_303 = arith.constant 0 : i32
          %dma_wait3A_304 = tpu.memref_slice %arg10[%add3A_266, %dma_wait3A_303] : memref<80x128xi32, #tpu.memory_space<vmem>> -> memref<1x128xi32, #tpu.memory_space<vmem>>
          %dma_wait3A_305 = tpu.memref_squeeze %dma_wait3A_304 : memref<1x128xi32, #tpu.memory_space<vmem>> -> memref<128xi32, #tpu.memory_space<vmem>>
          %dma_wait3A_306 = arith.constant 0 : i32
          %dma_wait3A_307 = arith.constant 0 : i32
          %dma_wait3A_308 = tpu.memref_slice %arg7[%dma_wait3A_306, %dma_wait3A_307] : memref<10240x128xf32, #tpu.memory_space<vmem_shared>> -> memref<10240x128xf32, #tpu.memory_space<vmem_shared>>
          tpu.wait_indirect_dma semaphore(%run_scoped3A_296 : memref<!tpu.dma_semaphore, #tpu.memory_space<semaphore_mem>>) src(%run_scoped3A : memref<128x128xf32, #tpu.memory_space<vmem>>) dst(%dma_wait3A_308 : memref<10240x128xf32, #tpu.memory_space<vmem_shared>>)
          tpu.yield
        }) : () -> ()
        %add3A_267 = arith.constant 2 : i32
        %add3A_268 = arith.addi %add3A_258, %add3A_267 : i32
        %dma_start3A_269 = arith.constant 0 : i32
        %dma_start3A_270 = tpu.memref_slice %arg8[%add3A_268, %dma_start3A_269] : memref<16x128xi32, #tpu.memory_space<vmem>> -> memref<1x128xi32, #tpu.memory_space<vmem>>
        %dma_start3A_271 = tpu.memref_squeeze %dma_start3A_270 : memref<1x128xi32, #tpu.memory_space<vmem>> -> memref<128xi32, #tpu.memory_space<vmem>>
        %dma_start3A_272 = arith.constant 0 : i32
        %dma_start3A_273 = arith.constant 0 : i32
        %dma_start3A_274 = tpu.memref_slice %arg2[%dma_start3A_272, %dma_start3A_273] : memref<10000x128xf32, #tpu.memory_space<hbm>> -> memref<10000x128xf32, #tpu.memory_space<hbm>>
        tpu.enqueue_indirect_dma source(%dma_start3A_274 : memref<10000x128xf32, #tpu.memory_space<hbm>>) target(%run_scoped3A : memref<128x128xf32, #tpu.memory_space<vmem>>) offsets(%dma_start3A_271 : memref<128xi32, #tpu.memory_space<vmem>>) semaphore(%arg12 : memref<!tpu.dma_semaphore, #tpu.memory_space<semaphore_mem>>)
        %mul3A_275 = arith.constant 2 : i32
        %mul3A_276 = arith.muli %scan3A_253, %mul3A_275 : i32
        %add3A_277 = arith.constant 1 : i32
        %add3A_278 = arith.addi %mul3A_276, %add3A_277 : i32
        %dma_wait3A_279 = arith.constant 0 : i32
        %dma_wait3A_280 = tpu.memref_slice %arg8[%add3A_278, %dma_wait3A_279] : memref<16x128xi32, #tpu.memory_space<vmem>> -> memref<1x128xi32, #tpu.memory_space<vmem>>
        %dma_wait3A_281 = tpu.memref_squeeze %dma_wait3A_280 : memref<1x128xi32, #tpu.memory_space<vmem>> -> memref<128xi32, #tpu.memory_space<vmem>>
        %dma_wait3A_282 = arith.constant 0 : i32
        %dma_wait3A_283 = arith.constant 0 : i32
        %dma_wait3A_284 = tpu.memref_slice %arg2[%dma_wait3A_282, %dma_wait3A_283] : memref<10000x128xf32, #tpu.memory_space<hbm>> -> memref<10000x128xf32, #tpu.memory_space<hbm>>
        tpu.wait_indirect_dma semaphore(%arg13 : memref<!tpu.dma_semaphore, #tpu.memory_space<semaphore_mem>>) src(%dma_wait3A_284 : memref<10000x128xf32, #tpu.memory_space<hbm>>) dst(%run_scoped3A_1 : memref<128x128xf32, #tpu.memory_space<vmem>>)
        %add3A_285 = arith.constant 64 : i32
        %add3A_286 = arith.addi %add3A_285, %add3A_278 : i32
        "tpu.region"() ({
          %run_scoped3A_296 = tpu.sem_alloc : memref<!tpu.dma_semaphore, #tpu.memory_space<semaphore_mem>>
          %dma_start3A_297 = arith.constant 0 : i32
          %dma_start3A_298 = tpu.memref_slice %arg10[%add3A_286, %dma_start3A_297] : memref<80x128xi32, #tpu.memory_space<vmem>> -> memref<1x128xi32, #tpu.memory_space<vmem>>
          %dma_start3A_299 = tpu.memref_squeeze %dma_start3A_298 : memref<1x128xi32, #tpu.memory_space<vmem>> -> memref<128xi32, #tpu.memory_space<vmem>>
          %dma_start3A_300 = arith.constant 0 : i32
          %dma_start3A_301 = arith.constant 0 : i32
          %dma_start3A_302 = tpu.memref_slice %arg7[%dma_start3A_300, %dma_start3A_301] : memref<10240x128xf32, #tpu.memory_space<vmem_shared>> -> memref<10240x128xf32, #tpu.memory_space<vmem_shared>>
          tpu.enqueue_indirect_dma source(%run_scoped3A_1 : memref<128x128xf32, #tpu.memory_space<vmem>>) target(%dma_start3A_302 : memref<10240x128xf32, #tpu.memory_space<vmem_shared>>) offsets(%dma_start3A_299 : memref<128xi32, #tpu.memory_space<vmem>>) semaphore(%run_scoped3A_296 : memref<!tpu.dma_semaphore, #tpu.memory_space<semaphore_mem>>) {add = true}
          %dma_wait3A_303 = arith.constant 0 : i32
          %dma_wait3A_304 = tpu.memref_slice %arg10[%add3A_286, %dma_wait3A_303] : memref<80x128xi32, #tpu.memory_space<vmem>> -> memref<1x128xi32, #tpu.memory_space<vmem>>
          %dma_wait3A_305 = tpu.memref_squeeze %dma_wait3A_304 : memref<1x128xi32, #tpu.memory_space<vmem>> -> memref<128xi32, #tpu.memory_space<vmem>>
          %dma_wait3A_306 = arith.constant 0 : i32
          %dma_wait3A_307 = arith.constant 0 : i32
          %dma_wait3A_308 = tpu.memref_slice %arg7[%dma_wait3A_306, %dma_wait3A_307] : memref<10240x128xf32, #tpu.memory_space<vmem_shared>> -> memref<10240x128xf32, #tpu.memory_space<vmem_shared>>
          tpu.wait_indirect_dma semaphore(%run_scoped3A_296 : memref<!tpu.dma_semaphore, #tpu.memory_space<semaphore_mem>>) src(%run_scoped3A_1 : memref<128x128xf32, #tpu.memory_space<vmem>>) dst(%dma_wait3A_308 : memref<10240x128xf32, #tpu.memory_space<vmem_shared>>)
          tpu.yield
        }) : () -> ()
        %add3A_287 = arith.constant 2 : i32
        %add3A_288 = arith.addi %add3A_278, %add3A_287 : i32
        %dma_start3A_289 = arith.constant 0 : i32
        %dma_start3A_290 = tpu.memref_slice %arg8[%add3A_288, %dma_start3A_289] : memref<16x128xi32, #tpu.memory_space<vmem>> -> memref<1x128xi32, #tpu.memory_space<vmem>>
        %dma_start3A_291 = tpu.memref_squeeze %dma_start3A_290 : memref<1x128xi32, #tpu.memory_space<vmem>> -> memref<128xi32, #tpu.memory_space<vmem>>
        %dma_start3A_292 = arith.constant 0 : i32
        %dma_start3A_293 = arith.constant 0 : i32
        %dma_start3A_294 = tpu.memref_slice %arg2[%dma_start3A_292, %dma_start3A_293] : memref<10000x128xf32, #tpu.memory_space<hbm>> -> memref<10000x128xf32, #tpu.memory_space<hbm>>
        tpu.enqueue_indirect_dma source(%dma_start3A_294 : memref<10000x128xf32, #tpu.memory_space<hbm>>) target(%run_scoped3A_1 : memref<128x128xf32, #tpu.memory_space<vmem>>) offsets(%dma_start3A_291 : memref<128xi32, #tpu.memory_space<vmem>>) semaphore(%arg13 : memref<!tpu.dma_semaphore, #tpu.memory_space<semaphore_mem>>)
        %scan3A_295 = arith.constant 0 : i32
        scf.yield %scan3A_295 : i32
      }
      %scan3A_236 = arith.constant 7 : i32
      %dma_wait3A_237 = arith.constant 14 : i32
      %dma_wait3A_238 = arith.constant 0 : i32
      %dma_wait3A_239 = tpu.memref_slice %arg8[%dma_wait3A_237, %dma_wait3A_238] : memref<16x128xi32, #tpu.memory_space<vmem>> -> memref<1x128xi32, #tpu.memory_space<vmem>>
      %dma_wait3A_240 = tpu.memref_squeeze %dma_wait3A_239 : memref<1x128xi32, #tpu.memory_space<vmem>> -> memref<128xi32, #tpu.memory_space<vmem>>
      %dma_wait3A_241 = arith.constant 0 : i32
      %dma_wait3A_242 = arith.constant 0 : i32
      %dma_wait3A_243 = tpu.memref_slice %arg2[%dma_wait3A_241, %dma_wait3A_242] : memref<10000x128xf32, #tpu.memory_space<hbm>> -> memref<10000x128xf32, #tpu.memory_space<hbm>>
      tpu.wait_indirect_dma semaphore(%arg12 : memref<!tpu.dma_semaphore, #tpu.memory_space<semaphore_mem>>) src(%dma_wait3A_243 : memref<10000x128xf32, #tpu.memory_space<hbm>>) dst(%run_scoped3A : memref<128x128xf32, #tpu.memory_space<vmem>>)
      %run_scoped3A_244 = arith.constant 78 : i32
      "tpu.region"() ({
        %run_scoped3A_253 = tpu.sem_alloc : memref<!tpu.dma_semaphore, #tpu.memory_space<semaphore_mem>>
        %dma_start3A_254 = arith.constant 0 : i32
        %dma_start3A_255 = tpu.memref_slice %arg10[%run_scoped3A_244, %dma_start3A_254] : memref<80x128xi32, #tpu.memory_space<vmem>> -> memref<1x128xi32, #tpu.memory_space<vmem>>
        %dma_start3A_256 = tpu.memref_squeeze %dma_start3A_255 : memref<1x128xi32, #tpu.memory_space<vmem>> -> memref<128xi32, #tpu.memory_space<vmem>>
        %dma_start3A_257 = arith.constant 0 : i32
        %dma_start3A_258 = arith.constant 0 : i32
        %dma_start3A_259 = tpu.memref_slice %arg7[%dma_start3A_257, %dma_start3A_258] : memref<10240x128xf32, #tpu.memory_space<vmem_shared>> -> memref<10240x128xf32, #tpu.memory_space<vmem_shared>>
        tpu.enqueue_indirect_dma source(%run_scoped3A : memref<128x128xf32, #tpu.memory_space<vmem>>) target(%dma_start3A_259 : memref<10240x128xf32, #tpu.memory_space<vmem_shared>>) offsets(%dma_start3A_256 : memref<128xi32, #tpu.memory_space<vmem>>) semaphore(%run_scoped3A_253 : memref<!tpu.dma_semaphore, #tpu.memory_space<semaphore_mem>>) {add = true}
        %dma_wait3A_260 = arith.constant 0 : i32
        %dma_wait3A_261 = tpu.memref_slice %arg10[%run_scoped3A_244, %dma_wait3A_260] : memref<80x128xi32, #tpu.memory_space<vmem>> -> memref<1x128xi32, #tpu.memory_space<vmem>>
        %dma_wait3A_262 = tpu.memref_squeeze %dma_wait3A_261 : memref<1x128xi32, #tpu.memory_space<vmem>> -> memref<128xi32, #tpu.memory_space<vmem>>
        %dma_wait3A_263 = arith.constant 0 : i32
        %dma_wait3A_264 = arith.constant 0 : i32
        %dma_wait3A_265 = tpu.memref_slice %arg7[%dma_wait3A_263, %dma_wait3A_264] : memref<10240x128xf32, #tpu.memory_space<vmem_shared>> -> memref<10240x128xf32, #tpu.memory_space<vmem_shared>>
        tpu.wait_indirect_dma semaphore(%run_scoped3A_253 : memref<!tpu.dma_semaphore, #tpu.memory_space<semaphore_mem>>) src(%run_scoped3A : memref<128x128xf32, #tpu.memory_space<vmem>>) dst(%dma_wait3A_265 : memref<10240x128xf32, #tpu.memory_space<vmem_shared>>)
        tpu.yield
      }) : () -> ()
      %dma_wait3A_245 = arith.constant 15 : i32
      %dma_wait3A_246 = arith.constant 0 : i32
      %dma_wait3A_247 = tpu.memref_slice %arg8[%dma_wait3A_245, %dma_wait3A_246] : memref<16x128xi32, #tpu.memory_space<vmem>> -> memref<1x128xi32, #tpu.memory_space<vmem>>
      %dma_wait3A_248 = tpu.memref_squeeze %dma_wait3A_247 : memref<1x128xi32, #tpu.memory_space<vmem>> -> memref<128xi32, #tpu.memory_space<vmem>>
      %dma_wait3A_249 = arith.constant 0 : i32
      %dma_wait3A_250 = arith.constant 0 : i32
      %dma_wait3A_251 = tpu.memref_slice %arg2[%dma_wait3A_249, %dma_wait3A_250] : memref<10000x128xf32, #tpu.memory_space<hbm>> -> memref<10000x128xf32, #tpu.memory_space<hbm>>
      tpu.wait_indirect_dma semaphore(%arg13 : memref<!tpu.dma_semaphore, #tpu.memory_space<semaphore_mem>>) src(%dma_wait3A_251 : memref<10000x128xf32, #tpu.memory_space<hbm>>) dst(%run_scoped3A_1 : memref<128x128xf32, #tpu.memory_space<vmem>>)
      %run_scoped3A_252 = arith.constant 79 : i32
      "tpu.region"() ({
        %run_scoped3A_253 = tpu.sem_alloc : memref<!tpu.dma_semaphore, #tpu.memory_space<semaphore_mem>>
        %dma_start3A_254 = arith.constant 0 : i32
        %dma_start3A_255 = tpu.memref_slice %arg10[%run_scoped3A_252, %dma_start3A_254] : memref<80x128xi32, #tpu.memory_space<vmem>> -> memref<1x128xi32, #tpu.memory_space<vmem>>
        %dma_start3A_256 = tpu.memref_squeeze %dma_start3A_255 : memref<1x128xi32, #tpu.memory_space<vmem>> -> memref<128xi32, #tpu.memory_space<vmem>>
        %dma_start3A_257 = arith.constant 0 : i32
        %dma_start3A_258 = arith.constant 0 : i32
        %dma_start3A_259 = tpu.memref_slice %arg7[%dma_start3A_257, %dma_start3A_258] : memref<10240x128xf32, #tpu.memory_space<vmem_shared>> -> memref<10240x128xf32, #tpu.memory_space<vmem_shared>>
        tpu.enqueue_indirect_dma source(%run_scoped3A_1 : memref<128x128xf32, #tpu.memory_space<vmem>>) target(%dma_start3A_259 : memref<10240x128xf32, #tpu.memory_space<vmem_shared>>) offsets(%dma_start3A_256 : memref<128xi32, #tpu.memory_space<vmem>>) semaphore(%run_scoped3A_253 : memref<!tpu.dma_semaphore, #tpu.memory_space<semaphore_mem>>) {add = true}
        %dma_wait3A_260 = arith.constant 0 : i32
        %dma_wait3A_261 = tpu.memref_slice %arg10[%run_scoped3A_252, %dma_wait3A_260] : memref<80x128xi32, #tpu.memory_space<vmem>> -> memref<1x128xi32, #tpu.memory_space<vmem>>
        %dma_wait3A_262 = tpu.memref_squeeze %dma_wait3A_261 : memref<1x128xi32, #tpu.memory_space<vmem>> -> memref<128xi32, #tpu.memory_space<vmem>>
        %dma_wait3A_263 = arith.constant 0 : i32
        %dma_wait3A_264 = arith.constant 0 : i32
        %dma_wait3A_265 = tpu.memref_slice %arg7[%dma_wait3A_263, %dma_wait3A_264] : memref<10240x128xf32, #tpu.memory_space<vmem_shared>> -> memref<10240x128xf32, #tpu.memory_space<vmem_shared>>
        tpu.wait_indirect_dma semaphore(%run_scoped3A_253 : memref<!tpu.dma_semaphore, #tpu.memory_space<semaphore_mem>>) src(%run_scoped3A_1 : memref<128x128xf32, #tpu.memory_space<vmem>>) dst(%dma_wait3A_265 : memref<10240x128xf32, #tpu.memory_space<vmem_shared>>)
        tpu.yield
      }) : () -> ()
      tpu.yield
    }) : () -> ()
    %barrier3A = arith.constant 0 : index
    tpu.barrier barrier_id(%barrier3A)
    "tpu.region"() ({
      %run_scoped3A = memref.alloca() : memref<64x128xf32, #tpu.memory_space<vmem>>
      %run_scoped3A_1 = memref.alloca() : memref<64x128xf32, #tpu.memory_space<vmem>>
      %add3A = arith.constant 0 : i32
      %add3A_2 = arith.addi %mul3A_0, %add3A : i32
      %dma_start3A = arith.constant 0 : i32
      %dma_start3A_3 = tpu.memref_slice %arg7[%add3A_2, %dma_start3A] : memref<10240x128xf32, #tpu.memory_space<vmem_shared>> -> memref<64x128xf32, #tpu.memory_space<vmem_shared>>
      %dma_start3A_4 = arith.constant 0 : i32
      %dma_start3A_5 = tpu.memref_slice %arg7[%add3A_2, %dma_start3A_4] : memref<10240x128xf32, #tpu.memory_space<vmem_shared>> -> memref<64x128xf32, #tpu.memory_space<vmem_shared>>
      tpu.enqueue_dma source(%dma_start3A_5 : memref<64x128xf32, #tpu.memory_space<vmem_shared>>) target(%run_scoped3A : memref<64x128xf32, #tpu.memory_space<vmem>>) target_semaphore(%arg12 : memref<!tpu.dma_semaphore, #tpu.memory_space<semaphore_mem>>)
      %add3A_6 = arith.constant 64 : i32
      %add3A_7 = arith.addi %mul3A_0, %add3A_6 : i32
      %dma_start3A_8 = arith.constant 0 : i32
      %dma_start3A_9 = tpu.memref_slice %arg7[%add3A_7, %dma_start3A_8] : memref<10240x128xf32, #tpu.memory_space<vmem_shared>> -> memref<64x128xf32, #tpu.memory_space<vmem_shared>>
      %dma_start3A_10 = arith.constant 0 : i32
      %dma_start3A_11 = tpu.memref_slice %arg7[%add3A_7, %dma_start3A_10] : memref<10240x128xf32, #tpu.memory_space<vmem_shared>> -> memref<64x128xf32, #tpu.memory_space<vmem_shared>>
      tpu.enqueue_dma source(%dma_start3A_11 : memref<64x128xf32, #tpu.memory_space<vmem_shared>>) target(%run_scoped3A_1 : memref<64x128xf32, #tpu.memory_space<vmem>>) target_semaphore(%arg13 : memref<!tpu.dma_semaphore, #tpu.memory_space<semaphore_mem>>)
      %scan3A = arith.constant 0 : i32
      %scan3A_12 = arith.constant 0 : i32
      %scan3A_13 = arith.constant 5 : i32
      %scan3A_14 = arith.addi %scan3A_12, %scan3A_13 : i32
      %scan3A_15 = arith.constant 1 : i32
      %scan3A_16 = scf.for %scan3A_33 = %scan3A_12 to %scan3A_14 step %scan3A_15 iter_args(%scan3A_34 = %scan3A) -> (i32)  : i32 {
        %mul3A_35 = arith.constant 2 : i32
        %mul3A_36 = arith.muli %scan3A_33, %mul3A_35 : i32
        %add3A_37 = arith.constant 0 : i32
        %add3A_38 = arith.addi %mul3A_36, %add3A_37 : i32
        %mul3A_39 = arith.constant 64 : i32
        %mul3A_40 = arith.muli %add3A_38, %mul3A_39 : i32
        %add3A_41 = arith.addi %mul3A_0, %mul3A_40 : i32
        %dma_wait3A_42 = arith.constant 0 : i32
        %dma_wait3A_43 = tpu.memref_slice %arg7[%add3A_41, %dma_wait3A_42] : memref<10240x128xf32, #tpu.memory_space<vmem_shared>> -> memref<64x128xf32, #tpu.memory_space<vmem_shared>>
        %dma_wait3A_44 = arith.constant 0 : i32
        %dma_wait3A_45 = tpu.memref_slice %arg7[%add3A_41, %dma_wait3A_44] : memref<10240x128xf32, #tpu.memory_space<vmem_shared>> -> memref<64x128xf32, #tpu.memory_space<vmem_shared>>
        tpu.wait_dma2 semaphore(%arg12 : memref<!tpu.dma_semaphore, #tpu.memory_space<semaphore_mem>>) src(%dma_wait3A_45 : memref<64x128xf32, #tpu.memory_space<vmem_shared>>) dst(%run_scoped3A : memref<64x128xf32, #tpu.memory_space<vmem>>)
        %scan3A_46 = arith.constant 0 : i32
        %scan3A_47 = arith.constant 0 : i32
        %scan3A_48 = arith.constant 64 : i32
        %scan3A_49 = arith.addi %scan3A_47, %scan3A_48 : i32
        %scan3A_50 = arith.constant 1 : i32
        %scan3A_51 = scf.for %scan3A_101 = %scan3A_47 to %scan3A_49 step %scan3A_50 iter_args(%scan3A_102 = %scan3A_46) -> (i32)  : i32 {
          %mul3A_103 = arith.constant 64 : i32
          %mul3A_104 = arith.muli %add3A_38, %mul3A_103 : i32
          %add3A_105 = arith.addi %mul3A_104, %scan3A_101 : i32
          %broadcast_in_dim3A = vector.broadcast %add3A_105 : i32 to vector<16xi32>
          %gather3A = tpu.vector_load_idx %arg11[%broadcast_in_dim3A] : memref<640xf32, #tpu.memory_space<vmem>>[vector<16xi32>], vector<16xf32>,
          %scan3A_106 = arith.constant 0 : i32
          %scan3A_107 = arith.constant 0 : i32
          %scan3A_108 = arith.constant 8 : i32
          %scan3A_109 = arith.addi %scan3A_107, %scan3A_108 : i32
          %scan3A_110 = arith.constant 1 : i32
          %scan3A_111 = scf.for %scan3A_113 = %scan3A_107 to %scan3A_109 step %scan3A_110 iter_args(%scan3A_114 = %scan3A_106) -> (i32)  : i32 {
            %mul3A_115 = arith.constant 16 : i32
            %mul3A_116 = arith.muli %scan3A_113, %mul3A_115 : i32
            %get3A = arith.index_cast %scan3A_101 : i32 to index
            %get3A_117 = arith.index_cast %mul3A_116 : i32 to index
            %get3A_118 = tpu.vector_load %run_scoped3A[%get3A, %get3A_117] {strides = array<i32>} : memref<64x128xf32, #tpu.memory_space<vmem>>, vector<16xf32>,
            %mul3A_119 = arith.mulf %get3A_118, %gather3A : vector<16xf32>
            %mul3A_120 = arith.constant 16 : i32
            %mul3A_121 = arith.muli %scan3A_113, %mul3A_120 : i32
            %swap3A = arith.index_cast %scan3A_101 : i32 to index
            %swap3A_122 = arith.index_cast %mul3A_121 : i32 to index
            %swap3A_123 = tpu.vector_load %run_scoped3A[%swap3A, %swap3A_122] {strides = array<i32>} : memref<64x128xf32, #tpu.memory_space<vmem>>, vector<16xf32>,
            tpu.vector_store %run_scoped3A[%swap3A, %swap3A_122], %mul3A_119 {strides = array<i32>} : memref<64x128xf32, #tpu.memory_space<vmem>>, vector<16xf32>,
            %scan3A_124 = arith.constant 0 : i32
            scf.yield %scan3A_124 : i32
          }
          %scan3A_112 = arith.constant 8 : i32
          scf.yield %scan3A_111 : i32
        }
        %scan3A_52 = arith.constant 64 : i32
        %mul3A_53 = arith.constant 64 : i32
        %mul3A_54 = arith.muli %add3A_38, %mul3A_53 : i32
        %add3A_55 = arith.addi %mul3A_0, %mul3A_54 : i32
        %dma_start3A_56 = arith.constant 0 : i32
        %dma_start3A_57 = tpu.memref_slice %arg6[%arg0, %add3A_55, %dma_start3A_56] : memref<2x10240x128xf32, #tpu.memory_space<hbm>> -> memref<1x64x128xf32, #tpu.memory_space<hbm>>
        %dma_start3A_58 = tpu.memref_squeeze %dma_start3A_57 : memref<1x64x128xf32, #tpu.memory_space<hbm>> -> memref<64x128xf32, #tpu.memory_space<hbm>>
        %dma_start3A_59 = arith.constant 0 : i32
        %dma_start3A_60 = tpu.memref_slice %arg6[%arg0, %add3A_55, %dma_start3A_59] : memref<2x10240x128xf32, #tpu.memory_space<hbm>> -> memref<1x64x128xf32, #tpu.memory_space<hbm>>
        %dma_start3A_61 = tpu.memref_squeeze %dma_start3A_60 : memref<1x64x128xf32, #tpu.memory_space<hbm>> -> memref<64x128xf32, #tpu.memory_space<hbm>>
        tpu.enqueue_dma source(%run_scoped3A : memref<64x128xf32, #tpu.memory_space<vmem>>) target(%dma_start3A_61 : memref<64x128xf32, #tpu.memory_space<hbm>>) target_semaphore(%arg14 : memref<!tpu.dma_semaphore, #tpu.memory_space<semaphore_mem>>)
        %add3A_62 = arith.constant 2 : i32
        %add3A_63 = arith.addi %add3A_38, %add3A_62 : i32
        %lt3A = arith.constant 10 : i32
        %lt3A_64 = arith.cmpi slt, %add3A_63, %lt3A : i32
        %convert_element_type3A = arith.extui %lt3A_64 : i1 to i32
        %cond3A = arith.constant 0 : i32
        %cond3A_65 = arith.cmpi ne, %convert_element_type3A, %cond3A : i32
        scf.if %cond3A_65 {
          %mul3A_101 = arith.constant 64 : i32
          %mul3A_102 = arith.muli %add3A_38, %mul3A_101 : i32
          %add3A_103 = arith.addi %mul3A_0, %mul3A_102 : i32
          %dma_wait3A_104 = arith.constant 0 : i32
          %dma_wait3A_105 = tpu.memref_slice %arg6[%arg0, %add3A_103, %dma_wait3A_104] : memref<2x10240x128xf32, #tpu.memory_space<hbm>> -> memref<1x64x128xf32, #tpu.memory_space<hbm>>
          %dma_wait3A_106 = tpu.memref_squeeze %dma_wait3A_105 : memref<1x64x128xf32, #tpu.memory_space<hbm>> -> memref<64x128xf32, #tpu.memory_space<hbm>>
          %dma_wait3A_107 = arith.constant 0 : i32
          %dma_wait3A_108 = tpu.memref_slice %arg6[%arg0, %add3A_103, %dma_wait3A_107] : memref<2x10240x128xf32, #tpu.memory_space<hbm>> -> memref<1x64x128xf32, #tpu.memory_space<hbm>>
          %dma_wait3A_109 = tpu.memref_squeeze %dma_wait3A_108 : memref<1x64x128xf32, #tpu.memory_space<hbm>> -> memref<64x128xf32, #tpu.memory_space<hbm>>
          tpu.wait_dma2 semaphore(%arg14 : memref<!tpu.dma_semaphore, #tpu.memory_space<semaphore_mem>>) src(%run_scoped3A : memref<64x128xf32, #tpu.memory_space<vmem>>) dst(%dma_wait3A_109 : memref<64x128xf32, #tpu.memory_space<hbm>>)
          %add3A_110 = arith.constant 2 : i32
          %add3A_111 = arith.addi %add3A_38, %add3A_110 : i32
          %mul3A_112 = arith.constant 64 : i32
          %mul3A_113 = arith.muli %add3A_111, %mul3A_112 : i32
          %add3A_114 = arith.addi %mul3A_0, %mul3A_113 : i32
          %dma_start3A_115 = arith.constant 0 : i32
          %dma_start3A_116 = tpu.memref_slice %arg7[%add3A_114, %dma_start3A_115] : memref<10240x128xf32, #tpu.memory_space<vmem_shared>> -> memref<64x128xf32, #tpu.memory_space<vmem_shared>>
          %dma_start3A_117 = arith.constant 0 : i32
          %dma_start3A_118 = tpu.memref_slice %arg7[%add3A_114, %dma_start3A_117] : memref<10240x128xf32, #tpu.memory_space<vmem_shared>> -> memref<64x128xf32, #tpu.memory_space<vmem_shared>>
          tpu.enqueue_dma source(%dma_start3A_118 : memref<64x128xf32, #tpu.memory_space<vmem_shared>>) target(%run_scoped3A : memref<64x128xf32, #tpu.memory_space<vmem>>) target_semaphore(%arg12 : memref<!tpu.dma_semaphore, #tpu.memory_space<semaphore_mem>>)
        } else {
        }
        %mul3A_66 = arith.constant 2 : i32
        %mul3A_67 = arith.muli %scan3A_33, %mul3A_66 : i32
        %add3A_68 = arith.constant 1 : i32
        %add3A_69 = arith.addi %mul3A_67, %add3A_68 : i32
        %mul3A_70 = arith.constant 64 : i32
        %mul3A_71 = arith.muli %add3A_69, %mul3A_70 : i32
        %add3A_72 = arith.addi %mul3A_0, %mul3A_71 : i32
        %dma_wait3A_73 = arith.constant 0 : i32
        %dma_wait3A_74 = tpu.memref_slice %arg7[%add3A_72, %dma_wait3A_73] : memref<10240x128xf32, #tpu.memory_space<vmem_shared>> -> memref<64x128xf32, #tpu.memory_space<vmem_shared>>
        %dma_wait3A_75 = arith.constant 0 : i32
        %dma_wait3A_76 = tpu.memref_slice %arg7[%add3A_72, %dma_wait3A_75] : memref<10240x128xf32, #tpu.memory_space<vmem_shared>> -> memref<64x128xf32, #tpu.memory_space<vmem_shared>>
        tpu.wait_dma2 semaphore(%arg13 : memref<!tpu.dma_semaphore, #tpu.memory_space<semaphore_mem>>) src(%dma_wait3A_76 : memref<64x128xf32, #tpu.memory_space<vmem_shared>>) dst(%run_scoped3A_1 : memref<64x128xf32, #tpu.memory_space<vmem>>)
        %scan3A_77 = arith.constant 0 : i32
        %scan3A_78 = arith.constant 0 : i32
        %scan3A_79 = arith.constant 64 : i32
        %scan3A_80 = arith.addi %scan3A_78, %scan3A_79 : i32
        %scan3A_81 = arith.constant 1 : i32
        %scan3A_82 = scf.for %scan3A_101 = %scan3A_78 to %scan3A_80 step %scan3A_81 iter_args(%scan3A_102 = %scan3A_77) -> (i32)  : i32 {
          %mul3A_103 = arith.constant 64 : i32
          %mul3A_104 = arith.muli %add3A_69, %mul3A_103 : i32
          %add3A_105 = arith.addi %mul3A_104, %scan3A_101 : i32
          %broadcast_in_dim3A = vector.broadcast %add3A_105 : i32 to vector<16xi32>
          %gather3A = tpu.vector_load_idx %arg11[%broadcast_in_dim3A] : memref<640xf32, #tpu.memory_space<vmem>>[vector<16xi32>], vector<16xf32>,
          %scan3A_106 = arith.constant 0 : i32
          %scan3A_107 = arith.constant 0 : i32
          %scan3A_108 = arith.constant 8 : i32
          %scan3A_109 = arith.addi %scan3A_107, %scan3A_108 : i32
          %scan3A_110 = arith.constant 1 : i32
          %scan3A_111 = scf.for %scan3A_113 = %scan3A_107 to %scan3A_109 step %scan3A_110 iter_args(%scan3A_114 = %scan3A_106) -> (i32)  : i32 {
            %mul3A_115 = arith.constant 16 : i32
            %mul3A_116 = arith.muli %scan3A_113, %mul3A_115 : i32
            %get3A = arith.index_cast %scan3A_101 : i32 to index
            %get3A_117 = arith.index_cast %mul3A_116 : i32 to index
            %get3A_118 = tpu.vector_load %run_scoped3A_1[%get3A, %get3A_117] {strides = array<i32>} : memref<64x128xf32, #tpu.memory_space<vmem>>, vector<16xf32>,
            %mul3A_119 = arith.mulf %get3A_118, %gather3A : vector<16xf32>
            %mul3A_120 = arith.constant 16 : i32
            %mul3A_121 = arith.muli %scan3A_113, %mul3A_120 : i32
            %swap3A = arith.index_cast %scan3A_101 : i32 to index
            %swap3A_122 = arith.index_cast %mul3A_121 : i32 to index
            %swap3A_123 = tpu.vector_load %run_scoped3A_1[%swap3A, %swap3A_122] {strides = array<i32>} : memref<64x128xf32, #tpu.memory_space<vmem>>, vector<16xf32>,
            tpu.vector_store %run_scoped3A_1[%swap3A, %swap3A_122], %mul3A_119 {strides = array<i32>} : memref<64x128xf32, #tpu.memory_space<vmem>>, vector<16xf32>,
            %scan3A_124 = arith.constant 0 : i32
            scf.yield %scan3A_124 : i32
          }
          %scan3A_112 = arith.constant 8 : i32
          scf.yield %scan3A_111 : i32
        }
        %scan3A_83 = arith.constant 64 : i32
        %mul3A_84 = arith.constant 64 : i32
        %mul3A_85 = arith.muli %add3A_69, %mul3A_84 : i32
        %add3A_86 = arith.addi %mul3A_0, %mul3A_85 : i32
        %dma_start3A_87 = arith.constant 0 : i32
        %dma_start3A_88 = tpu.memref_slice %arg6[%arg0, %add3A_86, %dma_start3A_87] : memref<2x10240x128xf32, #tpu.memory_space<hbm>> -> memref<1x64x128xf32, #tpu.memory_space<hbm>>
        %dma_start3A_89 = tpu.memref_squeeze %dma_start3A_88 : memref<1x64x128xf32, #tpu.memory_space<hbm>> -> memref<64x128xf32, #tpu.memory_space<hbm>>
        %dma_start3A_90 = arith.constant 0 : i32
        %dma_start3A_91 = tpu.memref_slice %arg6[%arg0, %add3A_86, %dma_start3A_90] : memref<2x10240x128xf32, #tpu.memory_space<hbm>> -> memref<1x64x128xf32, #tpu.memory_space<hbm>>
        %dma_start3A_92 = tpu.memref_squeeze %dma_start3A_91 : memref<1x64x128xf32, #tpu.memory_space<hbm>> -> memref<64x128xf32, #tpu.memory_space<hbm>>
        tpu.enqueue_dma source(%run_scoped3A_1 : memref<64x128xf32, #tpu.memory_space<vmem>>) target(%dma_start3A_92 : memref<64x128xf32, #tpu.memory_space<hbm>>) target_semaphore(%arg15 : memref<!tpu.dma_semaphore, #tpu.memory_space<semaphore_mem>>)
        %add3A_93 = arith.constant 2 : i32
        %add3A_94 = arith.addi %add3A_69, %add3A_93 : i32
        %lt3A_95 = arith.constant 10 : i32
        %lt3A_96 = arith.cmpi slt, %add3A_94, %lt3A_95 : i32
        %convert_element_type3A_97 = arith.extui %lt3A_96 : i1 to i32
        %cond3A_98 = arith.constant 0 : i32
        %cond3A_99 = arith.cmpi ne, %convert_element_type3A_97, %cond3A_98 : i32
        scf.if %cond3A_99 {
          %mul3A_101 = arith.constant 64 : i32
          %mul3A_102 = arith.muli %add3A_69, %mul3A_101 : i32
          %add3A_103 = arith.addi %mul3A_0, %mul3A_102 : i32
          %dma_wait3A_104 = arith.constant 0 : i32
          %dma_wait3A_105 = tpu.memref_slice %arg6[%arg0, %add3A_103, %dma_wait3A_104] : memref<2x10240x128xf32, #tpu.memory_space<hbm>> -> memref<1x64x128xf32, #tpu.memory_space<hbm>>
          %dma_wait3A_106 = tpu.memref_squeeze %dma_wait3A_105 : memref<1x64x128xf32, #tpu.memory_space<hbm>> -> memref<64x128xf32, #tpu.memory_space<hbm>>
          %dma_wait3A_107 = arith.constant 0 : i32
          %dma_wait3A_108 = tpu.memref_slice %arg6[%arg0, %add3A_103, %dma_wait3A_107] : memref<2x10240x128xf32, #tpu.memory_space<hbm>> -> memref<1x64x128xf32, #tpu.memory_space<hbm>>
          %dma_wait3A_109 = tpu.memref_squeeze %dma_wait3A_108 : memref<1x64x128xf32, #tpu.memory_space<hbm>> -> memref<64x128xf32, #tpu.memory_space<hbm>>
          tpu.wait_dma2 semaphore(%arg15 : memref<!tpu.dma_semaphore, #tpu.memory_space<semaphore_mem>>) src(%run_scoped3A_1 : memref<64x128xf32, #tpu.memory_space<vmem>>) dst(%dma_wait3A_109 : memref<64x128xf32, #tpu.memory_space<hbm>>)
          %add3A_110 = arith.constant 2 : i32
          %add3A_111 = arith.addi %add3A_69, %add3A_110 : i32
          %mul3A_112 = arith.constant 64 : i32
          %mul3A_113 = arith.muli %add3A_111, %mul3A_112 : i32
          %add3A_114 = arith.addi %mul3A_0, %mul3A_113 : i32
          %dma_start3A_115 = arith.constant 0 : i32
          %dma_start3A_116 = tpu.memref_slice %arg7[%add3A_114, %dma_start3A_115] : memref<10240x128xf32, #tpu.memory_space<vmem_shared>> -> memref<64x128xf32, #tpu.memory_space<vmem_shared>>
          %dma_start3A_117 = arith.constant 0 : i32
          %dma_start3A_118 = tpu.memref_slice %arg7[%add3A_114, %dma_start3A_117] : memref<10240x128xf32, #tpu.memory_space<vmem_shared>> -> memref<64x128xf32, #tpu.memory_space<vmem_shared>>
          tpu.enqueue_dma source(%dma_start3A_118 : memref<64x128xf32, #tpu.memory_space<vmem_shared>>) target(%run_scoped3A_1 : memref<64x128xf32, #tpu.memory_space<vmem>>) target_semaphore(%arg13 : memref<!tpu.dma_semaphore, #tpu.memory_space<semaphore_mem>>)
        } else {
        }
        %scan3A_100 = arith.constant 0 : i32
        scf.yield %scan3A_100 : i32
      }
      %scan3A_17 = arith.constant 5 : i32
      %add3A_18 = arith.constant 512 : i32
      %add3A_19 = arith.addi %mul3A_0, %add3A_18 : i32
      %dma_wait3A = arith.constant 0 : i32
      %dma_wait3A_20 = tpu.memref_slice %arg6[%arg0, %add3A_19, %dma_wait3A] : memref<2x10240x128xf32, #tpu.memory_space<hbm>> -> memref<1x64x128xf32, #tpu.memory_space<hbm>>
      %dma_wait3A_21 = tpu.memref_squeeze %dma_wait3A_20 : memref<1x64x128xf32, #tpu.memory_space<hbm>> -> memref<64x128xf32, #tpu.memory_space<hbm>>
      %dma_wait3A_22 = arith.constant 0 : i32
      %dma_wait3A_23 = tpu.memref_slice %arg6[%arg0, %add3A_19, %dma_wait3A_22] : memref<2x10240x128xf32, #tpu.memory_space<hbm>> -> memref<1x64x128xf32, #tpu.memory_space<hbm>>
      %dma_wait3A_24 = tpu.memref_squeeze %dma_wait3A_23 : memref<1x64x128xf32, #tpu.memory_space<hbm>> -> memref<64x128xf32, #tpu.memory_space<hbm>>
      tpu.wait_dma2 semaphore(%arg14 : memref<!tpu.dma_semaphore, #tpu.memory_space<semaphore_mem>>) src(%run_scoped3A : memref<64x128xf32, #tpu.memory_space<vmem>>) dst(%dma_wait3A_24 : memref<64x128xf32, #tpu.memory_space<hbm>>)
      %add3A_25 = arith.constant 576 : i32
      %add3A_26 = arith.addi %mul3A_0, %add3A_25 : i32
      %dma_wait3A_27 = arith.constant 0 : i32
      %dma_wait3A_28 = tpu.memref_slice %arg6[%arg0, %add3A_26, %dma_wait3A_27] : memref<2x10240x128xf32, #tpu.memory_space<hbm>> -> memref<1x64x128xf32, #tpu.memory_space<hbm>>
      %dma_wait3A_29 = tpu.memref_squeeze %dma_wait3A_28 : memref<1x64x128xf32, #tpu.memory_space<hbm>> -> memref<64x128xf32, #tpu.memory_space<hbm>>
      %dma_wait3A_30 = arith.constant 0 : i32
      %dma_wait3A_31 = tpu.memref_slice %arg6[%arg0, %add3A_26, %dma_wait3A_30] : memref<2x10240x128xf32, #tpu.memory_space<hbm>> -> memref<1x64x128xf32, #tpu.memory_space<hbm>>
      %dma_wait3A_32 = tpu.memref_squeeze %dma_wait3A_31 : memref<1x64x128xf32, #tpu.memory_space<hbm>> -> memref<64x128xf32, #tpu.memory_space<hbm>>
      tpu.wait_dma2 semaphore(%arg15 : memref<!tpu.dma_semaphore, #tpu.memory_space<semaphore_mem>>) src(%run_scoped3A_1 : memref<64x128xf32, #tpu.memory_space<vmem>>) dst(%dma_wait3A_32 : memref<64x128xf32, #tpu.memory_space<hbm>>)
      tpu.yield
    }) : () -> ()
    return
  }
}

#map = affine_map<(d0, d1) -> (0, 0)>
#map1 = affine_map<(d0, d1) -> (0)>
module attributes {stable_mosaic.version = 14 : i64} {
  func.func @_sc_cnt_body(%arg0: i32, %arg1: i32, %arg2: memref<2560x128xi32, #tpu.memory_space<hbm>>, %arg3: memref<10240xf32, #tpu.memory_space<hbm>>, %arg4: memref<80x128xf32, #tpu.memory_space<vmem_shared>>, %arg5: memref<5x128xf32, #tpu.memory_space<vmem>>, %arg6: memref<640xf32, #tpu.memory_space<vmem>>) attributes {dimension_semantics = [#tpu.dimension_semantics<core_parallel>, #tpu.dimension_semantics<subcore_parallel>], iteration_bounds = array<i64: 2, 16>, scalar_prefetch = 0 : i64, scratch_operands = 3 : i64, tpu.core_type = #tpu.core_type<sc_vector_subcore>, window_params = [{transform_indices = #map}, {transform_indices = #map1}]} {
    %mul3A = arith.constant 640 : i32
    %mul3A_0 = arith.muli %arg1, %mul3A : i32
    %broadcast_in_dim3A = arith.constant 0.000000e+00 : f32
    %broadcast_in_dim3A_1 = vector.broadcast %broadcast_in_dim3A : f32 to vector<16xf32>
    %broadcast_in_dim3A_2 = arith.constant 1.000000e+00 : f32
    %broadcast_in_dim3A_3 = vector.broadcast %broadcast_in_dim3A_2 : f32 to vector<16xf32>
    "tpu.region"() ({
      %run_scoped3A = memref.alloca() : memref<80x128xf32, #tpu.memory_space<vmem>>
      %run_scoped3A_14 = memref.alloca() : memref<16x128xi32, #tpu.memory_space<vmem>>
      %run_scoped3A_15 = memref.alloca() : memref<80xi32, #tpu.memory_space<vmem>>
      %scan3A_16 = arith.constant 0 : i32
      %scan3A_17 = arith.constant 0 : i32
      %scan3A_18 = arith.constant 80 : i32
      %scan3A_19 = arith.addi %scan3A_17, %scan3A_18 : i32
      %scan3A_20 = arith.constant 1 : i32
      %scan3A_21 = scf.for %scan3A_42 = %scan3A_17 to %scan3A_19 step %scan3A_20 iter_args(%scan3A_43 = %scan3A_16) -> (i32)  : i32 {
        %scan3A_44 = arith.constant 0 : i32
        %scan3A_45 = arith.constant 0 : i32
        %scan3A_46 = arith.constant 8 : i32
        %scan3A_47 = arith.addi %scan3A_45, %scan3A_46 : i32
        %scan3A_48 = arith.constant 1 : i32
        %scan3A_49 = scf.for %scan3A_51 = %scan3A_45 to %scan3A_47 step %scan3A_48 iter_args(%scan3A_52 = %scan3A_44) -> (i32)  : i32 {
          %mul3A_53 = arith.constant 16 : i32
          %mul3A_54 = arith.muli %scan3A_51, %mul3A_53 : i32
          %swap3A = arith.index_cast %scan3A_42 : i32 to index
          %swap3A_55 = arith.index_cast %mul3A_54 : i32 to index
          %swap3A_56 = tpu.vector_load %run_scoped3A[%swap3A, %swap3A_55] {strides = array<i32>} : memref<80x128xf32, #tpu.memory_space<vmem>>, vector<16xf32>,
          tpu.vector_store %run_scoped3A[%swap3A, %swap3A_55], %broadcast_in_dim3A_1 {strides = array<i32>} : memref<80x128xf32, #tpu.memory_space<vmem>>, vector<16xf32>,
          %scan3A_57 = arith.constant 0 : i32
          scf.yield %scan3A_57 : i32
        }
        %scan3A_50 = arith.constant 8 : i32
        scf.yield %scan3A_49 : i32
      }
      %scan3A_22 = arith.constant 80 : i32
      %mul3A_23 = arith.constant 5 : i32
      %mul3A_24 = arith.muli %arg1, %mul3A_23 : i32
      "tpu.region"() ({
        %run_scoped3A_42 = tpu.sem_alloc : memref<!tpu.dma_semaphore, #tpu.memory_space<semaphore_mem>>
        %dma_start3A = arith.constant 0 : i32
        %dma_start3A_43 = arith.constant 0 : i32
        %dma_start3A_44 = tpu.memref_slice %run_scoped3A[%dma_start3A, %dma_start3A_43] : memref<80x128xf32, #tpu.memory_space<vmem>> -> memref<5x128xf32, #tpu.memory_space<vmem>>
        %dma_start3A_45 = arith.constant 0 : i32
        %dma_start3A_46 = tpu.memref_slice %arg4[%mul3A_24, %dma_start3A_45] : memref<80x128xf32, #tpu.memory_space<vmem_shared>> -> memref<5x128xf32, #tpu.memory_space<vmem_shared>>
        %dma_start3A_47 = arith.constant 0 : i32
        %dma_start3A_48 = tpu.memref_slice %arg4[%mul3A_24, %dma_start3A_47] : memref<80x128xf32, #tpu.memory_space<vmem_shared>> -> memref<5x128xf32, #tpu.memory_space<vmem_shared>>
        %dma_start3A_49 = arith.constant 0 : i32
        %dma_start3A_50 = arith.constant 0 : i32
        %dma_start3A_51 = tpu.memref_slice %run_scoped3A[%dma_start3A_49, %dma_start3A_50] : memref<80x128xf32, #tpu.memory_space<vmem>> -> memref<5x128xf32, #tpu.memory_space<vmem>>
        tpu.enqueue_dma source(%dma_start3A_51 : memref<5x128xf32, #tpu.memory_space<vmem>>) target(%dma_start3A_48 : memref<5x128xf32, #tpu.memory_space<vmem_shared>>) target_semaphore(%run_scoped3A_42 : memref<!tpu.dma_semaphore, #tpu.memory_space<semaphore_mem>>)
        %dma_wait3A = arith.constant 0 : i32
        %dma_wait3A_52 = arith.constant 0 : i32
        %dma_wait3A_53 = tpu.memref_slice %run_scoped3A[%dma_wait3A, %dma_wait3A_52] : memref<80x128xf32, #tpu.memory_space<vmem>> -> memref<5x128xf32, #tpu.memory_space<vmem>>
        %dma_wait3A_54 = arith.constant 0 : i32
        %dma_wait3A_55 = tpu.memref_slice %arg4[%mul3A_24, %dma_wait3A_54] : memref<80x128xf32, #tpu.memory_space<vmem_shared>> -> memref<5x128xf32, #tpu.memory_space<vmem_shared>>
        %dma_wait3A_56 = arith.constant 0 : i32
        %dma_wait3A_57 = tpu.memref_slice %arg4[%mul3A_24, %dma_wait3A_56] : memref<80x128xf32, #tpu.memory_space<vmem_shared>> -> memref<5x128xf32, #tpu.memory_space<vmem_shared>>
        %dma_wait3A_58 = arith.constant 0 : i32
        %dma_wait3A_59 = arith.constant 0 : i32
        %dma_wait3A_60 = tpu.memref_slice %run_scoped3A[%dma_wait3A_58, %dma_wait3A_59] : memref<80x128xf32, #tpu.memory_space<vmem>> -> memref<5x128xf32, #tpu.memory_space<vmem>>
        tpu.wait_dma2 semaphore(%run_scoped3A_42 : memref<!tpu.dma_semaphore, #tpu.memory_space<semaphore_mem>>) src(%dma_wait3A_60 : memref<5x128xf32, #tpu.memory_space<vmem>>) dst(%dma_wait3A_57 : memref<5x128xf32, #tpu.memory_space<vmem_shared>>)
        tpu.yield
      }) : () -> ()
      %mul3A_25 = arith.constant 160 : i32
      %mul3A_26 = arith.muli %arg1, %mul3A_25 : i32
      %scan3A_27 = arith.constant 0 : i32
      %scan3A_28 = arith.constant 0 : i32
      %scan3A_29 = arith.constant 10 : i32
      %scan3A_30 = arith.addi %scan3A_28, %scan3A_29 : i32
      %scan3A_31 = arith.constant 1 : i32
      %scan3A_32 = scf.for %scan3A_42 = %scan3A_28 to %scan3A_30 step %scan3A_31 iter_args(%scan3A_43 = %scan3A_27) -> (i32)  : i32 {
        %mul3A_44 = arith.constant 16 : i32
        %mul3A_45 = arith.muli %scan3A_42, %mul3A_44 : i32
        %add3A = arith.addi %mul3A_26, %mul3A_45 : i32
        "tpu.region"() ({
          %run_scoped3A_53 = tpu.sem_alloc : memref<!tpu.dma_semaphore, #tpu.memory_space<semaphore_mem>>
          %dma_start3A = arith.constant 0 : i32
          %dma_start3A_54 = tpu.memref_slice %arg2[%add3A, %dma_start3A] : memref<2560x128xi32, #tpu.memory_space<hbm>> -> memref<16x128xi32, #tpu.memory_space<hbm>>
          %dma_start3A_55 = arith.constant 0 : i32
          %dma_start3A_56 = tpu.memref_slice %arg2[%add3A, %dma_start3A_55] : memref<2560x128xi32, #tpu.memory_space<hbm>> -> memref<16x128xi32, #tpu.memory_space<hbm>>
          tpu.enqueue_dma source(%dma_start3A_56 : memref<16x128xi32, #tpu.memory_space<hbm>>) target(%run_scoped3A_14 : memref<16x128xi32, #tpu.memory_space<vmem>>) target_semaphore(%run_scoped3A_53 : memref<!tpu.dma_semaphore, #tpu.memory_space<semaphore_mem>>)
          %dma_wait3A = arith.constant 0 : i32
          %dma_wait3A_57 = tpu.memref_slice %arg2[%add3A, %dma_wait3A] : memref<2560x128xi32, #tpu.memory_space<hbm>> -> memref<16x128xi32, #tpu.memory_space<hbm>>
          %dma_wait3A_58 = arith.constant 0 : i32
          %dma_wait3A_59 = tpu.memref_slice %arg2[%add3A, %dma_wait3A_58] : memref<2560x128xi32, #tpu.memory_space<hbm>> -> memref<16x128xi32, #tpu.memory_space<hbm>>
          tpu.wait_dma2 semaphore(%run_scoped3A_53 : memref<!tpu.dma_semaphore, #tpu.memory_space<semaphore_mem>>) src(%dma_wait3A_59 : memref<16x128xi32, #tpu.memory_space<hbm>>) dst(%run_scoped3A_14 : memref<16x128xi32, #tpu.memory_space<vmem>>)
          tpu.yield
        }) : () -> ()
        %scan3A_46 = arith.constant 0 : i32
        %scan3A_47 = arith.constant 0 : i32
        %scan3A_48 = arith.constant 16 : i32
        %scan3A_49 = arith.addi %scan3A_47, %scan3A_48 : i32
        %scan3A_50 = arith.constant 1 : i32
        %scan3A_51 = scf.for %scan3A_53 = %scan3A_47 to %scan3A_49 step %scan3A_50 iter_args(%scan3A_54 = %scan3A_46) -> (i32)  : i32 {
          %scan3A_55 = arith.constant 0 : i32
          %scan3A_56 = arith.constant 0 : i32
          %scan3A_57 = arith.constant 8 : i32
          %scan3A_58 = arith.addi %scan3A_56, %scan3A_57 : i32
          %scan3A_59 = arith.constant 1 : i32
          %scan3A_60 = scf.for %scan3A_62 = %scan3A_56 to %scan3A_58 step %scan3A_59 iter_args(%scan3A_63 = %scan3A_55) -> (i32)  : i32 {
            %mul3A_64 = arith.constant 16 : i32
            %mul3A_65 = arith.muli %scan3A_62, %mul3A_64 : i32
            %get3A = arith.index_cast %scan3A_53 : i32 to index
            %get3A_66 = arith.index_cast %mul3A_65 : i32 to index
            %get3A_67 = tpu.vector_load %run_scoped3A_14[%get3A, %get3A_66] {strides = array<i32>} : memref<16x128xi32, #tpu.memory_space<vmem>>, vector<16xi32>,
            %shift_right_logical3A = arith.constant 7 : i32
            %shift_right_logical3A_68 = vector.broadcast %shift_right_logical3A : i32 to vector<16xi32>
            %shift_right_logical3A_69 = arith.shrui %get3A_67, %shift_right_logical3A_68 : vector<16xi32>
            %and3A = arith.constant 127 : i32
            %and3A_70 = vector.broadcast %and3A : i32 to vector<16xi32>
            %and3A_71 = arith.andi %get3A_67, %and3A_70 : vector<16xi32>
            tpu.vector_store_idx %run_scoped3A[%shift_right_logical3A_69, %and3A_71], %broadcast_in_dim3A_3 {add = true} : memref<80x128xf32, #tpu.memory_space<vmem>>[vector<16xi32>, vector<16xi32>], vector<16xf32>,
            %scan3A_72 = arith.constant 0 : i32
            scf.yield %scan3A_72 : i32
          }
          %scan3A_61 = arith.constant 8 : i32
          scf.yield %scan3A_60 : i32
        }
        %scan3A_52 = arith.constant 16 : i32
        scf.yield %scan3A_51 : i32
      }
      %scan3A_33 = arith.constant 10 : i32
      %scan3A_34 = arith.constant 0 : i32
      %scan3A_35 = arith.constant 0 : i32
      %scan3A_36 = arith.constant 5 : i32
      %scan3A_37 = arith.addi %scan3A_35, %scan3A_36 : i32
      %scan3A_38 = arith.constant 1 : i32
      %scan3A_39 = scf.for %scan3A_42 = %scan3A_35 to %scan3A_37 step %scan3A_38 iter_args(%scan3A_43 = %scan3A_34) -> (i32)  : i32 {
        %iota3A = tpu.iota {dimensions = array<i32: 0>} : vector<16xi32>
        %mul3A_44 = arith.constant 16 : i32
        %mul3A_45 = arith.muli %scan3A_42, %mul3A_44 : i32
        %add3A = vector.broadcast %mul3A_45 : i32 to vector<16xi32>
        %add3A_46 = arith.addi %iota3A, %add3A : vector<16xi32>
        %mul3A_47 = arith.constant 16 : i32
        %mul3A_48 = arith.muli %scan3A_42, %mul3A_47 : i32
        %swap3A = arith.index_cast %mul3A_48 : i32 to index
        %swap3A_49 = tpu.vector_load %run_scoped3A_15[%swap3A] {strides = array<i32>} : memref<80xi32, #tpu.memory_space<vmem>>, vector<16xi32>,
        tpu.vector_store %run_scoped3A_15[%swap3A], %add3A_46 {strides = array<i32>} : memref<80xi32, #tpu.memory_space<vmem>>, vector<16xi32>,
        %scan3A_50 = arith.constant 0 : i32
        scf.yield %scan3A_50 : i32
      }
      %scan3A_40 = arith.constant 5 : i32
      %barrier3A_41 = arith.constant 0 : index
      tpu.barrier barrier_id(%barrier3A_41)
      "tpu.region"() ({
        %run_scoped3A_42 = tpu.sem_alloc : memref<!tpu.dma_semaphore, #tpu.memory_space<semaphore_mem>>
        %dma_start3A = arith.constant 0 : i32
        %dma_start3A_43 = arith.constant 0 : i32
        %dma_start3A_44 = tpu.memref_slice %arg4[%dma_start3A, %dma_start3A_43] : memref<80x128xf32, #tpu.memory_space<vmem_shared>> -> memref<80x128xf32, #tpu.memory_space<vmem_shared>>
        tpu.enqueue_indirect_dma source(%run_scoped3A : memref<80x128xf32, #tpu.memory_space<vmem>>) target(%dma_start3A_44 : memref<80x128xf32, #tpu.memory_space<vmem_shared>>) offsets(%run_scoped3A_15 : memref<80xi32, #tpu.memory_space<vmem>>) semaphore(%run_scoped3A_42 : memref<!tpu.dma_semaphore, #tpu.memory_space<semaphore_mem>>) {add = true}
        %dma_wait3A = arith.constant 0 : i32
        %dma_wait3A_45 = arith.constant 0 : i32
        %dma_wait3A_46 = tpu.memref_slice %arg4[%dma_wait3A, %dma_wait3A_45] : memref<80x128xf32, #tpu.memory_space<vmem_shared>> -> memref<80x128xf32, #tpu.memory_space<vmem_shared>>
        tpu.wait_indirect_dma semaphore(%run_scoped3A_42 : memref<!tpu.dma_semaphore, #tpu.memory_space<semaphore_mem>>) src(%run_scoped3A : memref<80x128xf32, #tpu.memory_space<vmem>>) dst(%dma_wait3A_46 : memref<80x128xf32, #tpu.memory_space<vmem_shared>>)
        tpu.yield
      }) : () -> ()
      tpu.yield
    }) : () -> ()
    %barrier3A = arith.constant 0 : index
    tpu.barrier barrier_id(%barrier3A)
    %mul3A_4 = arith.constant 5 : i32
    %mul3A_5 = arith.muli %arg1, %mul3A_4 : i32
    "tpu.region"() ({
      %run_scoped3A = tpu.sem_alloc : memref<!tpu.dma_semaphore, #tpu.memory_space<semaphore_mem>>
      %dma_start3A = arith.constant 0 : i32
      %dma_start3A_14 = tpu.memref_slice %arg4[%mul3A_5, %dma_start3A] : memref<80x128xf32, #tpu.memory_space<vmem_shared>> -> memref<5x128xf32, #tpu.memory_space<vmem_shared>>
      %dma_start3A_15 = arith.constant 0 : i32
      %dma_start3A_16 = tpu.memref_slice %arg4[%mul3A_5, %dma_start3A_15] : memref<80x128xf32, #tpu.memory_space<vmem_shared>> -> memref<5x128xf32, #tpu.memory_space<vmem_shared>>
      tpu.enqueue_dma source(%dma_start3A_16 : memref<5x128xf32, #tpu.memory_space<vmem_shared>>) target(%arg5 : memref<5x128xf32, #tpu.memory_space<vmem>>) target_semaphore(%run_scoped3A : memref<!tpu.dma_semaphore, #tpu.memory_space<semaphore_mem>>)
      %dma_wait3A = arith.constant 0 : i32
      %dma_wait3A_17 = tpu.memref_slice %arg4[%mul3A_5, %dma_wait3A] : memref<80x128xf32, #tpu.memory_space<vmem_shared>> -> memref<5x128xf32, #tpu.memory_space<vmem_shared>>
      %dma_wait3A_18 = arith.constant 0 : i32
      %dma_wait3A_19 = tpu.memref_slice %arg4[%mul3A_5, %dma_wait3A_18] : memref<80x128xf32, #tpu.memory_space<vmem_shared>> -> memref<5x128xf32, #tpu.memory_space<vmem_shared>>
      tpu.wait_dma2 semaphore(%run_scoped3A : memref<!tpu.dma_semaphore, #tpu.memory_space<semaphore_mem>>) src(%dma_wait3A_19 : memref<5x128xf32, #tpu.memory_space<vmem_shared>>) dst(%arg5 : memref<5x128xf32, #tpu.memory_space<vmem>>)
      tpu.yield
    }) : () -> ()
    %scan3A = arith.constant 0 : i32
    %scan3A_6 = arith.constant 0 : i32
    %scan3A_7 = arith.constant 5 : i32
    %scan3A_8 = arith.addi %scan3A_6, %scan3A_7 : i32
    %scan3A_9 = arith.constant 1 : i32
    %scan3A_10 = scf.for %scan3A_14 = %scan3A_6 to %scan3A_8 step %scan3A_9 iter_args(%scan3A_15 = %scan3A) -> (i32)  : i32 {
      %scan3A_16 = arith.constant 0 : i32
      %scan3A_17 = arith.constant 0 : i32
      %scan3A_18 = arith.constant 8 : i32
      %scan3A_19 = arith.addi %scan3A_17, %scan3A_18 : i32
      %scan3A_20 = arith.constant 1 : i32
      %scan3A_21 = scf.for %scan3A_23 = %scan3A_17 to %scan3A_19 step %scan3A_20 iter_args(%scan3A_24 = %scan3A_16) -> (i32)  : i32 {
        %mul3A_25 = arith.constant 16 : i32
        %mul3A_26 = arith.muli %scan3A_23, %mul3A_25 : i32
        %get3A = arith.index_cast %scan3A_14 : i32 to index
        %get3A_27 = arith.index_cast %mul3A_26 : i32 to index
        %get3A_28 = tpu.vector_load %arg5[%get3A, %get3A_27] {strides = array<i32>} : memref<5x128xf32, #tpu.memory_space<vmem>>, vector<16xf32>,
        %max3A = arith.maximumf %get3A_28, %broadcast_in_dim3A_3 : vector<16xf32>
        %div3A = arith.divf %broadcast_in_dim3A_3, %max3A : vector<16xf32>
        %mul3A_29 = arith.constant 8 : i32
        %mul3A_30 = arith.muli %scan3A_14, %mul3A_29 : i32
        %add3A = arith.addi %mul3A_30, %scan3A_23 : i32
        %mul3A_31 = arith.constant 16 : i32
        %mul3A_32 = arith.muli %add3A, %mul3A_31 : i32
        %swap3A = arith.index_cast %mul3A_32 : i32 to index
        %swap3A_33 = tpu.vector_load %arg6[%swap3A] {strides = array<i32>} : memref<640xf32, #tpu.memory_space<vmem>>, vector<16xf32>,
        tpu.vector_store %arg6[%swap3A], %div3A {strides = array<i32>} : memref<640xf32, #tpu.memory_space<vmem>>, vector<16xf32>,
        %scan3A_34 = arith.constant 0 : i32
        scf.yield %scan3A_34 : i32
      }
      %scan3A_22 = arith.constant 8 : i32
      scf.yield %scan3A_21 : i32
    }
    %scan3A_11 = arith.constant 5 : i32
    %eq3A = arith.constant 0 : i32
    %eq3A_12 = arith.cmpi eq, %arg0, %eq3A : i32
    %convert_element_type3A = arith.extui %eq3A_12 : i1 to i32
    %cond3A = arith.constant 0 : i32
    %cond3A_13 = arith.cmpi ne, %convert_element_type3A, %cond3A : i32
    scf.if %cond3A_13 {
      "tpu.region"() ({
        %run_scoped3A = tpu.sem_alloc : memref<!tpu.dma_semaphore, #tpu.memory_space<semaphore_mem>>
        %dma_start3A = tpu.memref_slice %arg3[%mul3A_0] : memref<10240xf32, #tpu.memory_space<hbm>> -> memref<640xf32, #tpu.memory_space<hbm>>
        %dma_start3A_14 = tpu.memref_slice %arg3[%mul3A_0] : memref<10240xf32, #tpu.memory_space<hbm>> -> memref<640xf32, #tpu.memory_space<hbm>>
        tpu.enqueue_dma source(%arg6 : memref<640xf32, #tpu.memory_space<vmem>>) target(%dma_start3A_14 : memref<640xf32, #tpu.memory_space<hbm>>) target_semaphore(%run_scoped3A : memref<!tpu.dma_semaphore, #tpu.memory_space<semaphore_mem>>)
        %dma_wait3A = tpu.memref_slice %arg3[%mul3A_0] : memref<10240xf32, #tpu.memory_space<hbm>> -> memref<640xf32, #tpu.memory_space<hbm>>
        %dma_wait3A_15 = tpu.memref_slice %arg3[%mul3A_0] : memref<10240xf32, #tpu.memory_space<hbm>> -> memref<640xf32, #tpu.memory_space<hbm>>
        tpu.wait_dma2 semaphore(%run_scoped3A : memref<!tpu.dma_semaphore, #tpu.memory_space<semaphore_mem>>) src(%arg6 : memref<640xf32, #tpu.memory_space<vmem>>) dst(%dma_wait3A_15 : memref<640xf32, #tpu.memory_space<hbm>>)
        tpu.yield
      }) : () -> ()
    } else {
    }
    return
  }
}

module attributes {stable_mosaic.version = 14 : i64} {
  func.func @_tc_prep_body(%arg0: memref<2x320000xi32, #tpu.memory_space<vmem>>, %arg1: memref<2560x128xi32, #tpu.memory_space<vmem>>, %arg2: memref<2560x128xi32, #tpu.memory_space<vmem>>) attributes {dimension_semantics = [], scalar_prefetch = 0 : i64, scratch_operands = 0 : i64, tpu.core_type = #tpu.core_type<tc>} {
    %get3A = arith.constant 0 : index
    %get3A_0 = arith.constant 0 : index
    %get3A_1 = vector.load %arg0[%get3A, %get3A_0] : memref<2x320000xi32, #tpu.memory_space<vmem>>, vector<1x320000xi32>
    %get3A_2 = vector.shape_cast %get3A_1 : vector<1x320000xi32> to vector<320000xi32>
    %reshape3A = vector.shape_cast %get3A_2 : vector<320000xi32> to vector<2500x128xi32>
    %get3A_3 = arith.constant 1 : index
    %get3A_4 = arith.constant 0 : index
    %get3A_5 = vector.load %arg0[%get3A_3, %get3A_4] : memref<2x320000xi32, #tpu.memory_space<vmem>>, vector<1x320000xi32>
    %get3A_6 = vector.shape_cast %get3A_5 : vector<1x320000xi32> to vector<320000xi32>
    %reshape3A_7 = vector.shape_cast %get3A_6 : vector<320000xi32> to vector<2500x128xi32>
    %iota3A = tpu.iota {dimensions = array<i32: 0>} : vector<60x128xi32>
    %mul3A = arith.constant 128 : i32
    %mul3A_8 = vector.broadcast %mul3A : i32 to vector<60x128xi32>
    %mul3A_9 = arith.muli %iota3A, %mul3A_8 : vector<60x128xi32>
    %iota3A_10 = tpu.iota {dimensions = array<i32: 1>} : vector<60x128xi32>
    %add3A = arith.addi %mul3A_9, %iota3A_10 : vector<60x128xi32>
    %jit3A = arith.constant 10000 : i32
    %eq3A = arith.constant 0 : i32
    %eq3A_11 = arith.cmpi eq, %jit3A, %eq3A : i32
    %jit3A_12 = arith.constant 1 : i32
    %select_n3A = arith.select %eq3A_11, %jit3A_12, %jit3A : i32
    %rem3A = vector.broadcast %select_n3A : i32 to vector<60x128xi32>
    %rem3A_13 = arith.remsi %add3A, %rem3A : vector<60x128xi32>
    %ne3A = arith.constant 0 : i32
    %ne3A_14 = vector.broadcast %ne3A : i32 to vector<60x128xi32>
    %ne3A_15 = arith.cmpi ne, %rem3A_13, %ne3A_14 : vector<60x128xi32>
    %lt3A = arith.constant 0 : i32
    %lt3A_16 = vector.broadcast %lt3A : i32 to vector<60x128xi32>
    %lt3A_17 = arith.cmpi slt, %rem3A_13, %lt3A_16 : vector<60x128xi32>
    %lt3A_18 = arith.constant 0 : i32
    %lt3A_19 = arith.cmpi slt, %select_n3A, %lt3A_18 : i32
    %ne3A_20 = vector.broadcast %lt3A_19 : i1 to vector<60x128xi1>
    %ne3A_21 = vector.broadcast %ne3A_20 : vector<60x128xi1> to vector<60x128xi1>
    %ne3A_22 = arith.xori %lt3A_17, %ne3A_21 : vector<60x128xi1>
    %and3A = arith.andi %ne3A_22, %ne3A_15 : vector<60x128xi1>
    %add3A_23 = vector.broadcast %select_n3A : i32 to vector<60x128xi32>
    %add3A_24 = arith.addi %rem3A_13, %add3A_23 : vector<60x128xi32>
    %select_n3A_25 = arith.select %and3A, %add3A_24, %rem3A_13 : vector<60x128xi1>, vector<60x128xi32>
    %concatenate3A = tpu.concatenate %reshape3A, %select_n3A_25 in 0 : vector<2500x128xi32>, vector<60x128xi32> -> vector<2560x128xi32>
    %swap3A = arith.constant 0 : index
    %swap3A_26 = arith.constant 0 : index
    %swap3A_27 = vector.load %arg1[%swap3A, %swap3A_26] : memref<2560x128xi32, #tpu.memory_space<vmem>>, vector<2560x128xi32>
    tpu.vector_store %arg1[%swap3A, %swap3A_26], %concatenate3A {strides = array<i32>} : memref<2560x128xi32, #tpu.memory_space<vmem>>, vector<2560x128xi32>,
    %jit3A_28 = arith.constant 240 : i32
    %eq3A_29 = arith.constant 0 : i32
    %eq3A_30 = arith.cmpi eq, %jit3A_28, %eq3A_29 : i32
    %jit3A_31 = arith.constant 1 : i32
    %select_n3A_32 = arith.select %eq3A_30, %jit3A_31, %jit3A_28 : i32
    %rem3A_33 = vector.broadcast %select_n3A_32 : i32 to vector<60x128xi32>
    %rem3A_34 = arith.remsi %add3A, %rem3A_33 : vector<60x128xi32>
    %ne3A_35 = arith.constant 0 : i32
    %ne3A_36 = vector.broadcast %ne3A_35 : i32 to vector<60x128xi32>
    %ne3A_37 = arith.cmpi ne, %rem3A_34, %ne3A_36 : vector<60x128xi32>
    %lt3A_38 = arith.constant 0 : i32
    %lt3A_39 = vector.broadcast %lt3A_38 : i32 to vector<60x128xi32>
    %lt3A_40 = arith.cmpi slt, %rem3A_34, %lt3A_39 : vector<60x128xi32>
    %lt3A_41 = arith.constant 0 : i32
    %lt3A_42 = arith.cmpi slt, %select_n3A_32, %lt3A_41 : i32
    %ne3A_43 = vector.broadcast %lt3A_42 : i1 to vector<60x128xi1>
    %ne3A_44 = vector.broadcast %ne3A_43 : vector<60x128xi1> to vector<60x128xi1>
    %ne3A_45 = arith.xori %lt3A_40, %ne3A_44 : vector<60x128xi1>
    %and3A_46 = arith.andi %ne3A_45, %ne3A_37 : vector<60x128xi1>
    %add3A_47 = vector.broadcast %select_n3A_32 : i32 to vector<60x128xi32>
    %add3A_48 = arith.addi %rem3A_34, %add3A_47 : vector<60x128xi32>
    %select_n3A_49 = arith.select %and3A_46, %add3A_48, %rem3A_34 : vector<60x128xi1>, vector<60x128xi32>
    %add3A_50 = arith.constant 10000 : i32
    %add3A_51 = vector.broadcast %add3A_50 : i32 to vector<60x128xi32>
    %add3A_52 = arith.addi %add3A_51, %select_n3A_49 : vector<60x128xi32>
    %concatenate3A_53 = tpu.concatenate %reshape3A_7, %add3A_52 in 0 : vector<2500x128xi32>, vector<60x128xi32> -> vector<2560x128xi32>
    %swap3A_54 = arith.constant 0 : index
    %swap3A_55 = arith.constant 0 : index
    %swap3A_56 = vector.load %arg2[%swap3A_54, %swap3A_55] : memref<2560x128xi32, #tpu.memory_space<vmem>>, vector<2560x128xi32>
    tpu.vector_store %arg2[%swap3A_54, %swap3A_55], %concatenate3A_53 {strides = array<i32>} : memref<2560x128xi32, #tpu.memory_space<vmem>>, vector<2560x128xi32>,
    return
  }
}

module attributes {stable_mosaic.version = 14 : i64} {
  func.func @_tc_b_body(%arg0: i32, %arg1: memref<2x1000x128xf32, #tpu.memory_space<vmem>>, %arg2: memref<1000x128xf32, #tpu.memory_space<vmem>>, %arg3: memref<128xf32, #tpu.memory_space<vmem>>, %arg4: memref<128x128xf32, #tpu.memory_space<vmem>>, %arg5: memref<128x128xf32, #tpu.memory_space<vmem>>, %arg6: memref<1000x128xf32, #tpu.memory_space<vmem>>, %arg7: memref<1000x128xf32, #tpu.memory_space<vmem>>) attributes {dimension_semantics = [#tpu.dimension_semantics<arbitrary>], iteration_bounds = array<i64: 10>, scalar_prefetch = 0 : i64, scratch_operands = 0 : i64, tpu.core_type = #tpu.core_type<tc>, window_params = [{transform_indices = @transform_0, window_bounds = array<i64: 2, 1000, 128>}, {transform_indices = @transform_1, window_bounds = array<i64: 1000, 128>}, {pipeline_mode = #tpu.pipeline_mode<synchronous>, transform_indices = @transform_2, window_bounds = array<i64: 128>}, {pipeline_mode = #tpu.pipeline_mode<synchronous>, transform_indices = @transform_3, window_bounds = array<i64: 128, 128>}, {pipeline_mode = #tpu.pipeline_mode<synchronous>, transform_indices = @transform_4, window_bounds = array<i64: 128, 128>}, {transform_indices = @transform_5, window_bounds = array<i64: 1000, 128>}, {transform_indices = @transform_6, window_bounds = array<i64: 1000, 128>}]} {
    %get3A = arith.constant 0 : index
    %get3A_0 = arith.constant 0 : index
    %get3A_1 = arith.constant 0 : index
    %get3A_2 = vector.load %arg1[%get3A, %get3A_0, %get3A_1] : memref<2x1000x128xf32, #tpu.memory_space<vmem>>, vector<1x1000x128xf32>
    %get3A_3 = vector.shape_cast %get3A_2 : vector<1x1000x128xf32> to vector<1000x128xf32>
    %get3A_4 = arith.constant 1 : index
    %get3A_5 = arith.constant 0 : index
    %get3A_6 = arith.constant 0 : index
    %get3A_7 = vector.load %arg1[%get3A_4, %get3A_5, %get3A_6] : memref<2x1000x128xf32, #tpu.memory_space<vmem>>, vector<1x1000x128xf32>
    %get3A_8 = vector.shape_cast %get3A_7 : vector<1x1000x128xf32> to vector<1000x128xf32>
    %add3A = arith.addf %get3A_3, %get3A_8 : vector<1000x128xf32>
    %get3A_9 = arith.constant 0 : index
    %get3A_10 = arith.constant 0 : index
    %get3A_11 = vector.load %arg2[%get3A_9, %get3A_10] : memref<1000x128xf32, #tpu.memory_space<vmem>>, vector<1000x128xf32>
    %add3A_12 = arith.addf %add3A, %get3A_11 : vector<1000x128xf32>
    %get3A_13 = arith.constant 0 : index
    %get3A_14 = vector.load %arg3[%get3A_13] : memref<128xf32, #tpu.memory_space<vmem>>, vector<128xf32>
    %broadcast_in_dim3A = vector.shape_cast %get3A_14 : vector<128xf32> to vector<1x128xf32>
    %add3A_15 = vector.broadcast %broadcast_in_dim3A : vector<1x128xf32> to vector<1000x128xf32>
    %add3A_16 = arith.addf %add3A_12, %add3A_15 : vector<1000x128xf32>
    %gt3A = arith.constant 0.000000e+00 : f32
    %gt3A_17 = vector.broadcast %gt3A : f32 to vector<1000x128xf32>
    %gt3A_18 = arith.cmpf ogt, %add3A_16, %gt3A_17 : vector<1000x128xf32>
    %exp3A = math.exp %add3A_16 : vector<1000x128xf32>
    %sub3A = arith.constant 1.000000e+00 : f32
    %sub3A_19 = vector.broadcast %sub3A : f32 to vector<1000x128xf32>
    %sub3A_20 = arith.subf %exp3A, %sub3A_19 : vector<1000x128xf32>
    %select_n3A = arith.select %gt3A_18, %add3A_16, %sub3A_20 : vector<1000x128xi1>, vector<1000x128xf32>
    %get3A_21 = arith.constant 0 : index
    %get3A_22 = arith.constant 0 : index
    %get3A_23 = vector.load %arg4[%get3A_21, %get3A_22] : memref<128x128xf32, #tpu.memory_space<vmem>>, vector<128x128xf32>
    %dot_general3A = arith.constant dense<0.000000e+00> : vector<1000x128xf32>
    %dot_general3A_24 = tpu.matmul %select_n3A, %get3A_23, %dot_general3A {dimension_numbers = #tpu.dot_dimension_numbers<[1], [0], [0], [1], [0, 0, 1, 1], [], []>, transpose_lhs_hint = false} : vector<1000x128xf32>, vector<128x128xf32>, vector<1000x128xf32> -> vector<1000x128xf32>
    %swap3A = arith.constant 0 : index
    %swap3A_25 = arith.constant 0 : index
    %swap3A_26 = vector.load %arg6[%swap3A, %swap3A_25] : memref<1000x128xf32, #tpu.memory_space<vmem>>, vector<1000x128xf32>
    tpu.vector_store %arg6[%swap3A, %swap3A_25], %dot_general3A_24 {strides = array<i32>} : memref<1000x128xf32, #tpu.memory_space<vmem>>, vector<1000x128xf32>,
    %get3A_27 = arith.constant 0 : index
    %get3A_28 = arith.constant 0 : index
    %get3A_29 = vector.load %arg5[%get3A_27, %get3A_28] : memref<128x128xf32, #tpu.memory_space<vmem>>, vector<128x128xf32>
    %dot_general3A_30 = arith.constant dense<0.000000e+00> : vector<1000x128xf32>
    %dot_general3A_31 = tpu.matmul %select_n3A, %get3A_29, %dot_general3A_30 {dimension_numbers = #tpu.dot_dimension_numbers<[1], [0], [0], [1], [0, 0, 1, 1], [], []>, transpose_lhs_hint = false} : vector<1000x128xf32>, vector<128x128xf32>, vector<1000x128xf32> -> vector<1000x128xf32>
    %swap3A_32 = arith.constant 0 : index
    %swap3A_33 = arith.constant 0 : index
    %swap3A_34 = vector.load %arg7[%swap3A_32, %swap3A_33] : memref<1000x128xf32, #tpu.memory_space<vmem>>, vector<1000x128xf32>
    tpu.vector_store %arg7[%swap3A_32, %swap3A_33], %dot_general3A_31 {strides = array<i32>} : memref<1000x128xf32, #tpu.memory_space<vmem>>, vector<1000x128xf32>,
    return
  }
  func.func @transform_0(%arg0: i32) -> (i32, i32, i32) {
    %c0_i32 = arith.constant 0 : i32
    %c0_i32_0 = arith.constant 0 : i32
    %c0_i32_1 = arith.constant 0 : i32
    return %c0_i32, %arg0, %c0_i32_0 : i32, i32, i32
  }
  func.func @transform_1(%arg0: i32) -> (i32, i32) {
    %c0_i32 = arith.constant 0 : i32
    %c0_i32_0 = arith.constant 0 : i32
    return %arg0, %c0_i32 : i32, i32
  }
  func.func @transform_2(%arg0: i32) -> i32 {
    %c0_i32 = arith.constant 0 : i32
    %c0_i32_0 = arith.constant 0 : i32
    return %c0_i32 : i32
  }
  func.func @transform_3(%arg0: i32) -> (i32, i32) {
    %c0_i32 = arith.constant 0 : i32
    %c0_i32_0 = arith.constant 0 : i32
    %c0_i32_1 = arith.constant 0 : i32
    return %c0_i32, %c0_i32_0 : i32, i32
  }
  func.func @transform_4(%arg0: i32) -> (i32, i32) {
    %c0_i32 = arith.constant 0 : i32
    %c0_i32_0 = arith.constant 0 : i32
    %c0_i32_1 = arith.constant 0 : i32
    return %c0_i32, %c0_i32_0 : i32, i32
  }
  func.func @transform_5(%arg0: i32) -> (i32, i32) {
    %c0_i32 = arith.constant 0 : i32
    %c0_i32_0 = arith.constant 0 : i32
    return %arg0, %c0_i32 : i32, i32
  }
  func.func @transform_6(%arg0: i32) -> (i32, i32) {
    %c0_i32 = arith.constant 0 : i32
    %c0_i32_0 = arith.constant 0 : i32
    return %arg0, %c0_i32 : i32, i32
  }
}

module attributes {stable_mosaic.version = 14 : i64} {
  func.func @_tc_c_body(%arg0: i32, %arg1: memref<2x1000x128xf32, #tpu.memory_space<vmem>>, %arg2: memref<1000x128xf32, #tpu.memory_space<vmem>>, %arg3: memref<128xf32, #tpu.memory_space<vmem>>, %arg4: memref<1000x128xf32, #tpu.memory_space<vmem>>) attributes {dimension_semantics = [#tpu.dimension_semantics<arbitrary>], iteration_bounds = array<i64: 10>, scalar_prefetch = 0 : i64, scratch_operands = 0 : i64, tpu.core_type = #tpu.core_type<tc>, window_params = [{transform_indices = @transform_0, window_bounds = array<i64: 2, 1000, 128>}, {transform_indices = @transform_1, window_bounds = array<i64: 1000, 128>}, {pipeline_mode = #tpu.pipeline_mode<synchronous>, transform_indices = @transform_2, window_bounds = array<i64: 128>}, {transform_indices = @transform_3, window_bounds = array<i64: 1000, 128>}]} {
    %get3A = arith.constant 0 : index
    %get3A_0 = arith.constant 0 : index
    %get3A_1 = arith.constant 0 : index
    %get3A_2 = vector.load %arg1[%get3A, %get3A_0, %get3A_1] : memref<2x1000x128xf32, #tpu.memory_space<vmem>>, vector<1x1000x128xf32>
    %get3A_3 = vector.shape_cast %get3A_2 : vector<1x1000x128xf32> to vector<1000x128xf32>
    %get3A_4 = arith.constant 1 : index
    %get3A_5 = arith.constant 0 : index
    %get3A_6 = arith.constant 0 : index
    %get3A_7 = vector.load %arg1[%get3A_4, %get3A_5, %get3A_6] : memref<2x1000x128xf32, #tpu.memory_space<vmem>>, vector<1x1000x128xf32>
    %get3A_8 = vector.shape_cast %get3A_7 : vector<1x1000x128xf32> to vector<1000x128xf32>
    %add3A = arith.addf %get3A_3, %get3A_8 : vector<1000x128xf32>
    %get3A_9 = arith.constant 0 : index
    %get3A_10 = arith.constant 0 : index
    %get3A_11 = vector.load %arg2[%get3A_9, %get3A_10] : memref<1000x128xf32, #tpu.memory_space<vmem>>, vector<1000x128xf32>
    %add3A_12 = arith.addf %add3A, %get3A_11 : vector<1000x128xf32>
    %get3A_13 = arith.constant 0 : index
    %get3A_14 = vector.load %arg3[%get3A_13] : memref<128xf32, #tpu.memory_space<vmem>>, vector<128xf32>
    %broadcast_in_dim3A = vector.shape_cast %get3A_14 : vector<128xf32> to vector<1x128xf32>
    %add3A_15 = vector.broadcast %broadcast_in_dim3A : vector<1x128xf32> to vector<1000x128xf32>
    %add3A_16 = arith.addf %add3A_12, %add3A_15 : vector<1000x128xf32>
    %gt3A = arith.constant 0.000000e+00 : f32
    %gt3A_17 = vector.broadcast %gt3A : f32 to vector<1000x128xf32>
    %gt3A_18 = arith.cmpf ogt, %add3A_16, %gt3A_17 : vector<1000x128xf32>
    %exp3A = math.exp %add3A_16 : vector<1000x128xf32>
    %sub3A = arith.constant 1.000000e+00 : f32
    %sub3A_19 = vector.broadcast %sub3A : f32 to vector<1000x128xf32>
    %sub3A_20 = arith.subf %exp3A, %sub3A_19 : vector<1000x128xf32>
    %select_n3A = arith.select %gt3A_18, %add3A_16, %sub3A_20 : vector<1000x128xi1>, vector<1000x128xf32>
    %swap3A = arith.constant 0 : index
    %swap3A_21 = arith.constant 0 : index
    %swap3A_22 = vector.load %arg4[%swap3A, %swap3A_21] : memref<1000x128xf32, #tpu.memory_space<vmem>>, vector<1000x128xf32>
    tpu.vector_store %arg4[%swap3A, %swap3A_21], %select_n3A {strides = array<i32>} : memref<1000x128xf32, #tpu.memory_space<vmem>>, vector<1000x128xf32>,
    return
  }
  func.func @transform_0(%arg0: i32) -> (i32, i32, i32) {
    %c0_i32 = arith.constant 0 : i32
    %c0_i32_0 = arith.constant 0 : i32
    %c0_i32_1 = arith.constant 0 : i32
    return %c0_i32, %arg0, %c0_i32_0 : i32, i32, i32
  }
  func.func @transform_1(%arg0: i32) -> (i32, i32) {
    %c0_i32 = arith.constant 0 : i32
    %c0_i32_0 = arith.constant 0 : i32
    return %arg0, %c0_i32 : i32, i32
  }
  func.func @transform_2(%arg0: i32) -> i32 {
    %c0_i32 = arith.constant 0 : i32
    %c0_i32_0 = arith.constant 0 : i32
    return %c0_i32 : i32
  }
  func.func @transform_3(%arg0: i32) -> (i32, i32) {
    %c0_i32 = arith.constant 0 : i32
    %c0_i32_0 = arith.constant 0 : i32
    return %arg0, %c0_i32 : i32, i32
  }
}

module attributes {stable_mosaic.version = 14 : i64} {
  func.func @_tc_a_body(%arg0: i32, %arg1: memref<1000x128xf32, #tpu.memory_space<vmem>>, %arg2: memref<128x128xf32, #tpu.memory_space<vmem>>, %arg3: memref<128x128xf32, #tpu.memory_space<vmem>>, %arg4: memref<1000x128xf32, #tpu.memory_space<vmem>>, %arg5: memref<1000x128xf32, #tpu.memory_space<vmem>>) attributes {dimension_semantics = [#tpu.dimension_semantics<arbitrary>], iteration_bounds = array<i64: 10>, scalar_prefetch = 0 : i64, scratch_operands = 0 : i64, tpu.core_type = #tpu.core_type<tc>, window_params = [{transform_indices = @transform_0, window_bounds = array<i64: 1000, 128>}, {pipeline_mode = #tpu.pipeline_mode<synchronous>, transform_indices = @transform_1, window_bounds = array<i64: 128, 128>}, {pipeline_mode = #tpu.pipeline_mode<synchronous>, transform_indices = @transform_2, window_bounds = array<i64: 128, 128>}, {transform_indices = @transform_3, window_bounds = array<i64: 1000, 128>}, {transform_indices = @transform_4, window_bounds = array<i64: 1000, 128>}]} {
    %get3A = arith.constant 0 : index
    %get3A_0 = arith.constant 0 : index
    %get3A_1 = vector.load %arg1[%get3A, %get3A_0] : memref<1000x128xf32, #tpu.memory_space<vmem>>, vector<1000x128xf32>
    %get3A_2 = arith.constant 0 : index
    %get3A_3 = arith.constant 0 : index
    %get3A_4 = vector.load %arg2[%get3A_2, %get3A_3] : memref<128x128xf32, #tpu.memory_space<vmem>>, vector<128x128xf32>
    %dot_general3A = arith.constant dense<0.000000e+00> : vector<1000x128xf32>
    %dot_general3A_5 = tpu.matmul %get3A_1, %get3A_4, %dot_general3A {dimension_numbers = #tpu.dot_dimension_numbers<[1], [0], [0], [1], [0, 0, 1, 1], [], []>, transpose_lhs_hint = false} : vector<1000x128xf32>, vector<128x128xf32>, vector<1000x128xf32> -> vector<1000x128xf32>
    %swap3A = arith.constant 0 : index
    %swap3A_6 = arith.constant 0 : index
    %swap3A_7 = vector.load %arg4[%swap3A, %swap3A_6] : memref<1000x128xf32, #tpu.memory_space<vmem>>, vector<1000x128xf32>
    tpu.vector_store %arg4[%swap3A, %swap3A_6], %dot_general3A_5 {strides = array<i32>} : memref<1000x128xf32, #tpu.memory_space<vmem>>, vector<1000x128xf32>,
    %get3A_8 = arith.constant 0 : index
    %get3A_9 = arith.constant 0 : index
    %get3A_10 = vector.load %arg3[%get3A_8, %get3A_9] : memref<128x128xf32, #tpu.memory_space<vmem>>, vector<128x128xf32>
    %dot_general3A_11 = arith.constant dense<0.000000e+00> : vector<1000x128xf32>
    %dot_general3A_12 = tpu.matmul %get3A_1, %get3A_10, %dot_general3A_11 {dimension_numbers = #tpu.dot_dimension_numbers<[1], [0], [0], [1], [0, 0, 1, 1], [], []>, transpose_lhs_hint = false} : vector<1000x128xf32>, vector<128x128xf32>, vector<1000x128xf32> -> vector<1000x128xf32>
    %swap3A_13 = arith.constant 0 : index
    %swap3A_14 = arith.constant 0 : index
    %swap3A_15 = vector.load %arg5[%swap3A_13, %swap3A_14] : memref<1000x128xf32, #tpu.memory_space<vmem>>, vector<1000x128xf32>
    tpu.vector_store %arg5[%swap3A_13, %swap3A_14], %dot_general3A_12 {strides = array<i32>} : memref<1000x128xf32, #tpu.memory_space<vmem>>, vector<1000x128xf32>,
    return
  }
  func.func @transform_0(%arg0: i32) -> (i32, i32) {
    %c0_i32 = arith.constant 0 : i32
    %c0_i32_0 = arith.constant 0 : i32
    return %arg0, %c0_i32 : i32, i32
  }
  func.func @transform_1(%arg0: i32) -> (i32, i32) {
    %c0_i32 = arith.constant 0 : i32
    %c0_i32_0 = arith.constant 0 : i32
    %c0_i32_1 = arith.constant 0 : i32
    return %c0_i32, %c0_i32_0 : i32, i32
  }
  func.func @transform_2(%arg0: i32) -> (i32, i32) {
    %c0_i32 = arith.constant 0 : i32
    %c0_i32_0 = arith.constant 0 : i32
    %c0_i32_1 = arith.constant 0 : i32
    return %c0_i32, %c0_i32_0 : i32, i32
  }
  func.func @transform_3(%arg0: i32) -> (i32, i32) {
    %c0_i32 = arith.constant 0 : i32
    %c0_i32_0 = arith.constant 0 : i32
    return %arg0, %c0_i32 : i32, i32
  }
  func.func @transform_4(%arg0: i32) -> (i32, i32) {
    %c0_i32 = arith.constant 0 : i32
    %c0_i32_0 = arith.constant 0 : i32
    return %arg0, %c0_i32 : i32, i32
  }
}

</mosaic_0001>

<sc_bundles>
// kernel: kernel.12.cloned.1.call-start
scs
__scs_entry_jumppad:
0x0: {  	(pc) =	sbr.rel $0x88, $3  }
0x1: {  	(tag) =	ssettag $0x0;
	lr =	simm.s32 $0x1  }
0x2: {  	[smem:$0x3F99] =	sst lr;
	_ =	strace $0xD0000000  }
0x3: {  	_ = 	snop  }
0x4: {  	_ = 	snop  }
0x5: {  	_ = 	snop  }
0x6: {  	_ = 	snop  }
0x7: {  	_ = 	snop  }
__scs_overlays_trampoline_lowered:
0x8: {  	[smem:$0x3FA8] =	sst s0  }
0x9: {  	[smem:$0x3FA9] =	sst s1  }
0xa: {  	[smem:$0x3FAA] =	sst s2  }
0xb: {  	[smem:$0x3FAB] =	sst s3  }
0xc: {  	[smem:$0x3FAC] =	sst s4  }
0xd: {  	[smem:$0x3FAD] =	sst s5  }
0xe: {  	[smem:$0x3FAE] =	sst s6  }
0xf: {  	[smem:$0x3FAF] =	sst s7  }
0x10: {  	[smem:$0x3FB0] =	sst s8  }
0x11: {  	[smem:$0x3FB1] =	sst s9;
	s0 =	simm.s32 @!p0 $0x0  }
0x12: {  	s1 =	sld [smem:$0x3F97];
	s0 =	simm.s32 @p0 $0x1  }
0x13: {  	[smem:$0x3FB2] =	sst s0;
	s0 =	simm.s32 @!p1 $0x0  }
0x14: {  	s2 =	sld [smem:$0x3F96];
	s0 =	simm.s32 @p1 $0x1  }
0x15: {  	[smem:$0x3FB3] =	sst s0;
	s0 =	simm.s32 @!p2 $0x0  }
0x16: {  	s3 =	sld [smem:$0x3FDB];
	s0 =	simm.s32 @p2 $0x1  }
0x17: {  	s4 =	simm.s32 $0x1BF5;
	[smem:$0x3FB5] =	sst s0  }
0x18: {  	s0 =	sld [smem:$0x3F98];
	_ =	swait.ge [sflag:s4], $0x0  }
0x19: {  	s7 =	sld [smem:$0x3F99]  }
0x1a: {  	s8 =	sadd.s32 $0xFFFFE003, lr  }
0x1b: {  	s9 =	sadd.s32 $0xFFFFFEF7, lr;
	s5 =	simm.s32 $0xFFFFFFFF;
	p2 =	slt.u32 s8, $0xFFFFF086  }
0x1c: {  	p1 =	slt.u32 s9, $0xF7A;
	s5 =	simm.s32 @!p2 $0x0  }
0x1d: {  	s5 =	simm.s32 @p1 $0x1;
	p0 =	seq.s32 s7, s2  }
0x1e: {  	s7 =	smul.u32 @!p0 $0xF7A, s2;
	p2 =	seq.s32 @!p0 s5, $0x0  }
0x1f: {  	s9 =	smul.u32 $0xF7A, s1;
	s8 =	simm.s32 @!p0 $0x1BF5;
	p2 =	por !p2, p0  }
0x20: {  	[sflag:s8] =	ssyncset.s32 @!p0 $0xFFFFF086;
	s6 =	sadd.s32 @!p0 s3, s7;
	s7 =	simm.s32 @!p0 $0x108  }
0x21: {  	s3 =	sadd.s32 s3, s9;
	s6 =	sadd.s32 @!p0 $0x88, s6;
	s7 =	simm.s32 @p2 $0x1082  }
0x22: {  	[simem:s7], [sflag:s8] =	dma.local @!p0 [hbm:s6], $0xF7A  }
0x23: {  	s9 =	sor.u32 $0xD0000000, s2;
	s6 =	simm.s32 $0x108;
	_ =	swait.ge @!p0 [sflag:s8], $0x0  }
0x24: {  	s3 =	sadd.s32 $0x88, s3;
	s6 =	simm.s32 @!p1 $0x1082;
	[sflag:s4] =	ssyncset.s32 $0xFFFFF086  }
0x25: {  	[simem:s6], [sflag:s4] =	dma.local [hbm:s3], $0xF7A  }
0x26: {  	[smem:$0x3F99] =	sst s1;
	(tag) =	ssettag s2;
	_ =	strace s9  }
0x27: {  	s1 =	sld [smem:$0x3FA9]  }
0x28: {  	s2 =	sld [smem:$0x3FAA]  }
0x29: {  	s4 =	sld [smem:$0x3FAC]  }
0x2a: {  	p0 =	seq.s32 s5, $0x0;
	s5 =	sld [smem:$0x3FAD]  }
0x2b: {  	s6 =	sld [smem:$0x3FAE]  }
0x2c: {  	s7 =	sld [smem:$0x3FAF]  }
0x2d: {  	s3 =	simm.s32 $0x108;
	s8 =	sld [smem:$0x3FB0]  }
0x2e: {  	s3 =	simm.s32 @!p0 $0x1082;
	s9 =	sld [smem:$0x3FB1]  }
0x2f: {  	lr =	sadd.s32 s0, s3;
	s0 =	sld [smem:$0x3FA8]  }
0x30: {  	s3 =	sld [smem:$0x3FAB]  }
0x31: {  	[smem:$0x3FB4] =	sst s10  }
0x32: {  	s10 =	sld [smem:$0x3FB2];
	_ =	sdelay $0x3  }
0x33: {  	p0 =	seq.s32 s10, $0x1;
	s10 =	sld [smem:$0x3FB4];
	_ =	sdelay $0x3  }
0x34: {  	[smem:$0x3FB4] =	sst s10  }
0x35: {  	s10 =	sld [smem:$0x3FB3];
	_ =	sdelay $0x3  }
0x36: {  	p1 =	seq.s32 s10, $0x1;
	s10 =	sld [smem:$0x3FB4];
	_ =	sdelay $0x3  }
0x37: {  	[smem:$0x3FB4] =	sst s10  }
0x38: {  	s10 =	sld [smem:$0x3FB5]  }
0x39: {  	_ = 	snop;
	(pc) =	sbr.ind lr, $3  }
0x3a: {  	_ = 	snop  }
0x3b: {  	_ = 	snop  }
0x3c: {  	p2 =	seq.s32 s10, $0x1;
	s10 =	sld [smem:$0x3FB4]  }
0x3d: {  	_ =	shalt  }
0x3e: {  	_ =	shalt  }
0x3f: {  	_ =	shalt  }
0x40: {  	_ =	shalt  }
0x41: {  	_ =	shalt  }
0x42: {  	_ =	shalt  }
0x43: {  	_ =	shalt  }
0x44: {  	_ =	shalt  }
0x45: {  	_ =	shalt  }
0x46: {  	_ =	shalt  }
0x47: {  	_ =	shalt  }
0x48: {  	_ =	shalt  }
0x49: {  	_ =	shalt  }
0x4a: {  	_ =	shalt  }
0x4b: {  	_ =	shalt  }
0x4c: {  	_ =	shalt  }
0x4d: {  	_ =	shalt  }
0x4e: {  	_ =	shalt  }
0x4f: {  	_ =	shalt  }
0x50: {  	_ =	shalt  }
0x51: {  	_ =	shalt  }
0x52: {  	_ =	shalt  }
0x53: {  	_ =	shalt  }
0x54: {  	_ =	shalt  }
0x55: {  	_ =	shalt  }
0x56: {  	_ =	shalt  }
0x57: {  	_ =	shalt  }
0x58: {  	_ =	shalt  }
0x59: {  	_ =	shalt  }
0x5a: {  	_ =	shalt  }
0x5b: {  	_ =	shalt  }
0x5c: {  	_ =	shalt  }
0x5d: {  	_ =	shalt  }
0x5e: {  	_ =	shalt  }
0x5f: {  	_ =	shalt  }
0x60: {  	_ =	shalt  }
0x61: {  	_ =	shalt  }
0x62: {  	_ =	shalt  }
0x63: {  	_ =	shalt  }
0x64: {  	_ =	shalt  }
0x65: {  	_ =	shalt  }
0x66: {  	_ =	shalt  }
0x67: {  	_ =	shalt  }
0x68: {  	_ =	shalt  }
0x69: {  	_ =	shalt  }
0x6a: {  	_ =	shalt  }
0x6b: {  	_ =	shalt  }
0x6c: {  	_ =	shalt  }
0x6d: {  	_ =	shalt  }
0x6e: {  	_ =	shalt  }
0x6f: {  	_ =	shalt  }
0x70: {  	_ =	shalt  }
0x71: {  	_ =	shalt  }
0x72: {  	_ =	shalt  }
0x73: {  	_ =	shalt  }
0x74: {  	_ =	shalt  }
0x75: {  	_ =	shalt  }
0x76: {  	_ =	shalt  }
0x77: {  	_ =	shalt  }
0x78: {  	_ =	shalt  }
0x79: {  	_ =	shalt  }
0x7a: {  	_ =	shalt  }
0x7b: {  	_ =	shalt  }
0x7c: {  	_ =	shalt  }
0x7d: {  	_ =	shalt  }
0x7e: {  	_ =	shalt  }
0x7f: {  	_ =	shalt  }
0x80: {  	_ =	shalt  }
0x81: {  	_ =	shalt  }
0x82: {  	_ =	shalt  }
0x83: {  	_ =	shalt  }
0x84: {  	_ =	shalt  }
0x85: {  	_ =	shalt  }
0x86: {  	_ =	shalt  }
0x87: {  	_ =	shalt  }
.Lfunc_end0:
.L_simem_size_0:
called_computation.1_lowered:
.L_overlay_start_0:
0x88: {  	s2 =	sld [smem:$0x3FD9]  }
0x89: {  	s3 =	sld [smem:$0x3FFE];
	_ =	sdelay $0x1  }
0x8a: {  	s1 =	srdreg.scid  }
0x8b: {  	s0 =	sand.u32 $0x1, s1  }
0x8c: {  	s17 =	sshll.u32 s0, $0xA;
	s2 =	sadd.s32 s3, s2  }
0x8d: {  	s2 =	sadd.s32 s2, s17  }
0x8e: {  	[smem:$0x3FC0] =	sst s2  }
0x8f: {  	_ = 	snop  }
0x90: {  	s2 =	sld [smem:$0x3FD0];
	(tm) =	ssettm $0x1  }
0x91: {  	s18 =	sld [smem:$0x3FFB];
	_ =	sdelay $0x3  }
0x92: {  	_ =	strace s18  }
0x93: {  	s3 =	sld [smem:$0x3FFC];
	_ =	sdelay $0x3  }
0x94: {  	_ =	strace s3  }
0x95: {  	s3 =	sld [smem:$0x3FFD];
	_ =	sdelay $0x3  }
0x96: {  	_ =	strace s3  }
0x97: {  	_ =	strace $0x8FFFFFFF  }
0x98: {  	s19 =	sld [smem:$0x3FDB];
	_ =	sdelay $0x1  }
0x99: {  	s4 =	simm.s32 $_scs_section_size  }
0x9a: {  	s5 =	simm.s32 $_size__tile_overlayer_lowered;
	s6 =	simm.s32 $_tile_overlayer_lowered  }
0x9b: {  	s22 =	simm.s32 $0x1BFF;
	s21 =	sshll.u32 s6, $0x1;
	s3 =	sadd.s32 s4, s19  }
0x9c: {  	s7 =	simm.s32 $0x0;
	s20 =	sshll.u32 s5, $0x1;
	s5 =	sadd.s32 s21, s3  }
0x9d: {  	[timem:s7], [sflag:s22] =	dma.local [hbm:s5], s20  }
0x9e: {  	_ =	swait.ge [sflag:s22], s20  }
0x9f: {  	s4 =	ssub.s32 $0x0, s20;
	[sflag:s22] =	ssyncset.done $0x0  }
0xa0: {  	[sflag:s22] =	ssyncadd.s32 s4;
	_ =	sdelay $0x1  }
0xa1: {  	s23 =	simm.s32 $0x1B8B  }
0xa2: {  	_ =	swait.ge [sflag:s23], $0x1  }
0xa3: {  	[sflag:s23] =	ssyncset.done $0x0  }
0xa4: {  	s25 =	simm.s32 $0x1B8E;
	s24 =	sld [smem:$0x3FFE];
	[sflag:s23] =	ssyncadd.s32 $0xFFFFFFFF  }
0xa5: {  	s26 =	simm.s32 $execute0_lowered;
	[smem:$0x3FD2] =	sst s25  }
0xa6: {  	s5 =	sshll.u32 s26, $0x1;
	_ =	strace $0x80000049;
	[dreg:$0x1] =	wrdreg $0xFFFFFFFF  }
0xa7: {  	s28 =	simm.s32 $_size_execute0_lowered;
	s3 =	sadd.s32 s3, s5;
	[dreg:$0x0] =	wrdreg $0x0  }
0xa8: {  	s5 =	sshll.u32 s28, $0x1;
	[dreg:$0x2] =	wrdreg s3  }
0xa9: {  	[dreg:$0x3] =	wrdreg s5  }
0xaa: {  	[dreg:$0x4] =	wrdreg $0xC0  }
0xab: {  	_ =	task [dreg:s7], $0x5FFFF  }
0xac: {  	[dreg:$0x1] =	wrdreg $0xFFFFFFFF  }
0xad: {  	[dreg:$0x0] =	wrdreg $0x60  }
0xae: {  	[dreg:$0x2] =	wrdreg s2  }
0xaf: {  	[dreg:$0x3] =	wrdreg s24  }
0xb0: {  	[dreg:$0x4] =	wrdreg $0x0  }
0xb1: {  	[dreg:$0x5] =	wrdreg $0x9  }
0xb2: {  	_ =	task.clear_ibuf [dreg:s7], $0x6FFFF;
	_ =	strace $0x90000049  }
0xb3: {  	s29 =	simm.s32 $0x9;
	_ =	strace $0x8000004B  }
0xb4: {  	_ =	swait.ge [sflag:s29], $0x1  }
0xb5: {  	[sflag:s29] =	ssyncadd.s32 $0xFFFFFFFF  }
0xb6: {  	_ =	strace $0x9000004B  }
0xb7: {  	_ =	sfence  }
0xb8: {  	s30 =	sld [smem:$0x0];
	_ =	sdelay $0x2  }
0xb9: {  	s31 =	sshll.u32 s1, $0xD;
	s1 =	sshrl.u32 s1, $0x2  }
0xba: {  	s3 =	sand.u32 $0x4000, s31;
	s1 =	sadd.s32 s1, s30  }
0xbb: {  	s0 =	sor.u32 s3, s0;
	s1 =	sshll.u32 s1, $0x11  }
0xbc: {  	s0 =	sor.u32 s1, s0  }
0xbd: {  	s0 =	sadd.s32 $0x8F2B, s0  }
0xbe: {  	[sflag:s0] =	ssyncadd.remote.s32 $0x1  }
0xbf: {  	_ =	sfence.sel $0xFFFF  }
0xc0: {  	[dreg:$0x0] =	wrdreg $0xFFFFFFFF;
	(pc) =	sbr.abs _section_cstart, $3  }
0xc1: {  	[dreg:$0x1] =	wrdreg $0xFFFFFFFF  }
0xc2: {  	_ =	task.clear_ibuf [dreg:s7], $0x2FFFF;
	_ =	strace $0x9FFFFFFF  }
0xc3: {  	(tm) =	ssettm $0x7FFFFFFF  }
tec
execute0_lowered:
.L_overlay_start_1:
0x0: {  	(tag) =	ssettag $0x1  }
0x1: {  	s1 =	rddreg [dreg:$0x0]  }
0x2: {  	s0 =	srdreg.scid;
	s2 =	rddreg [dreg:$0x1]  }
0x3: {  	s6 =	stileid.u32;
	s3 =	rddreg [dreg:$0x2];
	s29 =	simm.s32 $0x17A80  }
0x4: {  	s30 =	simm.s32 $0x1;
	s31 =	simm.s32 $0x17800;
	s0 =	sand.u32 $0x1, s0  }
0x5: {  	s5 =	smul.u32 $0x280, s6;
	s11 =	sadd.s32 $0xCC00, s2;
	s4 =	sshll.u32 s0, $0x4  }
0x6: {  	s9 =	ssub.s32 $0x2, s0;
	s7 =	sor.u32 s6, s4;
	s4 =	simm.s32 $0x0  }
0x7: {  	s8 =	sshrl.u32 s5, $0x3;
	s6 =	smul.u32 $0x50000, s6;
	s26 =	sshrl.u32 s9, $0x1  }
0x8: {  	s10 =	smul.u32 $0x500, s7;
	[smem:$0x7FF] =	sst s4;
	s13 =	sadd.s32 s8, s2  }
0x9: {  	_ =	strace $0x8000004A;
	s8 =	sshrl.u32 s6, $0x2;
	s13 =	sadd.s32 $0x16C00, s13  }
0xa: {  	s12 =	sadd.s32 s10, s2;
	[dreg:$0x4] =	wrdreg s13;
	s10 =	sadd.s32 s11, s10  }
0xb: {  	s14 =	smul.u32 $0x2800, s7;
	s28 =	sadd.s32 s8, s3;
	[dreg:$0x6] =	wrdreg s10  }
0xc: {  	s7 =	sadd.s32 $0x17200, s2;
	s12 =	sadd.s32 $0x2C00, s12;
	[dreg:$0x15] =	wrdreg s28  }
0xd: {  	s2 =	ssub.s32 s9, s26;
	s18 =	sadd.s32 $0x2000, s28;
	[dreg:$0x5] =	wrdreg s12  }
0xe: {  	s14 =	sshrl.u32 s14, $0x3;
	s19 =	smax.u32 s2, $0x1;
	[dreg:$0xb] =	wrdreg s18  }
0xf: {  	s9 =	simm.s32 $0x6;
	s20 =	sadd.s32 $0x4000, s28;
	[dreg:$0xc] =	wrdreg s19  }
0x10: {  	s13 =	sadd.s32 s11, s14;
	s21 =	sadd.s32 $0x6000, s28;
	[dreg:$0xd] =	wrdreg s20  }
0x11: {  	s22 =	sadd.s32 $0x8000, s28;
	s23 =	sadd.s32 $0xA000, s28;
	[dreg:$0xe] =	wrdreg s21  }
0x12: {  	s24 =	sadd.s32 $0xC000, s28;
	s25 =	sadd.s32 $0xE000, s28;
	[dreg:$0xf] =	wrdreg s22  }
0x13: {  	s26 =	sadd.s32 $0x10000, s28;
	s28 =	sadd.s32 $0x12000, s28;
	[dreg:$0x10] =	wrdreg s23  }
0x14: {  	s2 =	simm.s32 $0x7;
	s11 =	simm.s32 $0x80;
	[dreg:$0x11] =	wrdreg s24  }
0x15: {  	s10 =	simm.s32 $0x5;
	s14 =	sadd.s32 $0x100, s13;
	[dreg:$0x12] =	wrdreg s25  }
0x16: {  	s15 =	sadd.s32 $0x200, s13;
	s16 =	sadd.s32 $0x300, s13;
	[dreg:$0x13] =	wrdreg s26  }
.Ltmp0:
0x17: {  	s17 =	sadd.s32 $0x400, s13;
	[dreg:$0x14] =	wrdreg s28;
	(pc) =	sbr.rel .LBB2_1-.Ltmp0, $4  }
0x18: {  	s18 =	smul.u32 $0x140000, s0;
	s13 =	simm.s32 $0x1BA80;
	[dreg:$0x7] =	wrdreg s14  }
0x19: {  	s21 =	simm.s32 $0x19A80;
	s23 =	simm.s32 $0x4;
	[dreg:$0x8] =	wrdreg s15  }
0x1a: {  	s24 =	simm.s32 $0x0;
	s19 =	simm.s32 $0x14000;
	[dreg:$0x9] =	wrdreg s16  }
0x1b: {  	v0 =	vimm.f32 $0.0e+00;
	s20 =	simm.s32 $0x14A80;
	[dreg:$0xa] =	wrdreg s17;
	s15 =	simm.s32 $0x2  }
.LBB2_10:
0x1c: {  	s0 =	simm.s32 $0x3  }
0x1d: {  	_ =	swait.ge [sflag:s0], $0x2000  }
0x1e: {  	[sflag:s0] =	ssyncset.done $0x0  }
0x1f: {  	[sflag:s0] =	ssyncadd.s32 $0xFFFFE000  }
0x20: {  	_ =	swait.ge [sflag:s23], $0x2000  }
0x21: {  	s24 =	sadd.s32 $0x1, s24;
	s28 =	rddreg [dreg:$0xc]  }
0x22: {  	p0 =	sne.s32 s24, s28  }
.Ltmp1:
0x23: {  	_ = 	snop;
	(pc) =	sbr.rel @!p0 .LBB2_11-.Ltmp1, $3  }
0x24: {  	_ =	sdelay $0x1  }
0x25: {  	[sflag:s23] =	ssyncset.done $0x0  }
0x26: {  	[sflag:s23] =	ssyncadd.s32 $0xFFFFE000  }
.LBB2_1:
0x27: {  	s0 =	simm.s32 $0x0;
	s12 =	simm.s32 $0x200  }
.LBB2_2:
0x28: {  	p0 =	sne.s32 s12, $0x7E00;
	[tilespmem:s0+$0x17AF0] =	vst v0  }
0x29: {  	[tilespmem:s0+$0x17A80] =	vst v0  }
0x2a: {  	[tilespmem:s0+$0x17A90] =	vst v0  }
.Ltmp2:
0x2b: {  	[tilespmem:s0+$0x17AA0] =	vst v0;
	(pc) =	sbr.rel @p0 .LBB2_2-.Ltmp2, $4  }
0x2c: {  	[tilespmem:s0+$0x17AB0] =	vst v0  }
0x2d: {  	[tilespmem:s0+$0x17AC0] =	vst v0  }
0x2e: {  	[tilespmem:s0+$0x17AD0] =	vst v0  }
0x2f: {  	[tilespmem:s0+$0x17AE0] =	vst v0;
	s0 =	sshra.s32 s12, $0x2;
	s12 =	sadd.s32 $0x200, s12  }
0x30: {  	[tilespmem:s0+$0x17AF0] =	vst v0  }
0x31: {  	[tilespmem:s0+$0x17A80] =	vst v0  }
0x32: {  	[tilespmem:s0+$0x17A90] =	vst v0  }
0x33: {  	[tilespmem:s0+$0x17AA0] =	vst v0  }
0x34: {  	[tilespmem:s0+$0x17AB0] =	vst v0  }
0x35: {  	[tilespmem:s0+$0x17AC0] =	vst v0  }
0x36: {  	[tilespmem:s0+$0x17AD0] =	vst v0  }
0x37: {  	[tilespmem:s0+$0x17AE0] =	vst v0;
	s25 =	rddreg [dreg:$0x15]  }
0x38: {  	[spmem:s25] =	stream.linear.scatter [tilespmem:s29], [sflag:$0x1], $0x2000, $0x38;
	[tilespmem:$0x1FA80] =	vst v63  }
0x39: {  	s26 =	rddreg [dreg:$0xb]  }
0x3a: {  	[spmem:s26] =	stream.linear.scatter [tilespmem:s29], [sflag:$0x1], $0x2000, $0x38;
	[tilespmem:$0x1FA80] =	vst v63  }
0x3b: {  	s12 =	rddreg [dreg:$0xd]  }
0x3c: {  	[spmem:s12] =	stream.linear.scatter [tilespmem:s29], [sflag:$0x1], $0x2000, $0x38;
	[tilespmem:$0x1FA80] =	vst v63  }
0x3d: {  	s14 =	rddreg [dreg:$0xe]  }
0x3e: {  	[spmem:s14] =	stream.linear.scatter [tilespmem:s29], [sflag:$0x1], $0x2000, $0x38;
	[tilespmem:$0x1FA80] =	vst v63  }
0x3f: {  	s16 =	rddreg [dreg:$0xf]  }
0x40: {  	[spmem:s16] =	stream.linear.scatter [tilespmem:s29], [sflag:$0x1], $0x2000, $0x38;
	[tilespmem:$0x1FA80] =	vst v63  }
0x41: {  	s17 =	rddreg [dreg:$0x10]  }
0x42: {  	[spmem:s17] =	stream.linear.scatter [tilespmem:s29], [sflag:$0x1], $0x2000, $0x38;
	[tilespmem:$0x1FA80] =	vst v63  }
0x43: {  	s22 =	rddreg [dreg:$0x11]  }
0x44: {  	[spmem:s22] =	stream.linear.scatter [tilespmem:s29], [sflag:$0x1], $0x2000, $0x38;
	[tilespmem:$0x1FA80] =	vst v63  }
0x45: {  	s25 =	rddreg [dreg:$0x12]  }
0x46: {  	[spmem:s25] =	stream.linear.scatter [tilespmem:s29], [sflag:$0x1], $0x2000, $0x38;
	[tilespmem:$0x1FA80] =	vst v63  }
0x47: {  	s26 =	rddreg [dreg:$0x13]  }
0x48: {  	[spmem:s26] =	stream.linear.scatter [tilespmem:s29], [sflag:$0x1], $0x2000, $0x38;
	[tilespmem:$0x1FA80] =	vst v63  }
0x49: {  	s12 =	rddreg [dreg:$0x14]  }
0x4a: {  	[spmem:s12] =	stream.linear.scatter [tilespmem:s29], [sflag:$0x1], $0x2000, $0x38;
	[tilespmem:$0x1FA80] =	vst v63  }
0x4b: {  	_ =	swait.ge [sflag:s30], $0x2000  }
0x4c: {  	[sflag:s30] =	ssyncset.done $0x0  }
0x4d: {  	[sflag:s30] =	ssyncadd.s32 $0xFFFFE000  }
0x4e: {  	_ =	swait.ge [sflag:s30], $0x2000  }
0x4f: {  	[sflag:s30] =	ssyncset.done $0x0  }
0x50: {  	[sflag:s30] =	ssyncadd.s32 $0xFFFFE000  }
0x51: {  	_ =	swait.ge [sflag:s30], $0x2000  }
0x52: {  	[sflag:s30] =	ssyncset.done $0x0  }
0x53: {  	[sflag:s30] =	ssyncadd.s32 $0xFFFFE000  }
0x54: {  	_ =	swait.ge [sflag:s30], $0x2000  }
0x55: {  	[sflag:s30] =	ssyncset.done $0x0  }
0x56: {  	[sflag:s30] =	ssyncadd.s32 $0xFFFFE000  }
0x57: {  	_ =	swait.ge [sflag:s30], $0x2000  }
0x58: {  	[sflag:s30] =	ssyncset.done $0x0  }
0x59: {  	[sflag:s30] =	ssyncadd.s32 $0xFFFFE000  }
0x5a: {  	_ =	swait.ge [sflag:s30], $0x2000  }
0x5b: {  	[sflag:s30] =	ssyncset.done $0x0  }
0x5c: {  	[sflag:s30] =	ssyncadd.s32 $0xFFFFE000  }
0x5d: {  	_ =	swait.ge [sflag:s30], $0x2000  }
0x5e: {  	[sflag:s30] =	ssyncset.done $0x0  }
0x5f: {  	[sflag:s30] =	ssyncadd.s32 $0xFFFFE000  }
0x60: {  	_ =	swait.ge [sflag:s30], $0x2000  }
0x61: {  	[sflag:s30] =	ssyncset.done $0x0  }
0x62: {  	[sflag:s30] =	ssyncadd.s32 $0xFFFFE000  }
0x63: {  	_ =	swait.ge [sflag:s30], $0x2000  }
0x64: {  	[sflag:s30] =	ssyncset.done $0x0  }
0x65: {  	[sflag:s30] =	ssyncadd.s32 $0xFFFFE000  }
0x66: {  	_ =	swait.ge [sflag:s30], $0x2000  }
0x67: {  	[sflag:s30] =	ssyncset.done $0x0  }
0x68: {  	s25 =	simm.s32 $0x0;
	s14 =	rddreg [dreg:$0x4];
	[sflag:s30] =	ssyncadd.s32 $0xFFFFE000  }
0x69: {  	[tilespmem:s31], [sflag:$0x7] =	stream.linear.gather [hbm4b:s14+s25], $0x280, $0x38;
	[tilespmem:$0x1FA80] =	vst v63  }
0x6a: {  	_ =	swait.ge [sflag:s2], $0x280  }
0x6b: {  	[sflag:s2] =	ssyncset.done $0x0  }
0x6c: {  	s14 =	simm.s32 $0x15000;
	s16 =	rddreg [dreg:$0x5];
	[sflag:s2] =	ssyncadd.s32 $0xFFFFFD80  }
0x6d: {  	[tilespmem:s14], [sflag:$0x7] =	stream.linear.gather [hbm4b:s16+s25], $0x2800, $0x38;
	[tilespmem:$0x1FA80] =	vst v63  }
0x6e: {  	_ =	swait.ge [sflag:s2], $0x2800  }
0x6f: {  	[sflag:s2] =	ssyncset.done $0x0  }
0x70: {  	s17 =	rddreg [dreg:$0x6];
	[sflag:s2] =	ssyncadd.s32 $0xFFFFD800  }
0x71: {  	[tilespmem:s19], [sflag:$0x7] =	stream.linear.gather [hbm4b:s17+s25], $0x800, $0x38;
	[tilespmem:$0x1FA80] =	vst v63  }
0x72: {  	_ =	swait.ge [sflag:s2], $0x800  }
0x73: {  	[sflag:s2] =	ssyncset.done $0x0  }
0x74: {  	[sflag:s2] =	ssyncadd.s32 $0xFFFFF800  }
0x75: {  	[tilespmem:s29], [sflag:$0x1] =	stream.indirect.gather [hbm4b:s1+s11], $0x80, s19, s11, $0xb8;
	[tilespmem:$0x1FA80] =	vst v63  }
0x76: {  	s22 =	simm.s32 $0x14080  }
0x77: {  	[tilespmem:s13], [sflag:$0x2] =	stream.indirect.gather [hbm4b:s1+s11], $0x80, s22, s11, $0xb8;
	[tilespmem:$0x1FA80] =	vst v63  }
0x78: {  	[bflag:$0x0] =	sbarrier.arrive $0xFFFF  }
0x79: {  	s17 =	simm.s32 $0x14800;
	s26 =	rddreg [dreg:$0x7]  }
0x7a: {  	[tilespmem:s17], [sflag:$0x6] =	stream.linear.gather [hbm4b:s26+s25], $0x800, $0x38;
	[tilespmem:$0x1FA80] =	vst v63  }
0x7b: {  	_ =	swait.ge [sflag:s30], $0x4000  }
0x7c: {  	[sflag:s30] =	ssyncset.done $0x0  }
0x7d: {  	[sflag:s30] =	ssyncadd.s32 $0xFFFFC000  }
0x7e: {  	[spmem:s3] =	stream.indirect.scatter.add.f32 [tilespmem:s29], [sflag:$0x7], $0x80, s14, s11, $0xb8;
	[tilespmem:$0x1FA80] =	vst v63  }
0x7f: {  	_ =	swait.ge [sflag:s2], $0x4000  }
0x80: {  	[sflag:s2] =	ssyncset.done $0x0  }
0x81: {  	s12 =	simm.s32 $0x14100;
	[sflag:s2] =	ssyncadd.s32 $0xFFFFC000  }
0x82: {  	[tilespmem:s29], [sflag:$0x1] =	stream.indirect.gather [hbm4b:s1+s11], $0x80, s12, s11, $0xb8;
	[tilespmem:$0x1FA80] =	vst v63  }
0x83: {  	_ =	swait.ge [sflag:s15], $0x4000  }
0x84: {  	[sflag:s15] =	ssyncset.done $0x0  }
0x85: {  	s14 =	simm.s32 $0x15080;
	[sflag:s15] =	ssyncadd.s32 $0xFFFFC000  }
0x86: {  	[spmem:s3] =	stream.indirect.scatter.add.f32 [tilespmem:s13], [sflag:$0x7], $0x80, s14, s11, $0xb8;
	[tilespmem:$0x1FA80] =	vst v63  }
0x87: {  	_ =	swait.ge [sflag:s2], $0x4000  }
0x88: {  	[sflag:s2] =	ssyncset.done $0x0  }
0x89: {  	s16 =	simm.s32 $0x14180;
	[sflag:s2] =	ssyncadd.s32 $0xFFFFC000  }
0x8a: {  	[tilespmem:s13], [sflag:$0x2] =	stream.indirect.gather [hbm4b:s1+s11], $0x80, s16, s11, $0xb8;
	[tilespmem:$0x1FA80] =	vst v63  }
0x8b: {  	_ =	swait.ge [sflag:s30], $0x4000  }
0x8c: {  	[sflag:s30] =	ssyncset.done $0x0  }
0x8d: {  	s22 =	simm.s32 $0x15100;
	[sflag:s30] =	ssyncadd.s32 $0xFFFFC000  }
0x8e: {  	[spmem:s3] =	stream.indirect.scatter.add.f32 [tilespmem:s29], [sflag:$0x7], $0x80, s22, s11, $0xb8;
	[tilespmem:$0x1FA80] =	vst v63  }
0x8f: {  	_ =	swait.ge [sflag:s2], $0x4000  }
0x90: {  	[sflag:s2] =	ssyncset.done $0x0  }
0x91: {  	s26 =	simm.s32 $0x14200;
	[sflag:s2] =	ssyncadd.s32 $0xFFFFC000  }
0x92: {  	[tilespmem:s29], [sflag:$0x1] =	stream.indirect.gather [hbm4b:s1+s11], $0x80, s26, s11, $0xb8;
	[tilespmem:$0x1FA80] =	vst v63  }
0x93: {  	_ =	swait.ge [sflag:s15], $0x4000  }
0x94: {  	[sflag:s15] =	ssyncset.done $0x0  }
0x95: {  	s12 =	simm.s32 $0x15180;
	[sflag:s15] =	ssyncadd.s32 $0xFFFFC000  }
0x96: {  	[spmem:s3] =	stream.indirect.scatter.add.f32 [tilespmem:s13], [sflag:$0x7], $0x80, s12, s11, $0xb8;
	[tilespmem:$0x1FA80] =	vst v63  }
0x97: {  	_ =	swait.ge [sflag:s2], $0x4000  }
0x98: {  	[sflag:s2] =	ssyncset.done $0x0  }
0x99: {  	s14 =	simm.s32 $0x14280;
	[sflag:s2] =	ssyncadd.s32 $0xFFFFC000  }
0x9a: {  	[tilespmem:s13], [sflag:$0x2] =	stream.indirect.gather [hbm4b:s1+s11], $0x80, s14, s11, $0xb8;
	[tilespmem:$0x1FA80] =	vst v63  }
0x9b: {  	_ =	swait.ge [sflag:s30], $0x4000  }
0x9c: {  	[sflag:s30] =	ssyncset.done $0x0  }
0x9d: {  	s16 =	simm.s32 $0x15200;
	[sflag:s30] =	ssyncadd.s32 $0xFFFFC000  }
0x9e: {  	[spmem:s3] =	stream.indirect.scatter.add.f32 [tilespmem:s29], [sflag:$0x7], $0x80, s16, s11, $0xb8;
	[tilespmem:$0x1FA80] =	vst v63  }
0x9f: {  	_ =	swait.ge [sflag:s2], $0x4000  }
0xa0: {  	[sflag:s2] =	ssyncset.done $0x0  }
0xa1: {  	s22 =	simm.s32 $0x14300;
	[sflag:s2] =	ssyncadd.s32 $0xFFFFC000  }
0xa2: {  	[tilespmem:s29], [sflag:$0x1] =	stream.indirect.gather [hbm4b:s1+s11], $0x80, s22, s11, $0xb8;
	[tilespmem:$0x1FA80] =	vst v63  }
0xa3: {  	_ =	swait.ge [sflag:s15], $0x4000  }
0xa4: {  	[sflag:s15] =	ssyncset.done $0x0  }
0xa5: {  	s26 =	simm.s32 $0x15280;
	[sflag:s15] =	ssyncadd.s32 $0xFFFFC000  }
0xa6: {  	[spmem:s3] =	stream.indirect.scatter.add.f32 [tilespmem:s13], [sflag:$0x7], $0x80, s26, s11, $0xb8;
	[tilespmem:$0x1FA80] =	vst v63  }
0xa7: {  	_ =	swait.ge [sflag:s2], $0x4000  }
0xa8: {  	[sflag:s2] =	ssyncset.done $0x0  }
0xa9: {  	s12 =	simm.s32 $0x14380;
	[sflag:s2] =	ssyncadd.s32 $0xFFFFC000  }
0xaa: {  	[tilespmem:s13], [sflag:$0x2] =	stream.indirect.gather [hbm4b:s1+s11], $0x80, s12, s11, $0xb8;
	[tilespmem:$0x1FA80] =	vst v63  }
0xab: {  	_ =	swait.ge [sflag:s30], $0x4000  }
0xac: {  	[sflag:s30] =	ssyncset.done $0x0  }
0xad: {  	s14 =	simm.s32 $0x15300;
	[sflag:s30] =	ssyncadd.s32 $0xFFFFC000  }
0xae: {  	[spmem:s3] =	stream.indirect.scatter.add.f32 [tilespmem:s29], [sflag:$0x7], $0x80, s14, s11, $0xb8;
	[tilespmem:$0x1FA80] =	vst v63  }
0xaf: {  	_ =	swait.ge [sflag:s2], $0x4000  }
0xb0: {  	[sflag:s2] =	ssyncset.done $0x0  }
0xb1: {  	s16 =	simm.s32 $0x14400;
	[sflag:s2] =	ssyncadd.s32 $0xFFFFC000  }
0xb2: {  	[tilespmem:s29], [sflag:$0x1] =	stream.indirect.gather [hbm4b:s1+s11], $0x80, s16, s11, $0xb8;
	[tilespmem:$0x1FA80] =	vst v63  }
0xb3: {  	_ =	swait.ge [sflag:s15], $0x4000  }
0xb4: {  	[sflag:s15] =	ssyncset.done $0x0  }
0xb5: {  	s22 =	simm.s32 $0x15380;
	[sflag:s15] =	ssyncadd.s32 $0xFFFFC000  }
0xb6: {  	[spmem:s3] =	stream.indirect.scatter.add.f32 [tilespmem:s13], [sflag:$0x7], $0x80, s22, s11, $0xb8;
	[tilespmem:$0x1FA80] =	vst v63  }
0xb7: {  	_ =	swait.ge [sflag:s2], $0x4000  }
0xb8: {  	[sflag:s2] =	ssyncset.done $0x0  }
0xb9: {  	s26 =	simm.s32 $0x14480;
	[sflag:s2] =	ssyncadd.s32 $0xFFFFC000  }
0xba: {  	[tilespmem:s13], [sflag:$0x2] =	stream.indirect.gather [hbm4b:s1+s11], $0x80, s26, s11, $0xb8;
	[tilespmem:$0x1FA80] =	vst v63  }
0xbb: {  	_ =	swait.ge [sflag:s30], $0x4000  }
0xbc: {  	[sflag:s30] =	ssyncset.done $0x0  }
0xbd: {  	s12 =	simm.s32 $0x15400;
	[sflag:s30] =	ssyncadd.s32 $0xFFFFC000  }
0xbe: {  	[spmem:s3] =	stream.indirect.scatter.add.f32 [tilespmem:s29], [sflag:$0x7], $0x80, s12, s11, $0xb8;
	[tilespmem:$0x1FA80] =	vst v63  }
0xbf: {  	_ =	swait.ge [sflag:s2], $0x4000  }
0xc0: {  	[sflag:s2] =	ssyncset.done $0x0  }
0xc1: {  	s14 =	simm.s32 $0x14500;
	[sflag:s2] =	ssyncadd.s32 $0xFFFFC000  }
0xc2: {  	[tilespmem:s29], [sflag:$0x1] =	stream.indirect.gather [hbm4b:s1+s11], $0x80, s14, s11, $0xb8;
	[tilespmem:$0x1FA80] =	vst v63  }
0xc3: {  	_ =	swait.ge [sflag:s15], $0x4000  }
0xc4: {  	[sflag:s15] =	ssyncset.done $0x0  }
0xc5: {  	s16 =	simm.s32 $0x15480;
	[sflag:s15] =	ssyncadd.s32 $0xFFFFC000  }
0xc6: {  	[spmem:s3] =	stream.indirect.scatter.add.f32 [tilespmem:s13], [sflag:$0x7], $0x80, s16, s11, $0xb8;
	[tilespmem:$0x1FA80] =	vst v63  }
0xc7: {  	_ =	swait.ge [sflag:s2], $0x4000  }
0xc8: {  	[sflag:s2] =	ssyncset.done $0x0  }
0xc9: {  	s22 =	simm.s32 $0x14580;
	[sflag:s2] =	ssyncadd.s32 $0xFFFFC000  }
0xca: {  	[tilespmem:s13], [sflag:$0x2] =	stream.indirect.gather [hbm4b:s1+s11], $0x80, s22, s11, $0xb8;
	[tilespmem:$0x1FA80] =	vst v63  }
0xcb: {  	_ =	swait.ge [sflag:s30], $0x4000  }
0xcc: {  	[sflag:s30] =	ssyncset.done $0x0  }
0xcd: {  	s26 =	simm.s32 $0x15500;
	[sflag:s30] =	ssyncadd.s32 $0xFFFFC000  }
0xce: {  	[spmem:s3] =	stream.indirect.scatter.add.f32 [tilespmem:s29], [sflag:$0x7], $0x80, s26, s11, $0xb8;
	[tilespmem:$0x1FA80] =	vst v63  }
0xcf: {  	_ =	swait.ge [sflag:s2], $0x4000  }
0xd0: {  	[sflag:s2] =	ssyncset.done $0x0  }
0xd1: {  	s12 =	simm.s32 $0x14600;
	[sflag:s2] =	ssyncadd.s32 $0xFFFFC000  }
0xd2: {  	[tilespmem:s29], [sflag:$0x1] =	stream.indirect.gather [hbm4b:s1+s11], $0x80, s12, s11, $0xb8;
	[tilespmem:$0x1FA80] =	vst v63  }
0xd3: {  	_ =	swait.ge [sflag:s15], $0x4000  }
0xd4: {  	[sflag:s15] =	ssyncset.done $0x0  }
0xd5: {  	s14 =	simm.s32 $0x15580;
	[sflag:s15] =	ssyncadd.s32 $0xFFFFC000  }
0xd6: {  	[spmem:s3] =	stream.indirect.scatter.add.f32 [tilespmem:s13], [sflag:$0x7], $0x80, s14, s11, $0xb8;
	[tilespmem:$0x1FA80] =	vst v63  }
0xd7: {  	_ =	swait.ge [sflag:s2], $0x4000  }
0xd8: {  	[sflag:s2] =	ssyncset.done $0x0  }
0xd9: {  	s16 =	simm.s32 $0x14680;
	[sflag:s2] =	ssyncadd.s32 $0xFFFFC000  }
0xda: {  	[tilespmem:s13], [sflag:$0x2] =	stream.indirect.gather [hbm4b:s1+s11], $0x80, s16, s11, $0xb8;
	[tilespmem:$0x1FA80] =	vst v63  }
0xdb: {  	_ =	swait.ge [sflag:s30], $0x4000  }
0xdc: {  	[sflag:s30] =	ssyncset.done $0x0  }
0xdd: {  	s22 =	simm.s32 $0x15600;
	[sflag:s30] =	ssyncadd.s32 $0xFFFFC000  }
0xde: {  	[spmem:s3] =	stream.indirect.scatter.add.f32 [tilespmem:s29], [sflag:$0x7], $0x80, s22, s11, $0xb8;
	[tilespmem:$0x1FA80] =	vst v63  }
0xdf: {  	_ =	swait.ge [sflag:s2], $0x4000  }
0xe0: {  	[sflag:s2] =	ssyncset.done $0x0  }
0xe1: {  	s26 =	simm.s32 $0x14700;
	[sflag:s2] =	ssyncadd.s32 $0xFFFFC000  }
0xe2: {  	[tilespmem:s29], [sflag:$0x1] =	stream.indirect.gather [hbm4b:s1+s11], $0x80, s26, s11, $0xb8;
	[tilespmem:$0x1FA80] =	vst v63  }
0xe3: {  	_ =	swait.ge [sflag:s15], $0x4000  }
0xe4: {  	[sflag:s15] =	ssyncset.done $0x0  }
0xe5: {  	s12 =	simm.s32 $0x15680;
	[sflag:s15] =	ssyncadd.s32 $0xFFFFC000  }
0xe6: {  	[spmem:s3] =	stream.indirect.scatter.add.f32 [tilespmem:s13], [sflag:$0x7], $0x80, s12, s11, $0xb8;
	[tilespmem:$0x1FA80] =	vst v63  }
0xe7: {  	_ =	swait.ge [sflag:s2], $0x4000  }
0xe8: {  	[sflag:s2] =	ssyncset.done $0x0  }
0xe9: {  	s14 =	simm.s32 $0x14780;
	[sflag:s2] =	ssyncadd.s32 $0xFFFFC000  }
0xea: {  	[tilespmem:s13], [sflag:$0x2] =	stream.indirect.gather [hbm4b:s1+s11], $0x80, s14, s11, $0xb8;
	[tilespmem:$0x1FA80] =	vst v63  }
0xeb: {  	_ =	swait.ge [sflag:s9], $0x800  }
0xec: {  	[sflag:s9] =	ssyncset.done $0x0  }
0xed: {  	[sflag:s9] =	ssyncadd.s32 $0xFFFFF800  }
0xee: {  	_ =	swait.ge [sflag:s30], $0x4000  }
0xef: {  	[sflag:s30] =	ssyncset.done $0x0  }
0xf0: {  	s16 =	simm.s32 $0x15700;
	[sflag:s30] =	ssyncadd.s32 $0xFFFFC000  }
0xf1: {  	[spmem:s3] =	stream.indirect.scatter.add.f32 [tilespmem:s29], [sflag:$0x7], $0x80, s16, s11, $0xb8;
	[tilespmem:$0x1FA80] =	vst v63  }
0xf2: {  	_ =	swait.ge [sflag:s2], $0x4000  }
0xf3: {  	[sflag:s2] =	ssyncset.done $0x0  }
0xf4: {  	[sflag:s2] =	ssyncadd.s32 $0xFFFFC000  }
0xf5: {  	[tilespmem:s29], [sflag:$0x1] =	stream.indirect.gather [hbm4b:s1+s11], $0x80, s17, s11, $0xb8;
	[tilespmem:$0x1FA80] =	vst v63  }
0xf6: {  	_ =	swait.ge [sflag:s15], $0x4000  }
0xf7: {  	[sflag:s15] =	ssyncset.done $0x0  }
0xf8: {  	s22 =	simm.s32 $0x15780;
	[sflag:s15] =	ssyncadd.s32 $0xFFFFC000  }
0xf9: {  	[spmem:s3] =	stream.indirect.scatter.add.f32 [tilespmem:s13], [sflag:$0x7], $0x80, s22, s11, $0xb8;
	[tilespmem:$0x1FA80] =	vst v63  }
0xfa: {  	_ =	swait.ge [sflag:s2], $0x4000  }
0xfb: {  	[sflag:s2] =	ssyncset.done $0x0  }
0xfc: {  	s26 =	simm.s32 $0x14880;
	[sflag:s2] =	ssyncadd.s32 $0xFFFFC000  }
0xfd: {  	[tilespmem:s13], [sflag:$0x2] =	stream.indirect.gather [hbm4b:s1+s11], $0x80, s26, s11, $0xb8;
	[tilespmem:$0x1FA80] =	vst v63  }
0xfe: {  	s12 =	rddreg [dreg:$0x8]  }
0xff: {  	[tilespmem:s19], [sflag:$0x5] =	stream.linear.gather [hbm4b:s12+s25], $0x800, $0x38;
	[tilespmem:$0x1FA80] =	vst v63  }
0x100: {  	_ =	swait.ge [sflag:s30], $0x4000  }
0x101: {  	[sflag:s30] =	ssyncset.done $0x0  }
0x102: {  	s14 =	simm.s32 $0x15800;
	[sflag:s30] =	ssyncadd.s32 $0xFFFFC000  }
0x103: {  	[spmem:s3] =	stream.indirect.scatter.add.f32 [tilespmem:s29], [sflag:$0x7], $0x80, s14, s11, $0xb8;
	[tilespmem:$0x1FA80] =	vst v63  }
0x104: {  	_ =	swait.ge [sflag:s2], $0x4000  }
0x105: {  	[sflag:s2] =	ssyncset.done $0x0  }
0x106: {  	s12 =	simm.s32 $0x14900;
	[sflag:s2] =	ssyncadd.s32 $0xFFFFC000  }
0x107: {  	[tilespmem:s29], [sflag:$0x1] =	stream.indirect.gather [hbm4b:s1+s11], $0x80, s12, s11, $0xb8;
	[tilespmem:$0x1FA80] =	vst v63  }
0x108: {  	_ =	swait.ge [sflag:s15], $0x4000  }
0x109: {  	[sflag:s15] =	ssyncset.done $0x0  }
0x10a: {  	s16 =	simm.s32 $0x15880;
	[sflag:s15] =	ssyncadd.s32 $0xFFFFC000  }
0x10b: {  	[spmem:s3] =	stream.indirect.scatter.add.f32 [tilespmem:s13], [sflag:$0x7], $0x80, s16, s11, $0xb8;
	[tilespmem:$0x1FA80] =	vst v63  }
0x10c: {  	_ =	swait.ge [sflag:s2], $0x4000  }
0x10d: {  	[sflag:s2] =	ssyncset.done $0x0  }
0x10e: {  	s14 =	simm.s32 $0x14980;
	[sflag:s2] =	ssyncadd.s32 $0xFFFFC000  }
0x10f: {  	[tilespmem:s13], [sflag:$0x2] =	stream.indirect.gather [hbm4b:s1+s11], $0x80, s14, s11, $0xb8;
	[tilespmem:$0x1FA80] =	vst v63  }
0x110: {  	_ =	swait.ge [sflag:s30], $0x4000  }
0x111: {  	[sflag:s30] =	ssyncset.done $0x0  }
0x112: {  	s22 =	simm.s32 $0x15900;
	[sflag:s30] =	ssyncadd.s32 $0xFFFFC000  }
0x113: {  	[spmem:s3] =	stream.indirect.scatter.add.f32 [tilespmem:s29], [sflag:$0x7], $0x80, s22, s11, $0xb8;
	[tilespmem:$0x1FA80] =	vst v63  }
0x114: {  	_ =	swait.ge [sflag:s2], $0x4000  }
0x115: {  	[sflag:s2] =	ssyncset.done $0x0  }
0x116: {  	s16 =	simm.s32 $0x14A00;
	[sflag:s2] =	ssyncadd.s32 $0xFFFFC000  }
0x117: {  	[tilespmem:s29], [sflag:$0x1] =	stream.indirect.gather [hbm4b:s1+s11], $0x80, s16, s11, $0xb8;
	[tilespmem:$0x1FA80] =	vst v63  }
0x118: {  	_ =	swait.ge [sflag:s15], $0x4000  }
0x119: {  	[sflag:s15] =	ssyncset.done $0x0  }
0x11a: {  	s26 =	simm.s32 $0x15980;
	[sflag:s15] =	ssyncadd.s32 $0xFFFFC000  }
0x11b: {  	[spmem:s3] =	stream.indirect.scatter.add.f32 [tilespmem:s13], [sflag:$0x7], $0x80, s26, s11, $0xb8;
	[tilespmem:$0x1FA80] =	vst v63  }
0x11c: {  	_ =	swait.ge [sflag:s2], $0x4000  }
0x11d: {  	[sflag:s2] =	ssyncset.done $0x0  }
0x11e: {  	[sflag:s2] =	ssyncadd.s32 $0xFFFFC000  }
0x11f: {  	[tilespmem:s13], [sflag:$0x2] =	stream.indirect.gather [hbm4b:s1+s11], $0x80, s20, s11, $0xb8;
	[tilespmem:$0x1FA80] =	vst v63  }
0x120: {  	_ =	swait.ge [sflag:s30], $0x4000  }
0x121: {  	[sflag:s30] =	ssyncset.done $0x0  }
0x122: {  	s22 =	simm.s32 $0x15A00;
	[sflag:s30] =	ssyncadd.s32 $0xFFFFC000  }
0x123: {  	[spmem:s3] =	stream.indirect.scatter.add.f32 [tilespmem:s29], [sflag:$0x7], $0x80, s22, s11, $0xb8;
	[tilespmem:$0x1FA80] =	vst v63  }
0x124: {  	_ =	swait.ge [sflag:s2], $0x4000  }
0x125: {  	[sflag:s2] =	ssyncset.done $0x0  }
0x126: {  	s22 =	simm.s32 $0x14B00;
	[sflag:s2] =	ssyncadd.s32 $0xFFFFC000  }
0x127: {  	[tilespmem:s29], [sflag:$0x1] =	stream.indirect.gather [hbm4b:s1+s11], $0x80, s22, s11, $0xb8;
	[tilespmem:$0x1FA80] =	vst v63  }
0x128: {  	_ =	swait.ge [sflag:s15], $0x4000  }
0x129: {  	[sflag:s15] =	ssyncset.done $0x0  }
0x12a: {  	s26 =	simm.s32 $0x15A80;
	[sflag:s15] =	ssyncadd.s32 $0xFFFFC000  }
0x12b: {  	[spmem:s3] =	stream.indirect.scatter.add.f32 [tilespmem:s13], [sflag:$0x7], $0x80, s26, s11, $0xb8;
	[tilespmem:$0x1FA80] =	vst v63  }
0x12c: {  	_ =	swait.ge [sflag:s2], $0x4000  }
0x12d: {  	[sflag:s2] =	ssyncset.done $0x0  }
0x12e: {  	s26 =	simm.s32 $0x14B80;
	[sflag:s2] =	ssyncadd.s32 $0xFFFFC000  }
0x12f: {  	[tilespmem:s13], [sflag:$0x2] =	stream.indirect.gather [hbm4b:s1+s11], $0x80, s26, s11, $0xb8;
	[tilespmem:$0x1FA80] =	vst v63  }
0x130: {  	_ =	swait.ge [sflag:s30], $0x4000  }
0x131: {  	[sflag:s30] =	ssyncset.done $0x0  }
0x132: {  	s0 =	simm.s32 $0x15B00;
	[sflag:s30] =	ssyncadd.s32 $0xFFFFC000  }
0x133: {  	[spmem:s3] =	stream.indirect.scatter.add.f32 [tilespmem:s29], [sflag:$0x7], $0x80, s0, s11, $0xb8;
	[tilespmem:$0x1FA80] =	vst v63  }
0x134: {  	_ =	swait.ge [sflag:s2], $0x4000  }
0x135: {  	[sflag:s2] =	ssyncset.done $0x0  }
0x136: {  	s28 =	simm.s32 $0x14C00;
	[sflag:s2] =	ssyncadd.s32 $0xFFFFC000  }
0x137: {  	[tilespmem:s29], [sflag:$0x1] =	stream.indirect.gather [hbm4b:s1+s11], $0x80, s28, s11, $0xb8;
	[tilespmem:$0x1FA80] =	vst v63  }
0x138: {  	_ =	swait.ge [sflag:s15], $0x4000  }
0x139: {  	[sflag:s15] =	ssyncset.done $0x0  }
0x13a: {  	s0 =	simm.s32 $0x15B80;
	[sflag:s15] =	ssyncadd.s32 $0xFFFFC000  }
0x13b: {  	[spmem:s3] =	stream.indirect.scatter.add.f32 [tilespmem:s13], [sflag:$0x7], $0x80, s0, s11, $0xb8;
	[tilespmem:$0x1FA80] =	vst v63  }
0x13c: {  	_ =	swait.ge [sflag:s2], $0x4000  }
0x13d: {  	[sflag:s2] =	ssyncset.done $0x0  }
0x13e: {  	s0 =	simm.s32 $0x14C80;
	[sflag:s2] =	ssyncadd.s32 $0xFFFFC000  }
0x13f: {  	[tilespmem:s13], [sflag:$0x2] =	stream.indirect.gather [hbm4b:s1+s11], $0x80, s0, s11, $0xb8;
	[tilespmem:$0x1FA80] =	vst v63  }
0x140: {  	_ =	swait.ge [sflag:s30], $0x4000  }
0x141: {  	[sflag:s30] =	ssyncset.done $0x0  }
0x142: {  	s0 =	simm.s32 $0x15C00;
	[sflag:s30] =	ssyncadd.s32 $0xFFFFC000  }
0x143: {  	[spmem:s3] =	stream.indirect.scatter.add.f32 [tilespmem:s29], [sflag:$0x7], $0x80, s0, s11, $0xb8;
	[tilespmem:$0x1FA80] =	vst v63  }
0x144: {  	_ =	swait.ge [sflag:s2], $0x4000  }
0x145: {  	[sflag:s2] =	ssyncset.done $0x0  }
0x146: {  	s0 =	simm.s32 $0x14D00;
	[sflag:s2] =	ssyncadd.s32 $0xFFFFC000  }
0x147: {  	[tilespmem:s29], [sflag:$0x1] =	stream.indirect.gather [hbm4b:s1+s11], $0x80, s0, s11, $0xb8;
	[tilespmem:$0x1FA80] =	vst v63  }
0x148: {  	_ =	swait.ge [sflag:s15], $0x4000  }
0x149: {  	[sflag:s15] =	ssyncset.done $0x0  }
0x14a: {  	s0 =	simm.s32 $0x15C80;
	[sflag:s15] =	ssyncadd.s32 $0xFFFFC000  }
0x14b: {  	[spmem:s3] =	stream.indirect.scatter.add.f32 [tilespmem:s13], [sflag:$0x7], $0x80, s0, s11, $0xb8;
	[tilespmem:$0x1FA80] =	vst v63  }
0x14c: {  	_ =	swait.ge [sflag:s2], $0x4000  }
0x14d: {  	[sflag:s2] =	ssyncset.done $0x0  }
0x14e: {  	s0 =	simm.s32 $0x14D80;
	[sflag:s2] =	ssyncadd.s32 $0xFFFFC000  }
0x14f: {  	[tilespmem:s13], [sflag:$0x2] =	stream.indirect.gather [hbm4b:s1+s11], $0x80, s0, s11, $0xb8;
	[tilespmem:$0x1FA80] =	vst v63  }
0x150: {  	_ =	swait.ge [sflag:s30], $0x4000  }
0x151: {  	[sflag:s30] =	ssyncset.done $0x0  }
0x152: {  	s0 =	simm.s32 $0x15D00;
	[sflag:s30] =	ssyncadd.s32 $0xFFFFC000  }
0x153: {  	[spmem:s3] =	stream.indirect.scatter.add.f32 [tilespmem:s29], [sflag:$0x7], $0x80, s0, s11, $0xb8;
	[tilespmem:$0x1FA80] =	vst v63  }
0x154: {  	_ =	swait.ge [sflag:s2], $0x4000  }
0x155: {  	[sflag:s2] =	ssyncset.done $0x0  }
0x156: {  	s0 =	simm.s32 $0x14E00;
	[sflag:s2] =	ssyncadd.s32 $0xFFFFC000  }
0x157: {  	[tilespmem:s29], [sflag:$0x1] =	stream.indirect.gather [hbm4b:s1+s11], $0x80, s0, s11, $0xb8;
	[tilespmem:$0x1FA80] =	vst v63  }
0x158: {  	_ =	swait.ge [sflag:s15], $0x4000  }
0x159: {  	[sflag:s15] =	ssyncset.done $0x0  }
0x15a: {  	s0 =	simm.s32 $0x15D80;
	[sflag:s15] =	ssyncadd.s32 $0xFFFFC000  }
0x15b: {  	[spmem:s3] =	stream.indirect.scatter.add.f32 [tilespmem:s13], [sflag:$0x7], $0x80, s0, s11, $0xb8;
	[tilespmem:$0x1FA80] =	vst v63  }
0x15c: {  	_ =	swait.ge [sflag:s2], $0x4000  }
0x15d: {  	[sflag:s2] =	ssyncset.done $0x0  }
0x15e: {  	s0 =	simm.s32 $0x14E80;
	[sflag:s2] =	ssyncadd.s32 $0xFFFFC000  }
0x15f: {  	[tilespmem:s13], [sflag:$0x2] =	stream.indirect.gather [hbm4b:s1+s11], $0x80, s0, s11, $0xb8;
	[tilespmem:$0x1FA80] =	vst v63  }
0x160: {  	_ =	swait.ge [sflag:s30], $0x4000  }
0x161: {  	[sflag:s30] =	ssyncset.done $0x0  }
0x162: {  	s0 =	simm.s32 $0x15E00;
	[sflag:s30] =	ssyncadd.s32 $0xFFFFC000  }
0x163: {  	[spmem:s3] =	stream.indirect.scatter.add.f32 [tilespmem:s29], [sflag:$0x7], $0x80, s0, s11, $0xb8;
	[tilespmem:$0x1FA80] =	vst v63  }
0x164: {  	_ =	swait.ge [sflag:s2], $0x4000  }
0x165: {  	[sflag:s2] =	ssyncset.done $0x0  }
0x166: {  	s0 =	simm.s32 $0x14F00;
	[sflag:s2] =	ssyncadd.s32 $0xFFFFC000  }
0x167: {  	[tilespmem:s29], [sflag:$0x1] =	stream.indirect.gather [hbm4b:s1+s11], $0x80, s0, s11, $0xb8;
	[tilespmem:$0x1FA80] =	vst v63  }
0x168: {  	_ =	swait.ge [sflag:s15], $0x4000  }
0x169: {  	[sflag:s15] =	ssyncset.done $0x0  }
0x16a: {  	s0 =	simm.s32 $0x15E80;
	[sflag:s15] =	ssyncadd.s32 $0xFFFFC000  }
0x16b: {  	[spmem:s3] =	stream.indirect.scatter.add.f32 [tilespmem:s13], [sflag:$0x7], $0x80, s0, s11, $0xb8;
	[tilespmem:$0x1FA80] =	vst v63  }
0x16c: {  	_ =	swait.ge [sflag:s2], $0x4000  }
0x16d: {  	[sflag:s2] =	ssyncset.done $0x0  }
0x16e: {  	s0 =	simm.s32 $0x14F80;
	[sflag:s2] =	ssyncadd.s32 $0xFFFFC000  }
0x16f: {  	[tilespmem:s13], [sflag:$0x2] =	stream.indirect.gather [hbm4b:s1+s11], $0x80, s0, s11, $0xb8;
	[tilespmem:$0x1FA80] =	vst v63  }
0x170: {  	_ =	swait.ge [sflag:s10], $0x800  }
0x171: {  	[sflag:s10] =	ssyncset.done $0x0  }
0x172: {  	[sflag:s10] =	ssyncadd.s32 $0xFFFFF800  }
0x173: {  	_ =	swait.ge [sflag:s30], $0x4000  }
0x174: {  	[sflag:s30] =	ssyncset.done $0x0  }
0x175: {  	s0 =	simm.s32 $0x15F00;
	[sflag:s30] =	ssyncadd.s32 $0xFFFFC000  }
0x176: {  	[spmem:s3] =	stream.indirect.scatter.add.f32 [tilespmem:s29], [sflag:$0x7], $0x80, s0, s11, $0xb8;
	[tilespmem:$0x1FA80] =	vst v63  }
0x177: {  	_ =	swait.ge [sflag:s2], $0x4000  }
0x178: {  	[sflag:s2] =	ssyncset.done $0x0  }
0x179: {  	[sflag:s2] =	ssyncadd.s32 $0xFFFFC000  }
0x17a: {  	[tilespmem:s29], [sflag:$0x1] =	stream.indirect.gather [hbm4b:s1+s11], $0x80, s19, s11, $0xb8;
	[tilespmem:$0x1FA80] =	vst v63  }
0x17b: {  	_ =	swait.ge [sflag:s15], $0x4000  }
0x17c: {  	[sflag:s15] =	ssyncset.done $0x0  }
0x17d: {  	s0 =	simm.s32 $0x15F80;
	[sflag:s15] =	ssyncadd.s32 $0xFFFFC000  }
0x17e: {  	[spmem:s3] =	stream.indirect.scatter.add.f32 [tilespmem:s13], [sflag:$0x7], $0x80, s0, s11, $0xb8;
	[tilespmem:$0x1FA80] =	vst v63  }
0x17f: {  	_ =	swait.ge [sflag:s2], $0x4000  }
0x180: {  	[sflag:s2] =	ssyncset.done $0x0  }
0x181: {  	s0 =	simm.s32 $0x14080;
	[sflag:s2] =	ssyncadd.s32 $0xFFFFC000  }
0x182: {  	[tilespmem:s13], [sflag:$0x2] =	stream.indirect.gather [hbm4b:s1+s11], $0x80, s0, s11, $0xb8;
	[tilespmem:$0x1FA80] =	vst v63  }
0x183: {  	s0 =	rddreg [dreg:$0x9]  }
0x184: {  	[tilespmem:s17], [sflag:$0x6] =	stream.linear.gather [hbm4b:s0+s25], $0x800, $0x38;
	[tilespmem:$0x1FA80] =	vst v63  }
0x185: {  	_ =	swait.ge [sflag:s30], $0x4000  }
0x186: {  	[sflag:s30] =	ssyncset.done $0x0  }
0x187: {  	s0 =	simm.s32 $0x16000;
	[sflag:s30] =	ssyncadd.s32 $0xFFFFC000  }
0x188: {  	[spmem:s3] =	stream.indirect.scatter.add.f32 [tilespmem:s29], [sflag:$0x7], $0x80, s0, s11, $0xb8;
	[tilespmem:$0x1FA80] =	vst v63  }
0x189: {  	_ =	swait.ge [sflag:s2], $0x4000  }
0x18a: {  	[sflag:s2] =	ssyncset.done $0x0  }
0x18b: {  	s0 =	simm.s32 $0x14100;
	[sflag:s2] =	ssyncadd.s32 $0xFFFFC000  }
0x18c: {  	[tilespmem:s29], [sflag:$0x1] =	stream.indirect.gather [hbm4b:s1+s11], $0x80, s0, s11, $0xb8;
	[tilespmem:$0x1FA80] =	vst v63  }
0x18d: {  	_ =	swait.ge [sflag:s15], $0x4000  }
0x18e: {  	[sflag:s15] =	ssyncset.done $0x0  }
0x18f: {  	s0 =	simm.s32 $0x16080;
	[sflag:s15] =	ssyncadd.s32 $0xFFFFC000  }
0x190: {  	[spmem:s3] =	stream.indirect.scatter.add.f32 [tilespmem:s13], [sflag:$0x7], $0x80, s0, s11, $0xb8;
	[tilespmem:$0x1FA80] =	vst v63  }
0x191: {  	_ =	swait.ge [sflag:s2], $0x4000  }
0x192: {  	[sflag:s2] =	ssyncset.done $0x0  }
0x193: {  	s0 =	simm.s32 $0x14180;
	[sflag:s2] =	ssyncadd.s32 $0xFFFFC000  }
0x194: {  	[tilespmem:s13], [sflag:$0x2] =	stream.indirect.gather [hbm4b:s1+s11], $0x80, s0, s11, $0xb8;
	[tilespmem:$0x1FA80] =	vst v63  }
0x195: {  	_ =	swait.ge [sflag:s30], $0x4000  }
0x196: {  	[sflag:s30] =	ssyncset.done $0x0  }
0x197: {  	s0 =	simm.s32 $0x16100;
	[sflag:s30] =	ssyncadd.s32 $0xFFFFC000  }
0x198: {  	[spmem:s3] =	stream.indirect.scatter.add.f32 [tilespmem:s29], [sflag:$0x7], $0x80, s0, s11, $0xb8;
	[tilespmem:$0x1FA80] =	vst v63  }
0x199: {  	_ =	swait.ge [sflag:s2], $0x4000  }
0x19a: {  	[sflag:s2] =	ssyncset.done $0x0  }
0x19b: {  	s0 =	simm.s32 $0x14200;
	[sflag:s2] =	ssyncadd.s32 $0xFFFFC000  }
0x19c: {  	[tilespmem:s29], [sflag:$0x1] =	stream.indirect.gather [hbm4b:s1+s11], $0x80, s0, s11, $0xb8;
	[tilespmem:$0x1FA80] =	vst v63  }
0x19d: {  	_ =	swait.ge [sflag:s15], $0x4000  }
0x19e: {  	[sflag:s15] =	ssyncset.done $0x0  }
0x19f: {  	s0 =	simm.s32 $0x16180;
	[sflag:s15] =	ssyncadd.s32 $0xFFFFC000  }
0x1a0: {  	[spmem:s3] =	stream.indirect.scatter.add.f32 [tilespmem:s13], [sflag:$0x7], $0x80, s0, s11, $0xb8;
	[tilespmem:$0x1FA80] =	vst v63  }
0x1a1: {  	_ =	swait.ge [sflag:s2], $0x4000  }
0x1a2: {  	[sflag:s2] =	ssyncset.done $0x0  }
0x1a3: {  	s0 =	simm.s32 $0x14280;
	[sflag:s2] =	ssyncadd.s32 $0xFFFFC000  }
0x1a4: {  	[tilespmem:s13], [sflag:$0x2] =	stream.indirect.gather [hbm4b:s1+s11], $0x80, s0, s11, $0xb8;
	[tilespmem:$0x1FA80] =	vst v63  }
0x1a5: {  	_ =	swait.ge [sflag:s30], $0x4000  }
0x1a6: {  	[sflag:s30] =	ssyncset.done $0x0  }
0x1a7: {  	s0 =	simm.s32 $0x16200;
	[sflag:s30] =	ssyncadd.s32 $0xFFFFC000  }
0x1a8: {  	[spmem:s3] =	stream.indirect.scatter.add.f32 [tilespmem:s29], [sflag:$0x7], $0x80, s0, s11, $0xb8;
	[tilespmem:$0x1FA80] =	vst v63  }
0x1a9: {  	_ =	swait.ge [sflag:s2], $0x4000  }
0x1aa: {  	[sflag:s2] =	ssyncset.done $0x0  }
0x1ab: {  	s0 =	simm.s32 $0x14300;
	[sflag:s2] =	ssyncadd.s32 $0xFFFFC000  }
0x1ac: {  	[tilespmem:s29], [sflag:$0x1] =	stream.indirect.gather [hbm4b:s1+s11], $0x80, s0, s11, $0xb8;
	[tilespmem:$0x1FA80] =	vst v63  }
0x1ad: {  	_ =	swait.ge [sflag:s15], $0x4000  }
0x1ae: {  	[sflag:s15] =	ssyncset.done $0x0  }
0x1af: {  	s0 =	simm.s32 $0x16280;
	[sflag:s15] =	ssyncadd.s32 $0xFFFFC000  }
0x1b0: {  	[spmem:s3] =	stream.indirect.scatter.add.f32 [tilespmem:s13], [sflag:$0x7], $0x80, s0, s11, $0xb8;
	[tilespmem:$0x1FA80] =	vst v63  }
0x1b1: {  	_ =	swait.ge [sflag:s2], $0x4000  }
0x1b2: {  	[sflag:s2] =	ssyncset.done $0x0  }
0x1b3: {  	s0 =	simm.s32 $0x14380;
	[sflag:s2] =	ssyncadd.s32 $0xFFFFC000  }
0x1b4: {  	[tilespmem:s13], [sflag:$0x2] =	stream.indirect.gather [hbm4b:s1+s11], $0x80, s0, s11, $0xb8;
	[tilespmem:$0x1FA80] =	vst v63  }
0x1b5: {  	_ =	swait.ge [sflag:s30], $0x4000  }
0x1b6: {  	[sflag:s30] =	ssyncset.done $0x0  }
0x1b7: {  	s0 =	simm.s32 $0x16300;
	[sflag:s30] =	ssyncadd.s32 $0xFFFFC000  }
0x1b8: {  	[spmem:s3] =	stream.indirect.scatter.add.f32 [tilespmem:s29], [sflag:$0x7], $0x80, s0, s11, $0xb8;
	[tilespmem:$0x1FA80] =	vst v63  }
0x1b9: {  	_ =	swait.ge [sflag:s2], $0x4000  }
0x1ba: {  	[sflag:s2] =	ssyncset.done $0x0  }
0x1bb: {  	s0 =	simm.s32 $0x14400;
	[sflag:s2] =	ssyncadd.s32 $0xFFFFC000  }
0x1bc: {  	[tilespmem:s29], [sflag:$0x1] =	stream.indirect.gather [hbm4b:s1+s11], $0x80, s0, s11, $0xb8;
	[tilespmem:$0x1FA80] =	vst v63  }
0x1bd: {  	_ =	swait.ge [sflag:s15], $0x4000  }
0x1be: {  	[sflag:s15] =	ssyncset.done $0x0  }
0x1bf: {  	s0 =	simm.s32 $0x16380;
	[sflag:s15] =	ssyncadd.s32 $0xFFFFC000  }
0x1c0: {  	[spmem:s3] =	stream.indirect.scatter.add.f32 [tilespmem:s13], [sflag:$0x7], $0x80, s0, s11, $0xb8;
	[tilespmem:$0x1FA80] =	vst v63  }
0x1c1: {  	_ =	swait.ge [sflag:s2], $0x4000  }
0x1c2: {  	[sflag:s2] =	ssyncset.done $0x0  }
0x1c3: {  	s0 =	simm.s32 $0x14480;
	[sflag:s2] =	ssyncadd.s32 $0xFFFFC000  }
0x1c4: {  	[tilespmem:s13], [sflag:$0x2] =	stream.indirect.gather [hbm4b:s1+s11], $0x80, s0, s11, $0xb8;
	[tilespmem:$0x1FA80] =	vst v63  }
0x1c5: {  	_ =	swait.ge [sflag:s30], $0x4000  }
0x1c6: {  	[sflag:s30] =	ssyncset.done $0x0  }
0x1c7: {  	s0 =	simm.s32 $0x16400;
	[sflag:s30] =	ssyncadd.s32 $0xFFFFC000  }
0x1c8: {  	[spmem:s3] =	stream.indirect.scatter.add.f32 [tilespmem:s29], [sflag:$0x7], $0x80, s0, s11, $0xb8;
	[tilespmem:$0x1FA80] =	vst v63  }
0x1c9: {  	_ =	swait.ge [sflag:s2], $0x4000  }
0x1ca: {  	[sflag:s2] =	ssyncset.done $0x0  }
0x1cb: {  	s0 =	simm.s32 $0x14500;
	[sflag:s2] =	ssyncadd.s32 $0xFFFFC000  }
0x1cc: {  	[tilespmem:s29], [sflag:$0x1] =	stream.indirect.gather [hbm4b:s1+s11], $0x80, s0, s11, $0xb8;
	[tilespmem:$0x1FA80] =	vst v63  }
0x1cd: {  	_ =	swait.ge [sflag:s15], $0x4000  }
0x1ce: {  	[sflag:s15] =	ssyncset.done $0x0  }
0x1cf: {  	s0 =	simm.s32 $0x16480;
	[sflag:s15] =	ssyncadd.s32 $0xFFFFC000  }
0x1d0: {  	[spmem:s3] =	stream.indirect.scatter.add.f32 [tilespmem:s13], [sflag:$0x7], $0x80, s0, s11, $0xb8;
	[tilespmem:$0x1FA80] =	vst v63  }
0x1d1: {  	_ =	swait.ge [sflag:s2], $0x4000  }
0x1d2: {  	[sflag:s2] =	ssyncset.done $0x0  }
0x1d3: {  	s0 =	simm.s32 $0x14580;
	[sflag:s2] =	ssyncadd.s32 $0xFFFFC000  }
0x1d4: {  	[tilespmem:s13], [sflag:$0x2] =	stream.indirect.gather [hbm4b:s1+s11], $0x80, s0, s11, $0xb8;
	[tilespmem:$0x1FA80] =	vst v63  }
0x1d5: {  	_ =	swait.ge [sflag:s30], $0x4000  }
0x1d6: {  	[sflag:s30] =	ssyncset.done $0x0  }
0x1d7: {  	s0 =	simm.s32 $0x16500;
	[sflag:s30] =	ssyncadd.s32 $0xFFFFC000  }
0x1d8: {  	[spmem:s3] =	stream.indirect.scatter.add.f32 [tilespmem:s29], [sflag:$0x7], $0x80, s0, s11, $0xb8;
	[tilespmem:$0x1FA80] =	vst v63  }
0x1d9: {  	_ =	swait.ge [sflag:s2], $0x4000  }
0x1da: {  	[sflag:s2] =	ssyncset.done $0x0  }
0x1db: {  	s0 =	simm.s32 $0x14600;
	[sflag:s2] =	ssyncadd.s32 $0xFFFFC000  }
0x1dc: {  	[tilespmem:s29], [sflag:$0x1] =	stream.indirect.gather [hbm4b:s1+s11], $0x80, s0, s11, $0xb8;
	[tilespmem:$0x1FA80] =	vst v63  }
0x1dd: {  	_ =	swait.ge [sflag:s15], $0x4000  }
0x1de: {  	[sflag:s15] =	ssyncset.done $0x0  }
0x1df: {  	s0 =	simm.s32 $0x16580;
	[sflag:s15] =	ssyncadd.s32 $0xFFFFC000  }
0x1e0: {  	[spmem:s3] =	stream.indirect.scatter.add.f32 [tilespmem:s13], [sflag:$0x7], $0x80, s0, s11, $0xb8;
	[tilespmem:$0x1FA80] =	vst v63  }
0x1e1: {  	_ =	swait.ge [sflag:s2], $0x4000  }
0x1e2: {  	[sflag:s2] =	ssyncset.done $0x0  }
0x1e3: {  	s0 =	simm.s32 $0x14680;
	[sflag:s2] =	ssyncadd.s32 $0xFFFFC000  }
0x1e4: {  	[tilespmem:s13], [sflag:$0x2] =	stream.indirect.gather [hbm4b:s1+s11], $0x80, s0, s11, $0xb8;
	[tilespmem:$0x1FA80] =	vst v63  }
0x1e5: {  	_ =	swait.ge [sflag:s30], $0x4000  }
0x1e6: {  	[sflag:s30] =	ssyncset.done $0x0  }
0x1e7: {  	s0 =	simm.s32 $0x16600;
	[sflag:s30] =	ssyncadd.s32 $0xFFFFC000  }
0x1e8: {  	[spmem:s3] =	stream.indirect.scatter.add.f32 [tilespmem:s29], [sflag:$0x7], $0x80, s0, s11, $0xb8;
	[tilespmem:$0x1FA80] =	vst v63  }
0x1e9: {  	_ =	swait.ge [sflag:s2], $0x4000  }
0x1ea: {  	[sflag:s2] =	ssyncset.done $0x0  }
0x1eb: {  	s0 =	simm.s32 $0x14700;
	[sflag:s2] =	ssyncadd.s32 $0xFFFFC000  }
0x1ec: {  	[tilespmem:s29], [sflag:$0x1] =	stream.indirect.gather [hbm4b:s1+s11], $0x80, s0, s11, $0xb8;
	[tilespmem:$0x1FA80] =	vst v63  }
0x1ed: {  	_ =	swait.ge [sflag:s15], $0x4000  }
0x1ee: {  	[sflag:s15] =	ssyncset.done $0x0  }
0x1ef: {  	s0 =	simm.s32 $0x16680;
	[sflag:s15] =	ssyncadd.s32 $0xFFFFC000  }
0x1f0: {  	[spmem:s3] =	stream.indirect.scatter.add.f32 [tilespmem:s13], [sflag:$0x7], $0x80, s0, s11, $0xb8;
	[tilespmem:$0x1FA80] =	vst v63  }
0x1f1: {  	_ =	swait.ge [sflag:s2], $0x4000  }
0x1f2: {  	[sflag:s2] =	ssyncset.done $0x0  }
0x1f3: {  	s0 =	simm.s32 $0x14780;
	[sflag:s2] =	ssyncadd.s32 $0xFFFFC000  }
0x1f4: {  	[tilespmem:s13], [sflag:$0x2] =	stream.indirect.gather [hbm4b:s1+s11], $0x80, s0, s11, $0xb8;
	[tilespmem:$0x1FA80] =	vst v63  }
0x1f5: {  	_ =	swait.ge [sflag:s9], $0x800  }
0x1f6: {  	[sflag:s9] =	ssyncset.done $0x0  }
0x1f7: {  	[sflag:s9] =	ssyncadd.s32 $0xFFFFF800  }
0x1f8: {  	_ =	swait.ge [sflag:s30], $0x4000  }
0x1f9: {  	[sflag:s30] =	ssyncset.done $0x0  }
0x1fa: {  	s0 =	simm.s32 $0x16700;
	[sflag:s30] =	ssyncadd.s32 $0xFFFFC000  }
0x1fb: {  	[spmem:s3] =	stream.indirect.scatter.add.f32 [tilespmem:s29], [sflag:$0x7], $0x80, s0, s11, $0xb8;
	[tilespmem:$0x1FA80] =	vst v63  }
0x1fc: {  	_ =	swait.ge [sflag:s2], $0x4000  }
0x1fd: {  	[sflag:s2] =	ssyncset.done $0x0  }
0x1fe: {  	[sflag:s2] =	ssyncadd.s32 $0xFFFFC000  }
0x1ff: {  	[tilespmem:s29], [sflag:$0x1] =	stream.indirect.gather [hbm4b:s1+s11], $0x80, s17, s11, $0xb8;
	[tilespmem:$0x1FA80] =	vst v63  }
0x200: {  	_ =	swait.ge [sflag:s15], $0x4000  }
0x201: {  	[sflag:s15] =	ssyncset.done $0x0  }
0x202: {  	s17 =	simm.s32 $0x16780;
	[sflag:s15] =	ssyncadd.s32 $0xFFFFC000  }
0x203: {  	[spmem:s3] =	stream.indirect.scatter.add.f32 [tilespmem:s13], [sflag:$0x7], $0x80, s17, s11, $0xb8;
	[tilespmem:$0x1FA80] =	vst v63  }
0x204: {  	_ =	swait.ge [sflag:s2], $0x4000  }
0x205: {  	[sflag:s2] =	ssyncset.done $0x0  }
0x206: {  	s17 =	simm.s32 $0x14880;
	[sflag:s2] =	ssyncadd.s32 $0xFFFFC000  }
0x207: {  	[tilespmem:s13], [sflag:$0x2] =	stream.indirect.gather [hbm4b:s1+s11], $0x80, s17, s11, $0xb8;
	[tilespmem:$0x1FA80] =	vst v63  }
0x208: {  	s17 =	rddreg [dreg:$0xa]  }
0x209: {  	[tilespmem:s19], [sflag:$0x5] =	stream.linear.gather [hbm4b:s17+s25], $0x800, $0x38;
	[tilespmem:$0x1FA80] =	vst v63  }
0x20a: {  	_ =	swait.ge [sflag:s30], $0x4000  }
0x20b: {  	[sflag:s30] =	ssyncset.done $0x0  }
0x20c: {  	s17 =	simm.s32 $0x16800;
	[sflag:s30] =	ssyncadd.s32 $0xFFFFC000  }
0x20d: {  	[spmem:s3] =	stream.indirect.scatter.add.f32 [tilespmem:s29], [sflag:$0x7], $0x80, s17, s11, $0xb8;
	[tilespmem:$0x1FA80] =	vst v63  }
0x20e: {  	_ =	swait.ge [sflag:s2], $0x4000  }
0x20f: {  	[sflag:s2] =	ssyncset.done $0x0  }
0x210: {  	[sflag:s2] =	ssyncadd.s32 $0xFFFFC000  }
0x211: {  	[tilespmem:s29], [sflag:$0x1] =	stream.indirect.gather [hbm4b:s1+s11], $0x80, s12, s11, $0xb8;
	[tilespmem:$0x1FA80] =	vst v63  }
0x212: {  	_ =	swait.ge [sflag:s15], $0x4000  }
0x213: {  	[sflag:s15] =	ssyncset.done $0x0  }
0x214: {  	s17 =	simm.s32 $0x16880;
	[sflag:s15] =	ssyncadd.s32 $0xFFFFC000  }
0x215: {  	[spmem:s3] =	stream.indirect.scatter.add.f32 [tilespmem:s13], [sflag:$0x7], $0x80, s17, s11, $0xb8;
	[tilespmem:$0x1FA80] =	vst v63  }
0x216: {  	_ =	swait.ge [sflag:s2], $0x4000  }
0x217: {  	[sflag:s2] =	ssyncset.done $0x0  }
0x218: {  	[sflag:s2] =	ssyncadd.s32 $0xFFFFC000  }
0x219: {  	[tilespmem:s13], [sflag:$0x2] =	stream.indirect.gather [hbm4b:s1+s11], $0x80, s14, s11, $0xb8;
	[tilespmem:$0x1FA80] =	vst v63  }
0x21a: {  	_ =	swait.ge [sflag:s30], $0x4000  }
0x21b: {  	[sflag:s30] =	ssyncset.done $0x0  }
0x21c: {  	s12 =	simm.s32 $0x16900;
	[sflag:s30] =	ssyncadd.s32 $0xFFFFC000  }
0x21d: {  	[spmem:s3] =	stream.indirect.scatter.add.f32 [tilespmem:s29], [sflag:$0x7], $0x80, s12, s11, $0xb8;
	[tilespmem:$0x1FA80] =	vst v63  }
0x21e: {  	_ =	swait.ge [sflag:s2], $0x4000  }
0x21f: {  	[sflag:s2] =	ssyncset.done $0x0  }
0x220: {  	[sflag:s2] =	ssyncadd.s32 $0xFFFFC000  }
0x221: {  	[tilespmem:s29], [sflag:$0x1] =	stream.indirect.gather [hbm4b:s1+s11], $0x80, s16, s11, $0xb8;
	[tilespmem:$0x1FA80] =	vst v63  }
0x222: {  	_ =	swait.ge [sflag:s15], $0x4000  }
0x223: {  	[sflag:s15] =	ssyncset.done $0x0  }
0x224: {  	s14 =	simm.s32 $0x16980;
	[sflag:s15] =	ssyncadd.s32 $0xFFFFC000  }
0x225: {  	[spmem:s3] =	stream.indirect.scatter.add.f32 [tilespmem:s13], [sflag:$0x7], $0x80, s14, s11, $0xb8;
	[tilespmem:$0x1FA80] =	vst v63  }
0x226: {  	_ =	swait.ge [sflag:s2], $0x4000  }
0x227: {  	[sflag:s2] =	ssyncset.done $0x0  }
0x228: {  	[sflag:s2] =	ssyncadd.s32 $0xFFFFC000  }
0x229: {  	[tilespmem:s13], [sflag:$0x2] =	stream.indirect.gather [hbm4b:s1+s11], $0x80, s20, s11, $0xb8;
	[tilespmem:$0x1FA80] =	vst v63  }
0x22a: {  	_ =	swait.ge [sflag:s30], $0x4000  }
0x22b: {  	[sflag:s30] =	ssyncset.done $0x0  }
0x22c: {  	s16 =	simm.s32 $0x16A00;
	[sflag:s30] =	ssyncadd.s32 $0xFFFFC000  }
0x22d: {  	[spmem:s3] =	stream.indirect.scatter.add.f32 [tilespmem:s29], [sflag:$0x7], $0x80, s16, s11, $0xb8;
	[tilespmem:$0x1FA80] =	vst v63  }
0x22e: {  	_ =	swait.ge [sflag:s2], $0x4000  }
0x22f: {  	[sflag:s2] =	ssyncset.done $0x0  }
0x230: {  	[sflag:s2] =	ssyncadd.s32 $0xFFFFC000  }
0x231: {  	[tilespmem:s29], [sflag:$0x1] =	stream.indirect.gather [hbm4b:s1+s11], $0x80, s22, s11, $0xb8;
	[tilespmem:$0x1FA80] =	vst v63  }
0x232: {  	_ =	swait.ge [sflag:s15], $0x4000  }
0x233: {  	[sflag:s15] =	ssyncset.done $0x0  }
0x234: {  	s17 =	simm.s32 $0x16A80;
	[sflag:s15] =	ssyncadd.s32 $0xFFFFC000  }
0x235: {  	[spmem:s3] =	stream.indirect.scatter.add.f32 [tilespmem:s13], [sflag:$0x7], $0x80, s17, s11, $0xb8;
	[tilespmem:$0x1FA80] =	vst v63  }
0x236: {  	_ =	swait.ge [sflag:s2], $0x4000  }
0x237: {  	[sflag:s2] =	ssyncset.done $0x0  }
0x238: {  	[sflag:s2] =	ssyncadd.s32 $0xFFFFC000  }
0x239: {  	[tilespmem:s13], [sflag:$0x2] =	stream.indirect.gather [hbm4b:s1+s11], $0x80, s26, s11, $0xb8;
	[tilespmem:$0x1FA80] =	vst v63  }
0x23a: {  	_ =	swait.ge [sflag:s30], $0x4000  }
0x23b: {  	[sflag:s30] =	ssyncset.done $0x0  }
0x23c: {  	s22 =	simm.s32 $0x16B00;
	[sflag:s30] =	ssyncadd.s32 $0xFFFFC000  }
0x23d: {  	[spmem:s3] =	stream.indirect.scatter.add.f32 [tilespmem:s29], [sflag:$0x7], $0x80, s22, s11, $0xb8;
	[tilespmem:$0x1FA80] =	vst v63  }
0x23e: {  	_ =	swait.ge [sflag:s2], $0x4000  }
0x23f: {  	[sflag:s2] =	ssyncset.done $0x0  }
0x240: {  	[sflag:s2] =	ssyncadd.s32 $0xFFFFC000  }
0x241: {  	[tilespmem:s29], [sflag:$0x1] =	stream.indirect.gather [hbm4b:s1+s11], $0x80, s28, s11, $0xb8;
	[tilespmem:$0x1FA80] =	vst v63  }
0x242: {  	_ =	swait.ge [sflag:s15], $0x4000  }
0x243: {  	[sflag:s15] =	ssyncset.done $0x0  }
0x244: {  	s26 =	simm.s32 $0x16B80;
	[sflag:s15] =	ssyncadd.s32 $0xFFFFC000  }
0x245: {  	[spmem:s3] =	stream.indirect.scatter.add.f32 [tilespmem:s13], [sflag:$0x7], $0x80, s26, s11, $0xb8;
	[tilespmem:$0x1FA80] =	vst v63  }
0x246: {  	_ =	swait.ge [sflag:s2], $0x4000  }
0x247: {  	[sflag:s2] =	ssyncset.done $0x0  }
0x248: {  	s12 =	simm.s32 $0x14C80;
	[sflag:s2] =	ssyncadd.s32 $0xFFFFC000  }
0x249: {  	[tilespmem:s13], [sflag:$0x2] =	stream.indirect.gather [hbm4b:s1+s11], $0x80, s12, s11, $0xb8;
	[tilespmem:$0x1FA80] =	vst v63  }
0x24a: {  	_ =	swait.ge [sflag:s30], $0x4000  }
0x24b: {  	[sflag:s30] =	ssyncset.done $0x0  }
0x24c: {  	s14 =	simm.s32 $0x16C00;
	[sflag:s30] =	ssyncadd.s32 $0xFFFFC000  }
0x24d: {  	[spmem:s3] =	stream.indirect.scatter.add.f32 [tilespmem:s29], [sflag:$0x7], $0x80, s14, s11, $0xb8;
	[tilespmem:$0x1FA80] =	vst v63  }
0x24e: {  	_ =	swait.ge [sflag:s2], $0x4000  }
0x24f: {  	[sflag:s2] =	ssyncset.done $0x0  }
0x250: {  	s16 =	simm.s32 $0x14D00;
	[sflag:s2] =	ssyncadd.s32 $0xFFFFC000  }
0x251: {  	[tilespmem:s29], [sflag:$0x1] =	stream.indirect.gather [hbm4b:s1+s11], $0x80, s16, s11, $0xb8;
	[tilespmem:$0x1FA80] =	vst v63  }
0x252: {  	_ =	swait.ge [sflag:s15], $0x4000  }
0x253: {  	[sflag:s15] =	ssyncset.done $0x0  }
0x254: {  	s17 =	simm.s32 $0x16C80;
	[sflag:s15] =	ssyncadd.s32 $0xFFFFC000  }
0x255: {  	[spmem:s3] =	stream.indirect.scatter.add.f32 [tilespmem:s13], [sflag:$0x7], $0x80, s17, s11, $0xb8;
	[tilespmem:$0x1FA80] =	vst v63  }
0x256: {  	_ =	swait.ge [sflag:s2], $0x4000  }
0x257: {  	[sflag:s2] =	ssyncset.done $0x0  }
0x258: {  	s22 =	simm.s32 $0x14D80;
	[sflag:s2] =	ssyncadd.s32 $0xFFFFC000  }
0x259: {  	[tilespmem:s13], [sflag:$0x2] =	stream.indirect.gather [hbm4b:s1+s11], $0x80, s22, s11, $0xb8;
	[tilespmem:$0x1FA80] =	vst v63  }
0x25a: {  	_ =	swait.ge [sflag:s30], $0x4000  }
0x25b: {  	[sflag:s30] =	ssyncset.done $0x0  }
0x25c: {  	s26 =	simm.s32 $0x16D00;
	[sflag:s30] =	ssyncadd.s32 $0xFFFFC000  }
0x25d: {  	[spmem:s3] =	stream.indirect.scatter.add.f32 [tilespmem:s29], [sflag:$0x7], $0x80, s26, s11, $0xb8;
	[tilespmem:$0x1FA80] =	vst v63  }
0x25e: {  	_ =	swait.ge [sflag:s2], $0x4000  }
0x25f: {  	[sflag:s2] =	ssyncset.done $0x0  }
0x260: {  	s12 =	simm.s32 $0x14E00;
	[sflag:s2] =	ssyncadd.s32 $0xFFFFC000  }
0x261: {  	[tilespmem:s29], [sflag:$0x1] =	stream.indirect.gather [hbm4b:s1+s11], $0x80, s12, s11, $0xb8;
	[tilespmem:$0x1FA80] =	vst v63  }
0x262: {  	_ =	swait.ge [sflag:s15], $0x4000  }
0x263: {  	[sflag:s15] =	ssyncset.done $0x0  }
0x264: {  	s14 =	simm.s32 $0x16D80;
	[sflag:s15] =	ssyncadd.s32 $0xFFFFC000  }
0x265: {  	[spmem:s3] =	stream.indirect.scatter.add.f32 [tilespmem:s13], [sflag:$0x7], $0x80, s14, s11, $0xb8;
	[tilespmem:$0x1FA80] =	vst v63  }
0x266: {  	_ =	swait.ge [sflag:s2], $0x4000  }
0x267: {  	[sflag:s2] =	ssyncset.done $0x0  }
0x268: {  	s16 =	simm.s32 $0x14E80;
	[sflag:s2] =	ssyncadd.s32 $0xFFFFC000  }
0x269: {  	[tilespmem:s13], [sflag:$0x2] =	stream.indirect.gather [hbm4b:s1+s11], $0x80, s16, s11, $0xb8;
	[tilespmem:$0x1FA80] =	vst v63  }
0x26a: {  	_ =	swait.ge [sflag:s30], $0x4000  }
0x26b: {  	[sflag:s30] =	ssyncset.done $0x0  }
0x26c: {  	s17 =	simm.s32 $0x16E00;
	[sflag:s30] =	ssyncadd.s32 $0xFFFFC000  }
0x26d: {  	[spmem:s3] =	stream.indirect.scatter.add.f32 [tilespmem:s29], [sflag:$0x7], $0x80, s17, s11, $0xb8;
	[tilespmem:$0x1FA80] =	vst v63  }
0x26e: {  	_ =	swait.ge [sflag:s2], $0x4000  }
0x26f: {  	[sflag:s2] =	ssyncset.done $0x0  }
0x270: {  	s22 =	simm.s32 $0x14F00;
	[sflag:s2] =	ssyncadd.s32 $0xFFFFC000  }
0x271: {  	[tilespmem:s29], [sflag:$0x1] =	stream.indirect.gather [hbm4b:s1+s11], $0x80, s22, s11, $0xb8;
	[tilespmem:$0x1FA80] =	vst v63  }
0x272: {  	_ =	swait.ge [sflag:s15], $0x4000  }
0x273: {  	[sflag:s15] =	ssyncset.done $0x0  }
0x274: {  	s26 =	simm.s32 $0x16E80;
	[sflag:s15] =	ssyncadd.s32 $0xFFFFC000  }
0x275: {  	[spmem:s3] =	stream.indirect.scatter.add.f32 [tilespmem:s13], [sflag:$0x7], $0x80, s26, s11, $0xb8;
	[tilespmem:$0x1FA80] =	vst v63  }
0x276: {  	_ =	swait.ge [sflag:s2], $0x4000  }
0x277: {  	[sflag:s2] =	ssyncset.done $0x0  }
0x278: {  	s12 =	simm.s32 $0x14F80;
	[sflag:s2] =	ssyncadd.s32 $0xFFFFC000  }
0x279: {  	[tilespmem:s13], [sflag:$0x2] =	stream.indirect.gather [hbm4b:s1+s11], $0x80, s12, s11, $0xb8;
	[tilespmem:$0x1FA80] =	vst v63  }
0x27a: {  	_ =	swait.ge [sflag:s10], $0x800  }
0x27b: {  	[sflag:s10] =	ssyncset.done $0x0  }
0x27c: {  	[sflag:s10] =	ssyncadd.s32 $0xFFFFF800  }
0x27d: {  	_ =	swait.ge [sflag:s30], $0x4000  }
0x27e: {  	[sflag:s30] =	ssyncset.done $0x0  }
0x27f: {  	s14 =	simm.s32 $0x16F00;
	[sflag:s30] =	ssyncadd.s32 $0xFFFFC000  }
0x280: {  	[spmem:s3] =	stream.indirect.scatter.add.f32 [tilespmem:s29], [sflag:$0x7], $0x80, s14, s11, $0xb8;
	[tilespmem:$0x1FA80] =	vst v63  }
0x281: {  	_ =	swait.ge [sflag:s2], $0x4000  }
0x282: {  	[sflag:s2] =	ssyncset.done $0x0  }
0x283: {  	[sflag:s2] =	ssyncadd.s32 $0xFFFFC000  }
0x284: {  	[tilespmem:s29], [sflag:$0x1] =	stream.indirect.gather [hbm4b:s1+s11], $0x80, s19, s11, $0xb8;
	[tilespmem:$0x1FA80] =	vst v63  }
0x285: {  	_ =	swait.ge [sflag:s15], $0x4000  }
0x286: {  	[sflag:s15] =	ssyncset.done $0x0  }
0x287: {  	s16 =	simm.s32 $0x16F80;
	[sflag:s15] =	ssyncadd.s32 $0xFFFFC000  }
0x288: {  	[spmem:s3] =	stream.indirect.scatter.add.f32 [tilespmem:s13], [sflag:$0x7], $0x80, s16, s11, $0xb8;
	[tilespmem:$0x1FA80] =	vst v63  }
0x289: {  	_ =	swait.ge [sflag:s2], $0x4000  }
0x28a: {  	[sflag:s2] =	ssyncset.done $0x0  }
0x28b: {  	s17 =	simm.s32 $0x14080;
	[sflag:s2] =	ssyncadd.s32 $0xFFFFC000  }
0x28c: {  	[tilespmem:s13], [sflag:$0x2] =	stream.indirect.gather [hbm4b:s1+s11], $0x80, s17, s11, $0xb8;
	[tilespmem:$0x1FA80] =	vst v63  }
0x28d: {  	_ =	swait.ge [sflag:s30], $0x4000  }
0x28e: {  	[sflag:s30] =	ssyncset.done $0x0  }
0x28f: {  	s22 =	simm.s32 $0x17000;
	[sflag:s30] =	ssyncadd.s32 $0xFFFFC000  }
0x290: {  	[spmem:s3] =	stream.indirect.scatter.add.f32 [tilespmem:s29], [sflag:$0x7], $0x80, s22, s11, $0xb8;
	[tilespmem:$0x1FA80] =	vst v63  }
0x291: {  	_ =	swait.ge [sflag:s2], $0x4000  }
0x292: {  	[sflag:s2] =	ssyncset.done $0x0  }
0x293: {  	s26 =	simm.s32 $0x14100;
	[sflag:s2] =	ssyncadd.s32 $0xFFFFC000  }
0x294: {  	[tilespmem:s29], [sflag:$0x1] =	stream.indirect.gather [hbm4b:s1+s11], $0x80, s26, s11, $0xb8;
	[tilespmem:$0x1FA80] =	vst v63  }
0x295: {  	_ =	swait.ge [sflag:s15], $0x4000  }
0x296: {  	[sflag:s15] =	ssyncset.done $0x0  }
0x297: {  	s12 =	simm.s32 $0x17080;
	[sflag:s15] =	ssyncadd.s32 $0xFFFFC000  }
0x298: {  	[spmem:s3] =	stream.indirect.scatter.add.f32 [tilespmem:s13], [sflag:$0x7], $0x80, s12, s11, $0xb8;
	[tilespmem:$0x1FA80] =	vst v63  }
0x299: {  	_ =	swait.ge [sflag:s2], $0x4000  }
0x29a: {  	[sflag:s2] =	ssyncset.done $0x0  }
0x29b: {  	s14 =	simm.s32 $0x14180;
	[sflag:s2] =	ssyncadd.s32 $0xFFFFC000  }
0x29c: {  	[tilespmem:s13], [sflag:$0x2] =	stream.indirect.gather [hbm4b:s1+s11], $0x80, s14, s11, $0xb8;
	[tilespmem:$0x1FA80] =	vst v63  }
0x29d: {  	_ =	swait.ge [sflag:s30], $0x4000  }
0x29e: {  	[sflag:s30] =	ssyncset.done $0x0  }
0x29f: {  	s16 =	simm.s32 $0x17100;
	[sflag:s30] =	ssyncadd.s32 $0xFFFFC000  }
0x2a0: {  	[spmem:s3] =	stream.indirect.scatter.add.f32 [tilespmem:s29], [sflag:$0x7], $0x80, s16, s11, $0xb8;
	[tilespmem:$0x1FA80] =	vst v63  }
0x2a1: {  	_ =	swait.ge [sflag:s2], $0x4000  }
0x2a2: {  	[sflag:s2] =	ssyncset.done $0x0  }
0x2a3: {  	s17 =	simm.s32 $0x14200;
	[sflag:s2] =	ssyncadd.s32 $0xFFFFC000  }
0x2a4: {  	[tilespmem:s29], [sflag:$0x1] =	stream.indirect.gather [hbm4b:s1+s11], $0x80, s17, s11, $0xb8;
	[tilespmem:$0x1FA80] =	vst v63  }
0x2a5: {  	_ =	swait.ge [sflag:s15], $0x4000  }
0x2a6: {  	[sflag:s15] =	ssyncset.done $0x0  }
0x2a7: {  	s22 =	simm.s32 $0x17180;
	[sflag:s15] =	ssyncadd.s32 $0xFFFFC000  }
0x2a8: {  	[spmem:s3] =	stream.indirect.scatter.add.f32 [tilespmem:s13], [sflag:$0x7], $0x80, s22, s11, $0xb8;
	[tilespmem:$0x1FA80] =	vst v63  }
0x2a9: {  	_ =	swait.ge [sflag:s2], $0x4000  }
0x2aa: {  	[sflag:s2] =	ssyncset.done $0x0  }
0x2ab: {  	s26 =	simm.s32 $0x14280;
	[sflag:s2] =	ssyncadd.s32 $0xFFFFC000  }
0x2ac: {  	[tilespmem:s13], [sflag:$0x2] =	stream.indirect.gather [hbm4b:s1+s11], $0x80, s26, s11, $0xb8;
	[tilespmem:$0x1FA80] =	vst v63  }
0x2ad: {  	_ =	swait.ge [sflag:s30], $0x4000  }
0x2ae: {  	[sflag:s30] =	ssyncset.done $0x0  }
0x2af: {  	s12 =	simm.s32 $0x17200;
	[sflag:s30] =	ssyncadd.s32 $0xFFFFC000  }
0x2b0: {  	[spmem:s3] =	stream.indirect.scatter.add.f32 [tilespmem:s29], [sflag:$0x7], $0x80, s12, s11, $0xb8;
	[tilespmem:$0x1FA80] =	vst v63  }
0x2b1: {  	_ =	swait.ge [sflag:s2], $0x4000  }
0x2b2: {  	[sflag:s2] =	ssyncset.done $0x0  }
0x2b3: {  	s14 =	simm.s32 $0x14300;
	[sflag:s2] =	ssyncadd.s32 $0xFFFFC000  }
0x2b4: {  	[tilespmem:s29], [sflag:$0x1] =	stream.indirect.gather [hbm4b:s1+s11], $0x80, s14, s11, $0xb8;
	[tilespmem:$0x1FA80] =	vst v63  }
0x2b5: {  	_ =	swait.ge [sflag:s15], $0x4000  }
0x2b6: {  	[sflag:s15] =	ssyncset.done $0x0  }
0x2b7: {  	s16 =	simm.s32 $0x17280;
	[sflag:s15] =	ssyncadd.s32 $0xFFFFC000  }
0x2b8: {  	[spmem:s3] =	stream.indirect.scatter.add.f32 [tilespmem:s13], [sflag:$0x7], $0x80, s16, s11, $0xb8;
	[tilespmem:$0x1FA80] =	vst v63  }
0x2b9: {  	_ =	swait.ge [sflag:s2], $0x4000  }
0x2ba: {  	[sflag:s2] =	ssyncset.done $0x0  }
0x2bb: {  	s17 =	simm.s32 $0x14380;
	[sflag:s2] =	ssyncadd.s32 $0xFFFFC000  }
0x2bc: {  	[tilespmem:s13], [sflag:$0x2] =	stream.indirect.gather [hbm4b:s1+s11], $0x80, s17, s11, $0xb8;
	[tilespmem:$0x1FA80] =	vst v63  }
0x2bd: {  	_ =	swait.ge [sflag:s30], $0x4000  }
0x2be: {  	[sflag:s30] =	ssyncset.done $0x0  }
0x2bf: {  	s22 =	simm.s32 $0x17300;
	[sflag:s30] =	ssyncadd.s32 $0xFFFFC000  }
0x2c0: {  	[spmem:s3] =	stream.indirect.scatter.add.f32 [tilespmem:s29], [sflag:$0x7], $0x80, s22, s11, $0xb8;
	[tilespmem:$0x1FA80] =	vst v63  }
0x2c1: {  	_ =	swait.ge [sflag:s2], $0x4000  }
0x2c2: {  	[sflag:s2] =	ssyncset.done $0x0  }
0x2c3: {  	s26 =	simm.s32 $0x14400;
	[sflag:s2] =	ssyncadd.s32 $0xFFFFC000  }
0x2c4: {  	[tilespmem:s29], [sflag:$0x1] =	stream.indirect.gather [hbm4b:s1+s11], $0x80, s26, s11, $0xb8;
	[tilespmem:$0x1FA80] =	vst v63  }
0x2c5: {  	_ =	swait.ge [sflag:s15], $0x4000  }
0x2c6: {  	[sflag:s15] =	ssyncset.done $0x0  }
0x2c7: {  	s12 =	simm.s32 $0x17380;
	[sflag:s15] =	ssyncadd.s32 $0xFFFFC000  }
0x2c8: {  	[spmem:s3] =	stream.indirect.scatter.add.f32 [tilespmem:s13], [sflag:$0x7], $0x80, s12, s11, $0xb8;
	[tilespmem:$0x1FA80] =	vst v63  }
0x2c9: {  	_ =	swait.ge [sflag:s2], $0x4000  }
0x2ca: {  	[sflag:s2] =	ssyncset.done $0x0  }
0x2cb: {  	s14 =	simm.s32 $0x14480;
	[sflag:s2] =	ssyncadd.s32 $0xFFFFC000  }
0x2cc: {  	[tilespmem:s13], [sflag:$0x2] =	stream.indirect.gather [hbm4b:s1+s11], $0x80, s14, s11, $0xb8;
	[tilespmem:$0x1FA80] =	vst v63  }
0x2cd: {  	_ =	swait.ge [sflag:s30], $0x4000  }
0x2ce: {  	[sflag:s30] =	ssyncset.done $0x0  }
0x2cf: {  	s16 =	simm.s32 $0x17400;
	[sflag:s30] =	ssyncadd.s32 $0xFFFFC000  }
0x2d0: {  	[spmem:s3] =	stream.indirect.scatter.add.f32 [tilespmem:s29], [sflag:$0x7], $0x80, s16, s11, $0xb8;
	[tilespmem:$0x1FA80] =	vst v63  }
0x2d1: {  	_ =	swait.ge [sflag:s2], $0x4000  }
0x2d2: {  	[sflag:s2] =	ssyncset.done $0x0  }
0x2d3: {  	s17 =	simm.s32 $0x14500;
	[sflag:s2] =	ssyncadd.s32 $0xFFFFC000  }
0x2d4: {  	[tilespmem:s29], [sflag:$0x1] =	stream.indirect.gather [hbm4b:s1+s11], $0x80, s17, s11, $0xb8;
	[tilespmem:$0x1FA80] =	vst v63  }
0x2d5: {  	_ =	swait.ge [sflag:s15], $0x4000  }
0x2d6: {  	[sflag:s15] =	ssyncset.done $0x0  }
0x2d7: {  	s22 =	simm.s32 $0x17480;
	[sflag:s15] =	ssyncadd.s32 $0xFFFFC000  }
0x2d8: {  	[spmem:s3] =	stream.indirect.scatter.add.f32 [tilespmem:s13], [sflag:$0x7], $0x80, s22, s11, $0xb8;
	[tilespmem:$0x1FA80] =	vst v63  }
0x2d9: {  	_ =	swait.ge [sflag:s2], $0x4000  }
0x2da: {  	[sflag:s2] =	ssyncset.done $0x0  }
0x2db: {  	s26 =	simm.s32 $0x14580;
	[sflag:s2] =	ssyncadd.s32 $0xFFFFC000  }
0x2dc: {  	[tilespmem:s13], [sflag:$0x2] =	stream.indirect.gather [hbm4b:s1+s11], $0x80, s26, s11, $0xb8;
	[tilespmem:$0x1FA80] =	vst v63  }
0x2dd: {  	_ =	swait.ge [sflag:s30], $0x4000  }
0x2de: {  	[sflag:s30] =	ssyncset.done $0x0  }
0x2df: {  	s12 =	simm.s32 $0x17500;
	[sflag:s30] =	ssyncadd.s32 $0xFFFFC000  }
0x2e0: {  	[spmem:s3] =	stream.indirect.scatter.add.f32 [tilespmem:s29], [sflag:$0x7], $0x80, s12, s11, $0xb8;
	[tilespmem:$0x1FA80] =	vst v63  }
0x2e1: {  	_ =	swait.ge [sflag:s2], $0x4000  }
0x2e2: {  	[sflag:s2] =	ssyncset.done $0x0  }
0x2e3: {  	s14 =	simm.s32 $0x14600;
	[sflag:s2] =	ssyncadd.s32 $0xFFFFC000  }
0x2e4: {  	[tilespmem:s29], [sflag:$0x1] =	stream.indirect.gather [hbm4b:s1+s11], $0x80, s14, s11, $0xb8;
	[tilespmem:$0x1FA80] =	vst v63  }
0x2e5: {  	_ =	swait.ge [sflag:s15], $0x4000  }
0x2e6: {  	[sflag:s15] =	ssyncset.done $0x0  }
0x2e7: {  	s16 =	simm.s32 $0x17580;
	[sflag:s15] =	ssyncadd.s32 $0xFFFFC000  }
0x2e8: {  	[spmem:s3] =	stream.indirect.scatter.add.f32 [tilespmem:s13], [sflag:$0x7], $0x80, s16, s11, $0xb8;
	[tilespmem:$0x1FA80] =	vst v63  }
0x2e9: {  	_ =	swait.ge [sflag:s2], $0x4000  }
0x2ea: {  	[sflag:s2] =	ssyncset.done $0x0  }
0x2eb: {  	s17 =	simm.s32 $0x14680;
	[sflag:s2] =	ssyncadd.s32 $0xFFFFC000  }
0x2ec: {  	[tilespmem:s13], [sflag:$0x2] =	stream.indirect.gather [hbm4b:s1+s11], $0x80, s17, s11, $0xb8;
	[tilespmem:$0x1FA80] =	vst v63  }
0x2ed: {  	_ =	swait.ge [sflag:s30], $0x4000  }
0x2ee: {  	[sflag:s30] =	ssyncset.done $0x0  }
0x2ef: {  	s22 =	simm.s32 $0x17600;
	[sflag:s30] =	ssyncadd.s32 $0xFFFFC000  }
0x2f0: {  	[spmem:s3] =	stream.indirect.scatter.add.f32 [tilespmem:s29], [sflag:$0x7], $0x80, s22, s11, $0xb8;
	[tilespmem:$0x1FA80] =	vst v63  }
0x2f1: {  	_ =	swait.ge [sflag:s2], $0x4000  }
0x2f2: {  	[sflag:s2] =	ssyncset.done $0x0  }
0x2f3: {  	s26 =	simm.s32 $0x14700;
	[sflag:s2] =	ssyncadd.s32 $0xFFFFC000  }
0x2f4: {  	[tilespmem:s29], [sflag:$0x1] =	stream.indirect.gather [hbm4b:s1+s11], $0x80, s26, s11, $0xb8;
	[tilespmem:$0x1FA80] =	vst v63  }
0x2f5: {  	_ =	swait.ge [sflag:s15], $0x4000  }
0x2f6: {  	[sflag:s15] =	ssyncset.done $0x0  }
0x2f7: {  	s12 =	simm.s32 $0x17680;
	[sflag:s15] =	ssyncadd.s32 $0xFFFFC000  }
0x2f8: {  	[spmem:s3] =	stream.indirect.scatter.add.f32 [tilespmem:s13], [sflag:$0x7], $0x80, s12, s11, $0xb8;
	[tilespmem:$0x1FA80] =	vst v63  }
0x2f9: {  	_ =	swait.ge [sflag:s2], $0x4000  }
0x2fa: {  	[sflag:s2] =	ssyncset.done $0x0  }
0x2fb: {  	s14 =	simm.s32 $0x14780;
	[sflag:s2] =	ssyncadd.s32 $0xFFFFC000  }
0x2fc: {  	[tilespmem:s13], [sflag:$0x2] =	stream.indirect.gather [hbm4b:s1+s11], $0x80, s14, s11, $0xb8;
	[tilespmem:$0x1FA80] =	vst v63  }
0x2fd: {  	_ =	swait.ge [sflag:s30], $0x4000  }
0x2fe: {  	[sflag:s30] =	ssyncset.done $0x0  }
0x2ff: {  	s16 =	simm.s32 $0x17700;
	[sflag:s30] =	ssyncadd.s32 $0xFFFFC000  }
0x300: {  	[spmem:s3] =	stream.indirect.scatter.add.f32 [tilespmem:s29], [sflag:$0x7], $0x80, s16, s11, $0xb8;
	[tilespmem:$0x1FA80] =	vst v63  }
0x301: {  	_ =	swait.ge [sflag:s2], $0x4000  }
0x302: {  	[sflag:s2] =	ssyncset.done $0x0  }
0x303: {  	[sflag:s2] =	ssyncadd.s32 $0xFFFFC000  }
0x304: {  	_ =	swait.ge [sflag:s15], $0x4000  }
0x305: {  	[sflag:s15] =	ssyncset.done $0x0  }
0x306: {  	s17 =	simm.s32 $0x17780;
	[sflag:s15] =	ssyncadd.s32 $0xFFFFC000  }
0x307: {  	[spmem:s3] =	stream.indirect.scatter.add.f32 [tilespmem:s13], [sflag:$0x7], $0x80, s17, s11, $0xb8;
	[tilespmem:$0x1FA80] =	vst v63  }
0x308: {  	_ =	swait.ge [sflag:s2], $0x4000  }
0x309: {  	[sflag:s2] =	ssyncset.done $0x0  }
0x30a: {  	[sflag:s2] =	ssyncadd.s32 $0xFFFFC000  }
0x30b: {  	[bflag:$0x0] =	sbarrier.arrive $0xFFFF  }
0x30c: {  	s22 =	rddreg [dreg:$0x15]  }
0x30d: {  	[tilespmem:s29], [sflag:$0x1] =	stream.linear.gather [spmem:s22], $0x2000, $0x38;
	[tilespmem:$0x1FA80] =	vst v63  }
0x30e: {  	s26 =	rddreg [dreg:$0xb]  }
0x30f: {  	[tilespmem:s21], [sflag:$0x2] =	stream.linear.gather [spmem:s26], $0x2000, $0x38;
	[tilespmem:$0x1FA80] =	vst v63  }
0x310: {  	s28 =	simm.s32 $0x0;
	s26 =	simm.s32 $0x40  }
.LBB2_4:
0x311: {  	_ =	swait.ge [sflag:s30], $0x2000;
	s0 =	sadd.s32 $0x0, s25  }
0x312: {  	[sflag:s30] =	ssyncset.done $0x0;
	v1 =	vmov s0  }
0x313: {  	s12 =	simm.s32 $0x17AC0;
	[sflag:s30] =	ssyncadd.s32 $0xFFFFE000  }
0x314: {  	v5 =	vld [tilespmem:s12+$0x30]  }
0x315: {  	v8 =	vld [tilespmem:s12+$0x10]  }
0x316: {  	v6 =	vld [tilespmem:s12+$0xFFFFFFC0]  }
0x317: {  	v2 =	vld.idx.msk [tilespmem:v1+s31+$0x0], $0xffff  }
0x318: {  	v10 =	vld [tilespmem:s12+$0xFFFFFFE0]  }
0x319: {  	v3 =	vld [tilespmem:s12+$0x20]  }
0x31a: {  	v4 =	vld [tilespmem:s12+$0xFFFFFFD0]  }
0x31b: {  	v1 =	vld [tilespmem:s12+$0xFFFFFFF0]  }
0x31c: {  	v9 =	vmul.f32 v5, v2;
	v5 =	vld [tilespmem:s12+$0x0]  }
0x31d: {  	v7 =	vmul.f32 v6, v2  }
0x31e: {  	s16 =	simm.s32 $0x1;
	s22 =	simm.s32 $0x17AC0;
	s0 =	sshll.u32 s28, $0x7;
	v6 =	vmul.f32 v10, v2;
	v8 =	vmul.f32 v8, v2  }
.LBB2_5:
0x31f: {  	p0 =	sne.s32 s16, $0x3F  }
0x320: {  	v4 =	vmul.f32 v4, v2;
	v3 =	vmul.f32 v3, v2;
	[tilespmem:s12+$0x30] =	vst v9;
	s22 =	sadd.s32 $0x80, s22;
	s17 =	smov.u32 s16;
	s16 =	sadd.s32 $0x1, s16  }
0x321: {  	[tilespmem:s12+$0xFFFFFFC0] =	vst v7;
	v7 =	vmul.f32 v1, v2;
	v2 =	vmul.f32 v5, v2  }
0x322: {  	s17 =	sadd.s32 s17, s25;
	[tilespmem:s12+$0x10] =	vst v8  }
0x323: {  	v5 =	vmov s17;
	[tilespmem:s12+$0xFFFFFFE0] =	vst v6  }
0x324: {  	v1 =	vld [tilespmem:s22+$0xFFFFFFF0];
	[tilespmem:s12+$0xFFFFFFF0] =	vst v7  }
0x325: {  	v6 =	vld [tilespmem:s22+$0x30];
	[tilespmem:s12+$0x0] =	vst v2  }
0x326: {  	v8 =	vld [tilespmem:s22+$0x10];
	[tilespmem:s12+$0x20] =	vst v3  }
0x327: {  	v7 =	vld [tilespmem:s22+$0xFFFFFFC0];
	[tilespmem:s12+$0xFFFFFFD0] =	vst v4;
	s12 =	smov.u32 s22  }
0x328: {  	v2 =	vld.idx.msk [tilespmem:v5+s31+$0x0], $0xffff  }
0x329: {  	v10 =	vld [tilespmem:s22+$0xFFFFFFE0]  }
0x32a: {  	v3 =	vld [tilespmem:s22+$0x20]  }
.Ltmp3:
0x32b: {  	v4 =	vld [tilespmem:s22+$0xFFFFFFD0];
	(pc) =	sbr.rel @p0 .LBB2_5-.Ltmp3, $3  }
0x32c: {  	v5 =	vld [tilespmem:s22+$0x0];
	_ =	sdelay $0x1  }
0x32d: {  	v7 =	vmul.f32 v7, v2;
	v9 =	vmul.f32 v6, v2  }
0x32e: {  	v8 =	vmul.f32 v8, v2;
	v6 =	vmul.f32 v10, v2  }
0x32f: {  	[tilespmem:s12+$0x30] =	vst v9  }
0x330: {  	[tilespmem:s12+$0xFFFFFFC0] =	vst v7  }
0x331: {  	v1 =	vmul.f32 v1, v2;
	[tilespmem:s12+$0x10] =	vst v8  }
0x332: {  	s16 =	sadd.s32 s5, s0;
	v3 =	vmul.f32 v3, v2;
	[tilespmem:s12+$0xFFFFFFE0] =	vst v6  }
0x333: {  	v5 =	vmul.f32 v5, v2;
	s16 =	sshll.u32 s16, $0x7;
	[tilespmem:s12+$0xFFFFFFF0] =	vst v1  }
0x334: {  	v1 =	vmul.f32 v4, v2;
	s16 =	sadd.s32 s18, s16;
	[tilespmem:s12+$0x20] =	vst v3  }
0x335: {  	[tilespmem:s12+$0x0] =	vst v5;
	s16 =	sshrl.u32 s16, $0x3  }
0x336: {  	p0 =	seq.s32 s28, $0x4;
	[tilespmem:s12+$0xFFFFFFD0] =	vst v1;
	s17 =	sadd.s32 s7, s16;
	s12 =	sshll.u32 s28, $0x10  }
0x337: {  	[hbm4b:s17+s4] =	stream.linear.scatter [tilespmem:s29], [sflag:$0x3], $0x2000, $0x38;
	[tilespmem:$0x1FA80] =	vst v63  }
0x338: {  	s16 =	simm.s32 @!p0 $0x3;
	s17 =	sshrl.u32 @!p0 s12, $0x2  }
0x339: {  	s22 =	sshrl.u32 @!p0 s6, $0x2;
	_ =	swait.ge @!p0 [sflag:s16], $0x2000;
	s17 =	sadd.s32 @!p0 s17, s3  }
0x33a: {  	[sflag:s16] =	ssyncset.done @!p0 $0x0;
	s17 =	sadd.s32 @!p0 s22, s17  }
0x33b: {  	[sflag:s16] =	ssyncadd.s32 @!p0 $0xFFFFE000;
	s16 =	sadd.s32 @!p0 $0x4000, s17;
	s17 =	simm.s32 @!p0 $0x17A80  }
0x33c: {  	[tilespmem:s17], [sflag:$0x1] =	stream.linear.gather @!p0 [spmem:s16], $0x2000, $0x38;
	[tilespmem:$0x1FA80] =	vst v63  }
0x33d: {  	s22 =	sadd.s32 $0x0, s26;
	_ =	swait.ge [sflag:s15], $0x2000  }
0x33e: {  	v1 =	vmov s22;
	[sflag:s15] =	ssyncset.done $0x0  }
0x33f: {  	s16 =	simm.s32 $0x19AC0;
	[sflag:s15] =	ssyncadd.s32 $0xFFFFE000  }
0x340: {  	v5 =	vld [tilespmem:s16+$0x30]  }
0x341: {  	v8 =	vld [tilespmem:s16+$0x10]  }
0x342: {  	v6 =	vld [tilespmem:s16+$0xFFFFFFC0]  }
0x343: {  	v2 =	vld.idx.msk [tilespmem:v1+s31+$0x0], $0xffff  }
0x344: {  	v10 =	vld [tilespmem:s16+$0xFFFFFFE0]  }
0x345: {  	v1 =	vld [tilespmem:s16+$0xFFFFFFF0]  }
0x346: {  	v3 =	vld [tilespmem:s16+$0x20]  }
0x347: {  	v4 =	vld [tilespmem:s16+$0xFFFFFFD0]  }
0x348: {  	v9 =	vmul.f32 v5, v2;
	v5 =	vld [tilespmem:s16+$0x0]  }
0x349: {  	v7 =	vmul.f32 v6, v2  }
0x34a: {  	s0 =	sor.u32 $0x40, s0;
	s22 =	simm.s32 $0x1;
	s17 =	simm.s32 $0x19AC0;
	v6 =	vmul.f32 v10, v2;
	v8 =	vmul.f32 v8, v2  }
.LBB2_7:
0x34b: {  	p1 =	sne.s32 s22, $0x3F  }
0x34c: {  	v4 =	vmul.f32 v4, v2;
	v3 =	vmul.f32 v3, v2;
	[tilespmem:s16+$0x30] =	vst v9;
	s17 =	sadd.s32 $0x80, s17;
	s14 =	smov.u32 s22;
	s22 =	sadd.s32 $0x1, s22  }
0x34d: {  	[tilespmem:s16+$0xFFFFFFC0] =	vst v7;
	v7 =	vmul.f32 v1, v2;
	v2 =	vmul.f32 v5, v2  }
0x34e: {  	s14 =	sadd.s32 s14, s26;
	[tilespmem:s16+$0x10] =	vst v8  }
0x34f: {  	v5 =	vmov s14;
	[tilespmem:s16+$0xFFFFFFE0] =	vst v6  }
0x350: {  	v1 =	vld [tilespmem:s17+$0xFFFFFFF0];
	[tilespmem:s16+$0xFFFFFFF0] =	vst v7  }
0x351: {  	v6 =	vld [tilespmem:s17+$0x30];
	[tilespmem:s16+$0x0] =	vst v2  }
0x352: {  	v8 =	vld [tilespmem:s17+$0x10];
	[tilespmem:s16+$0x20] =	vst v3  }
0x353: {  	v7 =	vld [tilespmem:s17+$0xFFFFFFC0];
	[tilespmem:s16+$0xFFFFFFD0] =	vst v4;
	s16 =	smov.u32 s17  }
0x354: {  	v2 =	vld.idx.msk [tilespmem:v5+s31+$0x0], $0xffff  }
0x355: {  	v10 =	vld [tilespmem:s17+$0xFFFFFFE0]  }
0x356: {  	v3 =	vld [tilespmem:s17+$0x20]  }
.Ltmp4:
0x357: {  	v4 =	vld [tilespmem:s17+$0xFFFFFFD0];
	(pc) =	sbr.rel @p1 .LBB2_7-.Ltmp4, $3  }
0x358: {  	v5 =	vld [tilespmem:s17+$0x0];
	_ =	sdelay $0x1  }
0x359: {  	v7 =	vmul.f32 v7, v2;
	v9 =	vmul.f32 v6, v2  }
0x35a: {  	v8 =	vmul.f32 v8, v2;
	v6 =	vmul.f32 v10, v2  }
0x35b: {  	[tilespmem:s16+$0x30] =	vst v9  }
0x35c: {  	[tilespmem:s16+$0xFFFFFFC0] =	vst v7  }
0x35d: {  	v1 =	vmul.f32 v1, v2;
	[tilespmem:s16+$0x10] =	vst v8  }
0x35e: {  	s0 =	sadd.s32 s5, s0;
	v3 =	vmul.f32 v3, v2;
	[tilespmem:s16+$0xFFFFFFE0] =	vst v6  }
.Ltmp5:
0x35f: {  	v5 =	vmul.f32 v5, v2;
	s0 =	sshll.u32 s0, $0x7;
	[tilespmem:s16+$0xFFFFFFF0] =	vst v1;
	(pc) =	sbr.rel @p0 .LBB2_10-.Ltmp5, $4  }
0x360: {  	v1 =	vmul.f32 v4, v2;
	s0 =	sadd.s32 s18, s0;
	[tilespmem:s16+$0x20] =	vst v3  }
0x361: {  	[tilespmem:s16+$0x0] =	vst v5;
	s0 =	sshrl.u32 s0, $0x3  }
0x362: {  	[tilespmem:s16+$0xFFFFFFD0] =	vst v1;
	s0 =	sadd.s32 s7, s0  }
0x363: {  	[hbm4b:s0+s4] =	stream.linear.scatter [tilespmem:s21], [sflag:$0x4], $0x2000, $0x38;
	[tilespmem:$0x1FA80] =	vst v63  }
.Ltmp6:
0x364: {  	s0 =	sshrl.u32 s12, $0x2;
	(pc) =	sbr.rel .LBB2_4-.Ltmp6, $4  }
0x365: {  	_ =	swait.ge [sflag:s23], $0x2000;
	s28 =	sadd.s32 $0x1, s28;
	s0 =	sadd.s32 s0, s3  }
0x366: {  	s25 =	sadd.s32 $0x80, s25;
	[sflag:s23] =	ssyncset.done $0x0;
	s0 =	sadd.s32 s8, s0  }
0x367: {  	s26 =	sadd.s32 $0x80, s26;
	[sflag:s23] =	ssyncadd.s32 $0xFFFFE000;
	s0 =	sadd.s32 $0x6000, s0  }
0x368: {  	[tilespmem:s21], [sflag:$0x2] =	stream.linear.gather [spmem:s0], $0x2000, $0x38;
	[tilespmem:$0x1FA80] =	vst v63  }
.LBB2_11:
0x369: {  	_ =	sfence.sel $0x180000  }
0x36a: {  	[bflag:$0x0] =	sbarrier.arrive $0xFFFF  }
0x36b: {  	_ =	strace $0x9000004A  }
0x36c: {  	s0 =	stileid.u32;
	[bflag:$0x2] =	sbarrier.arrive $0xFFFF  }
0x36d: {  	p0 =	sne.s32 s0, $0x0;
	s0 =	rddreg [dreg:$0x3]  }
0x36e: {  	s0 =	sadd.s32 @!p0 $0x100000, s0  }
0x36f: {  	[sflag:s0] =	ssyncadd.tile.s32 @!p0 $0x1;
	_ =	shalt  }
.Lfunc_end2:
_tile_overlayer_lowered:
.L_overlay_start_2:
0x370: {  	(tag) =	ssettag $0x2  }
0x371: {  	s0 =	rddreg [dreg:$0x0];
	s2 =	stileid.u32  }
0x372: {  	s1 =	rddreg [dreg:$0x1];
	p0 =	sne.s32 s2, $0x0  }
0x373: {  	s3 =	rddreg [dreg:$0x2];
	[bflag:$0x3] =	sbarrier.arrive $0xFFFF;
	s2 =	simm.s32 @!p0 $0x1C07  }
0x374: {  	[timem:s3], [sflag:s2] =	dma.local @!p0 [hbm:s0], s1  }
0x375: {  	s0 =	simm.s32 @!p0 $0x7  }
0x376: {  	_ =	swait.ge @!p0 [sflag:s0], s1  }
0x377: {  	s1 =	ssub.s32 @!p0 $0x0, s1;
	[sflag:s0] =	ssyncset.done @!p0 $0x0  }
0x378: {  	[sflag:s0] =	ssyncadd.s32 @!p0 s1  }
0x379: {  	[bflag:$0x3] =	sbarrier.arrive $0xFFFF  }
0x37a: {  	_ =	shalt  }

// kernel: kernel.15.cloned.1.call-start
scs
__scs_entry_jumppad:
0x0: {  	(pc) =	sbr.rel $0x88, $3  }
0x1: {  	(tag) =	ssettag $0x0;
	lr =	simm.s32 $0x1  }
0x2: {  	[smem:$0x3F99] =	sst lr;
	_ =	strace $0xD0000000  }
0x3: {  	_ = 	snop  }
0x4: {  	_ = 	snop  }
0x5: {  	_ = 	snop  }
0x6: {  	_ = 	snop  }
0x7: {  	_ = 	snop  }
__scs_overlays_trampoline_lowered:
0x8: {  	[smem:$0x3FA8] =	sst s0  }
0x9: {  	[smem:$0x3FA9] =	sst s1  }
0xa: {  	[smem:$0x3FAA] =	sst s2  }
0xb: {  	[smem:$0x3FAB] =	sst s3  }
0xc: {  	[smem:$0x3FAC] =	sst s4  }
0xd: {  	[smem:$0x3FAD] =	sst s5  }
0xe: {  	[smem:$0x3FAE] =	sst s6  }
0xf: {  	[smem:$0x3FAF] =	sst s7  }
0x10: {  	[smem:$0x3FB0] =	sst s8  }
0x11: {  	[smem:$0x3FB1] =	sst s9;
	s0 =	simm.s32 @!p0 $0x0  }
0x12: {  	s1 =	sld [smem:$0x3F97];
	s0 =	simm.s32 @p0 $0x1  }
0x13: {  	[smem:$0x3FB2] =	sst s0;
	s0 =	simm.s32 @!p1 $0x0  }
0x14: {  	s2 =	sld [smem:$0x3F96];
	s0 =	simm.s32 @p1 $0x1  }
0x15: {  	[smem:$0x3FB3] =	sst s0;
	s0 =	simm.s32 @!p2 $0x0  }
0x16: {  	s3 =	sld [smem:$0x3FDB];
	s0 =	simm.s32 @p2 $0x1  }
0x17: {  	s4 =	simm.s32 $0x1BF5;
	[smem:$0x3FB5] =	sst s0  }
0x18: {  	s0 =	sld [smem:$0x3F98];
	_ =	swait.ge [sflag:s4], $0x0  }
0x19: {  	s7 =	sld [smem:$0x3F99]  }
0x1a: {  	s8 =	sadd.s32 $0xFFFFE003, lr  }
0x1b: {  	s9 =	sadd.s32 $0xFFFFFEF7, lr;
	s5 =	simm.s32 $0xFFFFFFFF;
	p2 =	slt.u32 s8, $0xFFFFF086  }
0x1c: {  	p1 =	slt.u32 s9, $0xF7A;
	s5 =	simm.s32 @!p2 $0x0  }
0x1d: {  	s5 =	simm.s32 @p1 $0x1;
	p0 =	seq.s32 s7, s2  }
0x1e: {  	s7 =	smul.u32 @!p0 $0xF7A, s2;
	p2 =	seq.s32 @!p0 s5, $0x0  }
0x1f: {  	s9 =	smul.u32 $0xF7A, s1;
	s8 =	simm.s32 @!p0 $0x1BF5;
	p2 =	por !p2, p0  }
0x20: {  	[sflag:s8] =	ssyncset.s32 @!p0 $0xFFFFF086;
	s6 =	sadd.s32 @!p0 s3, s7;
	s7 =	simm.s32 @!p0 $0x108  }
0x21: {  	s3 =	sadd.s32 s3, s9;
	s6 =	sadd.s32 @!p0 $0x88, s6;
	s7 =	simm.s32 @p2 $0x1082  }
0x22: {  	[simem:s7], [sflag:s8] =	dma.local @!p0 [hbm:s6], $0xF7A  }
0x23: {  	s9 =	sor.u32 $0xD0000000, s2;
	s6 =	simm.s32 $0x108;
	_ =	swait.ge @!p0 [sflag:s8], $0x0  }
0x24: {  	s3 =	sadd.s32 $0x88, s3;
	s6 =	simm.s32 @!p1 $0x1082;
	[sflag:s4] =	ssyncset.s32 $0xFFFFF086  }
0x25: {  	[simem:s6], [sflag:s4] =	dma.local [hbm:s3], $0xF7A  }
0x26: {  	[smem:$0x3F99] =	sst s1;
	(tag) =	ssettag s2;
	_ =	strace s9  }
0x27: {  	s1 =	sld [smem:$0x3FA9]  }
0x28: {  	s2 =	sld [smem:$0x3FAA]  }
0x29: {  	s4 =	sld [smem:$0x3FAC]  }
0x2a: {  	p0 =	seq.s32 s5, $0x0;
	s5 =	sld [smem:$0x3FAD]  }
0x2b: {  	s6 =	sld [smem:$0x3FAE]  }
0x2c: {  	s7 =	sld [smem:$0x3FAF]  }
0x2d: {  	s3 =	simm.s32 $0x108;
	s8 =	sld [smem:$0x3FB0]  }
0x2e: {  	s3 =	simm.s32 @!p0 $0x1082;
	s9 =	sld [smem:$0x3FB1]  }
0x2f: {  	lr =	sadd.s32 s0, s3;
	s0 =	sld [smem:$0x3FA8]  }
0x30: {  	s3 =	sld [smem:$0x3FAB]  }
0x31: {  	[smem:$0x3FB4] =	sst s10  }
0x32: {  	s10 =	sld [smem:$0x3FB2];
	_ =	sdelay $0x3  }
0x33: {  	p0 =	seq.s32 s10, $0x1;
	s10 =	sld [smem:$0x3FB4];
	_ =	sdelay $0x3  }
0x34: {  	[smem:$0x3FB4] =	sst s10  }
0x35: {  	s10 =	sld [smem:$0x3FB3];
	_ =	sdelay $0x3  }
0x36: {  	p1 =	seq.s32 s10, $0x1;
	s10 =	sld [smem:$0x3FB4];
	_ =	sdelay $0x3  }
0x37: {  	[smem:$0x3FB4] =	sst s10  }
0x38: {  	s10 =	sld [smem:$0x3FB5]  }
0x39: {  	_ = 	snop;
	(pc) =	sbr.ind lr, $3  }
0x3a: {  	_ = 	snop  }
0x3b: {  	_ = 	snop  }
0x3c: {  	p2 =	seq.s32 s10, $0x1;
	s10 =	sld [smem:$0x3FB4]  }
0x3d: {  	_ =	shalt  }
0x3e: {  	_ =	shalt  }
0x3f: {  	_ =	shalt  }
0x40: {  	_ =	shalt  }
0x41: {  	_ =	shalt  }
0x42: {  	_ =	shalt  }
0x43: {  	_ =	shalt  }
0x44: {  	_ =	shalt  }
0x45: {  	_ =	shalt  }
0x46: {  	_ =	shalt  }
0x47: {  	_ =	shalt  }
0x48: {  	_ =	shalt  }
0x49: {  	_ =	shalt  }
0x4a: {  	_ =	shalt  }
0x4b: {  	_ =	shalt  }
0x4c: {  	_ =	shalt  }
0x4d: {  	_ =	shalt  }
0x4e: {  	_ =	shalt  }
0x4f: {  	_ =	shalt  }
0x50: {  	_ =	shalt  }
0x51: {  	_ =	shalt  }
0x52: {  	_ =	shalt  }
0x53: {  	_ =	shalt  }
0x54: {  	_ =	shalt  }
0x55: {  	_ =	shalt  }
0x56: {  	_ =	shalt  }
0x57: {  	_ =	shalt  }
0x58: {  	_ =	shalt  }
0x59: {  	_ =	shalt  }
0x5a: {  	_ =	shalt  }
0x5b: {  	_ =	shalt  }
0x5c: {  	_ =	shalt  }
0x5d: {  	_ =	shalt  }
0x5e: {  	_ =	shalt  }
0x5f: {  	_ =	shalt  }
0x60: {  	_ =	shalt  }
0x61: {  	_ =	shalt  }
0x62: {  	_ =	shalt  }
0x63: {  	_ =	shalt  }
0x64: {  	_ =	shalt  }
0x65: {  	_ =	shalt  }
0x66: {  	_ =	shalt  }
0x67: {  	_ =	shalt  }
0x68: {  	_ =	shalt  }
0x69: {  	_ =	shalt  }
0x6a: {  	_ =	shalt  }
0x6b: {  	_ =	shalt  }
0x6c: {  	_ =	shalt  }
0x6d: {  	_ =	shalt  }
0x6e: {  	_ =	shalt  }
0x6f: {  	_ =	shalt  }
0x70: {  	_ =	shalt  }
0x71: {  	_ =	shalt  }
0x72: {  	_ =	shalt  }
0x73: {  	_ =	shalt  }
0x74: {  	_ =	shalt  }
0x75: {  	_ =	shalt  }
0x76: {  	_ =	shalt  }
0x77: {  	_ =	shalt  }
0x78: {  	_ =	shalt  }
0x79: {  	_ =	shalt  }
0x7a: {  	_ =	shalt  }
0x7b: {  	_ =	shalt  }
0x7c: {  	_ =	shalt  }
0x7d: {  	_ =	shalt  }
0x7e: {  	_ =	shalt  }
0x7f: {  	_ =	shalt  }
0x80: {  	_ =	shalt  }
0x81: {  	_ =	shalt  }
0x82: {  	_ =	shalt  }
0x83: {  	_ =	shalt  }
0x84: {  	_ =	shalt  }
0x85: {  	_ =	shalt  }
0x86: {  	_ =	shalt  }
0x87: {  	_ =	shalt  }
.Lfunc_end0:
.L_simem_size_0:
called_computation.2_lowered:
.L_overlay_start_0:
0x88: {  	s2 =	sld [smem:$0x3FD9]  }
0x89: {  	s3 =	sld [smem:$0x3FFE];
	_ =	sdelay $0x1  }
0x8a: {  	s1 =	srdreg.scid  }
0x8b: {  	s0 =	sand.u32 $0x1, s1  }
0x8c: {  	s17 =	sshll.u32 s0, $0xA;
	s2 =	sadd.s32 s3, s2  }
0x8d: {  	s2 =	sadd.s32 s2, s17  }
0x8e: {  	[smem:$0x3FC0] =	sst s2  }
0x8f: {  	_ = 	snop  }
0x90: {  	s2 =	sld [smem:$0x3FD0];
	(tm) =	ssettm $0x1  }
0x91: {  	s18 =	sld [smem:$0x3FFB];
	_ =	sdelay $0x3  }
0x92: {  	_ =	strace s18  }
0x93: {  	s3 =	sld [smem:$0x3FFC];
	_ =	sdelay $0x3  }
0x94: {  	_ =	strace s3  }
0x95: {  	s3 =	sld [smem:$0x3FFD];
	_ =	sdelay $0x3  }
0x96: {  	_ =	strace s3  }
0x97: {  	_ =	strace $0x8FFFFFFF  }
0x98: {  	s19 =	sld [smem:$0x3FDB];
	_ =	sdelay $0x1  }
0x99: {  	s4 =	simm.s32 $_scs_section_size  }
0x9a: {  	s5 =	simm.s32 $_size__tile_overlayer_lowered;
	s6 =	simm.s32 $_tile_overlayer_lowered  }
0x9b: {  	s22 =	simm.s32 $0x1BFF;
	s21 =	sshll.u32 s6, $0x1;
	s3 =	sadd.s32 s4, s19  }
0x9c: {  	s7 =	simm.s32 $0x0;
	s20 =	sshll.u32 s5, $0x1;
	s5 =	sadd.s32 s21, s3  }
0x9d: {  	[timem:s7], [sflag:s22] =	dma.local [hbm:s5], s20  }
0x9e: {  	_ =	swait.ge [sflag:s22], s20  }
0x9f: {  	s4 =	ssub.s32 $0x0, s20;
	[sflag:s22] =	ssyncset.done $0x0  }
0xa0: {  	[sflag:s22] =	ssyncadd.s32 s4;
	_ =	sdelay $0x1  }
0xa1: {  	s23 =	simm.s32 $0x1B8B  }
0xa2: {  	_ =	swait.ge [sflag:s23], $0x1  }
0xa3: {  	[sflag:s23] =	ssyncset.done $0x0  }
0xa4: {  	s25 =	simm.s32 $0x1B8E;
	s24 =	sld [smem:$0x3FFE];
	[sflag:s23] =	ssyncadd.s32 $0xFFFFFFFF  }
0xa5: {  	s26 =	simm.s32 $execute0_lowered;
	[smem:$0x3FD2] =	sst s25  }
0xa6: {  	s5 =	sshll.u32 s26, $0x1;
	_ =	strace $0x8000004C;
	[dreg:$0x1] =	wrdreg $0xFFFFFFFF  }
0xa7: {  	s28 =	simm.s32 $_size_execute0_lowered;
	s3 =	sadd.s32 s3, s5;
	[dreg:$0x0] =	wrdreg $0x0  }
0xa8: {  	s5 =	sshll.u32 s28, $0x1;
	[dreg:$0x2] =	wrdreg s3  }
0xa9: {  	[dreg:$0x3] =	wrdreg s5  }
0xaa: {  	[dreg:$0x4] =	wrdreg $0xC0  }
0xab: {  	_ =	task [dreg:s7], $0x5FFFF  }
0xac: {  	[dreg:$0x1] =	wrdreg $0xFFFFFFFF  }
0xad: {  	[dreg:$0x0] =	wrdreg $0x60  }
0xae: {  	[dreg:$0x2] =	wrdreg s2  }
0xaf: {  	[dreg:$0x3] =	wrdreg s24  }
0xb0: {  	[dreg:$0x4] =	wrdreg $0x0  }
0xb1: {  	[dreg:$0x5] =	wrdreg $0x9  }
0xb2: {  	_ =	task.clear_ibuf [dreg:s7], $0x6FFFF;
	_ =	strace $0x9000004C  }
0xb3: {  	s29 =	simm.s32 $0x9;
	_ =	strace $0x8000004E  }
0xb4: {  	_ =	swait.ge [sflag:s29], $0x1  }
0xb5: {  	[sflag:s29] =	ssyncadd.s32 $0xFFFFFFFF  }
0xb6: {  	_ =	strace $0x9000004E  }
0xb7: {  	_ =	sfence  }
0xb8: {  	s30 =	sld [smem:$0x0];
	_ =	sdelay $0x2  }
0xb9: {  	s31 =	sshll.u32 s1, $0xD;
	s1 =	sshrl.u32 s1, $0x2  }
0xba: {  	s3 =	sand.u32 $0x4000, s31;
	s1 =	sadd.s32 s1, s30  }
0xbb: {  	s0 =	sor.u32 s3, s0;
	s1 =	sshll.u32 s1, $0x11  }
0xbc: {  	s0 =	sor.u32 s1, s0  }
0xbd: {  	s0 =	sadd.s32 $0x8F2B, s0  }
0xbe: {  	[sflag:s0] =	ssyncadd.remote.s32 $0x1  }
0xbf: {  	_ =	sfence.sel $0xFFFF  }
0xc0: {  	[dreg:$0x0] =	wrdreg $0xFFFFFFFF;
	(pc) =	sbr.abs _section_cstart, $3  }
0xc1: {  	[dreg:$0x1] =	wrdreg $0xFFFFFFFF  }
0xc2: {  	_ =	task.clear_ibuf [dreg:s7], $0x2FFFF;
	_ =	strace $0x9FFFFFFF  }
0xc3: {  	(tm) =	ssettm $0x7FFFFFFF  }
tec
execute0_lowered:
.L_overlay_start_1:
0x0: {  	(tag) =	ssettag $0x1  }
0x1: {  	s1 =	rddreg [dreg:$0x0]  }
0x2: {  	s0 =	srdreg.scid;
	s2 =	rddreg [dreg:$0x1]  }
0x3: {  	s6 =	stileid.u32;
	s3 =	rddreg [dreg:$0x2];
	s29 =	simm.s32 $0x17A80  }
0x4: {  	s30 =	simm.s32 $0x1;
	s31 =	simm.s32 $0x17800;
	s0 =	sand.u32 $0x1, s0  }
0x5: {  	s5 =	smul.u32 $0x280, s6;
	s11 =	sadd.s32 $0xCC00, s2;
	s4 =	sshll.u32 s0, $0x4  }
0x6: {  	s9 =	ssub.s32 $0x2, s0;
	s7 =	sor.u32 s6, s4;
	s4 =	simm.s32 $0x0  }
0x7: {  	s8 =	sshrl.u32 s5, $0x3;
	s6 =	smul.u32 $0x50000, s6;
	s26 =	sshrl.u32 s9, $0x1  }
0x8: {  	s10 =	smul.u32 $0x500, s7;
	[smem:$0x7FF] =	sst s4;
	s13 =	sadd.s32 s8, s2  }
0x9: {  	_ =	strace $0x8000004D;
	s8 =	sshrl.u32 s6, $0x2;
	s13 =	sadd.s32 $0x16C00, s13  }
0xa: {  	s12 =	sadd.s32 s10, s2;
	[dreg:$0x4] =	wrdreg s13;
	s10 =	sadd.s32 s11, s10  }
0xb: {  	s14 =	smul.u32 $0x2800, s7;
	s28 =	sadd.s32 s8, s3;
	[dreg:$0x6] =	wrdreg s10  }
0xc: {  	s7 =	sadd.s32 $0x17200, s2;
	s12 =	sadd.s32 $0x2C00, s12;
	[dreg:$0x15] =	wrdreg s28  }
0xd: {  	s2 =	ssub.s32 s9, s26;
	s18 =	sadd.s32 $0x2000, s28;
	[dreg:$0x5] =	wrdreg s12  }
0xe: {  	s14 =	sshrl.u32 s14, $0x3;
	s19 =	smax.u32 s2, $0x1;
	[dreg:$0xb] =	wrdreg s18  }
0xf: {  	s9 =	simm.s32 $0x6;
	s20 =	sadd.s32 $0x4000, s28;
	[dreg:$0xc] =	wrdreg s19  }
0x10: {  	s13 =	sadd.s32 s11, s14;
	s21 =	sadd.s32 $0x6000, s28;
	[dreg:$0xd] =	wrdreg s20  }
0x11: {  	s22 =	sadd.s32 $0x8000, s28;
	s23 =	sadd.s32 $0xA000, s28;
	[dreg:$0xe] =	wrdreg s21  }
0x12: {  	s24 =	sadd.s32 $0xC000, s28;
	s25 =	sadd.s32 $0xE000, s28;
	[dreg:$0xf] =	wrdreg s22  }
0x13: {  	s26 =	sadd.s32 $0x10000, s28;
	s28 =	sadd.s32 $0x12000, s28;
	[dreg:$0x10] =	wrdreg s23  }
0x14: {  	s2 =	simm.s32 $0x7;
	s11 =	simm.s32 $0x80;
	[dreg:$0x11] =	wrdreg s24  }
0x15: {  	s10 =	simm.s32 $0x5;
	s14 =	sadd.s32 $0x100, s13;
	[dreg:$0x12] =	wrdreg s25  }
0x16: {  	s15 =	sadd.s32 $0x200, s13;
	s16 =	sadd.s32 $0x300, s13;
	[dreg:$0x13] =	wrdreg s26  }
.Ltmp0:
0x17: {  	s17 =	sadd.s32 $0x400, s13;
	[dreg:$0x14] =	wrdreg s28;
	(pc) =	sbr.rel .LBB2_1-.Ltmp0, $4  }
0x18: {  	s18 =	smul.u32 $0x140000, s0;
	s13 =	simm.s32 $0x1BA80;
	[dreg:$0x7] =	wrdreg s14  }
0x19: {  	s21 =	simm.s32 $0x19A80;
	s23 =	simm.s32 $0x4;
	[dreg:$0x8] =	wrdreg s15  }
0x1a: {  	s24 =	simm.s32 $0x0;
	s19 =	simm.s32 $0x14000;
	[dreg:$0x9] =	wrdreg s16  }
0x1b: {  	v0 =	vimm.f32 $0.0e+00;
	s20 =	simm.s32 $0x14A80;
	[dreg:$0xa] =	wrdreg s17;
	s15 =	simm.s32 $0x2  }
.LBB2_10:
0x1c: {  	s0 =	simm.s32 $0x3  }
0x1d: {  	_ =	swait.ge [sflag:s0], $0x2000  }
0x1e: {  	[sflag:s0] =	ssyncset.done $0x0  }
0x1f: {  	[sflag:s0] =	ssyncadd.s32 $0xFFFFE000  }
0x20: {  	_ =	swait.ge [sflag:s23], $0x2000  }
0x21: {  	s24 =	sadd.s32 $0x1, s24;
	s28 =	rddreg [dreg:$0xc]  }
0x22: {  	p0 =	sne.s32 s24, s28  }
.Ltmp1:
0x23: {  	_ = 	snop;
	(pc) =	sbr.rel @!p0 .LBB2_11-.Ltmp1, $3  }
0x24: {  	_ =	sdelay $0x1  }
0x25: {  	[sflag:s23] =	ssyncset.done $0x0  }
0x26: {  	[sflag:s23] =	ssyncadd.s32 $0xFFFFE000  }
.LBB2_1:
0x27: {  	s0 =	simm.s32 $0x0;
	s12 =	simm.s32 $0x200  }
.LBB2_2:
0x28: {  	p0 =	sne.s32 s12, $0x7E00;
	[tilespmem:s0+$0x17AF0] =	vst v0  }
0x29: {  	[tilespmem:s0+$0x17A80] =	vst v0  }
0x2a: {  	[tilespmem:s0+$0x17A90] =	vst v0  }
.Ltmp2:
0x2b: {  	[tilespmem:s0+$0x17AA0] =	vst v0;
	(pc) =	sbr.rel @p0 .LBB2_2-.Ltmp2, $4  }
0x2c: {  	[tilespmem:s0+$0x17AB0] =	vst v0  }
0x2d: {  	[tilespmem:s0+$0x17AC0] =	vst v0  }
0x2e: {  	[tilespmem:s0+$0x17AD0] =	vst v0  }
0x2f: {  	[tilespmem:s0+$0x17AE0] =	vst v0;
	s0 =	sshra.s32 s12, $0x2;
	s12 =	sadd.s32 $0x200, s12  }
0x30: {  	[tilespmem:s0+$0x17AF0] =	vst v0  }
0x31: {  	[tilespmem:s0+$0x17A80] =	vst v0  }
0x32: {  	[tilespmem:s0+$0x17A90] =	vst v0  }
0x33: {  	[tilespmem:s0+$0x17AA0] =	vst v0  }
0x34: {  	[tilespmem:s0+$0x17AB0] =	vst v0  }
0x35: {  	[tilespmem:s0+$0x17AC0] =	vst v0  }
0x36: {  	[tilespmem:s0+$0x17AD0] =	vst v0  }
0x37: {  	[tilespmem:s0+$0x17AE0] =	vst v0;
	s25 =	rddreg [dreg:$0x15]  }
0x38: {  	[spmem:s25] =	stream.linear.scatter [tilespmem:s29], [sflag:$0x1], $0x2000, $0x38;
	[tilespmem:$0x1FA80] =	vst v63  }
0x39: {  	s26 =	rddreg [dreg:$0xb]  }
0x3a: {  	[spmem:s26] =	stream.linear.scatter [tilespmem:s29], [sflag:$0x1], $0x2000, $0x38;
	[tilespmem:$0x1FA80] =	vst v63  }
0x3b: {  	s12 =	rddreg [dreg:$0xd]  }
0x3c: {  	[spmem:s12] =	stream.linear.scatter [tilespmem:s29], [sflag:$0x1], $0x2000, $0x38;
	[tilespmem:$0x1FA80] =	vst v63  }
0x3d: {  	s14 =	rddreg [dreg:$0xe]  }
0x3e: {  	[spmem:s14] =	stream.linear.scatter [tilespmem:s29], [sflag:$0x1], $0x2000, $0x38;
	[tilespmem:$0x1FA80] =	vst v63  }
0x3f: {  	s16 =	rddreg [dreg:$0xf]  }
0x40: {  	[spmem:s16] =	stream.linear.scatter [tilespmem:s29], [sflag:$0x1], $0x2000, $0x38;
	[tilespmem:$0x1FA80] =	vst v63  }
0x41: {  	s17 =	rddreg [dreg:$0x10]  }
0x42: {  	[spmem:s17] =	stream.linear.scatter [tilespmem:s29], [sflag:$0x1], $0x2000, $0x38;
	[tilespmem:$0x1FA80] =	vst v63  }
0x43: {  	s22 =	rddreg [dreg:$0x11]  }
0x44: {  	[spmem:s22] =	stream.linear.scatter [tilespmem:s29], [sflag:$0x1], $0x2000, $0x38;
	[tilespmem:$0x1FA80] =	vst v63  }
0x45: {  	s25 =	rddreg [dreg:$0x12]  }
0x46: {  	[spmem:s25] =	stream.linear.scatter [tilespmem:s29], [sflag:$0x1], $0x2000, $0x38;
	[tilespmem:$0x1FA80] =	vst v63  }
0x47: {  	s26 =	rddreg [dreg:$0x13]  }
0x48: {  	[spmem:s26] =	stream.linear.scatter [tilespmem:s29], [sflag:$0x1], $0x2000, $0x38;
	[tilespmem:$0x1FA80] =	vst v63  }
0x49: {  	s12 =	rddreg [dreg:$0x14]  }
0x4a: {  	[spmem:s12] =	stream.linear.scatter [tilespmem:s29], [sflag:$0x1], $0x2000, $0x38;
	[tilespmem:$0x1FA80] =	vst v63  }
0x4b: {  	_ =	swait.ge [sflag:s30], $0x2000  }
0x4c: {  	[sflag:s30] =	ssyncset.done $0x0  }
0x4d: {  	[sflag:s30] =	ssyncadd.s32 $0xFFFFE000  }
0x4e: {  	_ =	swait.ge [sflag:s30], $0x2000  }
0x4f: {  	[sflag:s30] =	ssyncset.done $0x0  }
0x50: {  	[sflag:s30] =	ssyncadd.s32 $0xFFFFE000  }
0x51: {  	_ =	swait.ge [sflag:s30], $0x2000  }
0x52: {  	[sflag:s30] =	ssyncset.done $0x0  }
0x53: {  	[sflag:s30] =	ssyncadd.s32 $0xFFFFE000  }
0x54: {  	_ =	swait.ge [sflag:s30], $0x2000  }
0x55: {  	[sflag:s30] =	ssyncset.done $0x0  }
0x56: {  	[sflag:s30] =	ssyncadd.s32 $0xFFFFE000  }
0x57: {  	_ =	swait.ge [sflag:s30], $0x2000  }
0x58: {  	[sflag:s30] =	ssyncset.done $0x0  }
0x59: {  	[sflag:s30] =	ssyncadd.s32 $0xFFFFE000  }
0x5a: {  	_ =	swait.ge [sflag:s30], $0x2000  }
0x5b: {  	[sflag:s30] =	ssyncset.done $0x0  }
0x5c: {  	[sflag:s30] =	ssyncadd.s32 $0xFFFFE000  }
0x5d: {  	_ =	swait.ge [sflag:s30], $0x2000  }
0x5e: {  	[sflag:s30] =	ssyncset.done $0x0  }
0x5f: {  	[sflag:s30] =	ssyncadd.s32 $0xFFFFE000  }
0x60: {  	_ =	swait.ge [sflag:s30], $0x2000  }
0x61: {  	[sflag:s30] =	ssyncset.done $0x0  }
0x62: {  	[sflag:s30] =	ssyncadd.s32 $0xFFFFE000  }
0x63: {  	_ =	swait.ge [sflag:s30], $0x2000  }
0x64: {  	[sflag:s30] =	ssyncset.done $0x0  }
0x65: {  	[sflag:s30] =	ssyncadd.s32 $0xFFFFE000  }
0x66: {  	_ =	swait.ge [sflag:s30], $0x2000  }
0x67: {  	[sflag:s30] =	ssyncset.done $0x0  }
0x68: {  	s25 =	simm.s32 $0x0;
	s14 =	rddreg [dreg:$0x4];
	[sflag:s30] =	ssyncadd.s32 $0xFFFFE000  }
0x69: {  	[tilespmem:s31], [sflag:$0x7] =	stream.linear.gather [hbm4b:s14+s25], $0x280, $0x38;
	[tilespmem:$0x1FA80] =	vst v63  }
0x6a: {  	_ =	swait.ge [sflag:s2], $0x280  }
0x6b: {  	[sflag:s2] =	ssyncset.done $0x0  }
0x6c: {  	s14 =	simm.s32 $0x15000;
	s16 =	rddreg [dreg:$0x5];
	[sflag:s2] =	ssyncadd.s32 $0xFFFFFD80  }
0x6d: {  	[tilespmem:s14], [sflag:$0x7] =	stream.linear.gather [hbm4b:s16+s25], $0x2800, $0x38;
	[tilespmem:$0x1FA80] =	vst v63  }
0x6e: {  	_ =	swait.ge [sflag:s2], $0x2800  }
0x6f: {  	[sflag:s2] =	ssyncset.done $0x0  }
0x70: {  	s17 =	rddreg [dreg:$0x6];
	[sflag:s2] =	ssyncadd.s32 $0xFFFFD800  }
0x71: {  	[tilespmem:s19], [sflag:$0x7] =	stream.linear.gather [hbm4b:s17+s25], $0x800, $0x38;
	[tilespmem:$0x1FA80] =	vst v63  }
0x72: {  	_ =	swait.ge [sflag:s2], $0x800  }
0x73: {  	[sflag:s2] =	ssyncset.done $0x0  }
0x74: {  	[sflag:s2] =	ssyncadd.s32 $0xFFFFF800  }
0x75: {  	[tilespmem:s29], [sflag:$0x1] =	stream.indirect.gather [hbm4b:s1+s11], $0x80, s19, s11, $0xb8;
	[tilespmem:$0x1FA80] =	vst v63  }
0x76: {  	s22 =	simm.s32 $0x14080  }
0x77: {  	[tilespmem:s13], [sflag:$0x2] =	stream.indirect.gather [hbm4b:s1+s11], $0x80, s22, s11, $0xb8;
	[tilespmem:$0x1FA80] =	vst v63  }
0x78: {  	[bflag:$0x0] =	sbarrier.arrive $0xFFFF  }
0x79: {  	s17 =	simm.s32 $0x14800;
	s26 =	rddreg [dreg:$0x7]  }
0x7a: {  	[tilespmem:s17], [sflag:$0x6] =	stream.linear.gather [hbm4b:s26+s25], $0x800, $0x38;
	[tilespmem:$0x1FA80] =	vst v63  }
0x7b: {  	_ =	swait.ge [sflag:s30], $0x4000  }
0x7c: {  	[sflag:s30] =	ssyncset.done $0x0  }
0x7d: {  	[sflag:s30] =	ssyncadd.s32 $0xFFFFC000  }
0x7e: {  	[spmem:s3] =	stream.indirect.scatter.add.f32 [tilespmem:s29], [sflag:$0x7], $0x80, s14, s11, $0xb8;
	[tilespmem:$0x1FA80] =	vst v63  }
0x7f: {  	_ =	swait.ge [sflag:s2], $0x4000  }
0x80: {  	[sflag:s2] =	ssyncset.done $0x0  }
0x81: {  	s12 =	simm.s32 $0x14100;
	[sflag:s2] =	ssyncadd.s32 $0xFFFFC000  }
0x82: {  	[tilespmem:s29], [sflag:$0x1] =	stream.indirect.gather [hbm4b:s1+s11], $0x80, s12, s11, $0xb8;
	[tilespmem:$0x1FA80] =	vst v63  }
0x83: {  	_ =	swait.ge [sflag:s15], $0x4000  }
0x84: {  	[sflag:s15] =	ssyncset.done $0x0  }
0x85: {  	s14 =	simm.s32 $0x15080;
	[sflag:s15] =	ssyncadd.s32 $0xFFFFC000  }
0x86: {  	[spmem:s3] =	stream.indirect.scatter.add.f32 [tilespmem:s13], [sflag:$0x7], $0x80, s14, s11, $0xb8;
	[tilespmem:$0x1FA80] =	vst v63  }
0x87: {  	_ =	swait.ge [sflag:s2], $0x4000  }
0x88: {  	[sflag:s2] =	ssyncset.done $0x0  }
0x89: {  	s16 =	simm.s32 $0x14180;
	[sflag:s2] =	ssyncadd.s32 $0xFFFFC000  }
0x8a: {  	[tilespmem:s13], [sflag:$0x2] =	stream.indirect.gather [hbm4b:s1+s11], $0x80, s16, s11, $0xb8;
	[tilespmem:$0x1FA80] =	vst v63  }
0x8b: {  	_ =	swait.ge [sflag:s30], $0x4000  }
0x8c: {  	[sflag:s30] =	ssyncset.done $0x0  }
0x8d: {  	s22 =	simm.s32 $0x15100;
	[sflag:s30] =	ssyncadd.s32 $0xFFFFC000  }
0x8e: {  	[spmem:s3] =	stream.indirect.scatter.add.f32 [tilespmem:s29], [sflag:$0x7], $0x80, s22, s11, $0xb8;
	[tilespmem:$0x1FA80] =	vst v63  }
0x8f: {  	_ =	swait.ge [sflag:s2], $0x4000  }
0x90: {  	[sflag:s2] =	ssyncset.done $0x0  }
0x91: {  	s26 =	simm.s32 $0x14200;
	[sflag:s2] =	ssyncadd.s32 $0xFFFFC000  }
0x92: {  	[tilespmem:s29], [sflag:$0x1] =	stream.indirect.gather [hbm4b:s1+s11], $0x80, s26, s11, $0xb8;
	[tilespmem:$0x1FA80] =	vst v63  }
0x93: {  	_ =	swait.ge [sflag:s15], $0x4000  }
0x94: {  	[sflag:s15] =	ssyncset.done $0x0  }
0x95: {  	s12 =	simm.s32 $0x15180;
	[sflag:s15] =	ssyncadd.s32 $0xFFFFC000  }
0x96: {  	[spmem:s3] =	stream.indirect.scatter.add.f32 [tilespmem:s13], [sflag:$0x7], $0x80, s12, s11, $0xb8;
	[tilespmem:$0x1FA80] =	vst v63  }
0x97: {  	_ =	swait.ge [sflag:s2], $0x4000  }
0x98: {  	[sflag:s2] =	ssyncset.done $0x0  }
0x99: {  	s14 =	simm.s32 $0x14280;
	[sflag:s2] =	ssyncadd.s32 $0xFFFFC000  }
0x9a: {  	[tilespmem:s13], [sflag:$0x2] =	stream.indirect.gather [hbm4b:s1+s11], $0x80, s14, s11, $0xb8;
	[tilespmem:$0x1FA80] =	vst v63  }
0x9b: {  	_ =	swait.ge [sflag:s30], $0x4000  }
0x9c: {  	[sflag:s30] =	ssyncset.done $0x0  }
0x9d: {  	s16 =	simm.s32 $0x15200;
	[sflag:s30] =	ssyncadd.s32 $0xFFFFC000  }
0x9e: {  	[spmem:s3] =	stream.indirect.scatter.add.f32 [tilespmem:s29], [sflag:$0x7], $0x80, s16, s11, $0xb8;
	[tilespmem:$0x1FA80] =	vst v63  }
0x9f: {  	_ =	swait.ge [sflag:s2], $0x4000  }
0xa0: {  	[sflag:s2] =	ssyncset.done $0x0  }
0xa1: {  	s22 =	simm.s32 $0x14300;
	[sflag:s2] =	ssyncadd.s32 $0xFFFFC000  }
0xa2: {  	[tilespmem:s29], [sflag:$0x1] =	stream.indirect.gather [hbm4b:s1+s11], $0x80, s22, s11, $0xb8;
	[tilespmem:$0x1FA80] =	vst v63  }
0xa3: {  	_ =	swait.ge [sflag:s15], $0x4000  }
0xa4: {  	[sflag:s15] =	ssyncset.done $0x0  }
0xa5: {  	s26 =	simm.s32 $0x15280;
	[sflag:s15] =	ssyncadd.s32 $0xFFFFC000  }
0xa6: {  	[spmem:s3] =	stream.indirect.scatter.add.f32 [tilespmem:s13], [sflag:$0x7], $0x80, s26, s11, $0xb8;
	[tilespmem:$0x1FA80] =	vst v63  }
0xa7: {  	_ =	swait.ge [sflag:s2], $0x4000  }
0xa8: {  	[sflag:s2] =	ssyncset.done $0x0  }
0xa9: {  	s12 =	simm.s32 $0x14380;
	[sflag:s2] =	ssyncadd.s32 $0xFFFFC000  }
0xaa: {  	[tilespmem:s13], [sflag:$0x2] =	stream.indirect.gather [hbm4b:s1+s11], $0x80, s12, s11, $0xb8;
	[tilespmem:$0x1FA80] =	vst v63  }
0xab: {  	_ =	swait.ge [sflag:s30], $0x4000  }
0xac: {  	[sflag:s30] =	ssyncset.done $0x0  }
0xad: {  	s14 =	simm.s32 $0x15300;
	[sflag:s30] =	ssyncadd.s32 $0xFFFFC000  }
0xae: {  	[spmem:s3] =	stream.indirect.scatter.add.f32 [tilespmem:s29], [sflag:$0x7], $0x80, s14, s11, $0xb8;
	[tilespmem:$0x1FA80] =	vst v63  }
0xaf: {  	_ =	swait.ge [sflag:s2], $0x4000  }
0xb0: {  	[sflag:s2] =	ssyncset.done $0x0  }
0xb1: {  	s16 =	simm.s32 $0x14400;
	[sflag:s2] =	ssyncadd.s32 $0xFFFFC000  }
0xb2: {  	[tilespmem:s29], [sflag:$0x1] =	stream.indirect.gather [hbm4b:s1+s11], $0x80, s16, s11, $0xb8;
	[tilespmem:$0x1FA80] =	vst v63  }
0xb3: {  	_ =	swait.ge [sflag:s15], $0x4000  }
0xb4: {  	[sflag:s15] =	ssyncset.done $0x0  }
0xb5: {  	s22 =	simm.s32 $0x15380;
	[sflag:s15] =	ssyncadd.s32 $0xFFFFC000  }
0xb6: {  	[spmem:s3] =	stream.indirect.scatter.add.f32 [tilespmem:s13], [sflag:$0x7], $0x80, s22, s11, $0xb8;
	[tilespmem:$0x1FA80] =	vst v63  }
0xb7: {  	_ =	swait.ge [sflag:s2], $0x4000  }
0xb8: {  	[sflag:s2] =	ssyncset.done $0x0  }
0xb9: {  	s26 =	simm.s32 $0x14480;
	[sflag:s2] =	ssyncadd.s32 $0xFFFFC000  }
0xba: {  	[tilespmem:s13], [sflag:$0x2] =	stream.indirect.gather [hbm4b:s1+s11], $0x80, s26, s11, $0xb8;
	[tilespmem:$0x1FA80] =	vst v63  }
0xbb: {  	_ =	swait.ge [sflag:s30], $0x4000  }
0xbc: {  	[sflag:s30] =	ssyncset.done $0x0  }
0xbd: {  	s12 =	simm.s32 $0x15400;
	[sflag:s30] =	ssyncadd.s32 $0xFFFFC000  }
0xbe: {  	[spmem:s3] =	stream.indirect.scatter.add.f32 [tilespmem:s29], [sflag:$0x7], $0x80, s12, s11, $0xb8;
	[tilespmem:$0x1FA80] =	vst v63  }
0xbf: {  	_ =	swait.ge [sflag:s2], $0x4000  }
0xc0: {  	[sflag:s2] =	ssyncset.done $0x0  }
0xc1: {  	s14 =	simm.s32 $0x14500;
	[sflag:s2] =	ssyncadd.s32 $0xFFFFC000  }
0xc2: {  	[tilespmem:s29], [sflag:$0x1] =	stream.indirect.gather [hbm4b:s1+s11], $0x80, s14, s11, $0xb8;
	[tilespmem:$0x1FA80] =	vst v63  }
0xc3: {  	_ =	swait.ge [sflag:s15], $0x4000  }
0xc4: {  	[sflag:s15] =	ssyncset.done $0x0  }
0xc5: {  	s16 =	simm.s32 $0x15480;
	[sflag:s15] =	ssyncadd.s32 $0xFFFFC000  }
0xc6: {  	[spmem:s3] =	stream.indirect.scatter.add.f32 [tilespmem:s13], [sflag:$0x7], $0x80, s16, s11, $0xb8;
	[tilespmem:$0x1FA80] =	vst v63  }
0xc7: {  	_ =	swait.ge [sflag:s2], $0x4000  }
0xc8: {  	[sflag:s2] =	ssyncset.done $0x0  }
0xc9: {  	s22 =	simm.s32 $0x14580;
	[sflag:s2] =	ssyncadd.s32 $0xFFFFC000  }
0xca: {  	[tilespmem:s13], [sflag:$0x2] =	stream.indirect.gather [hbm4b:s1+s11], $0x80, s22, s11, $0xb8;
	[tilespmem:$0x1FA80] =	vst v63  }
0xcb: {  	_ =	swait.ge [sflag:s30], $0x4000  }
0xcc: {  	[sflag:s30] =	ssyncset.done $0x0  }
0xcd: {  	s26 =	simm.s32 $0x15500;
	[sflag:s30] =	ssyncadd.s32 $0xFFFFC000  }
0xce: {  	[spmem:s3] =	stream.indirect.scatter.add.f32 [tilespmem:s29], [sflag:$0x7], $0x80, s26, s11, $0xb8;
	[tilespmem:$0x1FA80] =	vst v63  }
0xcf: {  	_ =	swait.ge [sflag:s2], $0x4000  }
0xd0: {  	[sflag:s2] =	ssyncset.done $0x0  }
0xd1: {  	s12 =	simm.s32 $0x14600;
	[sflag:s2] =	ssyncadd.s32 $0xFFFFC000  }
0xd2: {  	[tilespmem:s29], [sflag:$0x1] =	stream.indirect.gather [hbm4b:s1+s11], $0x80, s12, s11, $0xb8;
	[tilespmem:$0x1FA80] =	vst v63  }
0xd3: {  	_ =	swait.ge [sflag:s15], $0x4000  }
0xd4: {  	[sflag:s15] =	ssyncset.done $0x0  }
0xd5: {  	s14 =	simm.s32 $0x15580;
	[sflag:s15] =	ssyncadd.s32 $0xFFFFC000  }
0xd6: {  	[spmem:s3] =	stream.indirect.scatter.add.f32 [tilespmem:s13], [sflag:$0x7], $0x80, s14, s11, $0xb8;
	[tilespmem:$0x1FA80] =	vst v63  }
0xd7: {  	_ =	swait.ge [sflag:s2], $0x4000  }
0xd8: {  	[sflag:s2] =	ssyncset.done $0x0  }
0xd9: {  	s16 =	simm.s32 $0x14680;
	[sflag:s2] =	ssyncadd.s32 $0xFFFFC000  }
0xda: {  	[tilespmem:s13], [sflag:$0x2] =	stream.indirect.gather [hbm4b:s1+s11], $0x80, s16, s11, $0xb8;
	[tilespmem:$0x1FA80] =	vst v63  }
0xdb: {  	_ =	swait.ge [sflag:s30], $0x4000  }
0xdc: {  	[sflag:s30] =	ssyncset.done $0x0  }
0xdd: {  	s22 =	simm.s32 $0x15600;
	[sflag:s30] =	ssyncadd.s32 $0xFFFFC000  }
0xde: {  	[spmem:s3] =	stream.indirect.scatter.add.f32 [tilespmem:s29], [sflag:$0x7], $0x80, s22, s11, $0xb8;
	[tilespmem:$0x1FA80] =	vst v63  }
0xdf: {  	_ =	swait.ge [sflag:s2], $0x4000  }
0xe0: {  	[sflag:s2] =	ssyncset.done $0x0  }
0xe1: {  	s26 =	simm.s32 $0x14700;
	[sflag:s2] =	ssyncadd.s32 $0xFFFFC000  }
0xe2: {  	[tilespmem:s29], [sflag:$0x1] =	stream.indirect.gather [hbm4b:s1+s11], $0x80, s26, s11, $0xb8;
	[tilespmem:$0x1FA80] =	vst v63  }
0xe3: {  	_ =	swait.ge [sflag:s15], $0x4000  }
0xe4: {  	[sflag:s15] =	ssyncset.done $0x0  }
0xe5: {  	s12 =	simm.s32 $0x15680;
	[sflag:s15] =	ssyncadd.s32 $0xFFFFC000  }
0xe6: {  	[spmem:s3] =	stream.indirect.scatter.add.f32 [tilespmem:s13], [sflag:$0x7], $0x80, s12, s11, $0xb8;
	[tilespmem:$0x1FA80] =	vst v63  }
0xe7: {  	_ =	swait.ge [sflag:s2], $0x4000  }
0xe8: {  	[sflag:s2] =	ssyncset.done $0x0  }
0xe9: {  	s14 =	simm.s32 $0x14780;
	[sflag:s2] =	ssyncadd.s32 $0xFFFFC000  }
0xea: {  	[tilespmem:s13], [sflag:$0x2] =	stream.indirect.gather [hbm4b:s1+s11], $0x80, s14, s11, $0xb8;
	[tilespmem:$0x1FA80] =	vst v63  }
0xeb: {  	_ =	swait.ge [sflag:s9], $0x800  }
0xec: {  	[sflag:s9] =	ssyncset.done $0x0  }
0xed: {  	[sflag:s9] =	ssyncadd.s32 $0xFFFFF800  }
0xee: {  	_ =	swait.ge [sflag:s30], $0x4000  }
0xef: {  	[sflag:s30] =	ssyncset.done $0x0  }
0xf0: {  	s16 =	simm.s32 $0x15700;
	[sflag:s30] =	ssyncadd.s32 $0xFFFFC000  }
0xf1: {  	[spmem:s3] =	stream.indirect.scatter.add.f32 [tilespmem:s29], [sflag:$0x7], $0x80, s16, s11, $0xb8;
	[tilespmem:$0x1FA80] =	vst v63  }
0xf2: {  	_ =	swait.ge [sflag:s2], $0x4000  }
0xf3: {  	[sflag:s2] =	ssyncset.done $0x0  }
0xf4: {  	[sflag:s2] =	ssyncadd.s32 $0xFFFFC000  }
0xf5: {  	[tilespmem:s29], [sflag:$0x1] =	stream.indirect.gather [hbm4b:s1+s11], $0x80, s17, s11, $0xb8;
	[tilespmem:$0x1FA80] =	vst v63  }
0xf6: {  	_ =	swait.ge [sflag:s15], $0x4000  }
0xf7: {  	[sflag:s15] =	ssyncset.done $0x0  }
0xf8: {  	s22 =	simm.s32 $0x15780;
	[sflag:s15] =	ssyncadd.s32 $0xFFFFC000  }
0xf9: {  	[spmem:s3] =	stream.indirect.scatter.add.f32 [tilespmem:s13], [sflag:$0x7], $0x80, s22, s11, $0xb8;
	[tilespmem:$0x1FA80] =	vst v63  }
0xfa: {  	_ =	swait.ge [sflag:s2], $0x4000  }
0xfb: {  	[sflag:s2] =	ssyncset.done $0x0  }
0xfc: {  	s26 =	simm.s32 $0x14880;
	[sflag:s2] =	ssyncadd.s32 $0xFFFFC000  }
0xfd: {  	[tilespmem:s13], [sflag:$0x2] =	stream.indirect.gather [hbm4b:s1+s11], $0x80, s26, s11, $0xb8;
	[tilespmem:$0x1FA80] =	vst v63  }
0xfe: {  	s12 =	rddreg [dreg:$0x8]  }
0xff: {  	[tilespmem:s19], [sflag:$0x5] =	stream.linear.gather [hbm4b:s12+s25], $0x800, $0x38;
	[tilespmem:$0x1FA80] =	vst v63  }
0x100: {  	_ =	swait.ge [sflag:s30], $0x4000  }
0x101: {  	[sflag:s30] =	ssyncset.done $0x0  }
0x102: {  	s14 =	simm.s32 $0x15800;
	[sflag:s30] =	ssyncadd.s32 $0xFFFFC000  }
0x103: {  	[spmem:s3] =	stream.indirect.scatter.add.f32 [tilespmem:s29], [sflag:$0x7], $0x80, s14, s11, $0xb8;
	[tilespmem:$0x1FA80] =	vst v63  }
0x104: {  	_ =	swait.ge [sflag:s2], $0x4000  }
0x105: {  	[sflag:s2] =	ssyncset.done $0x0  }
0x106: {  	s12 =	simm.s32 $0x14900;
	[sflag:s2] =	ssyncadd.s32 $0xFFFFC000  }
0x107: {  	[tilespmem:s29], [sflag:$0x1] =	stream.indirect.gather [hbm4b:s1+s11], $0x80, s12, s11, $0xb8;
	[tilespmem:$0x1FA80] =	vst v63  }
0x108: {  	_ =	swait.ge [sflag:s15], $0x4000  }
0x109: {  	[sflag:s15] =	ssyncset.done $0x0  }
0x10a: {  	s16 =	simm.s32 $0x15880;
	[sflag:s15] =	ssyncadd.s32 $0xFFFFC000  }
0x10b: {  	[spmem:s3] =	stream.indirect.scatter.add.f32 [tilespmem:s13], [sflag:$0x7], $0x80, s16, s11, $0xb8;
	[tilespmem:$0x1FA80] =	vst v63  }
0x10c: {  	_ =	swait.ge [sflag:s2], $0x4000  }
0x10d: {  	[sflag:s2] =	ssyncset.done $0x0  }
0x10e: {  	s14 =	simm.s32 $0x14980;
	[sflag:s2] =	ssyncadd.s32 $0xFFFFC000  }
0x10f: {  	[tilespmem:s13], [sflag:$0x2] =	stream.indirect.gather [hbm4b:s1+s11], $0x80, s14, s11, $0xb8;
	[tilespmem:$0x1FA80] =	vst v63  }
0x110: {  	_ =	swait.ge [sflag:s30], $0x4000  }
0x111: {  	[sflag:s30] =	ssyncset.done $0x0  }
0x112: {  	s22 =	simm.s32 $0x15900;
	[sflag:s30] =	ssyncadd.s32 $0xFFFFC000  }
0x113: {  	[spmem:s3] =	stream.indirect.scatter.add.f32 [tilespmem:s29], [sflag:$0x7], $0x80, s22, s11, $0xb8;
	[tilespmem:$0x1FA80] =	vst v63  }
0x114: {  	_ =	swait.ge [sflag:s2], $0x4000  }
0x115: {  	[sflag:s2] =	ssyncset.done $0x0  }
0x116: {  	s16 =	simm.s32 $0x14A00;
	[sflag:s2] =	ssyncadd.s32 $0xFFFFC000  }
0x117: {  	[tilespmem:s29], [sflag:$0x1] =	stream.indirect.gather [hbm4b:s1+s11], $0x80, s16, s11, $0xb8;
	[tilespmem:$0x1FA80] =	vst v63  }
0x118: {  	_ =	swait.ge [sflag:s15], $0x4000  }
0x119: {  	[sflag:s15] =	ssyncset.done $0x0  }
0x11a: {  	s26 =	simm.s32 $0x15980;
	[sflag:s15] =	ssyncadd.s32 $0xFFFFC000  }
0x11b: {  	[spmem:s3] =	stream.indirect.scatter.add.f32 [tilespmem:s13], [sflag:$0x7], $0x80, s26, s11, $0xb8;
	[tilespmem:$0x1FA80] =	vst v63  }
0x11c: {  	_ =	swait.ge [sflag:s2], $0x4000  }
0x11d: {  	[sflag:s2] =	ssyncset.done $0x0  }
0x11e: {  	[sflag:s2] =	ssyncadd.s32 $0xFFFFC000  }
0x11f: {  	[tilespmem:s13], [sflag:$0x2] =	stream.indirect.gather [hbm4b:s1+s11], $0x80, s20, s11, $0xb8;
	[tilespmem:$0x1FA80] =	vst v63  }
0x120: {  	_ =	swait.ge [sflag:s30], $0x4000  }
0x121: {  	[sflag:s30] =	ssyncset.done $0x0  }
0x122: {  	s22 =	simm.s32 $0x15A00;
	[sflag:s30] =	ssyncadd.s32 $0xFFFFC000  }
0x123: {  	[spmem:s3] =	stream.indirect.scatter.add.f32 [tilespmem:s29], [sflag:$0x7], $0x80, s22, s11, $0xb8;
	[tilespmem:$0x1FA80] =	vst v63  }
0x124: {  	_ =	swait.ge [sflag:s2], $0x4000  }
0x125: {  	[sflag:s2] =	ssyncset.done $0x0  }
0x126: {  	s22 =	simm.s32 $0x14B00;
	[sflag:s2] =	ssyncadd.s32 $0xFFFFC000  }
0x127: {  	[tilespmem:s29], [sflag:$0x1] =	stream.indirect.gather [hbm4b:s1+s11], $0x80, s22, s11, $0xb8;
	[tilespmem:$0x1FA80] =	vst v63  }
0x128: {  	_ =	swait.ge [sflag:s15], $0x4000  }
0x129: {  	[sflag:s15] =	ssyncset.done $0x0  }
0x12a: {  	s26 =	simm.s32 $0x15A80;
	[sflag:s15] =	ssyncadd.s32 $0xFFFFC000  }
0x12b: {  	[spmem:s3] =	stream.indirect.scatter.add.f32 [tilespmem:s13], [sflag:$0x7], $0x80, s26, s11, $0xb8;
	[tilespmem:$0x1FA80] =	vst v63  }
0x12c: {  	_ =	swait.ge [sflag:s2], $0x4000  }
0x12d: {  	[sflag:s2] =	ssyncset.done $0x0  }
0x12e: {  	s26 =	simm.s32 $0x14B80;
	[sflag:s2] =	ssyncadd.s32 $0xFFFFC000  }
0x12f: {  	[tilespmem:s13], [sflag:$0x2] =	stream.indirect.gather [hbm4b:s1+s11], $0x80, s26, s11, $0xb8;
	[tilespmem:$0x1FA80] =	vst v63  }
0x130: {  	_ =	swait.ge [sflag:s30], $0x4000  }
0x131: {  	[sflag:s30] =	ssyncset.done $0x0  }
0x132: {  	s0 =	simm.s32 $0x15B00;
	[sflag:s30] =	ssyncadd.s32 $0xFFFFC000  }
0x133: {  	[spmem:s3] =	stream.indirect.scatter.add.f32 [tilespmem:s29], [sflag:$0x7], $0x80, s0, s11, $0xb8;
	[tilespmem:$0x1FA80] =	vst v63  }
0x134: {  	_ =	swait.ge [sflag:s2], $0x4000  }
0x135: {  	[sflag:s2] =	ssyncset.done $0x0  }
0x136: {  	s28 =	simm.s32 $0x14C00;
	[sflag:s2] =	ssyncadd.s32 $0xFFFFC000  }
0x137: {  	[tilespmem:s29], [sflag:$0x1] =	stream.indirect.gather [hbm4b:s1+s11], $0x80, s28, s11, $0xb8;
	[tilespmem:$0x1FA80] =	vst v63  }
0x138: {  	_ =	swait.ge [sflag:s15], $0x4000  }
0x139: {  	[sflag:s15] =	ssyncset.done $0x0  }
0x13a: {  	s0 =	simm.s32 $0x15B80;
	[sflag:s15] =	ssyncadd.s32 $0xFFFFC000  }
0x13b: {  	[spmem:s3] =	stream.indirect.scatter.add.f32 [tilespmem:s13], [sflag:$0x7], $0x80, s0, s11, $0xb8;
	[tilespmem:$0x1FA80] =	vst v63  }
0x13c: {  	_ =	swait.ge [sflag:s2], $0x4000  }
0x13d: {  	[sflag:s2] =	ssyncset.done $0x0  }
0x13e: {  	s0 =	simm.s32 $0x14C80;
	[sflag:s2] =	ssyncadd.s32 $0xFFFFC000  }
0x13f: {  	[tilespmem:s13], [sflag:$0x2] =	stream.indirect.gather [hbm4b:s1+s11], $0x80, s0, s11, $0xb8;
	[tilespmem:$0x1FA80] =	vst v63  }
0x140: {  	_ =	swait.ge [sflag:s30], $0x4000  }
0x141: {  	[sflag:s30] =	ssyncset.done $0x0  }
0x142: {  	s0 =	simm.s32 $0x15C00;
	[sflag:s30] =	ssyncadd.s32 $0xFFFFC000  }
0x143: {  	[spmem:s3] =	stream.indirect.scatter.add.f32 [tilespmem:s29], [sflag:$0x7], $0x80, s0, s11, $0xb8;
	[tilespmem:$0x1FA80] =	vst v63  }
0x144: {  	_ =	swait.ge [sflag:s2], $0x4000  }
0x145: {  	[sflag:s2] =	ssyncset.done $0x0  }
0x146: {  	s0 =	simm.s32 $0x14D00;
	[sflag:s2] =	ssyncadd.s32 $0xFFFFC000  }
0x147: {  	[tilespmem:s29], [sflag:$0x1] =	stream.indirect.gather [hbm4b:s1+s11], $0x80, s0, s11, $0xb8;
	[tilespmem:$0x1FA80] =	vst v63  }
0x148: {  	_ =	swait.ge [sflag:s15], $0x4000  }
0x149: {  	[sflag:s15] =	ssyncset.done $0x0  }
0x14a: {  	s0 =	simm.s32 $0x15C80;
	[sflag:s15] =	ssyncadd.s32 $0xFFFFC000  }
0x14b: {  	[spmem:s3] =	stream.indirect.scatter.add.f32 [tilespmem:s13], [sflag:$0x7], $0x80, s0, s11, $0xb8;
	[tilespmem:$0x1FA80] =	vst v63  }
0x14c: {  	_ =	swait.ge [sflag:s2], $0x4000  }
0x14d: {  	[sflag:s2] =	ssyncset.done $0x0  }
0x14e: {  	s0 =	simm.s32 $0x14D80;
	[sflag:s2] =	ssyncadd.s32 $0xFFFFC000  }
0x14f: {  	[tilespmem:s13], [sflag:$0x2] =	stream.indirect.gather [hbm4b:s1+s11], $0x80, s0, s11, $0xb8;
	[tilespmem:$0x1FA80] =	vst v63  }
0x150: {  	_ =	swait.ge [sflag:s30], $0x4000  }
0x151: {  	[sflag:s30] =	ssyncset.done $0x0  }
0x152: {  	s0 =	simm.s32 $0x15D00;
	[sflag:s30] =	ssyncadd.s32 $0xFFFFC000  }
0x153: {  	[spmem:s3] =	stream.indirect.scatter.add.f32 [tilespmem:s29], [sflag:$0x7], $0x80, s0, s11, $0xb8;
	[tilespmem:$0x1FA80] =	vst v63  }
0x154: {  	_ =	swait.ge [sflag:s2], $0x4000  }
0x155: {  	[sflag:s2] =	ssyncset.done $0x0  }
0x156: {  	s0 =	simm.s32 $0x14E00;
	[sflag:s2] =	ssyncadd.s32 $0xFFFFC000  }
0x157: {  	[tilespmem:s29], [sflag:$0x1] =	stream.indirect.gather [hbm4b:s1+s11], $0x80, s0, s11, $0xb8;
	[tilespmem:$0x1FA80] =	vst v63  }
0x158: {  	_ =	swait.ge [sflag:s15], $0x4000  }
0x159: {  	[sflag:s15] =	ssyncset.done $0x0  }
0x15a: {  	s0 =	simm.s32 $0x15D80;
	[sflag:s15] =	ssyncadd.s32 $0xFFFFC000  }
0x15b: {  	[spmem:s3] =	stream.indirect.scatter.add.f32 [tilespmem:s13], [sflag:$0x7], $0x80, s0, s11, $0xb8;
	[tilespmem:$0x1FA80] =	vst v63  }
0x15c: {  	_ =	swait.ge [sflag:s2], $0x4000  }
0x15d: {  	[sflag:s2] =	ssyncset.done $0x0  }
0x15e: {  	s0 =	simm.s32 $0x14E80;
	[sflag:s2] =	ssyncadd.s32 $0xFFFFC000  }
0x15f: {  	[tilespmem:s13], [sflag:$0x2] =	stream.indirect.gather [hbm4b:s1+s11], $0x80, s0, s11, $0xb8;
	[tilespmem:$0x1FA80] =	vst v63  }
0x160: {  	_ =	swait.ge [sflag:s30], $0x4000  }
0x161: {  	[sflag:s30] =	ssyncset.done $0x0  }
0x162: {  	s0 =	simm.s32 $0x15E00;
	[sflag:s30] =	ssyncadd.s32 $0xFFFFC000  }
0x163: {  	[spmem:s3] =	stream.indirect.scatter.add.f32 [tilespmem:s29], [sflag:$0x7], $0x80, s0, s11, $0xb8;
	[tilespmem:$0x1FA80] =	vst v63  }
0x164: {  	_ =	swait.ge [sflag:s2], $0x4000  }
0x165: {  	[sflag:s2] =	ssyncset.done $0x0  }
0x166: {  	s0 =	simm.s32 $0x14F00;
	[sflag:s2] =	ssyncadd.s32 $0xFFFFC000  }
0x167: {  	[tilespmem:s29], [sflag:$0x1] =	stream.indirect.gather [hbm4b:s1+s11], $0x80, s0, s11, $0xb8;
	[tilespmem:$0x1FA80] =	vst v63  }
0x168: {  	_ =	swait.ge [sflag:s15], $0x4000  }
0x169: {  	[sflag:s15] =	ssyncset.done $0x0  }
0x16a: {  	s0 =	simm.s32 $0x15E80;
	[sflag:s15] =	ssyncadd.s32 $0xFFFFC000  }
0x16b: {  	[spmem:s3] =	stream.indirect.scatter.add.f32 [tilespmem:s13], [sflag:$0x7], $0x80, s0, s11, $0xb8;
	[tilespmem:$0x1FA80] =	vst v63  }
0x16c: {  	_ =	swait.ge [sflag:s2], $0x4000  }
0x16d: {  	[sflag:s2] =	ssyncset.done $0x0  }
0x16e: {  	s0 =	simm.s32 $0x14F80;
	[sflag:s2] =	ssyncadd.s32 $0xFFFFC000  }
0x16f: {  	[tilespmem:s13], [sflag:$0x2] =	stream.indirect.gather [hbm4b:s1+s11], $0x80, s0, s11, $0xb8;
	[tilespmem:$0x1FA80] =	vst v63  }
0x170: {  	_ =	swait.ge [sflag:s10], $0x800  }
0x171: {  	[sflag:s10] =	ssyncset.done $0x0  }
0x172: {  	[sflag:s10] =	ssyncadd.s32 $0xFFFFF800  }
0x173: {  	_ =	swait.ge [sflag:s30], $0x4000  }
0x174: {  	[sflag:s30] =	ssyncset.done $0x0  }
0x175: {  	s0 =	simm.s32 $0x15F00;
	[sflag:s30] =	ssyncadd.s32 $0xFFFFC000  }
0x176: {  	[spmem:s3] =	stream.indirect.scatter.add.f32 [tilespmem:s29], [sflag:$0x7], $0x80, s0, s11, $0xb8;
	[tilespmem:$0x1FA80] =	vst v63  }
0x177: {  	_ =	swait.ge [sflag:s2], $0x4000  }
0x178: {  	[sflag:s2] =	ssyncset.done $0x0  }
0x179: {  	[sflag:s2] =	ssyncadd.s32 $0xFFFFC000  }
0x17a: {  	[tilespmem:s29], [sflag:$0x1] =	stream.indirect.gather [hbm4b:s1+s11], $0x80, s19, s11, $0xb8;
	[tilespmem:$0x1FA80] =	vst v63  }
0x17b: {  	_ =	swait.ge [sflag:s15], $0x4000  }
0x17c: {  	[sflag:s15] =	ssyncset.done $0x0  }
0x17d: {  	s0 =	simm.s32 $0x15F80;
	[sflag:s15] =	ssyncadd.s32 $0xFFFFC000  }
0x17e: {  	[spmem:s3] =	stream.indirect.scatter.add.f32 [tilespmem:s13], [sflag:$0x7], $0x80, s0, s11, $0xb8;
	[tilespmem:$0x1FA80] =	vst v63  }
0x17f: {  	_ =	swait.ge [sflag:s2], $0x4000  }
0x180: {  	[sflag:s2] =	ssyncset.done $0x0  }
0x181: {  	s0 =	simm.s32 $0x14080;
	[sflag:s2] =	ssyncadd.s32 $0xFFFFC000  }
0x182: {  	[tilespmem:s13], [sflag:$0x2] =	stream.indirect.gather [hbm4b:s1+s11], $0x80, s0, s11, $0xb8;
	[tilespmem:$0x1FA80] =	vst v63  }
0x183: {  	s0 =	rddreg [dreg:$0x9]  }
0x184: {  	[tilespmem:s17], [sflag:$0x6] =	stream.linear.gather [hbm4b:s0+s25], $0x800, $0x38;
	[tilespmem:$0x1FA80] =	vst v63  }
0x185: {  	_ =	swait.ge [sflag:s30], $0x4000  }
0x186: {  	[sflag:s30] =	ssyncset.done $0x0  }
0x187: {  	s0 =	simm.s32 $0x16000;
	[sflag:s30] =	ssyncadd.s32 $0xFFFFC000  }
0x188: {  	[spmem:s3] =	stream.indirect.scatter.add.f32 [tilespmem:s29], [sflag:$0x7], $0x80, s0, s11, $0xb8;
	[tilespmem:$0x1FA80] =	vst v63  }
0x189: {  	_ =	swait.ge [sflag:s2], $0x4000  }
0x18a: {  	[sflag:s2] =	ssyncset.done $0x0  }
0x18b: {  	s0 =	simm.s32 $0x14100;
	[sflag:s2] =	ssyncadd.s32 $0xFFFFC000  }
0x18c: {  	[tilespmem:s29], [sflag:$0x1] =	stream.indirect.gather [hbm4b:s1+s11], $0x80, s0, s11, $0xb8;
	[tilespmem:$0x1FA80] =	vst v63  }
0x18d: {  	_ =	swait.ge [sflag:s15], $0x4000  }
0x18e: {  	[sflag:s15] =	ssyncset.done $0x0  }
0x18f: {  	s0 =	simm.s32 $0x16080;
	[sflag:s15] =	ssyncadd.s32 $0xFFFFC000  }
0x190: {  	[spmem:s3] =	stream.indirect.scatter.add.f32 [tilespmem:s13], [sflag:$0x7], $0x80, s0, s11, $0xb8;
	[tilespmem:$0x1FA80] =	vst v63  }
0x191: {  	_ =	swait.ge [sflag:s2], $0x4000  }
0x192: {  	[sflag:s2] =	ssyncset.done $0x0  }
0x193: {  	s0 =	simm.s32 $0x14180;
	[sflag:s2] =	ssyncadd.s32 $0xFFFFC000  }
0x194: {  	[tilespmem:s13], [sflag:$0x2] =	stream.indirect.gather [hbm4b:s1+s11], $0x80, s0, s11, $0xb8;
	[tilespmem:$0x1FA80] =	vst v63  }
0x195: {  	_ =	swait.ge [sflag:s30], $0x4000  }
0x196: {  	[sflag:s30] =	ssyncset.done $0x0  }
0x197: {  	s0 =	simm.s32 $0x16100;
	[sflag:s30] =	ssyncadd.s32 $0xFFFFC000  }
0x198: {  	[spmem:s3] =	stream.indirect.scatter.add.f32 [tilespmem:s29], [sflag:$0x7], $0x80, s0, s11, $0xb8;
	[tilespmem:$0x1FA80] =	vst v63  }
0x199: {  	_ =	swait.ge [sflag:s2], $0x4000  }
0x19a: {  	[sflag:s2] =	ssyncset.done $0x0  }
0x19b: {  	s0 =	simm.s32 $0x14200;
	[sflag:s2] =	ssyncadd.s32 $0xFFFFC000  }
0x19c: {  	[tilespmem:s29], [sflag:$0x1] =	stream.indirect.gather [hbm4b:s1+s11], $0x80, s0, s11, $0xb8;
	[tilespmem:$0x1FA80] =	vst v63  }
0x19d: {  	_ =	swait.ge [sflag:s15], $0x4000  }
0x19e: {  	[sflag:s15] =	ssyncset.done $0x0  }
0x19f: {  	s0 =	simm.s32 $0x16180;
	[sflag:s15] =	ssyncadd.s32 $0xFFFFC000  }
0x1a0: {  	[spmem:s3] =	stream.indirect.scatter.add.f32 [tilespmem:s13], [sflag:$0x7], $0x80, s0, s11, $0xb8;
	[tilespmem:$0x1FA80] =	vst v63  }
0x1a1: {  	_ =	swait.ge [sflag:s2], $0x4000  }
0x1a2: {  	[sflag:s2] =	ssyncset.done $0x0  }
0x1a3: {  	s0 =	simm.s32 $0x14280;
	[sflag:s2] =	ssyncadd.s32 $0xFFFFC000  }
0x1a4: {  	[tilespmem:s13], [sflag:$0x2] =	stream.indirect.gather [hbm4b:s1+s11], $0x80, s0, s11, $0xb8;
	[tilespmem:$0x1FA80] =	vst v63  }
0x1a5: {  	_ =	swait.ge [sflag:s30], $0x4000  }
0x1a6: {  	[sflag:s30] =	ssyncset.done $0x0  }
0x1a7: {  	s0 =	simm.s32 $0x16200;
	[sflag:s30] =	ssyncadd.s32 $0xFFFFC000  }
0x1a8: {  	[spmem:s3] =	stream.indirect.scatter.add.f32 [tilespmem:s29], [sflag:$0x7], $0x80, s0, s11, $0xb8;
	[tilespmem:$0x1FA80] =	vst v63  }
0x1a9: {  	_ =	swait.ge [sflag:s2], $0x4000  }
0x1aa: {  	[sflag:s2] =	ssyncset.done $0x0  }
0x1ab: {  	s0 =	simm.s32 $0x14300;
	[sflag:s2] =	ssyncadd.s32 $0xFFFFC000  }
0x1ac: {  	[tilespmem:s29], [sflag:$0x1] =	stream.indirect.gather [hbm4b:s1+s11], $0x80, s0, s11, $0xb8;
	[tilespmem:$0x1FA80] =	vst v63  }
0x1ad: {  	_ =	swait.ge [sflag:s15], $0x4000  }
0x1ae: {  	[sflag:s15] =	ssyncset.done $0x0  }
0x1af: {  	s0 =	simm.s32 $0x16280;
	[sflag:s15] =	ssyncadd.s32 $0xFFFFC000  }
0x1b0: {  	[spmem:s3] =	stream.indirect.scatter.add.f32 [tilespmem:s13], [sflag:$0x7], $0x80, s0, s11, $0xb8;
	[tilespmem:$0x1FA80] =	vst v63  }
0x1b1: {  	_ =	swait.ge [sflag:s2], $0x4000  }
0x1b2: {  	[sflag:s2] =	ssyncset.done $0x0  }
0x1b3: {  	s0 =	simm.s32 $0x14380;
	[sflag:s2] =	ssyncadd.s32 $0xFFFFC000  }
0x1b4: {  	[tilespmem:s13], [sflag:$0x2] =	stream.indirect.gather [hbm4b:s1+s11], $0x80, s0, s11, $0xb8;
	[tilespmem:$0x1FA80] =	vst v63  }
0x1b5: {  	_ =	swait.ge [sflag:s30], $0x4000  }
0x1b6: {  	[sflag:s30] =	ssyncset.done $0x0  }
0x1b7: {  	s0 =	simm.s32 $0x16300;
	[sflag:s30] =	ssyncadd.s32 $0xFFFFC000  }
0x1b8: {  	[spmem:s3] =	stream.indirect.scatter.add.f32 [tilespmem:s29], [sflag:$0x7], $0x80, s0, s11, $0xb8;
	[tilespmem:$0x1FA80] =	vst v63  }
0x1b9: {  	_ =	swait.ge [sflag:s2], $0x4000  }
0x1ba: {  	[sflag:s2] =	ssyncset.done $0x0  }
0x1bb: {  	s0 =	simm.s32 $0x14400;
	[sflag:s2] =	ssyncadd.s32 $0xFFFFC000  }
0x1bc: {  	[tilespmem:s29], [sflag:$0x1] =	stream.indirect.gather [hbm4b:s1+s11], $0x80, s0, s11, $0xb8;
	[tilespmem:$0x1FA80] =	vst v63  }
0x1bd: {  	_ =	swait.ge [sflag:s15], $0x4000  }
0x1be: {  	[sflag:s15] =	ssyncset.done $0x0  }
0x1bf: {  	s0 =	simm.s32 $0x16380;
	[sflag:s15] =	ssyncadd.s32 $0xFFFFC000  }
0x1c0: {  	[spmem:s3] =	stream.indirect.scatter.add.f32 [tilespmem:s13], [sflag:$0x7], $0x80, s0, s11, $0xb8;
	[tilespmem:$0x1FA80] =	vst v63  }
0x1c1: {  	_ =	swait.ge [sflag:s2], $0x4000  }
0x1c2: {  	[sflag:s2] =	ssyncset.done $0x0  }
0x1c3: {  	s0 =	simm.s32 $0x14480;
	[sflag:s2] =	ssyncadd.s32 $0xFFFFC000  }
0x1c4: {  	[tilespmem:s13], [sflag:$0x2] =	stream.indirect.gather [hbm4b:s1+s11], $0x80, s0, s11, $0xb8;
	[tilespmem:$0x1FA80] =	vst v63  }
0x1c5: {  	_ =	swait.ge [sflag:s30], $0x4000  }
0x1c6: {  	[sflag:s30] =	ssyncset.done $0x0  }
0x1c7: {  	s0 =	simm.s32 $0x16400;
	[sflag:s30] =	ssyncadd.s32 $0xFFFFC000  }
0x1c8: {  	[spmem:s3] =	stream.indirect.scatter.add.f32 [tilespmem:s29], [sflag:$0x7], $0x80, s0, s11, $0xb8;
	[tilespmem:$0x1FA80] =	vst v63  }
0x1c9: {  	_ =	swait.ge [sflag:s2], $0x4000  }
0x1ca: {  	[sflag:s2] =	ssyncset.done $0x0  }
0x1cb: {  	s0 =	simm.s32 $0x14500;
	[sflag:s2] =	ssyncadd.s32 $0xFFFFC000  }
0x1cc: {  	[tilespmem:s29], [sflag:$0x1] =	stream.indirect.gather [hbm4b:s1+s11], $0x80, s0, s11, $0xb8;
	[tilespmem:$0x1FA80] =	vst v63  }
0x1cd: {  	_ =	swait.ge [sflag:s15], $0x4000  }
0x1ce: {  	[sflag:s15] =	ssyncset.done $0x0  }
0x1cf: {  	s0 =	simm.s32 $0x16480;
	[sflag:s15] =	ssyncadd.s32 $0xFFFFC000  }
0x1d0: {  	[spmem:s3] =	stream.indirect.scatter.add.f32 [tilespmem:s13], [sflag:$0x7], $0x80, s0, s11, $0xb8;
	[tilespmem:$0x1FA80] =	vst v63  }
0x1d1: {  	_ =	swait.ge [sflag:s2], $0x4000  }
0x1d2: {  	[sflag:s2] =	ssyncset.done $0x0  }
0x1d3: {  	s0 =	simm.s32 $0x14580;
	[sflag:s2] =	ssyncadd.s32 $0xFFFFC000  }
0x1d4: {  	[tilespmem:s13], [sflag:$0x2] =	stream.indirect.gather [hbm4b:s1+s11], $0x80, s0, s11, $0xb8;
	[tilespmem:$0x1FA80] =	vst v63  }
0x1d5: {  	_ =	swait.ge [sflag:s30], $0x4000  }
0x1d6: {  	[sflag:s30] =	ssyncset.done $0x0  }
0x1d7: {  	s0 =	simm.s32 $0x16500;
	[sflag:s30] =	ssyncadd.s32 $0xFFFFC000  }
0x1d8: {  	[spmem:s3] =	stream.indirect.scatter.add.f32 [tilespmem:s29], [sflag:$0x7], $0x80, s0, s11, $0xb8;
	[tilespmem:$0x1FA80] =	vst v63  }
0x1d9: {  	_ =	swait.ge [sflag:s2], $0x4000  }
0x1da: {  	[sflag:s2] =	ssyncset.done $0x0  }
0x1db: {  	s0 =	simm.s32 $0x14600;
	[sflag:s2] =	ssyncadd.s32 $0xFFFFC000  }
0x1dc: {  	[tilespmem:s29], [sflag:$0x1] =	stream.indirect.gather [hbm4b:s1+s11], $0x80, s0, s11, $0xb8;
	[tilespmem:$0x1FA80] =	vst v63  }
0x1dd: {  	_ =	swait.ge [sflag:s15], $0x4000  }
0x1de: {  	[sflag:s15] =	ssyncset.done $0x0  }
0x1df: {  	s0 =	simm.s32 $0x16580;
	[sflag:s15] =	ssyncadd.s32 $0xFFFFC000  }
0x1e0: {  	[spmem:s3] =	stream.indirect.scatter.add.f32 [tilespmem:s13], [sflag:$0x7], $0x80, s0, s11, $0xb8;
	[tilespmem:$0x1FA80] =	vst v63  }
0x1e1: {  	_ =	swait.ge [sflag:s2], $0x4000  }
0x1e2: {  	[sflag:s2] =	ssyncset.done $0x0  }
0x1e3: {  	s0 =	simm.s32 $0x14680;
	[sflag:s2] =	ssyncadd.s32 $0xFFFFC000  }
0x1e4: {  	[tilespmem:s13], [sflag:$0x2] =	stream.indirect.gather [hbm4b:s1+s11], $0x80, s0, s11, $0xb8;
	[tilespmem:$0x1FA80] =	vst v63  }
0x1e5: {  	_ =	swait.ge [sflag:s30], $0x4000  }
0x1e6: {  	[sflag:s30] =	ssyncset.done $0x0  }
0x1e7: {  	s0 =	simm.s32 $0x16600;
	[sflag:s30] =	ssyncadd.s32 $0xFFFFC000  }
0x1e8: {  	[spmem:s3] =	stream.indirect.scatter.add.f32 [tilespmem:s29], [sflag:$0x7], $0x80, s0, s11, $0xb8;
	[tilespmem:$0x1FA80] =	vst v63  }
0x1e9: {  	_ =	swait.ge [sflag:s2], $0x4000  }
0x1ea: {  	[sflag:s2] =	ssyncset.done $0x0  }
0x1eb: {  	s0 =	simm.s32 $0x14700;
	[sflag:s2] =	ssyncadd.s32 $0xFFFFC000  }
0x1ec: {  	[tilespmem:s29], [sflag:$0x1] =	stream.indirect.gather [hbm4b:s1+s11], $0x80, s0, s11, $0xb8;
	[tilespmem:$0x1FA80] =	vst v63  }
0x1ed: {  	_ =	swait.ge [sflag:s15], $0x4000  }
0x1ee: {  	[sflag:s15] =	ssyncset.done $0x0  }
0x1ef: {  	s0 =	simm.s32 $0x16680;
	[sflag:s15] =	ssyncadd.s32 $0xFFFFC000  }
0x1f0: {  	[spmem:s3] =	stream.indirect.scatter.add.f32 [tilespmem:s13], [sflag:$0x7], $0x80, s0, s11, $0xb8;
	[tilespmem:$0x1FA80] =	vst v63  }
0x1f1: {  	_ =	swait.ge [sflag:s2], $0x4000  }
0x1f2: {  	[sflag:s2] =	ssyncset.done $0x0  }
0x1f3: {  	s0 =	simm.s32 $0x14780;
	[sflag:s2] =	ssyncadd.s32 $0xFFFFC000  }
0x1f4: {  	[tilespmem:s13], [sflag:$0x2] =	stream.indirect.gather [hbm4b:s1+s11], $0x80, s0, s11, $0xb8;
	[tilespmem:$0x1FA80] =	vst v63  }
0x1f5: {  	_ =	swait.ge [sflag:s9], $0x800  }
0x1f6: {  	[sflag:s9] =	ssyncset.done $0x0  }
0x1f7: {  	[sflag:s9] =	ssyncadd.s32 $0xFFFFF800  }
0x1f8: {  	_ =	swait.ge [sflag:s30], $0x4000  }
0x1f9: {  	[sflag:s30] =	ssyncset.done $0x0  }
0x1fa: {  	s0 =	simm.s32 $0x16700;
	[sflag:s30] =	ssyncadd.s32 $0xFFFFC000  }
0x1fb: {  	[spmem:s3] =	stream.indirect.scatter.add.f32 [tilespmem:s29], [sflag:$0x7], $0x80, s0, s11, $0xb8;
	[tilespmem:$0x1FA80] =	vst v63  }
0x1fc: {  	_ =	swait.ge [sflag:s2], $0x4000  }
0x1fd: {  	[sflag:s2] =	ssyncset.done $0x0  }
0x1fe: {  	[sflag:s2] =	ssyncadd.s32 $0xFFFFC000  }
0x1ff: {  	[tilespmem:s29], [sflag:$0x1] =	stream.indirect.gather [hbm4b:s1+s11], $0x80, s17, s11, $0xb8;
	[tilespmem:$0x1FA80] =	vst v63  }
0x200: {  	_ =	swait.ge [sflag:s15], $0x4000  }
0x201: {  	[sflag:s15] =	ssyncset.done $0x0  }
0x202: {  	s17 =	simm.s32 $0x16780;
	[sflag:s15] =	ssyncadd.s32 $0xFFFFC000  }
0x203: {  	[spmem:s3] =	stream.indirect.scatter.add.f32 [tilespmem:s13], [sflag:$0x7], $0x80, s17, s11, $0xb8;
	[tilespmem:$0x1FA80] =	vst v63  }
0x204: {  	_ =	swait.ge [sflag:s2], $0x4000  }
0x205: {  	[sflag:s2] =	ssyncset.done $0x0  }
0x206: {  	s17 =	simm.s32 $0x14880;
	[sflag:s2] =	ssyncadd.s32 $0xFFFFC000  }
0x207: {  	[tilespmem:s13], [sflag:$0x2] =	stream.indirect.gather [hbm4b:s1+s11], $0x80, s17, s11, $0xb8;
	[tilespmem:$0x1FA80] =	vst v63  }
0x208: {  	s17 =	rddreg [dreg:$0xa]  }
0x209: {  	[tilespmem:s19], [sflag:$0x5] =	stream.linear.gather [hbm4b:s17+s25], $0x800, $0x38;
	[tilespmem:$0x1FA80] =	vst v63  }
0x20a: {  	_ =	swait.ge [sflag:s30], $0x4000  }
0x20b: {  	[sflag:s30] =	ssyncset.done $0x0  }
0x20c: {  	s17 =	simm.s32 $0x16800;
	[sflag:s30] =	ssyncadd.s32 $0xFFFFC000  }
0x20d: {  	[spmem:s3] =	stream.indirect.scatter.add.f32 [tilespmem:s29], [sflag:$0x7], $0x80, s17, s11, $0xb8;
	[tilespmem:$0x1FA80] =	vst v63  }
0x20e: {  	_ =	swait.ge [sflag:s2], $0x4000  }
0x20f: {  	[sflag:s2] =	ssyncset.done $0x0  }
0x210: {  	[sflag:s2] =	ssyncadd.s32 $0xFFFFC000  }
0x211: {  	[tilespmem:s29], [sflag:$0x1] =	stream.indirect.gather [hbm4b:s1+s11], $0x80, s12, s11, $0xb8;
	[tilespmem:$0x1FA80] =	vst v63  }
0x212: {  	_ =	swait.ge [sflag:s15], $0x4000  }
0x213: {  	[sflag:s15] =	ssyncset.done $0x0  }
0x214: {  	s17 =	simm.s32 $0x16880;
	[sflag:s15] =	ssyncadd.s32 $0xFFFFC000  }
0x215: {  	[spmem:s3] =	stream.indirect.scatter.add.f32 [tilespmem:s13], [sflag:$0x7], $0x80, s17, s11, $0xb8;
	[tilespmem:$0x1FA80] =	vst v63  }
0x216: {  	_ =	swait.ge [sflag:s2], $0x4000  }
0x217: {  	[sflag:s2] =	ssyncset.done $0x0  }
0x218: {  	[sflag:s2] =	ssyncadd.s32 $0xFFFFC000  }
0x219: {  	[tilespmem:s13], [sflag:$0x2] =	stream.indirect.gather [hbm4b:s1+s11], $0x80, s14, s11, $0xb8;
	[tilespmem:$0x1FA80] =	vst v63  }
0x21a: {  	_ =	swait.ge [sflag:s30], $0x4000  }
0x21b: {  	[sflag:s30] =	ssyncset.done $0x0  }
0x21c: {  	s12 =	simm.s32 $0x16900;
	[sflag:s30] =	ssyncadd.s32 $0xFFFFC000  }
0x21d: {  	[spmem:s3] =	stream.indirect.scatter.add.f32 [tilespmem:s29], [sflag:$0x7], $0x80, s12, s11, $0xb8;
	[tilespmem:$0x1FA80] =	vst v63  }
0x21e: {  	_ =	swait.ge [sflag:s2], $0x4000  }
0x21f: {  	[sflag:s2] =	ssyncset.done $0x0  }
0x220: {  	[sflag:s2] =	ssyncadd.s32 $0xFFFFC000  }
0x221: {  	[tilespmem:s29], [sflag:$0x1] =	stream.indirect.gather [hbm4b:s1+s11], $0x80, s16, s11, $0xb8;
	[tilespmem:$0x1FA80] =	vst v63  }
0x222: {  	_ =	swait.ge [sflag:s15], $0x4000  }
0x223: {  	[sflag:s15] =	ssyncset.done $0x0  }
0x224: {  	s14 =	simm.s32 $0x16980;
	[sflag:s15] =	ssyncadd.s32 $0xFFFFC000  }
0x225: {  	[spmem:s3] =	stream.indirect.scatter.add.f32 [tilespmem:s13], [sflag:$0x7], $0x80, s14, s11, $0xb8;
	[tilespmem:$0x1FA80] =	vst v63  }
0x226: {  	_ =	swait.ge [sflag:s2], $0x4000  }
0x227: {  	[sflag:s2] =	ssyncset.done $0x0  }
0x228: {  	[sflag:s2] =	ssyncadd.s32 $0xFFFFC000  }
0x229: {  	[tilespmem:s13], [sflag:$0x2] =	stream.indirect.gather [hbm4b:s1+s11], $0x80, s20, s11, $0xb8;
	[tilespmem:$0x1FA80] =	vst v63  }
0x22a: {  	_ =	swait.ge [sflag:s30], $0x4000  }
0x22b: {  	[sflag:s30] =	ssyncset.done $0x0  }
0x22c: {  	s16 =	simm.s32 $0x16A00;
	[sflag:s30] =	ssyncadd.s32 $0xFFFFC000  }
0x22d: {  	[spmem:s3] =	stream.indirect.scatter.add.f32 [tilespmem:s29], [sflag:$0x7], $0x80, s16, s11, $0xb8;
	[tilespmem:$0x1FA80] =	vst v63  }
0x22e: {  	_ =	swait.ge [sflag:s2], $0x4000  }
0x22f: {  	[sflag:s2] =	ssyncset.done $0x0  }
0x230: {  	[sflag:s2] =	ssyncadd.s32 $0xFFFFC000  }
0x231: {  	[tilespmem:s29], [sflag:$0x1] =	stream.indirect.gather [hbm4b:s1+s11], $0x80, s22, s11, $0xb8;
	[tilespmem:$0x1FA80] =	vst v63  }
0x232: {  	_ =	swait.ge [sflag:s15], $0x4000  }
0x233: {  	[sflag:s15] =	ssyncset.done $0x0  }
0x234: {  	s17 =	simm.s32 $0x16A80;
	[sflag:s15] =	ssyncadd.s32 $0xFFFFC000  }
0x235: {  	[spmem:s3] =	stream.indirect.scatter.add.f32 [tilespmem:s13], [sflag:$0x7], $0x80, s17, s11, $0xb8;
	[tilespmem:$0x1FA80] =	vst v63  }
0x236: {  	_ =	swait.ge [sflag:s2], $0x4000  }
0x237: {  	[sflag:s2] =	ssyncset.done $0x0  }
0x238: {  	[sflag:s2] =	ssyncadd.s32 $0xFFFFC000  }
0x239: {  	[tilespmem:s13], [sflag:$0x2] =	stream.indirect.gather [hbm4b:s1+s11], $0x80, s26, s11, $0xb8;
	[tilespmem:$0x1FA80] =	vst v63  }
0x23a: {  	_ =	swait.ge [sflag:s30], $0x4000  }
0x23b: {  	[sflag:s30] =	ssyncset.done $0x0  }
0x23c: {  	s22 =	simm.s32 $0x16B00;
	[sflag:s30] =	ssyncadd.s32 $0xFFFFC000  }
0x23d: {  	[spmem:s3] =	stream.indirect.scatter.add.f32 [tilespmem:s29], [sflag:$0x7], $0x80, s22, s11, $0xb8;
	[tilespmem:$0x1FA80] =	vst v63  }
0x23e: {  	_ =	swait.ge [sflag:s2], $0x4000  }
0x23f: {  	[sflag:s2] =	ssyncset.done $0x0  }
0x240: {  	[sflag:s2] =	ssyncadd.s32 $0xFFFFC000  }
0x241: {  	[tilespmem:s29], [sflag:$0x1] =	stream.indirect.gather [hbm4b:s1+s11], $0x80, s28, s11, $0xb8;
	[tilespmem:$0x1FA80] =	vst v63  }
0x242: {  	_ =	swait.ge [sflag:s15], $0x4000  }
0x243: {  	[sflag:s15] =	ssyncset.done $0x0  }
0x244: {  	s26 =	simm.s32 $0x16B80;
	[sflag:s15] =	ssyncadd.s32 $0xFFFFC000  }
0x245: {  	[spmem:s3] =	stream.indirect.scatter.add.f32 [tilespmem:s13], [sflag:$0x7], $0x80, s26, s11, $0xb8;
	[tilespmem:$0x1FA80] =	vst v63  }
0x246: {  	_ =	swait.ge [sflag:s2], $0x4000  }
0x247: {  	[sflag:s2] =	ssyncset.done $0x0  }
0x248: {  	s12 =	simm.s32 $0x14C80;
	[sflag:s2] =	ssyncadd.s32 $0xFFFFC000  }
0x249: {  	[tilespmem:s13], [sflag:$0x2] =	stream.indirect.gather [hbm4b:s1+s11], $0x80, s12, s11, $0xb8;
	[tilespmem:$0x1FA80] =	vst v63  }
0x24a: {  	_ =	swait.ge [sflag:s30], $0x4000  }
0x24b: {  	[sflag:s30] =	ssyncset.done $0x0  }
0x24c: {  	s14 =	simm.s32 $0x16C00;
	[sflag:s30] =	ssyncadd.s32 $0xFFFFC000  }
0x24d: {  	[spmem:s3] =	stream.indirect.scatter.add.f32 [tilespmem:s29], [sflag:$0x7], $0x80, s14, s11, $0xb8;
	[tilespmem:$0x1FA80] =	vst v63  }
0x24e: {  	_ =	swait.ge [sflag:s2], $0x4000  }
0x24f: {  	[sflag:s2] =	ssyncset.done $0x0  }
0x250: {  	s16 =	simm.s32 $0x14D00;
	[sflag:s2] =	ssyncadd.s32 $0xFFFFC000  }
0x251: {  	[tilespmem:s29], [sflag:$0x1] =	stream.indirect.gather [hbm4b:s1+s11], $0x80, s16, s11, $0xb8;
	[tilespmem:$0x1FA80] =	vst v63  }
0x252: {  	_ =	swait.ge [sflag:s15], $0x4000  }
0x253: {  	[sflag:s15] =	ssyncset.done $0x0  }
0x254: {  	s17 =	simm.s32 $0x16C80;
	[sflag:s15] =	ssyncadd.s32 $0xFFFFC000  }
0x255: {  	[spmem:s3] =	stream.indirect.scatter.add.f32 [tilespmem:s13], [sflag:$0x7], $0x80, s17, s11, $0xb8;
	[tilespmem:$0x1FA80] =	vst v63  }
0x256: {  	_ =	swait.ge [sflag:s2], $0x4000  }
0x257: {  	[sflag:s2] =	ssyncset.done $0x0  }
0x258: {  	s22 =	simm.s32 $0x14D80;
	[sflag:s2] =	ssyncadd.s32 $0xFFFFC000  }
0x259: {  	[tilespmem:s13], [sflag:$0x2] =	stream.indirect.gather [hbm4b:s1+s11], $0x80, s22, s11, $0xb8;
	[tilespmem:$0x1FA80] =	vst v63  }
0x25a: {  	_ =	swait.ge [sflag:s30], $0x4000  }
0x25b: {  	[sflag:s30] =	ssyncset.done $0x0  }
0x25c: {  	s26 =	simm.s32 $0x16D00;
	[sflag:s30] =	ssyncadd.s32 $0xFFFFC000  }
0x25d: {  	[spmem:s3] =	stream.indirect.scatter.add.f32 [tilespmem:s29], [sflag:$0x7], $0x80, s26, s11, $0xb8;
	[tilespmem:$0x1FA80] =	vst v63  }
0x25e: {  	_ =	swait.ge [sflag:s2], $0x4000  }
0x25f: {  	[sflag:s2] =	ssyncset.done $0x0  }
0x260: {  	s12 =	simm.s32 $0x14E00;
	[sflag:s2] =	ssyncadd.s32 $0xFFFFC000  }
0x261: {  	[tilespmem:s29], [sflag:$0x1] =	stream.indirect.gather [hbm4b:s1+s11], $0x80, s12, s11, $0xb8;
	[tilespmem:$0x1FA80] =	vst v63  }
0x262: {  	_ =	swait.ge [sflag:s15], $0x4000  }
0x263: {  	[sflag:s15] =	ssyncset.done $0x0  }
0x264: {  	s14 =	simm.s32 $0x16D80;
	[sflag:s15] =	ssyncadd.s32 $0xFFFFC000  }
0x265: {  	[spmem:s3] =	stream.indirect.scatter.add.f32 [tilespmem:s13], [sflag:$0x7], $0x80, s14, s11, $0xb8;
	[tilespmem:$0x1FA80] =	vst v63  }
0x266: {  	_ =	swait.ge [sflag:s2], $0x4000  }
0x267: {  	[sflag:s2] =	ssyncset.done $0x0  }
0x268: {  	s16 =	simm.s32 $0x14E80;
	[sflag:s2] =	ssyncadd.s32 $0xFFFFC000  }
0x269: {  	[tilespmem:s13], [sflag:$0x2] =	stream.indirect.gather [hbm4b:s1+s11], $0x80, s16, s11, $0xb8;
	[tilespmem:$0x1FA80] =	vst v63  }
0x26a: {  	_ =	swait.ge [sflag:s30], $0x4000  }
0x26b: {  	[sflag:s30] =	ssyncset.done $0x0  }
0x26c: {  	s17 =	simm.s32 $0x16E00;
	[sflag:s30] =	ssyncadd.s32 $0xFFFFC000  }
0x26d: {  	[spmem:s3] =	stream.indirect.scatter.add.f32 [tilespmem:s29], [sflag:$0x7], $0x80, s17, s11, $0xb8;
	[tilespmem:$0x1FA80] =	vst v63  }
0x26e: {  	_ =	swait.ge [sflag:s2], $0x4000  }
0x26f: {  	[sflag:s2] =	ssyncset.done $0x0  }
0x270: {  	s22 =	simm.s32 $0x14F00;
	[sflag:s2] =	ssyncadd.s32 $0xFFFFC000  }
0x271: {  	[tilespmem:s29], [sflag:$0x1] =	stream.indirect.gather [hbm4b:s1+s11], $0x80, s22, s11, $0xb8;
	[tilespmem:$0x1FA80] =	vst v63  }
0x272: {  	_ =	swait.ge [sflag:s15], $0x4000  }
0x273: {  	[sflag:s15] =	ssyncset.done $0x0  }
0x274: {  	s26 =	simm.s32 $0x16E80;
	[sflag:s15] =	ssyncadd.s32 $0xFFFFC000  }
0x275: {  	[spmem:s3] =	stream.indirect.scatter.add.f32 [tilespmem:s13], [sflag:$0x7], $0x80, s26, s11, $0xb8;
	[tilespmem:$0x1FA80] =	vst v63  }
0x276: {  	_ =	swait.ge [sflag:s2], $0x4000  }
0x277: {  	[sflag:s2] =	ssyncset.done $0x0  }
0x278: {  	s12 =	simm.s32 $0x14F80;
	[sflag:s2] =	ssyncadd.s32 $0xFFFFC000  }
0x279: {  	[tilespmem:s13], [sflag:$0x2] =	stream.indirect.gather [hbm4b:s1+s11], $0x80, s12, s11, $0xb8;
	[tilespmem:$0x1FA80] =	vst v63  }
0x27a: {  	_ =	swait.ge [sflag:s10], $0x800  }
0x27b: {  	[sflag:s10] =	ssyncset.done $0x0  }
0x27c: {  	[sflag:s10] =	ssyncadd.s32 $0xFFFFF800  }
0x27d: {  	_ =	swait.ge [sflag:s30], $0x4000  }
0x27e: {  	[sflag:s30] =	ssyncset.done $0x0  }
0x27f: {  	s14 =	simm.s32 $0x16F00;
	[sflag:s30] =	ssyncadd.s32 $0xFFFFC000  }
0x280: {  	[spmem:s3] =	stream.indirect.scatter.add.f32 [tilespmem:s29], [sflag:$0x7], $0x80, s14, s11, $0xb8;
	[tilespmem:$0x1FA80] =	vst v63  }
0x281: {  	_ =	swait.ge [sflag:s2], $0x4000  }
0x282: {  	[sflag:s2] =	ssyncset.done $0x0  }
0x283: {  	[sflag:s2] =	ssyncadd.s32 $0xFFFFC000  }
0x284: {  	[tilespmem:s29], [sflag:$0x1] =	stream.indirect.gather [hbm4b:s1+s11], $0x80, s19, s11, $0xb8;
	[tilespmem:$0x1FA80] =	vst v63  }
0x285: {  	_ =	swait.ge [sflag:s15], $0x4000  }
0x286: {  	[sflag:s15] =	ssyncset.done $0x0  }
0x287: {  	s16 =	simm.s32 $0x16F80;
	[sflag:s15] =	ssyncadd.s32 $0xFFFFC000  }
0x288: {  	[spmem:s3] =	stream.indirect.scatter.add.f32 [tilespmem:s13], [sflag:$0x7], $0x80, s16, s11, $0xb8;
	[tilespmem:$0x1FA80] =	vst v63  }
0x289: {  	_ =	swait.ge [sflag:s2], $0x4000  }
0x28a: {  	[sflag:s2] =	ssyncset.done $0x0  }
0x28b: {  	s17 =	simm.s32 $0x14080;
	[sflag:s2] =	ssyncadd.s32 $0xFFFFC000  }
0x28c: {  	[tilespmem:s13], [sflag:$0x2] =	stream.indirect.gather [hbm4b:s1+s11], $0x80, s17, s11, $0xb8;
	[tilespmem:$0x1FA80] =	vst v63  }
0x28d: {  	_ =	swait.ge [sflag:s30], $0x4000  }
0x28e: {  	[sflag:s30] =	ssyncset.done $0x0  }
0x28f: {  	s22 =	simm.s32 $0x17000;
	[sflag:s30] =	ssyncadd.s32 $0xFFFFC000  }
0x290: {  	[spmem:s3] =	stream.indirect.scatter.add.f32 [tilespmem:s29], [sflag:$0x7], $0x80, s22, s11, $0xb8;
	[tilespmem:$0x1FA80] =	vst v63  }
0x291: {  	_ =	swait.ge [sflag:s2], $0x4000  }
0x292: {  	[sflag:s2] =	ssyncset.done $0x0  }
0x293: {  	s26 =	simm.s32 $0x14100;
	[sflag:s2] =	ssyncadd.s32 $0xFFFFC000  }
0x294: {  	[tilespmem:s29], [sflag:$0x1] =	stream.indirect.gather [hbm4b:s1+s11], $0x80, s26, s11, $0xb8;
	[tilespmem:$0x1FA80] =	vst v63  }
0x295: {  	_ =	swait.ge [sflag:s15], $0x4000  }
0x296: {  	[sflag:s15] =	ssyncset.done $0x0  }
0x297: {  	s12 =	simm.s32 $0x17080;
	[sflag:s15] =	ssyncadd.s32 $0xFFFFC000  }
0x298: {  	[spmem:s3] =	stream.indirect.scatter.add.f32 [tilespmem:s13], [sflag:$0x7], $0x80, s12, s11, $0xb8;
	[tilespmem:$0x1FA80] =	vst v63  }
0x299: {  	_ =	swait.ge [sflag:s2], $0x4000  }
0x29a: {  	[sflag:s2] =	ssyncset.done $0x0  }
0x29b: {  	s14 =	simm.s32 $0x14180;
	[sflag:s2] =	ssyncadd.s32 $0xFFFFC000  }
0x29c: {  	[tilespmem:s13], [sflag:$0x2] =	stream.indirect.gather [hbm4b:s1+s11], $0x80, s14, s11, $0xb8;
	[tilespmem:$0x1FA80] =	vst v63  }
0x29d: {  	_ =	swait.ge [sflag:s30], $0x4000  }
0x29e: {  	[sflag:s30] =	ssyncset.done $0x0  }
0x29f: {  	s16 =	simm.s32 $0x17100;
	[sflag:s30] =	ssyncadd.s32 $0xFFFFC000  }
0x2a0: {  	[spmem:s3] =	stream.indirect.scatter.add.f32 [tilespmem:s29], [sflag:$0x7], $0x80, s16, s11, $0xb8;
	[tilespmem:$0x1FA80] =	vst v63  }
0x2a1: {  	_ =	swait.ge [sflag:s2], $0x4000  }
0x2a2: {  	[sflag:s2] =	ssyncset.done $0x0  }
0x2a3: {  	s17 =	simm.s32 $0x14200;
	[sflag:s2] =	ssyncadd.s32 $0xFFFFC000  }
0x2a4: {  	[tilespmem:s29], [sflag:$0x1] =	stream.indirect.gather [hbm4b:s1+s11], $0x80, s17, s11, $0xb8;
	[tilespmem:$0x1FA80] =	vst v63  }
0x2a5: {  	_ =	swait.ge [sflag:s15], $0x4000  }
0x2a6: {  	[sflag:s15] =	ssyncset.done $0x0  }
0x2a7: {  	s22 =	simm.s32 $0x17180;
	[sflag:s15] =	ssyncadd.s32 $0xFFFFC000  }
0x2a8: {  	[spmem:s3] =	stream.indirect.scatter.add.f32 [tilespmem:s13], [sflag:$0x7], $0x80, s22, s11, $0xb8;
	[tilespmem:$0x1FA80] =	vst v63  }
0x2a9: {  	_ =	swait.ge [sflag:s2], $0x4000  }
0x2aa: {  	[sflag:s2] =	ssyncset.done $0x0  }
0x2ab: {  	s26 =	simm.s32 $0x14280;
	[sflag:s2] =	ssyncadd.s32 $0xFFFFC000  }
0x2ac: {  	[tilespmem:s13], [sflag:$0x2] =	stream.indirect.gather [hbm4b:s1+s11], $0x80, s26, s11, $0xb8;
	[tilespmem:$0x1FA80] =	vst v63  }
0x2ad: {  	_ =	swait.ge [sflag:s30], $0x4000  }
0x2ae: {  	[sflag:s30] =	ssyncset.done $0x0  }
0x2af: {  	s12 =	simm.s32 $0x17200;
	[sflag:s30] =	ssyncadd.s32 $0xFFFFC000  }
0x2b0: {  	[spmem:s3] =	stream.indirect.scatter.add.f32 [tilespmem:s29], [sflag:$0x7], $0x80, s12, s11, $0xb8;
	[tilespmem:$0x1FA80] =	vst v63  }
0x2b1: {  	_ =	swait.ge [sflag:s2], $0x4000  }
0x2b2: {  	[sflag:s2] =	ssyncset.done $0x0  }
0x2b3: {  	s14 =	simm.s32 $0x14300;
	[sflag:s2] =	ssyncadd.s32 $0xFFFFC000  }
0x2b4: {  	[tilespmem:s29], [sflag:$0x1] =	stream.indirect.gather [hbm4b:s1+s11], $0x80, s14, s11, $0xb8;
	[tilespmem:$0x1FA80] =	vst v63  }
0x2b5: {  	_ =	swait.ge [sflag:s15], $0x4000  }
0x2b6: {  	[sflag:s15] =	ssyncset.done $0x0  }
0x2b7: {  	s16 =	simm.s32 $0x17280;
	[sflag:s15] =	ssyncadd.s32 $0xFFFFC000  }
0x2b8: {  	[spmem:s3] =	stream.indirect.scatter.add.f32 [tilespmem:s13], [sflag:$0x7], $0x80, s16, s11, $0xb8;
	[tilespmem:$0x1FA80] =	vst v63  }
0x2b9: {  	_ =	swait.ge [sflag:s2], $0x4000  }
0x2ba: {  	[sflag:s2] =	ssyncset.done $0x0  }
0x2bb: {  	s17 =	simm.s32 $0x14380;
	[sflag:s2] =	ssyncadd.s32 $0xFFFFC000  }
0x2bc: {  	[tilespmem:s13], [sflag:$0x2] =	stream.indirect.gather [hbm4b:s1+s11], $0x80, s17, s11, $0xb8;
	[tilespmem:$0x1FA80] =	vst v63  }
0x2bd: {  	_ =	swait.ge [sflag:s30], $0x4000  }
0x2be: {  	[sflag:s30] =	ssyncset.done $0x0  }
0x2bf: {  	s22 =	simm.s32 $0x17300;
	[sflag:s30] =	ssyncadd.s32 $0xFFFFC000  }
0x2c0: {  	[spmem:s3] =	stream.indirect.scatter.add.f32 [tilespmem:s29], [sflag:$0x7], $0x80, s22, s11, $0xb8;
	[tilespmem:$0x1FA80] =	vst v63  }
0x2c1: {  	_ =	swait.ge [sflag:s2], $0x4000  }
0x2c2: {  	[sflag:s2] =	ssyncset.done $0x0  }
0x2c3: {  	s26 =	simm.s32 $0x14400;
	[sflag:s2] =	ssyncadd.s32 $0xFFFFC000  }
0x2c4: {  	[tilespmem:s29], [sflag:$0x1] =	stream.indirect.gather [hbm4b:s1+s11], $0x80, s26, s11, $0xb8;
	[tilespmem:$0x1FA80] =	vst v63  }
0x2c5: {  	_ =	swait.ge [sflag:s15], $0x4000  }
0x2c6: {  	[sflag:s15] =	ssyncset.done $0x0  }
0x2c7: {  	s12 =	simm.s32 $0x17380;
	[sflag:s15] =	ssyncadd.s32 $0xFFFFC000  }
0x2c8: {  	[spmem:s3] =	stream.indirect.scatter.add.f32 [tilespmem:s13], [sflag:$0x7], $0x80, s12, s11, $0xb8;
	[tilespmem:$0x1FA80] =	vst v63  }
0x2c9: {  	_ =	swait.ge [sflag:s2], $0x4000  }
0x2ca: {  	[sflag:s2] =	ssyncset.done $0x0  }
0x2cb: {  	s14 =	simm.s32 $0x14480;
	[sflag:s2] =	ssyncadd.s32 $0xFFFFC000  }
0x2cc: {  	[tilespmem:s13], [sflag:$0x2] =	stream.indirect.gather [hbm4b:s1+s11], $0x80, s14, s11, $0xb8;
	[tilespmem:$0x1FA80] =	vst v63  }
0x2cd: {  	_ =	swait.ge [sflag:s30], $0x4000  }
0x2ce: {  	[sflag:s30] =	ssyncset.done $0x0  }
0x2cf: {  	s16 =	simm.s32 $0x17400;
	[sflag:s30] =	ssyncadd.s32 $0xFFFFC000  }
0x2d0: {  	[spmem:s3] =	stream.indirect.scatter.add.f32 [tilespmem:s29], [sflag:$0x7], $0x80, s16, s11, $0xb8;
	[tilespmem:$0x1FA80] =	vst v63  }
0x2d1: {  	_ =	swait.ge [sflag:s2], $0x4000  }
0x2d2: {  	[sflag:s2] =	ssyncset.done $0x0  }
0x2d3: {  	s17 =	simm.s32 $0x14500;
	[sflag:s2] =	ssyncadd.s32 $0xFFFFC000  }
0x2d4: {  	[tilespmem:s29], [sflag:$0x1] =	stream.indirect.gather [hbm4b:s1+s11], $0x80, s17, s11, $0xb8;
	[tilespmem:$0x1FA80] =	vst v63  }
0x2d5: {  	_ =	swait.ge [sflag:s15], $0x4000  }
0x2d6: {  	[sflag:s15] =	ssyncset.done $0x0  }
0x2d7: {  	s22 =	simm.s32 $0x17480;
	[sflag:s15] =	ssyncadd.s32 $0xFFFFC000  }
0x2d8: {  	[spmem:s3] =	stream.indirect.scatter.add.f32 [tilespmem:s13], [sflag:$0x7], $0x80, s22, s11, $0xb8;
	[tilespmem:$0x1FA80] =	vst v63  }
0x2d9: {  	_ =	swait.ge [sflag:s2], $0x4000  }
0x2da: {  	[sflag:s2] =	ssyncset.done $0x0  }
0x2db: {  	s26 =	simm.s32 $0x14580;
	[sflag:s2] =	ssyncadd.s32 $0xFFFFC000  }
0x2dc: {  	[tilespmem:s13], [sflag:$0x2] =	stream.indirect.gather [hbm4b:s1+s11], $0x80, s26, s11, $0xb8;
	[tilespmem:$0x1FA80] =	vst v63  }
0x2dd: {  	_ =	swait.ge [sflag:s30], $0x4000  }
0x2de: {  	[sflag:s30] =	ssyncset.done $0x0  }
0x2df: {  	s12 =	simm.s32 $0x17500;
	[sflag:s30] =	ssyncadd.s32 $0xFFFFC000  }
0x2e0: {  	[spmem:s3] =	stream.indirect.scatter.add.f32 [tilespmem:s29], [sflag:$0x7], $0x80, s12, s11, $0xb8;
	[tilespmem:$0x1FA80] =	vst v63  }
0x2e1: {  	_ =	swait.ge [sflag:s2], $0x4000  }
0x2e2: {  	[sflag:s2] =	ssyncset.done $0x0  }
0x2e3: {  	s14 =	simm.s32 $0x14600;
	[sflag:s2] =	ssyncadd.s32 $0xFFFFC000  }
0x2e4: {  	[tilespmem:s29], [sflag:$0x1] =	stream.indirect.gather [hbm4b:s1+s11], $0x80, s14, s11, $0xb8;
	[tilespmem:$0x1FA80] =	vst v63  }
0x2e5: {  	_ =	swait.ge [sflag:s15], $0x4000  }
0x2e6: {  	[sflag:s15] =	ssyncset.done $0x0  }
0x2e7: {  	s16 =	simm.s32 $0x17580;
	[sflag:s15] =	ssyncadd.s32 $0xFFFFC000  }
0x2e8: {  	[spmem:s3] =	stream.indirect.scatter.add.f32 [tilespmem:s13], [sflag:$0x7], $0x80, s16, s11, $0xb8;
	[tilespmem:$0x1FA80] =	vst v63  }
0x2e9: {  	_ =	swait.ge [sflag:s2], $0x4000  }
0x2ea: {  	[sflag:s2] =	ssyncset.done $0x0  }
0x2eb: {  	s17 =	simm.s32 $0x14680;
	[sflag:s2] =	ssyncadd.s32 $0xFFFFC000  }
0x2ec: {  	[tilespmem:s13], [sflag:$0x2] =	stream.indirect.gather [hbm4b:s1+s11], $0x80, s17, s11, $0xb8;
	[tilespmem:$0x1FA80] =	vst v63  }
0x2ed: {  	_ =	swait.ge [sflag:s30], $0x4000  }
0x2ee: {  	[sflag:s30] =	ssyncset.done $0x0  }
0x2ef: {  	s22 =	simm.s32 $0x17600;
	[sflag:s30] =	ssyncadd.s32 $0xFFFFC000  }
0x2f0: {  	[spmem:s3] =	stream.indirect.scatter.add.f32 [tilespmem:s29], [sflag:$0x7], $0x80, s22, s11, $0xb8;
	[tilespmem:$0x1FA80] =	vst v63  }
0x2f1: {  	_ =	swait.ge [sflag:s2], $0x4000  }
0x2f2: {  	[sflag:s2] =	ssyncset.done $0x0  }
0x2f3: {  	s26 =	simm.s32 $0x14700;
	[sflag:s2] =	ssyncadd.s32 $0xFFFFC000  }
0x2f4: {  	[tilespmem:s29], [sflag:$0x1] =	stream.indirect.gather [hbm4b:s1+s11], $0x80, s26, s11, $0xb8;
	[tilespmem:$0x1FA80] =	vst v63  }
0x2f5: {  	_ =	swait.ge [sflag:s15], $0x4000  }
0x2f6: {  	[sflag:s15] =	ssyncset.done $0x0  }
0x2f7: {  	s12 =	simm.s32 $0x17680;
	[sflag:s15] =	ssyncadd.s32 $0xFFFFC000  }
0x2f8: {  	[spmem:s3] =	stream.indirect.scatter.add.f32 [tilespmem:s13], [sflag:$0x7], $0x80, s12, s11, $0xb8;
	[tilespmem:$0x1FA80] =	vst v63  }
0x2f9: {  	_ =	swait.ge [sflag:s2], $0x4000  }
0x2fa: {  	[sflag:s2] =	ssyncset.done $0x0  }
0x2fb: {  	s14 =	simm.s32 $0x14780;
	[sflag:s2] =	ssyncadd.s32 $0xFFFFC000  }
0x2fc: {  	[tilespmem:s13], [sflag:$0x2] =	stream.indirect.gather [hbm4b:s1+s11], $0x80, s14, s11, $0xb8;
	[tilespmem:$0x1FA80] =	vst v63  }
0x2fd: {  	_ =	swait.ge [sflag:s30], $0x4000  }
0x2fe: {  	[sflag:s30] =	ssyncset.done $0x0  }
0x2ff: {  	s16 =	simm.s32 $0x17700;
	[sflag:s30] =	ssyncadd.s32 $0xFFFFC000  }
0x300: {  	[spmem:s3] =	stream.indirect.scatter.add.f32 [tilespmem:s29], [sflag:$0x7], $0x80, s16, s11, $0xb8;
	[tilespmem:$0x1FA80] =	vst v63  }
0x301: {  	_ =	swait.ge [sflag:s2], $0x4000  }
0x302: {  	[sflag:s2] =	ssyncset.done $0x0  }
0x303: {  	[sflag:s2] =	ssyncadd.s32 $0xFFFFC000  }
0x304: {  	_ =	swait.ge [sflag:s15], $0x4000  }
0x305: {  	[sflag:s15] =	ssyncset.done $0x0  }
0x306: {  	s17 =	simm.s32 $0x17780;
	[sflag:s15] =	ssyncadd.s32 $0xFFFFC000  }
0x307: {  	[spmem:s3] =	stream.indirect.scatter.add.f32 [tilespmem:s13], [sflag:$0x7], $0x80, s17, s11, $0xb8;
	[tilespmem:$0x1FA80] =	vst v63  }
0x308: {  	_ =	swait.ge [sflag:s2], $0x4000  }
0x309: {  	[sflag:s2] =	ssyncset.done $0x0  }
0x30a: {  	[sflag:s2] =	ssyncadd.s32 $0xFFFFC000  }
0x30b: {  	[bflag:$0x0] =	sbarrier.arrive $0xFFFF  }
0x30c: {  	s22 =	rddreg [dreg:$0x15]  }
0x30d: {  	[tilespmem:s29], [sflag:$0x1] =	stream.linear.gather [spmem:s22], $0x2000, $0x38;
	[tilespmem:$0x1FA80] =	vst v63  }
0x30e: {  	s26 =	rddreg [dreg:$0xb]  }
0x30f: {  	[tilespmem:s21], [sflag:$0x2] =	stream.linear.gather [spmem:s26], $0x2000, $0x38;
	[tilespmem:$0x1FA80] =	vst v63  }
0x310: {  	s28 =	simm.s32 $0x0;
	s26 =	simm.s32 $0x40  }
.LBB2_4:
0x311: {  	_ =	swait.ge [sflag:s30], $0x2000;
	s0 =	sadd.s32 $0x0, s25  }
0x312: {  	[sflag:s30] =	ssyncset.done $0x0;
	v1 =	vmov s0  }
0x313: {  	s12 =	simm.s32 $0x17AC0;
	[sflag:s30] =	ssyncadd.s32 $0xFFFFE000  }
0x314: {  	v5 =	vld [tilespmem:s12+$0x30]  }
0x315: {  	v8 =	vld [tilespmem:s12+$0x10]  }
0x316: {  	v6 =	vld [tilespmem:s12+$0xFFFFFFC0]  }
0x317: {  	v2 =	vld.idx.msk [tilespmem:v1+s31+$0x0], $0xffff  }
0x318: {  	v10 =	vld [tilespmem:s12+$0xFFFFFFE0]  }
0x319: {  	v3 =	vld [tilespmem:s12+$0x20]  }
0x31a: {  	v4 =	vld [tilespmem:s12+$0xFFFFFFD0]  }
0x31b: {  	v1 =	vld [tilespmem:s12+$0xFFFFFFF0]  }
0x31c: {  	v9 =	vmul.f32 v5, v2;
	v5 =	vld [tilespmem:s12+$0x0]  }
0x31d: {  	v7 =	vmul.f32 v6, v2  }
0x31e: {  	s16 =	simm.s32 $0x1;
	s22 =	simm.s32 $0x17AC0;
	s0 =	sshll.u32 s28, $0x7;
	v6 =	vmul.f32 v10, v2;
	v8 =	vmul.f32 v8, v2  }
.LBB2_5:
0x31f: {  	p0 =	sne.s32 s16, $0x3F  }
0x320: {  	v4 =	vmul.f32 v4, v2;
	v3 =	vmul.f32 v3, v2;
	[tilespmem:s12+$0x30] =	vst v9;
	s22 =	sadd.s32 $0x80, s22;
	s17 =	smov.u32 s16;
	s16 =	sadd.s32 $0x1, s16  }
0x321: {  	[tilespmem:s12+$0xFFFFFFC0] =	vst v7;
	v7 =	vmul.f32 v1, v2;
	v2 =	vmul.f32 v5, v2  }
0x322: {  	s17 =	sadd.s32 s17, s25;
	[tilespmem:s12+$0x10] =	vst v8  }
0x323: {  	v5 =	vmov s17;
	[tilespmem:s12+$0xFFFFFFE0] =	vst v6  }
0x324: {  	v1 =	vld [tilespmem:s22+$0xFFFFFFF0];
	[tilespmem:s12+$0xFFFFFFF0] =	vst v7  }
0x325: {  	v6 =	vld [tilespmem:s22+$0x30];
	[tilespmem:s12+$0x0] =	vst v2  }
0x326: {  	v8 =	vld [tilespmem:s22+$0x10];
	[tilespmem:s12+$0x20] =	vst v3  }
0x327: {  	v7 =	vld [tilespmem:s22+$0xFFFFFFC0];
	[tilespmem:s12+$0xFFFFFFD0] =	vst v4;
	s12 =	smov.u32 s22  }
0x328: {  	v2 =	vld.idx.msk [tilespmem:v5+s31+$0x0], $0xffff  }
0x329: {  	v10 =	vld [tilespmem:s22+$0xFFFFFFE0]  }
0x32a: {  	v3 =	vld [tilespmem:s22+$0x20]  }
.Ltmp3:
0x32b: {  	v4 =	vld [tilespmem:s22+$0xFFFFFFD0];
	(pc) =	sbr.rel @p0 .LBB2_5-.Ltmp3, $3  }
0x32c: {  	v5 =	vld [tilespmem:s22+$0x0];
	_ =	sdelay $0x1  }
0x32d: {  	v7 =	vmul.f32 v7, v2;
	v9 =	vmul.f32 v6, v2  }
0x32e: {  	v8 =	vmul.f32 v8, v2;
	v6 =	vmul.f32 v10, v2  }
0x32f: {  	[tilespmem:s12+$0x30] =	vst v9  }
0x330: {  	[tilespmem:s12+$0xFFFFFFC0] =	vst v7  }
0x331: {  	v1 =	vmul.f32 v1, v2;
	[tilespmem:s12+$0x10] =	vst v8  }
0x332: {  	s16 =	sadd.s32 s5, s0;
	v3 =	vmul.f32 v3, v2;
	[tilespmem:s12+$0xFFFFFFE0] =	vst v6  }
0x333: {  	v5 =	vmul.f32 v5, v2;
	s16 =	sshll.u32 s16, $0x7;
	[tilespmem:s12+$0xFFFFFFF0] =	vst v1  }
0x334: {  	v1 =	vmul.f32 v4, v2;
	s16 =	sadd.s32 s18, s16;
	[tilespmem:s12+$0x20] =	vst v3  }
0x335: {  	[tilespmem:s12+$0x0] =	vst v5;
	s16 =	sshrl.u32 s16, $0x3  }
0x336: {  	p0 =	seq.s32 s28, $0x4;
	[tilespmem:s12+$0xFFFFFFD0] =	vst v1;
	s17 =	sadd.s32 s7, s16;
	s12 =	sshll.u32 s28, $0x10  }
0x337: {  	[hbm4b:s17+s4] =	stream.linear.scatter [tilespmem:s29], [sflag:$0x3], $0x2000, $0x38;
	[tilespmem:$0x1FA80] =	vst v63  }
0x338: {  	s16 =	simm.s32 @!p0 $0x3;
	s17 =	sshrl.u32 @!p0 s12, $0x2  }
0x339: {  	s22 =	sshrl.u32 @!p0 s6, $0x2;
	_ =	swait.ge @!p0 [sflag:s16], $0x2000;
	s17 =	sadd.s32 @!p0 s17, s3  }
0x33a: {  	[sflag:s16] =	ssyncset.done @!p0 $0x0;
	s17 =	sadd.s32 @!p0 s22, s17  }
0x33b: {  	[sflag:s16] =	ssyncadd.s32 @!p0 $0xFFFFE000;
	s16 =	sadd.s32 @!p0 $0x4000, s17;
	s17 =	simm.s32 @!p0 $0x17A80  }
0x33c: {  	[tilespmem:s17], [sflag:$0x1] =	stream.linear.gather @!p0 [spmem:s16], $0x2000, $0x38;
	[tilespmem:$0x1FA80] =	vst v63  }
0x33d: {  	s22 =	sadd.s32 $0x0, s26;
	_ =	swait.ge [sflag:s15], $0x2000  }
0x33e: {  	v1 =	vmov s22;
	[sflag:s15] =	ssyncset.done $0x0  }
0x33f: {  	s16 =	simm.s32 $0x19AC0;
	[sflag:s15] =	ssyncadd.s32 $0xFFFFE000  }
0x340: {  	v5 =	vld [tilespmem:s16+$0x30]  }
0x341: {  	v8 =	vld [tilespmem:s16+$0x10]  }
0x342: {  	v6 =	vld [tilespmem:s16+$0xFFFFFFC0]  }
0x343: {  	v2 =	vld.idx.msk [tilespmem:v1+s31+$0x0], $0xffff  }
0x344: {  	v10 =	vld [tilespmem:s16+$0xFFFFFFE0]  }
0x345: {  	v1 =	vld [tilespmem:s16+$0xFFFFFFF0]  }
0x346: {  	v3 =	vld [tilespmem:s16+$0x20]  }
0x347: {  	v4 =	vld [tilespmem:s16+$0xFFFFFFD0]  }
0x348: {  	v9 =	vmul.f32 v5, v2;
	v5 =	vld [tilespmem:s16+$0x0]  }
0x349: {  	v7 =	vmul.f32 v6, v2  }
0x34a: {  	s0 =	sor.u32 $0x40, s0;
	s22 =	simm.s32 $0x1;
	s17 =	simm.s32 $0x19AC0;
	v6 =	vmul.f32 v10, v2;
	v8 =	vmul.f32 v8, v2  }
.LBB2_7:
0x34b: {  	p1 =	sne.s32 s22, $0x3F  }
0x34c: {  	v4 =	vmul.f32 v4, v2;
	v3 =	vmul.f32 v3, v2;
	[tilespmem:s16+$0x30] =	vst v9;
	s17 =	sadd.s32 $0x80, s17;
	s14 =	smov.u32 s22;
	s22 =	sadd.s32 $0x1, s22  }
0x34d: {  	[tilespmem:s16+$0xFFFFFFC0] =	vst v7;
	v7 =	vmul.f32 v1, v2;
	v2 =	vmul.f32 v5, v2  }
0x34e: {  	s14 =	sadd.s32 s14, s26;
	[tilespmem:s16+$0x10] =	vst v8  }
0x34f: {  	v5 =	vmov s14;
	[tilespmem:s16+$0xFFFFFFE0] =	vst v6  }
0x350: {  	v1 =	vld [tilespmem:s17+$0xFFFFFFF0];
	[tilespmem:s16+$0xFFFFFFF0] =	vst v7  }
0x351: {  	v6 =	vld [tilespmem:s17+$0x30];
	[tilespmem:s16+$0x0] =	vst v2  }
0x352: {  	v8 =	vld [tilespmem:s17+$0x10];
	[tilespmem:s16+$0x20] =	vst v3  }
0x353: {  	v7 =	vld [tilespmem:s17+$0xFFFFFFC0];
	[tilespmem:s16+$0xFFFFFFD0] =	vst v4;
	s16 =	smov.u32 s17  }
0x354: {  	v2 =	vld.idx.msk [tilespmem:v5+s31+$0x0], $0xffff  }
0x355: {  	v10 =	vld [tilespmem:s17+$0xFFFFFFE0]  }
0x356: {  	v3 =	vld [tilespmem:s17+$0x20]  }
.Ltmp4:
0x357: {  	v4 =	vld [tilespmem:s17+$0xFFFFFFD0];
	(pc) =	sbr.rel @p1 .LBB2_7-.Ltmp4, $3  }
0x358: {  	v5 =	vld [tilespmem:s17+$0x0];
	_ =	sdelay $0x1  }
0x359: {  	v7 =	vmul.f32 v7, v2;
	v9 =	vmul.f32 v6, v2  }
0x35a: {  	v8 =	vmul.f32 v8, v2;
	v6 =	vmul.f32 v10, v2  }
0x35b: {  	[tilespmem:s16+$0x30] =	vst v9  }
0x35c: {  	[tilespmem:s16+$0xFFFFFFC0] =	vst v7  }
0x35d: {  	v1 =	vmul.f32 v1, v2;
	[tilespmem:s16+$0x10] =	vst v8  }
0x35e: {  	s0 =	sadd.s32 s5, s0;
	v3 =	vmul.f32 v3, v2;
	[tilespmem:s16+$0xFFFFFFE0] =	vst v6  }
.Ltmp5:
0x35f: {  	v5 =	vmul.f32 v5, v2;
	s0 =	sshll.u32 s0, $0x7;
	[tilespmem:s16+$0xFFFFFFF0] =	vst v1;
	(pc) =	sbr.rel @p0 .LBB2_10-.Ltmp5, $4  }
0x360: {  	v1 =	vmul.f32 v4, v2;
	s0 =	sadd.s32 s18, s0;
	[tilespmem:s16+$0x20] =	vst v3  }
0x361: {  	[tilespmem:s16+$0x0] =	vst v5;
	s0 =	sshrl.u32 s0, $0x3  }
0x362: {  	[tilespmem:s16+$0xFFFFFFD0] =	vst v1;
	s0 =	sadd.s32 s7, s0  }
0x363: {  	[hbm4b:s0+s4] =	stream.linear.scatter [tilespmem:s21], [sflag:$0x4], $0x2000, $0x38;
	[tilespmem:$0x1FA80] =	vst v63  }
.Ltmp6:
0x364: {  	s0 =	sshrl.u32 s12, $0x2;
	(pc) =	sbr.rel .LBB2_4-.Ltmp6, $4  }
0x365: {  	_ =	swait.ge [sflag:s23], $0x2000;
	s28 =	sadd.s32 $0x1, s28;
	s0 =	sadd.s32 s0, s3  }
0x366: {  	s25 =	sadd.s32 $0x80, s25;
	[sflag:s23] =	ssyncset.done $0x0;
	s0 =	sadd.s32 s8, s0  }
0x367: {  	s26 =	sadd.s32 $0x80, s26;
	[sflag:s23] =	ssyncadd.s32 $0xFFFFE000;
	s0 =	sadd.s32 $0x6000, s0  }
0x368: {  	[tilespmem:s21], [sflag:$0x2] =	stream.linear.gather [spmem:s0], $0x2000, $0x38;
	[tilespmem:$0x1FA80] =	vst v63  }
.LBB2_11:
0x369: {  	_ =	sfence.sel $0x180000  }
0x36a: {  	[bflag:$0x0] =	sbarrier.arrive $0xFFFF  }
0x36b: {  	_ =	strace $0x9000004D  }
0x36c: {  	s0 =	stileid.u32;
	[bflag:$0x2] =	sbarrier.arrive $0xFFFF  }
0x36d: {  	p0 =	sne.s32 s0, $0x0;
	s0 =	rddreg [dreg:$0x3]  }
0x36e: {  	s0 =	sadd.s32 @!p0 $0x100000, s0  }
0x36f: {  	[sflag:s0] =	ssyncadd.tile.s32 @!p0 $0x1;
	_ =	shalt  }
.Lfunc_end2:
_tile_overlayer_lowered:
.L_overlay_start_2:
0x370: {  	(tag) =	ssettag $0x2  }
0x371: {  	s0 =	rddreg [dreg:$0x0];
	s2 =	stileid.u32  }
0x372: {  	s1 =	rddreg [dreg:$0x1];
	p0 =	sne.s32 s2, $0x0  }
0x373: {  	s3 =	rddreg [dreg:$0x2];
	[bflag:$0x3] =	sbarrier.arrive $0xFFFF;
	s2 =	simm.s32 @!p0 $0x1C07  }
0x374: {  	[timem:s3], [sflag:s2] =	dma.local @!p0 [hbm:s0], s1  }
0x375: {  	s0 =	simm.s32 @!p0 $0x7  }
0x376: {  	_ =	swait.ge @!p0 [sflag:s0], s1  }
0x377: {  	s1 =	ssub.s32 @!p0 $0x0, s1;
	[sflag:s0] =	ssyncset.done @!p0 $0x0  }
0x378: {  	[sflag:s0] =	ssyncadd.s32 @!p0 s1  }
0x379: {  	[bflag:$0x3] =	sbarrier.arrive $0xFFFF  }
0x37a: {  	_ =	shalt  }

// kernel: kernel.9.cloned.1.call-start
scs
__scs_entry_jumppad:
0x0: {  	(pc) =	sbr.rel $0x88, $3  }
0x1: {  	(tag) =	ssettag $0x0;
	lr =	simm.s32 $0x1  }
0x2: {  	[smem:$0x3F99] =	sst lr;
	_ =	strace $0xD0000000  }
0x3: {  	_ = 	snop  }
0x4: {  	_ = 	snop  }
0x5: {  	_ = 	snop  }
0x6: {  	_ = 	snop  }
0x7: {  	_ = 	snop  }
__scs_overlays_trampoline_lowered:
0x8: {  	[smem:$0x3FA8] =	sst s0  }
0x9: {  	[smem:$0x3FA9] =	sst s1  }
0xa: {  	[smem:$0x3FAA] =	sst s2  }
0xb: {  	[smem:$0x3FAB] =	sst s3  }
0xc: {  	[smem:$0x3FAC] =	sst s4  }
0xd: {  	[smem:$0x3FAD] =	sst s5  }
0xe: {  	[smem:$0x3FAE] =	sst s6  }
0xf: {  	[smem:$0x3FAF] =	sst s7  }
0x10: {  	[smem:$0x3FB0] =	sst s8  }
0x11: {  	[smem:$0x3FB1] =	sst s9;
	s0 =	simm.s32 @!p0 $0x0  }
0x12: {  	s1 =	sld [smem:$0x3F97];
	s0 =	simm.s32 @p0 $0x1  }
0x13: {  	[smem:$0x3FB2] =	sst s0;
	s0 =	simm.s32 @!p1 $0x0  }
0x14: {  	s2 =	sld [smem:$0x3F96];
	s0 =	simm.s32 @p1 $0x1  }
0x15: {  	[smem:$0x3FB3] =	sst s0;
	s0 =	simm.s32 @!p2 $0x0  }
0x16: {  	s3 =	sld [smem:$0x3FDB];
	s0 =	simm.s32 @p2 $0x1  }
0x17: {  	s4 =	simm.s32 $0x1BF5;
	[smem:$0x3FB5] =	sst s0  }
0x18: {  	s0 =	sld [smem:$0x3F98];
	_ =	swait.ge [sflag:s4], $0x0  }
0x19: {  	s7 =	sld [smem:$0x3F99]  }
0x1a: {  	s8 =	sadd.s32 $0xFFFFE003, lr  }
0x1b: {  	s9 =	sadd.s32 $0xFFFFFEF7, lr;
	s5 =	simm.s32 $0xFFFFFFFF;
	p2 =	slt.u32 s8, $0xFFFFF086  }
0x1c: {  	p1 =	slt.u32 s9, $0xF7A;
	s5 =	simm.s32 @!p2 $0x0  }
0x1d: {  	s5 =	simm.s32 @p1 $0x1;
	p0 =	seq.s32 s7, s2  }
0x1e: {  	s7 =	smul.u32 @!p0 $0xF7A, s2;
	p2 =	seq.s32 @!p0 s5, $0x0  }
0x1f: {  	s9 =	smul.u32 $0xF7A, s1;
	s8 =	simm.s32 @!p0 $0x1BF5;
	p2 =	por !p2, p0  }
0x20: {  	[sflag:s8] =	ssyncset.s32 @!p0 $0xFFFFF086;
	s6 =	sadd.s32 @!p0 s3, s7;
	s7 =	simm.s32 @!p0 $0x108  }
0x21: {  	s3 =	sadd.s32 s3, s9;
	s6 =	sadd.s32 @!p0 $0x88, s6;
	s7 =	simm.s32 @p2 $0x1082  }
0x22: {  	[simem:s7], [sflag:s8] =	dma.local @!p0 [hbm:s6], $0xF7A  }
0x23: {  	s9 =	sor.u32 $0xD0000000, s2;
	s6 =	simm.s32 $0x108;
	_ =	swait.ge @!p0 [sflag:s8], $0x0  }
0x24: {  	s3 =	sadd.s32 $0x88, s3;
	s6 =	simm.s32 @!p1 $0x1082;
	[sflag:s4] =	ssyncset.s32 $0xFFFFF086  }
0x25: {  	[simem:s6], [sflag:s4] =	dma.local [hbm:s3], $0xF7A  }
0x26: {  	[smem:$0x3F99] =	sst s1;
	(tag) =	ssettag s2;
	_ =	strace s9  }
0x27: {  	s1 =	sld [smem:$0x3FA9]  }
0x28: {  	s2 =	sld [smem:$0x3FAA]  }
0x29: {  	s4 =	sld [smem:$0x3FAC]  }
0x2a: {  	p0 =	seq.s32 s5, $0x0;
	s5 =	sld [smem:$0x3FAD]  }
0x2b: {  	s6 =	sld [smem:$0x3FAE]  }
0x2c: {  	s7 =	sld [smem:$0x3FAF]  }
0x2d: {  	s3 =	simm.s32 $0x108;
	s8 =	sld [smem:$0x3FB0]  }
0x2e: {  	s3 =	simm.s32 @!p0 $0x1082;
	s9 =	sld [smem:$0x3FB1]  }
0x2f: {  	lr =	sadd.s32 s0, s3;
	s0 =	sld [smem:$0x3FA8]  }
0x30: {  	s3 =	sld [smem:$0x3FAB]  }
0x31: {  	[smem:$0x3FB4] =	sst s10  }
0x32: {  	s10 =	sld [smem:$0x3FB2];
	_ =	sdelay $0x3  }
0x33: {  	p0 =	seq.s32 s10, $0x1;
	s10 =	sld [smem:$0x3FB4];
	_ =	sdelay $0x3  }
0x34: {  	[smem:$0x3FB4] =	sst s10  }
0x35: {  	s10 =	sld [smem:$0x3FB3];
	_ =	sdelay $0x3  }
0x36: {  	p1 =	seq.s32 s10, $0x1;
	s10 =	sld [smem:$0x3FB4];
	_ =	sdelay $0x3  }
0x37: {  	[smem:$0x3FB4] =	sst s10  }
0x38: {  	s10 =	sld [smem:$0x3FB5]  }
0x39: {  	_ = 	snop;
	(pc) =	sbr.ind lr, $3  }
0x3a: {  	_ = 	snop  }
0x3b: {  	_ = 	snop  }
0x3c: {  	p2 =	seq.s32 s10, $0x1;
	s10 =	sld [smem:$0x3FB4]  }
0x3d: {  	_ =	shalt  }
0x3e: {  	_ =	shalt  }
0x3f: {  	_ =	shalt  }
0x40: {  	_ =	shalt  }
0x41: {  	_ =	shalt  }
0x42: {  	_ =	shalt  }
0x43: {  	_ =	shalt  }
0x44: {  	_ =	shalt  }
0x45: {  	_ =	shalt  }
0x46: {  	_ =	shalt  }
0x47: {  	_ =	shalt  }
0x48: {  	_ =	shalt  }
0x49: {  	_ =	shalt  }
0x4a: {  	_ =	shalt  }
0x4b: {  	_ =	shalt  }
0x4c: {  	_ =	shalt  }
0x4d: {  	_ =	shalt  }
0x4e: {  	_ =	shalt  }
0x4f: {  	_ =	shalt  }
0x50: {  	_ =	shalt  }
0x51: {  	_ =	shalt  }
0x52: {  	_ =	shalt  }
0x53: {  	_ =	shalt  }
0x54: {  	_ =	shalt  }
0x55: {  	_ =	shalt  }
0x56: {  	_ =	shalt  }
0x57: {  	_ =	shalt  }
0x58: {  	_ =	shalt  }
0x59: {  	_ =	shalt  }
0x5a: {  	_ =	shalt  }
0x5b: {  	_ =	shalt  }
0x5c: {  	_ =	shalt  }
0x5d: {  	_ =	shalt  }
0x5e: {  	_ =	shalt  }
0x5f: {  	_ =	shalt  }
0x60: {  	_ =	shalt  }
0x61: {  	_ =	shalt  }
0x62: {  	_ =	shalt  }
0x63: {  	_ =	shalt  }
0x64: {  	_ =	shalt  }
0x65: {  	_ =	shalt  }
0x66: {  	_ =	shalt  }
0x67: {  	_ =	shalt  }
0x68: {  	_ =	shalt  }
0x69: {  	_ =	shalt  }
0x6a: {  	_ =	shalt  }
0x6b: {  	_ =	shalt  }
0x6c: {  	_ =	shalt  }
0x6d: {  	_ =	shalt  }
0x6e: {  	_ =	shalt  }
0x6f: {  	_ =	shalt  }
0x70: {  	_ =	shalt  }
0x71: {  	_ =	shalt  }
0x72: {  	_ =	shalt  }
0x73: {  	_ =	shalt  }
0x74: {  	_ =	shalt  }
0x75: {  	_ =	shalt  }
0x76: {  	_ =	shalt  }
0x77: {  	_ =	shalt  }
0x78: {  	_ =	shalt  }
0x79: {  	_ =	shalt  }
0x7a: {  	_ =	shalt  }
0x7b: {  	_ =	shalt  }
0x7c: {  	_ =	shalt  }
0x7d: {  	_ =	shalt  }
0x7e: {  	_ =	shalt  }
0x7f: {  	_ =	shalt  }
0x80: {  	_ =	shalt  }
0x81: {  	_ =	shalt  }
0x82: {  	_ =	shalt  }
0x83: {  	_ =	shalt  }
0x84: {  	_ =	shalt  }
0x85: {  	_ =	shalt  }
0x86: {  	_ =	shalt  }
0x87: {  	_ =	shalt  }
.Lfunc_end0:
.L_simem_size_0:
called_computation_lowered:
.L_overlay_start_0:
0x88: {  	s2 =	sld [smem:$0x3FD9]  }
0x89: {  	s3 =	sld [smem:$0x3FFE];
	_ =	sdelay $0x1  }
0x8a: {  	s1 =	srdreg.scid  }
0x8b: {  	s0 =	sand.u32 $0x1, s1  }
0x8c: {  	s16 =	sshll.u32 s0, $0xA;
	s2 =	sadd.s32 s3, s2  }
0x8d: {  	s2 =	sadd.s32 s2, s16  }
0x8e: {  	[smem:$0x3FC0] =	sst s2  }
0x8f: {  	_ = 	snop  }
0x90: {  	(tm) =	ssettm $0x1  }
0x91: {  	s17 =	sld [smem:$0x3FFB];
	_ =	sdelay $0x3  }
0x92: {  	_ =	strace s17  }
0x93: {  	s2 =	sld [smem:$0x3FFC];
	_ =	sdelay $0x3  }
0x94: {  	_ =	strace s2  }
0x95: {  	s2 =	sld [smem:$0x3FFD];
	_ =	sdelay $0x3  }
0x96: {  	_ =	strace s2  }
0x97: {  	_ =	strace $0x8FFFFFFF  }
0x98: {  	s18 =	sld [smem:$0x3FDB];
	_ =	sdelay $0x1  }
0x99: {  	s19 =	simm.s32 $_scs_section_size  }
0x9a: {  	s4 =	simm.s32 $_size__tile_overlayer_lowered;
	s5 =	simm.s32 $_tile_overlayer_lowered  }
0x9b: {  	s22 =	simm.s32 $0x1BFF;
	s21 =	sshll.u32 s5, $0x1;
	s2 =	sadd.s32 s19, s18  }
0x9c: {  	s6 =	simm.s32 $0x0;
	s20 =	sshll.u32 s4, $0x1;
	s4 =	sadd.s32 s21, s2  }
0x9d: {  	[timem:s6], [sflag:s22] =	dma.local [hbm:s4], s20  }
0x9e: {  	_ =	swait.ge [sflag:s22], s20  }
0x9f: {  	s3 =	ssub.s32 $0x0, s20;
	[sflag:s22] =	ssyncset.done $0x0  }
0xa0: {  	[sflag:s22] =	ssyncadd.s32 s3;
	_ =	sdelay $0x1  }
0xa1: {  	s23 =	simm.s32 $0x1B8B  }
0xa2: {  	_ =	swait.ge [sflag:s23], $0x1  }
0xa3: {  	[sflag:s23] =	ssyncset.done $0x0  }
0xa4: {  	s25 =	simm.s32 $0x1B8E;
	s24 =	sld [smem:$0x3FFE];
	[sflag:s23] =	ssyncadd.s32 $0xFFFFFFFF  }
0xa5: {  	s26 =	simm.s32 $execute0_lowered;
	[smem:$0x3FD2] =	sst s25  }
0xa6: {  	s4 =	sshll.u32 s26, $0x1;
	_ =	strace $0x80000046;
	[dreg:$0x1] =	wrdreg $0xFFFFFFFF  }
0xa7: {  	s28 =	simm.s32 $_size_execute0_lowered;
	s2 =	sadd.s32 s2, s4;
	[dreg:$0x0] =	wrdreg $0x0  }
0xa8: {  	s4 =	sshll.u32 s28, $0x1;
	[dreg:$0x2] =	wrdreg s2  }
0xa9: {  	[dreg:$0x3] =	wrdreg s4  }
0xaa: {  	[dreg:$0x4] =	wrdreg $0xC0  }
0xab: {  	_ =	task [dreg:s6], $0x5FFFF  }
0xac: {  	[dreg:$0x1] =	wrdreg $0xFFFFFFFF  }
0xad: {  	[dreg:$0x0] =	wrdreg $0x60  }
0xae: {  	[dreg:$0x2] =	wrdreg s24  }
0xaf: {  	[dreg:$0x3] =	wrdreg $0x0  }
0xb0: {  	[dreg:$0x4] =	wrdreg $0x9  }
0xb1: {  	_ =	task.clear_ibuf [dreg:s6], $0x5FFFF;
	_ =	strace $0x90000046  }
0xb2: {  	s29 =	simm.s32 $0x9;
	_ =	strace $0x80000048  }
0xb3: {  	_ =	swait.ge [sflag:s29], $0x1  }
0xb4: {  	[sflag:s29] =	ssyncadd.s32 $0xFFFFFFFF  }
0xb5: {  	_ =	strace $0x90000048  }
0xb6: {  	_ =	sfence  }
0xb7: {  	s30 =	sld [smem:$0x0];
	_ =	sdelay $0x2  }
0xb8: {  	s31 =	sshll.u32 s1, $0xD;
	s1 =	sshrl.u32 s1, $0x2  }
0xb9: {  	s3 =	sand.u32 $0x4000, s31;
	s1 =	sadd.s32 s1, s30  }
0xba: {  	s0 =	sor.u32 s3, s0;
	s1 =	sshll.u32 s1, $0x11  }
0xbb: {  	s0 =	sor.u32 s1, s0  }
0xbc: {  	s0 =	sadd.s32 $0x8F2B, s0  }
0xbd: {  	[sflag:s0] =	ssyncadd.remote.s32 $0x1  }
0xbe: {  	_ =	sfence.sel $0xFFFF  }
0xbf: {  	[dreg:$0x0] =	wrdreg $0xFFFFFFFF;
	(pc) =	sbr.abs _section_cstart, $3  }
0xc0: {  	[dreg:$0x1] =	wrdreg $0xFFFFFFFF  }
0xc1: {  	_ =	task.clear_ibuf [dreg:s6], $0x2FFFF;
	_ =	strace $0x9FFFFFFF  }
0xc2: {  	(tm) =	ssettm $0x7FFFFFFF  }
0xc3: {  	_ =	shalt  }
tec
execute0_lowered:
.L_overlay_start_1:
0x0: {  	(tag) =	ssettag $0x1  }
0x1: {  	s5 =	rddreg [dreg:$0x0]  }
0x2: {  	s2 =	rddreg [dreg:$0x1]  }
0x3: {  	s0 =	rddreg [dreg:$0x2];
	s1 =	stileid.u32  }
0x4: {  	s3 =	simm.s32 $0x0;
	s4 =	srdreg.scid;
	s10 =	simm.s32 $0x1  }
0x5: {  	s11 =	simm.s32 $0x3100;
	s13 =	simm.s32 $0x3900;
	s14 =	simm.s32 $0x280  }
0x6: {  	s6 =	smul.u32 $0x50, s1;
	[smem:$0x7FF] =	sst s3;
	s12 =	sand.u32 $0x1, s4  }
0x7: {  	s7 =	smul.u32 $0xA00, s1;
	s4 =	sadd.s32 $0x2C00, s5;
	_ =	strace $0x80000047  }
0x8: {  	s8 =	ssub.s32 $0x2, s12;
	p0 =	sne.s32 s12, $0x0;
	s12 =	simm.s32 $0x50  }
0x9: {  	v0 =	vlaneseq.u32;
	s9 =	sadd.s32 s6, s5;
	s30 =	sshrl.u32 s8, $0x1;
	s31 =	sshrl.u32 s7, $0x2  }
0xa: {  	v1 =	vimm.f32 $0.0e+00;
	v2 =	vimm.f32 $1.000000000e+00;
	v3 =	vor.u32 $0x10, v0;
	s6 =	smul.u32 $0x5000, s1;
	s8 =	ssub.s32 s8, s30;
	s5 =	sadd.s32 s31, s2  }
0xb: {  	v4 =	vor.u32 $0x20, v0;
	v5 =	vor.u32 $0x30, v0;
	v6 =	vor.u32 $0x40, v0;
	s7 =	sadd.s32 $0x16C00, s9;
	s9 =	simm.s32 $0x900;
	s8 =	smax.u32 s8, $0x1  }
.LBB2_1:
0xc: {  	s15 =	simm.s32 $0x70;
	s16 =	simm.s32 $0x3C0  }
.LBB2_2:
0xd: {  	p1 =	sne.s32 s16, $0x9FC0;
	[tilespmem:s15+$0x900] =	vst v1  }
0xe: {  	[tilespmem:s15+$0x890] =	vst v1  }
0xf: {  	[tilespmem:s15+$0x8A0] =	vst v1  }
.Ltmp0:
0x10: {  	[tilespmem:s15+$0x8B0] =	vst v1;
	(pc) =	sbr.rel @p1 .LBB2_2-.Ltmp0, $4  }
0x11: {  	[tilespmem:s15+$0x8C0] =	vst v1  }
0x12: {  	[tilespmem:s15+$0x8D0] =	vst v1  }
0x13: {  	[tilespmem:s15+$0x8E0] =	vst v1  }
0x14: {  	[tilespmem:s15+$0x8F0] =	vst v1;
	s15 =	sshra.s32 s16, $0x2;
	s16 =	sadd.s32 $0x200, s16  }
0x15: {  	[tilespmem:s15+$0x900] =	vst v1  }
0x16: {  	[tilespmem:s15+$0x890] =	vst v1  }
0x17: {  	[tilespmem:s15+$0x8A0] =	vst v1  }
0x18: {  	[tilespmem:s15+$0x8B0] =	vst v1  }
0x19: {  	[tilespmem:s15+$0x8C0] =	vst v1  }
0x1a: {  	[tilespmem:s15+$0x8D0] =	vst v1  }
0x1b: {  	[tilespmem:s15+$0x8E0] =	vst v1  }
0x1c: {  	[tilespmem:s15+$0x8F0] =	vst v1  }
0x1d: {  	[spmem:s5] =	stream.linear.scatter [tilespmem:s9], [sflag:$0x1], $0x280, $0x38;
	[tilespmem:$0x3980] =	vst v63  }
0x1e: {  	_ =	swait.ge [sflag:s10], $0x280  }
0x1f: {  	[sflag:s10] =	ssyncset.done $0x0  }
0x20: {  	s15 =	simm.s32 $0x0;
	s16 =	simm.s32 $0x0;
	[sflag:s10] =	ssyncadd.s32 $0xFFFFFD80  }
.LBB2_4:
0x21: {  	s17 =	sshll.u32 s16, $0xB  }
0x22: {  	s17 =	sadd.s32 s6, s17  }
0x23: {  	s17 =	sshrl.u32 s17, $0x3  }
0x24: {  	s17 =	sadd.s32 s4, s17  }
0x25: {  	[tilespmem:s11], [sflag:$0x1] =	stream.linear.gather [hbm4b:s17+s15], $0x800, $0x38;
	[tilespmem:$0x3980] =	vst v63  }
0x26: {  	_ =	swait.ge [sflag:s10], $0x800  }
0x27: {  	[sflag:s10] =	ssyncset.done $0x0  }
0x28: {  	s17 =	simm.s32 $0x0;
	[sflag:s10] =	ssyncadd.s32 $0xFFFFF800  }
0x29: {  	v7 =	vld [tilespmem:s17+$0x3100]  }
0x2a: {  	v8 =	vld [tilespmem:s17+$0x3110]  }
0x2b: {  	v9 =	vld [tilespmem:s17+$0x3120]  }
0x2c: {  	v10 =	vld [tilespmem:s17+$0x3130]  }
0x2d: {  	v11 =	vld [tilespmem:s17+$0x3140]  }
0x2e: {  	v12 =	vld [tilespmem:s17+$0x3150]  }
0x2f: {  	v13 =	vld [tilespmem:s17+$0x3160];
	_ =	sdelay $0x1  }
0x30: {  	[tilespmem:v7+s9+$0x0] =	vst.idx.add.f32.msk $0xffff, v2  }
0x31: {  	[tilespmem:v8+s9+$0x0] =	vst.idx.add.f32.msk $0xffff, v2  }
0x32: {  	[tilespmem:v9+s9+$0x0] =	vst.idx.add.f32.msk $0xffff, v2  }
0x33: {  	[tilespmem:v10+s9+$0x0] =	vst.idx.add.f32.msk $0xffff, v2  }
0x34: {  	[tilespmem:v11+s9+$0x0] =	vst.idx.add.f32.msk $0xffff, v2  }
0x35: {  	[tilespmem:v12+s9+$0x0] =	vst.idx.add.f32.msk $0xffff, v2  }
0x36: {  	s18 =	simm.s32 $0x200;
	[tilespmem:v13+s9+$0x0] =	vst.idx.add.f32.msk $0xffff, v2  }
.LBB2_5:
0x37: {  	p1 =	sne.s32 s18, $0x1E00;
	v7 =	vld [tilespmem:s17+$0x3170];
	s17 =	sshra.s32 s18, $0x2;
	s18 =	sadd.s32 $0x200, s18  }
0x38: {  	v8 =	vld [tilespmem:s17+$0x3100]  }
0x39: {  	v9 =	vld [tilespmem:s17+$0x3110]  }
0x3a: {  	v10 =	vld [tilespmem:s17+$0x3120]  }
0x3b: {  	v11 =	vld [tilespmem:s17+$0x3130]  }
0x3c: {  	v12 =	vld [tilespmem:s17+$0x3140]  }
0x3d: {  	v13 =	vld [tilespmem:s17+$0x3150]  }
0x3e: {  	v14 =	vld [tilespmem:s17+$0x3160]  }
0x3f: {  	[tilespmem:v7+s9+$0x0] =	vst.idx.add.f32.msk $0xffff, v2  }
0x40: {  	[tilespmem:v8+s9+$0x0] =	vst.idx.add.f32.msk $0xffff, v2  }
0x41: {  	[tilespmem:v9+s9+$0x0] =	vst.idx.add.f32.msk $0xffff, v2  }
.Ltmp1:
0x42: {  	[tilespmem:v10+s9+$0x0] =	vst.idx.add.f32.msk $0xffff, v2;
	(pc) =	sbr.rel @p1 .LBB2_5-.Ltmp1, $4  }
0x43: {  	[tilespmem:v11+s9+$0x0] =	vst.idx.add.f32.msk $0xffff, v2  }
0x44: {  	[tilespmem:v12+s9+$0x0] =	vst.idx.add.f32.msk $0xffff, v2  }
0x45: {  	[tilespmem:v13+s9+$0x0] =	vst.idx.add.f32.msk $0xffff, v2  }
0x46: {  	[tilespmem:v14+s9+$0x0] =	vst.idx.add.f32.msk $0xffff, v2  }
0x47: {  	v7 =	vld [tilespmem:s17+$0x3170];
	_ =	sdelay $0x1  }
0x48: {  	s16 =	sadd.s32 $0x1, s16  }
0x49: {  	p1 =	sne.s32 s16, $0xA  }
.Ltmp2:
0x4a: {  	_ = 	snop;
	(pc) =	sbr.rel @p1 .LBB2_4-.Ltmp2, $2  }
0x4b: {  	_ =	sdelay $0x2  }
0x4c: {  	[tilespmem:v7+s9+$0x0] =	vst.idx.add.f32.msk $0xffff, v2  }
0x4d: {  	[tilespmem:$0x3900] =	vst v0  }
0x4e: {  	[tilespmem:$0x3910] =	vst v3  }
0x4f: {  	[tilespmem:$0x3920] =	vst v4  }
0x50: {  	[tilespmem:$0x3930] =	vst v5  }
0x51: {  	[tilespmem:$0x3940] =	vst v6  }
0x52: {  	[bflag:$0x0] =	sbarrier.arrive $0xFFFF  }
0x53: {  	[spmem:s2] =	stream.indirect.scatter.add.f32 [tilespmem:s9], [sflag:$0x1], $0x80, s13, s12, $0xb8;
	[tilespmem:$0x3980] =	vst v63  }
0x54: {  	_ =	swait.ge [sflag:s10], $0x2800  }
0x55: {  	[sflag:s10] =	ssyncset.done $0x0  }
0x56: {  	[sflag:s10] =	ssyncadd.s32 $0xFFFFD800  }
0x57: {  	[bflag:$0x0] =	sbarrier.arrive $0xFFFF  }
0x58: {  	[tilespmem:s14], [sflag:$0x1] =	stream.linear.gather [spmem:s5], $0x280, $0x38;
	[tilespmem:$0x3980] =	vst v63  }
0x59: {  	_ =	swait.ge [sflag:s10], $0x280  }
0x5a: {  	[sflag:s10] =	ssyncset.done $0x0  }
0x5b: {  	[sflag:s10] =	ssyncadd.s32 $0xFFFFFD80  }
0x5c: {  	v7 =	vld [tilespmem:$0x280]  }
0x5d: {  	v8 =	vld [tilespmem:$0x290]  }
0x5e: {  	v9 =	vld [tilespmem:$0x2A0]  }
0x5f: {  	v10 =	vld [tilespmem:$0x2B0]  }
0x60: {  	v11 =	vld [tilespmem:$0x2C0]  }
0x61: {  	v12 =	vld [tilespmem:$0x2D0];
	v7 =	vmax.f32 v7, $1.000000000e+00  }
0x62: {  	(erf) = vrcp.f32 v7;
	v7 =	vmax.f32 v8, $1.000000000e+00;
	v8 =	vld [tilespmem:$0x2E0]  }
0x63: {  	v59 =	vld [tilespmem:$0x2F0];
	(erf) = vrcp.f32 v7;
	v7 =	vmax.f32 v9, $1.000000000e+00  }
0x64: {  	v60 =	vld [tilespmem:$0x300];
	(erf) = vrcp.f32 v7;
	v7 =	vmax.f32 v10, $1.000000000e+00  }
0x65: {  	v61 =	vld [tilespmem:$0x310];
	(erf) = vrcp.f32 v7;
	v7 =	vmax.f32 v11, $1.000000000e+00  }
0x66: {  	v62 =	vld [tilespmem:$0x320];
	(erf) = vrcp.f32 v7;
	v7 =	vmax.f32 v12, $1.000000000e+00  }
0x67: {  	(erf) = vrcp.f32 v7;
	v7 =	vmax.f32 v8, $1.000000000e+00;
	v8 =	vld [tilespmem:$0x330]  }
0x68: {  	v63 =	vld [tilespmem:$0x340];
	(erf) = vrcp.f32 v7;
	v7 =	vmax.f32 v59, $1.000000000e+00  }
0x69: {  	v16 =	vld [tilespmem:$0x350];
	(erf) = vrcp.f32 v7;
	v7 =	vmax.f32 v60, $1.000000000e+00  }
0x6a: {  	v17 =	vld [tilespmem:$0x360];
	(erf) = vrcp.f32 v7;
	v7 =	vmax.f32 v61, $1.000000000e+00  }
0x6b: {  	v18 =	vld [tilespmem:$0x370];
	v13 =	vpop (erf);
	(erf) = vrcp.f32 v7;
	v7 =	vmax.f32 v62, $1.000000000e+00  }
0x6c: {  	v19 =	vpop (erf);
	(erf) = vrcp.f32 v7;
	v7 =	vmax.f32 v8, $1.000000000e+00;
	v8 =	vld [tilespmem:$0x380]  }
0x6d: {  	v21 =	vld [tilespmem:$0x390];
	[tilespmem:$0x680] =	vst v13;
	v20 =	vpop (erf);
	(erf) = vrcp.f32 v7;
	v7 =	vmax.f32 v63, $1.000000000e+00  }
0x6e: {  	v23 =	vld [tilespmem:$0x3A0];
	[tilespmem:$0x690] =	vst v19;
	v22 =	vpop (erf);
	(erf) = vrcp.f32 v7;
	v7 =	vmax.f32 v16, $1.000000000e+00  }
0x6f: {  	v25 =	vld [tilespmem:$0x3B0];
	[tilespmem:$0x6A0] =	vst v20;
	v24 =	vpop (erf);
	(erf) = vrcp.f32 v7;
	v7 =	vmax.f32 v17, $1.000000000e+00  }
0x70: {  	v27 =	vld [tilespmem:$0x3C0];
	[tilespmem:$0x6B0] =	vst v22;
	v26 =	vpop (erf);
	(erf) = vrcp.f32 v7;
	v7 =	vmax.f32 v18, $1.000000000e+00  }
0x71: {  	[tilespmem:$0x6C0] =	vst v24;
	v28 =	vpop (erf);
	(erf) = vrcp.f32 v7;
	v7 =	vmax.f32 v8, $1.000000000e+00;
	v8 =	vld [tilespmem:$0x3D0]  }
0x72: {  	v30 =	vld [tilespmem:$0x3E0];
	[tilespmem:$0x6D0] =	vst v26;
	v29 =	vpop (erf);
	(erf) = vrcp.f32 v7;
	v7 =	vmax.f32 v21, $1.000000000e+00  }
0x73: {  	v32 =	vld [tilespmem:$0x3F0];
	[tilespmem:$0x6E0] =	vst v28;
	v31 =	vpop (erf);
	(erf) = vrcp.f32 v7;
	v7 =	vmax.f32 v23, $1.000000000e+00  }
0x74: {  	v34 =	vld [tilespmem:$0x400];
	[tilespmem:$0x6F0] =	vst v29;
	v33 =	vpop (erf);
	(erf) = vrcp.f32 v7;
	v7 =	vmax.f32 v25, $1.000000000e+00  }
0x75: {  	v36 =	vld [tilespmem:$0x410];
	[tilespmem:$0x700] =	vst v31;
	v35 =	vpop (erf);
	(erf) = vrcp.f32 v7;
	v7 =	vmax.f32 v27, $1.000000000e+00  }
0x76: {  	[tilespmem:$0x710] =	vst v33;
	v37 =	vpop (erf);
	(erf) = vrcp.f32 v7;
	v7 =	vmax.f32 v8, $1.000000000e+00;
	v8 =	vld [tilespmem:$0x420]  }
0x77: {  	v39 =	vld [tilespmem:$0x430];
	[tilespmem:$0x720] =	vst v35;
	v38 =	vpop (erf);
	(erf) = vrcp.f32 v7;
	v7 =	vmax.f32 v30, $1.000000000e+00  }
0x78: {  	v41 =	vld [tilespmem:$0x440];
	[tilespmem:$0x730] =	vst v37;
	v40 =	vpop (erf);
	(erf) = vrcp.f32 v7;
	v7 =	vmax.f32 v32, $1.000000000e+00  }
0x79: {  	v43 =	vld [tilespmem:$0x450];
	[tilespmem:$0x740] =	vst v38;
	v42 =	vpop (erf);
	(erf) = vrcp.f32 v7;
	v7 =	vmax.f32 v34, $1.000000000e+00  }
0x7a: {  	v45 =	vld [tilespmem:$0x460];
	[tilespmem:$0x750] =	vst v40;
	v44 =	vpop (erf);
	(erf) = vrcp.f32 v7;
	v7 =	vmax.f32 v36, $1.000000000e+00  }
0x7b: {  	[tilespmem:$0x760] =	vst v42;
	v46 =	vpop (erf);
	(erf) = vrcp.f32 v7;
	v7 =	vmax.f32 v8, $1.000000000e+00;
	v8 =	vld [tilespmem:$0x470]  }
0x7c: {  	v48 =	vld [tilespmem:$0x480];
	[tilespmem:$0x770] =	vst v44;
	v47 =	vpop (erf);
	(erf) = vrcp.f32 v7;
	v7 =	vmax.f32 v39, $1.000000000e+00  }
0x7d: {  	v50 =	vld [tilespmem:$0x490];
	[tilespmem:$0x780] =	vst v46;
	v49 =	vpop (erf);
	(erf) = vrcp.f32 v7;
	v7 =	vmax.f32 v41, $1.000000000e+00  }
0x7e: {  	v52 =	vld [tilespmem:$0x4A0];
	[tilespmem:$0x790] =	vst v47;
	v51 =	vpop (erf);
	(erf) = vrcp.f32 v7;
	v7 =	vmax.f32 v43, $1.000000000e+00  }
0x7f: {  	v54 =	vld [tilespmem:$0x4B0];
	[tilespmem:$0x7A0] =	vst v49;
	v53 =	vpop (erf);
	(erf) = vrcp.f32 v7;
	v7 =	vmax.f32 v45, $1.000000000e+00  }
0x80: {  	[tilespmem:$0x7B0] =	vst v51;
	v55 =	vpop (erf);
	(erf) = vrcp.f32 v7;
	v7 =	vmax.f32 v8, $1.000000000e+00;
	v8 =	vld [tilespmem:$0x4C0]  }
0x81: {  	v57 =	vld [tilespmem:$0x4D0];
	[tilespmem:$0x7C0] =	vst v53;
	v56 =	vpop (erf);
	(erf) = vrcp.f32 v7;
	v7 =	vmax.f32 v48, $1.000000000e+00  }
0x82: {  	v59 =	vld [tilespmem:$0x4E0];
	[tilespmem:$0x7D0] =	vst v55;
	v58 =	vpop (erf);
	(erf) = vrcp.f32 v7;
	v7 =	vmax.f32 v50, $1.000000000e+00  }
0x83: {  	v61 =	vld [tilespmem:$0x4F0];
	[tilespmem:$0x7E0] =	vst v56;
	v60 =	vpop (erf);
	(erf) = vrcp.f32 v7;
	v7 =	vmax.f32 v52, $1.000000000e+00  }
0x84: {  	[tilespmem:$0x7F0] =	vst v58;
	v62 =	vpop (erf);
	(erf) = vrcp.f32 v7;
	v7 =	vmax.f32 v54, $1.000000000e+00  }
0x85: {  	[tilespmem:$0x800] =	vst v60;
	v63 =	vpop (erf);
	(erf) = vrcp.f32 v7;
	v7 =	vmax.f32 v8, $1.000000000e+00  }
0x86: {  	[tilespmem:$0x810] =	vst v62;
	v8 =	vpop (erf);
	(erf) = vrcp.f32 v7;
	v7 =	vmax.f32 v57, $1.000000000e+00  }
0x87: {  	[tilespmem:$0x830] =	vst v8;
	v8 =	vpop (erf);
	(erf) = vrcp.f32 v7;
	v7 =	vmax.f32 v59, $1.000000000e+00  }
0x88: {  	[tilespmem:$0x840] =	vst v8;
	v8 =	vpop (erf);
	(erf) = vrcp.f32 v7;
	v7 =	vmax.f32 v61, $1.000000000e+00  }
0x89: {  	[tilespmem:$0x820] =	vst v63  }
0x8a: {  	[tilespmem:$0x850] =	vst v8;
	v8 =	vpop (erf);
	(erf) = vrcp.f32 v7  }
0x8b: {  	[tilespmem:$0x860] =	vst v8;
	v7 =	vpop (erf)  }
0x8c: {  	v8 =	vpop (erf);
	[tilespmem:$0x870] =	vst v7  }
0x8d: {  	v7 =	vpop (erf);
	[tilespmem:$0x880] =	vst v8  }
0x8e: {  	v8 =	vpop (erf);
	[tilespmem:$0x890] =	vst v7  }
0x8f: {  	v7 =	vpop (erf);
	[tilespmem:$0x8A0] =	vst v8  }
0x90: {  	v8 =	vpop (erf);
	[tilespmem:$0x8B0] =	vst v7  }
0x91: {  	v7 =	vpop (erf);
	[tilespmem:$0x8C0] =	vst v8  }
0x92: {  	v8 =	vpop (erf);
	[tilespmem:$0x8D0] =	vst v7  }
0x93: {  	s3 =	sadd.s32 $0x1, s3;
	[tilespmem:$0x8E0] =	vst v8;
	v7 =	vpop (erf)  }
0x94: {  	s15 =	simm.s32 @!p0 $0x0;
	s16 =	simm.s32 @!p0 $0x680;
	p1 =	sne.s32 s3, s8;
	[tilespmem:$0x8F0] =	vst v7  }
0x95: {  	[hbm4b:s7+s15] =	stream.linear.scatter @!p0 [tilespmem:s16], [sflag:$0x1], $0x280, $0x38;
	[tilespmem:$0x3980] =	vst v63  }
.Ltmp3:
0x96: {  	_ = 	snop;
	(pc) =	sbr.rel @p1 .LBB2_1-.Ltmp3, $4  }
0x97: {  	s15 =	simm.s32 @!p0 $0x1  }
0x98: {  	_ =	swait.ge @!p0 [sflag:s15], $0x280  }
0x99: {  	[sflag:s15] =	ssyncset.done @!p0 $0x0  }
0x9a: {  	[sflag:s15] =	ssyncadd.s32 @!p0 $0xFFFFFD80  }
0x9b: {  	_ =	sfence.sel $0x180000  }
0x9c: {  	[bflag:$0x0] =	sbarrier.arrive $0xFFFF  }
0x9d: {  	p0 =	sne.s32 s1, $0x0;
	_ =	strace $0x90000047  }
0x9e: {  	s0 =	sadd.s32 @!p0 $0x100000, s0;
	[bflag:$0x2] =	sbarrier.arrive $0xFFFF  }
0x9f: {  	[sflag:s0] =	ssyncadd.tile.s32 @!p0 $0x1;
	_ =	shalt  }
.Lfunc_end2:
_tile_overlayer_lowered:
.L_overlay_start_2:
0xa0: {  	(tag) =	ssettag $0x2  }
0xa1: {  	s0 =	rddreg [dreg:$0x0];
	s2 =	stileid.u32  }
0xa2: {  	s1 =	rddreg [dreg:$0x1];
	p0 =	sne.s32 s2, $0x0  }
0xa3: {  	s3 =	rddreg [dreg:$0x2];
	[bflag:$0x3] =	sbarrier.arrive $0xFFFF;
	s2 =	simm.s32 @!p0 $0x1C01  }
0xa4: {  	[timem:s3], [sflag:s2] =	dma.local @!p0 [hbm:s0], s1  }
0xa5: {  	s0 =	simm.s32 @!p0 $0x1  }
0xa6: {  	_ =	swait.ge @!p0 [sflag:s0], s1  }
0xa7: {  	s1 =	ssub.s32 @!p0 $0x0, s1;
	[sflag:s0] =	ssyncset.done @!p0 $0x0  }
0xa8: {  	[sflag:s0] =	ssyncadd.s32 @!p0 s1  }
0xa9: {  	[bflag:$0x3] =	sbarrier.arrive $0xFFFF  }
0xaa: {  	_ =	shalt  }

</sc_bundles>
